<compile_context>
chip_gen: v7x
topology: tpu7x:2x2x1
jax: 0.10.2.dev20260603
libtpu: 0.0.44.dev20260713+nightly
codegen_flags: <defaults>
</compile_context>

<pallas_src>
import functools

import jax
import jax.numpy as jnp
from jax import lax
from jax.experimental import pallas as pl
from jax.experimental.pallas import tpu as pltpu
from jax.experimental.pallas import tpu_sc as plsc

N = 4096
KNB = 5
NUM_GRAPHS = 4
EPS = 1e-5
NW = 32
PPW = N // NW
EPW = PPW * KNB


def _knn_body(x_ref, xt_ref, aux_ref, bc_ref, idx_ref):
    xt = x_ref[...]
    xf = xt_ref[...]
    mm = jnp.dot(xt, xf, preferred_element_type=jnp.float32)
    sqt = jnp.sum(xt * xt, axis=1, keepdims=True)
    sqj = jnp.sum(xf * xf, axis=0, keepdims=True)
    d2 = sqt + sqj - 2.0 * mm
    neq = bc_ref[:, 0:1] != aux_ref[0:1, :]
    d2 = jnp.where(neq, jnp.inf, d2)
    iota = lax.broadcasted_iota(jnp.int32, d2.shape, 1)
    cols = []
    for _ in range(KNB):
        mn = jnp.min(d2, axis=1, keepdims=True)
        am = jnp.min(jnp.where(d2 == mn, iota, jnp.int32(1 << 30)), axis=1)
        cols.append(am[:, None])
        d2 = jnp.where(iota == am[:, None], jnp.inf, d2)
    idx_ref[...] = jnp.concatenate(cols + [cols[0]] * 3, axis=1)


def _knn(x, xt, aux, bc, tile=256):
    d = x.shape[1]
    return pl.pallas_call(
        _knn_body,
        grid=(N // tile,),
        in_specs=[
            pl.BlockSpec((tile, d), lambda i: (i, 0)),
            pl.BlockSpec((d, N), lambda i: (0, 0)),
            pl.BlockSpec((8, N), lambda i: (0, 0)),
            pl.BlockSpec((tile, 8), lambda i: (i, 0)),
        ],
        out_specs=pl.BlockSpec((tile, 8), lambda i: (i, 0)),
        out_shape=jax.ShapeDtypeStruct((N, 8), jnp.int32),
    )(x, xt, aux, bc)


def _sc_worker_id():
    return lax.axis_index("s") * 2 + lax.axis_index("c")


def _edge_feat_body(idx_hbm, xa_hbm, xs_hbm, e_hbm,
                    idx_v, gx_v, a_v, s_v, sem):
    wid = _sc_worker_id()
    pltpu.sync_copy(idx_hbm.at[wid], idx_v)
    copies = [pltpu.async_copy(xs_hbm.at[idx_v.at[r]],
                               gx_v.at[pl.ds(r * PPW, PPW)], sem)
              for r in range(KNB)]
    pltpu.sync_copy(xa_hbm.at[pl.ds(wid * PPW, PPW)], a_v)
    pltpu.sync_copy(xs_hbm.at[pl.ds(wid * PPW, PPW)], s_v)
    for c in copies:
        c.wait()

    def body(p, carry):
        for g in range(8):
            sl = pl.ds(g * 16, 16)
            av = a_v[p, sl]
            sv = s_v[p, sl]
            for j in range(KNB):
                row = j * PPW + p
                gx_v[row, sl] = av + (gx_v[row, sl] - sv)
        return carry

    lax.fori_loop(0, PPW, body, 0)
    for j in range(KNB):
        pltpu.sync_copy(gx_v.at[pl.ds(j * PPW, PPW)],
                        e_hbm.at[j, pl.ds(wid * PPW, PPW)])


def _edge_feat(idxf, xa, xs):
    mesh = plsc.VectorSubcoreMesh(core_axis_name="c", subcore_axis_name="s")
    k = pl.kernel(
        _edge_feat_body,
        mesh=mesh,
        out_type=jax.ShapeDtypeStruct((KNB, N, 128), jnp.float32),
        scratch_types=[
            pltpu.VMEM((KNB, PPW), jnp.int32),
            pltpu.VMEM((EPW, 128), jnp.float32),
            pltpu.VMEM((PPW, 128), jnp.float32),
            pltpu.VMEM((PPW, 128), jnp.float32),
            pltpu.SemaphoreType.DMA,
        ],
    )
    return k(idxf, xa, xs)


def _bn_apply(st_ref, m2_ref, g_ref, m_count, x):
    mean = st_ref[0:1, :] / m_count
    var = m2_ref[1:2, :] / m_count
    denom = jnp.sqrt(var + EPS)
    return g_ref[0:1, :] * (x - mean) / denom + g_ref[1:2, :]


def _m2_body(m_count, h_ref, st_ref, acc_ref):
    i = pl.program_id(0)
    d = h_ref[...] - st_ref[0:1, :] / m_count
    part = jnp.concatenate(
        [jnp.zeros((1, d.shape[1]), jnp.float32),
         jnp.sum(d * d, 0, keepdims=True),
         jnp.zeros((6, d.shape[1]), jnp.float32)], axis=0)

    @pl.when(i == 0)
    def _():
        acc_ref[...] = part

    @pl.when(i != 0)
    def _():
        acc_ref[...] = acc_ref[...] + part


def _m2(h, stats, m_count, tile=2048):
    rows, c = h.shape
    return pl.pallas_call(
        functools.partial(_m2_body, float(m_count)),
        grid=(rows // tile,),
        in_specs=[
            pl.BlockSpec((tile, c), lambda i: (i, 0)),
            pl.BlockSpec((8, c), lambda i: (0, 0)),
        ],
        out_specs=pl.BlockSpec((8, c), lambda i: (0, 0)),
        out_shape=jax.ShapeDtypeStruct((8, c), jnp.float32),
    )(h, stats)


def _mlp_body(m_count, affine, h_ref, st_ref, m2_ref, g_ref, w_ref, b_ref,
              out_ref, acc_ref):
    i = pl.program_id(0)
    h = h_ref[...]
    if affine:
        h = _bn_apply(st_ref, m2_ref, g_ref, m_count, h)
    y = jnp.maximum(
        jnp.dot(h, w_ref[...], preferred_element_type=jnp.float32)
        + b_ref[0:1, :], 0.0)
    out_ref[...] = y
    zpad = jnp.zeros((6, y.shape[1]), jnp.float32)
    part = jnp.concatenate([jnp.sum(y, 0, keepdims=True),
                            jnp.sum(y * y, 0, keepdims=True), zpad], axis=0)

    @pl.when(i == 0)
    def _():
        acc_ref[...] = part

    @pl.when(i != 0)
    def _():
        acc_ref[...] = acc_ref[...] + part


def _mlp(h, stats, m2, gpack, w_t, bpad, m_count, tile=2048):
    rows, cin = h.shape
    cout = w_t.shape[1]
    affine = stats is not None
    if not affine:
        stats = jnp.zeros((8, cin), jnp.float32)
        m2 = jnp.zeros((8, cin), jnp.float32)
        gpack = jnp.zeros((8, cin), jnp.float32)
    return pl.pallas_call(
        functools.partial(_mlp_body, float(m_count), affine),
        grid=(rows // tile,),
        in_specs=[
            pl.BlockSpec((tile, cin), lambda i: (i, 0)),
            pl.BlockSpec((8, cin), lambda i: (0, 0)),
            pl.BlockSpec((8, cin), lambda i: (0, 0)),
            pl.BlockSpec((8, cin), lambda i: (0, 0)),
            pl.BlockSpec((cin, cout), lambda i: (0, 0)),
            pl.BlockSpec((8, cout), lambda i: (0, 0)),
        ],
        out_specs=(
            pl.BlockSpec((tile, cout), lambda i: (i, 0)),
            pl.BlockSpec((8, cout), lambda i: (0, 0)),
        ),
        out_shape=(
            jax.ShapeDtypeStruct((rows, cout), jnp.float32),
            jax.ShapeDtypeStruct((8, cout), jnp.float32),
        ),
    )(h, stats, m2, gpack, w_t, bpad)


def _maxagg_body(m_count, h_ref, st_ref, m2_ref, g_ref, out_ref):
    h = h_ref[...]
    mean = st_ref[0:1, :] / m_count
    var = m2_ref[1:2, :] / m_count
    denom = jnp.sqrt(var + EPS)
    y = g_ref[0:1, :][None] * (h - mean[None]) / denom[None] + g_ref[1:2, :][None]
    out_ref[...] = jnp.max(y, axis=0)


def _maxagg(hp, stats, m2, gpack, m_count, tile=256):
    _, n, c = hp.shape
    return pl.pallas_call(
        functools.partial(_maxagg_body, float(m_count)),
        grid=(n // tile,),
        in_specs=[
            pl.BlockSpec((KNB, tile, c), lambda i: (0, i, 0)),
            pl.BlockSpec((8, c), lambda i: (0, 0)),
            pl.BlockSpec((8, c), lambda i: (0, 0)),
            pl.BlockSpec((8, c), lambda i: (0, 0)),
        ],
        out_specs=pl.BlockSpec((tile, c), lambda i: (i, 0)),
        out_shape=jax.ShapeDtypeStruct((n, c), jnp.float32),
    )(hp, stats, m2, gpack)


def _lin1_body(x1_ref, x2_ref, bc_ref, w_ref, b_ref, u_ref, pool_ref,
               acc_ref):
    i = pl.program_id(0)
    e = jnp.concatenate([x1_ref[...], x2_ref[...]], axis=1)
    u = jnp.maximum(
        jnp.dot(e, w_ref[...], preferred_element_type=jnp.float32)
        + b_ref[0:1, :], 0.0)
    zpad = jnp.zeros((6, u.shape[1]), jnp.float32)
    part = jnp.concatenate([jnp.sum(u, 0, keepdims=True),
                            jnp.sum(u * u, 0, keepdims=True), zpad], axis=0)
    bcol = bc_ref[:, 0:1]
    rows = []
    for g in range(NUM_GRAPHS):
        mg = jnp.max(jnp.where(bcol == float(g), u, -jnp.inf),
                     axis=0, keepdims=True)
        rows.append(mg)
    pr = jnp.concatenate(rows + [rows[0]] * (8 - NUM_GRAPHS), axis=0)
    u_ref[...] = u

    @pl.when(i == 0)
    def _():
        pool_ref[...] = pr
        acc_ref[...] = part

    @pl.when(i != 0)
    def _():
        pool_ref[...] = jnp.maximum(pool_ref[...], pr)
        acc_ref[...] = acc_ref[...] + part


def _lin1_segmax(x1, x2, bc, w_t, bpad, tile=512):
    cout = w_t.shape[1]
    return pl.pallas_call(
        _lin1_body,
        grid=(N // tile,),
        in_specs=[
            pl.BlockSpec((tile, x1.shape[1]), lambda i: (i, 0)),
            pl.BlockSpec((tile, x2.shape[1]), lambda i: (i, 0)),
            pl.BlockSpec((tile, 8), lambda i: (i, 0)),
            pl.BlockSpec((w_t.shape[0], cout), lambda i: (0, 0)),
            pl.BlockSpec((8, cout), lambda i: (0, 0)),
        ],
        out_specs=(
            pl.BlockSpec((tile, cout), lambda i: (i, 0)),
            pl.BlockSpec((8, cout), lambda i: (0, 0)),
            pl.BlockSpec((8, cout), lambda i: (0, 0)),
        ),
        out_shape=(
            jax.ShapeDtypeStruct((N, cout), jnp.float32),
            jax.ShapeDtypeStruct((8, cout), jnp.float32),
            jax.ShapeDtypeStruct((8, cout), jnp.float32),
        ),
    )(x1, x2, bc, w_t, bpad)


def _head_body(pool_ref, st_ref, m2_ref, g_ref, w6_ref, p6_ref, w7_ref,
               p7_ref, w8_ref, b8_ref, out_ref):
    rowmask = lax.broadcasted_iota(jnp.int32, (8, 1), 0) < NUM_GRAPHS
    x = jnp.where(rowmask,
                  _bn_apply(st_ref, m2_ref, g_ref, float(N), pool_ref[...]),
                  0.0)

    def blk(x, w_ref, p_ref):
        h = jnp.maximum(
            jnp.dot(x, w_ref[...], preferred_element_type=jnp.float32)
            + p_ref[0:1, :], 0.0)
        h = jnp.where(rowmask, h, 0.0)
        mean = jnp.sum(h, 0, keepdims=True) / NUM_GRAPHS
        var = jnp.sum(jnp.where(rowmask, (h - mean) ** 2, 0.0), 0,
                      keepdims=True) / NUM_GRAPHS
        return (p_ref[1:2, :] * (h - mean) / jnp.sqrt(var + EPS)
                + p_ref[2:3, :])

    h = blk(x, w6_ref, p6_ref)
    h = blk(h, w7_ref, p7_ref)
    out_ref[...] = (jnp.dot(h, w8_ref[...], preferred_element_type=jnp.float32)
                    + b8_ref[0:1, :])


def _head(pooled, stats5, m25, g5, w6_t, p6, w7_t, p7, w8_t, b8):
    return pl.pallas_call(
        _head_body,
        out_shape=jax.ShapeDtypeStruct((8, 128), jnp.float32),
    )(pooled, stats5, m25, g5, w6_t, p6, w7_t, p7, w8_t, b8)


def _pad_rows(v, rows=8):
    return jnp.concatenate([v.reshape(1, -1),
                            jnp.zeros((rows - 1, v.shape[-1]), v.dtype)], 0)


def _gpack(p):
    return jnp.concatenate([p['gamma'].reshape(1, -1),
                            p['beta'].reshape(1, -1),
                            jnp.zeros((6, p['gamma'].shape[0]),
                                      jnp.float32)], 0)


def _plane_major(idx):
    return idx[:, :KNB].transpose(1, 0).reshape(KNB, NW, PPW).transpose(1, 0, 2)


def kernel(pos, batch, params):
    p = params
    M = N * KNB
    bf = batch.astype(jnp.float32)
    bc = jnp.broadcast_to(bf[:, None], (N, 8))
    aux = jnp.concatenate([bf.reshape(1, N),
                           jnp.zeros((7, N), jnp.float32)], 0)

    xp8 = jnp.pad(pos, ((0, 0), (0, 5)))
    idx1 = _knn(xp8, xp8.T, aux, bc)
    xp128 = jnp.pad(pos, ((0, 0), (0, 125)))
    xsh = jnp.pad(pos, ((0, 0), (3, 122)))
    e1 = _edge_feat(_plane_major(idx1), xp128, xsh)

    w = p['conv1_l0']['w']
    w1t = jnp.pad(w.T, ((0, 122), (0, 0)))
    h1, st1 = _mlp(e1.reshape(M, 128), None, None, None, w1t,
                   _pad_rows(p['conv1_l0']['b']), M)
    m21 = _m2(h1, st1, M)
    h2, st2 = _mlp(h1, st1, m21, _gpack(p['conv1_l0']), p['conv1_l1']['w'].T,
                   _pad_rows(p['conv1_l1']['b']), M)
    m22 = _m2(h2, st2, M)
    h3, st3 = _mlp(h2, st2, m22, _gpack(p['conv1_l1']), p['conv1_l2']['w'].T,
                   _pad_rows(p['conv1_l2']['b']), M)
    m23 = _m2(h3, st3, M)
    x1 = _maxagg(h3.reshape(KNB, N, 64), st3, m23, _gpack(p['conv1_l2']), M)

    idx2 = _knn(x1, x1.T, aux, bc)
    x1p = jnp.pad(x1, ((0, 0), (0, 64)))
    x1sh = jnp.pad(x1, ((0, 0), (64, 0)))
    e2 = _edge_feat(_plane_major(idx2), x1p, x1sh)
    h4, st4 = _mlp(e2.reshape(M, 128), None, None, None,
                   p['conv2_l0']['w'].T, _pad_rows(p['conv2_l0']['b']), M)
    m24 = _m2(h4, st4, M)
    x2 = _maxagg(h4.reshape(KNB, N, 128), st4, m24, _gpack(p['conv2_l0']), M)

    u, pooled, st5 = _lin1_segmax(x1, x2, bc, p['lin1_l0']['w'].T,
                                  _pad_rows(p['lin1_l0']['b']))
    m25 = _m2(u, st5, N, tile=512)

    w8 = jnp.pad(p['head_out']['w'].T, ((0, 0), (0, 128 - 40)))
    b8 = jnp.pad(p['head_out']['b'], (0, 128 - 40))

    def ppack(pp):
        return jnp.concatenate([pp['b'].reshape(1, -1),
                                pp['gamma'].reshape(1, -1),
                                pp['beta'].reshape(1, -1),
                                jnp.zeros((5, pp['b'].shape[0]),
                                          jnp.float32)], 0)

    out = _head(pooled, st5, m25, _gpack(p['lin1_l0']),
                p['head_l0']['w'].T, ppack(p['head_l0']),
                p['head_l1']['w'].T, ppack(p['head_l1']),
                w8, _pad_rows(b8))
    return out[:NUM_GRAPHS, :40]

# --- scband reference (transcript-rebuilt; emitter-appended) ---
"""Pipeline reference for scband-dec-41180146434796 (READ-ONLY COPY).

The authoritative reference and input builder live on the scoring server;
editing this copy changes nothing except your own understanding.
"""

import jax, jax.numpy as jnp
import numpy as np

K = 5
N_CLASSES = 40
NUM_GRAPHS = 4


def _lin_init(key, fan_in, fan_out):
    k1, k2 = jax.random.split(key)
    bound = 1.0 / np.sqrt(fan_in)
    w = jax.random.uniform(k1, (fan_out, fan_in), jnp.float32, -bound, bound)
    b = jax.random.uniform(k2, (fan_out,), jnp.float32, -bound, bound)
    return w, b


def setup_inputs(seed: int = 0) -> dict:
    key = jax.random.key(seed)
    keys = jax.random.split(key, 16)
    N = 4096
    pos = jax.random.normal(keys[0], (N, 3), dtype=jnp.float32)
    batch = jnp.sort(jax.random.randint(keys[1], (N,), 0, NUM_GRAPHS))
    specs = [
        ('conv1_l0', 6, 64), ('conv1_l1', 64, 64), ('conv1_l2', 64, 64),
        ('conv2_l0', 128, 128),
        ('lin1_l0', 192, 1024),
        ('head_l0', 1024, 512), ('head_l1', 512, 256),
    ]
    params = {}
    i = 2
    for name, fi, fo in specs:
        w, b = _lin_init(keys[i], fi, fo)
        i += 1
        params[name] = {'w': w, 'b': b,
                        'gamma': jnp.ones((fo,), jnp.float32),
                        'beta': jnp.zeros((fo,), jnp.float32)}
    w, b = _lin_init(keys[i], 256, N_CLASSES)
    params['head_out'] = {'w': w, 'b': b}
    return {'pos': pos, 'batch': batch, 'params': params}


def _bn(x, gamma, beta):
    mean = jnp.mean(x, axis=0)
    var = jnp.var(x, axis=0)
    return gamma * (x - mean) / jnp.sqrt(var + 1e-5) + beta


def _mlp_block(x, p):
    x = x @ p['w'].T + p['b']
    x = jax.nn.relu(x)
    return _bn(x, p['gamma'], p['beta'])


def _knn_idx(x, batch, k):
    sq = jnp.sum(x * x, axis=1)
    d2 = sq[:, None] + sq[None, :] - 2.0 * (x @ x.T)
    mask = batch[:, None] != batch[None, :]
    d2 = jnp.where(mask, jnp.inf, d2)
    _, idx = jax.lax.top_k(-d2, k)
    return idx  # [N, k], includes self (distance 0), matching PyG knn


def _edge_conv(x, batch, k, layer_params):
    idx = _knn_idx(x, batch, k)
    x_j = x[idx]                                   # gather: [N, k, d]
    x_i = jnp.broadcast_to(x[:, None, :], x_j.shape)
    h = jnp.concatenate([x_i, x_j - x_i], axis=-1)
    N = x.shape[0]
    h = h.reshape(N * k, h.shape[-1])
    for p in layer_params:
        h = _mlp_block(h, p)
    h = h.reshape(N, k, -1)
    return jnp.max(h, axis=1)                      # aggr='max'


def _forward(pos, params, batch):
    x1 = _edge_conv(pos, batch, K,
                    [params['conv1_l0'], params['conv1_l1'], params['conv1_l2']])
    x2 = _edge_conv(x1, batch, K, [params['conv2_l0']])
    out = _mlp_block(jnp.concatenate([x1, x2], axis=1), params['lin1_l0'])
    pooled = jax.ops.segment_max(out, batch, num_segments=NUM_GRAPHS)
    h = _mlp_block(pooled, params['head_l0'])   # Dropout = identity (eval)
    h = _mlp_block(h, params['head_l1'])        # Dropout = identity (eval)
    return h @ params['head_out']['w'].T + params['head_out']['b']


def reference(pos, batch, params):
    return _forward(pos, params, batch)

if __name__ == "__main__":
    import jax
    _d = setup_inputs()
    print(jax.jit(kernel)(*tuple(_d.values())))

</pallas_src>

<mosaic_0001>
#map = affine_map<(d0, d1) -> (0, 0, 0)>
#map1 = affine_map<(d0, d1) -> (0, 0)>
module attributes {stable_mosaic.version = 14 : i64} {
  func.func @_edge_feat_body(%arg0: i32, %arg1: i32, %arg2: memref<32x5x128xi32, #tpu.memory_space<hbm>>, %arg3: memref<4096x128xf32, #tpu.memory_space<hbm>>, %arg4: memref<4096x128xf32, #tpu.memory_space<hbm>>, %arg5: memref<5x4096x128xf32, #tpu.memory_space<hbm>>, %arg6: memref<5x128xi32, #tpu.memory_space<vmem>>, %arg7: memref<640x128xf32, #tpu.memory_space<vmem>>, %arg8: memref<128x128xf32, #tpu.memory_space<vmem>>, %arg9: memref<128x128xf32, #tpu.memory_space<vmem>>, %arg10: memref<!tpu.dma_semaphore, #tpu.memory_space<semaphore_mem>>) attributes {dimension_semantics = [#tpu.dimension_semantics<core_parallel>, #tpu.dimension_semantics<subcore_parallel>], iteration_bounds = array<i64: 2, 16>, scalar_prefetch = 0 : i64, scratch_operands = 5 : i64, tpu.core_type = #tpu.core_type<sc_vector_subcore>, window_params = [{transform_indices = #map}, {transform_indices = #map1}, {transform_indices = #map1}, {transform_indices = #map}]} {
    %mul3A = arith.constant 2 : i32
    %mul3A_0 = arith.muli %arg1, %mul3A : i32
    %add3A = arith.addi %mul3A_0, %arg0 : i32
    "tpu.region"() ({
      %run_scoped3A_122 = tpu.sem_alloc : memref<!tpu.dma_semaphore, #tpu.memory_space<semaphore_mem>>
      %dma_start3A_123 = arith.constant 0 : i32
      %dma_start3A_124 = arith.constant 0 : i32
      %dma_start3A_125 = tpu.memref_slice %arg2[%add3A, %dma_start3A_123, %dma_start3A_124] : memref<32x5x128xi32, #tpu.memory_space<hbm>> -> memref<1x5x128xi32, #tpu.memory_space<hbm>>
      %dma_start3A_126 = tpu.memref_squeeze %dma_start3A_125 : memref<1x5x128xi32, #tpu.memory_space<hbm>> -> memref<5x128xi32, #tpu.memory_space<hbm>>
      %dma_start3A_127 = arith.constant 0 : i32
      %dma_start3A_128 = arith.constant 0 : i32
      %dma_start3A_129 = tpu.memref_slice %arg2[%add3A, %dma_start3A_127, %dma_start3A_128] : memref<32x5x128xi32, #tpu.memory_space<hbm>> -> memref<1x5x128xi32, #tpu.memory_space<hbm>>
      %dma_start3A_130 = tpu.memref_squeeze %dma_start3A_129 : memref<1x5x128xi32, #tpu.memory_space<hbm>> -> memref<5x128xi32, #tpu.memory_space<hbm>>
      tpu.enqueue_dma source(%dma_start3A_130 : memref<5x128xi32, #tpu.memory_space<hbm>>) target(%arg6 : memref<5x128xi32, #tpu.memory_space<vmem>>) target_semaphore(%run_scoped3A_122 : memref<!tpu.dma_semaphore, #tpu.memory_space<semaphore_mem>>)
      %dma_wait3A_131 = arith.constant 0 : i32
      %dma_wait3A_132 = arith.constant 0 : i32
      %dma_wait3A_133 = tpu.memref_slice %arg2[%add3A, %dma_wait3A_131, %dma_wait3A_132] : memref<32x5x128xi32, #tpu.memory_space<hbm>> -> memref<1x5x128xi32, #tpu.memory_space<hbm>>
      %dma_wait3A_134 = tpu.memref_squeeze %dma_wait3A_133 : memref<1x5x128xi32, #tpu.memory_space<hbm>> -> memref<5x128xi32, #tpu.memory_space<hbm>>
      %dma_wait3A_135 = arith.constant 0 : i32
      %dma_wait3A_136 = arith.constant 0 : i32
      %dma_wait3A_137 = tpu.memref_slice %arg2[%add3A, %dma_wait3A_135, %dma_wait3A_136] : memref<32x5x128xi32, #tpu.memory_space<hbm>> -> memref<1x5x128xi32, #tpu.memory_space<hbm>>
      %dma_wait3A_138 = tpu.memref_squeeze %dma_wait3A_137 : memref<1x5x128xi32, #tpu.memory_space<hbm>> -> memref<5x128xi32, #tpu.memory_space<hbm>>
      tpu.wait_dma2 semaphore(%run_scoped3A_122 : memref<!tpu.dma_semaphore, #tpu.memory_space<semaphore_mem>>) src(%dma_wait3A_138 : memref<5x128xi32, #tpu.memory_space<hbm>>) dst(%arg6 : memref<5x128xi32, #tpu.memory_space<vmem>>)
      tpu.yield
    }) : () -> ()
    %dma_start3A = arith.constant 0 : i32
    %dma_start3A_1 = arith.constant 0 : i32
    %dma_start3A_2 = arith.constant 0 : i32
    %dma_start3A_3 = tpu.memref_slice %arg7[%dma_start3A_1, %dma_start3A_2] : memref<640x128xf32, #tpu.memory_space<vmem>> -> memref<128x128xf32, #tpu.memory_space<vmem>>
    %dma_start3A_4 = arith.constant 0 : i32
    %dma_start3A_5 = tpu.memref_slice %arg6[%dma_start3A, %dma_start3A_4] : memref<5x128xi32, #tpu.memory_space<vmem>> -> memref<1x128xi32, #tpu.memory_space<vmem>>
    %dma_start3A_6 = tpu.memref_squeeze %dma_start3A_5 : memref<1x128xi32, #tpu.memory_space<vmem>> -> memref<128xi32, #tpu.memory_space<vmem>>
    %dma_start3A_7 = arith.constant 0 : i32
    %dma_start3A_8 = arith.constant 0 : i32
    %dma_start3A_9 = tpu.memref_slice %arg4[%dma_start3A_7, %dma_start3A_8] : memref<4096x128xf32, #tpu.memory_space<hbm>> -> memref<4096x128xf32, #tpu.memory_space<hbm>>
    tpu.enqueue_indirect_dma source(%dma_start3A_9 : memref<4096x128xf32, #tpu.memory_space<hbm>>) target(%dma_start3A_3 : memref<128x128xf32, #tpu.memory_space<vmem>>) offsets(%dma_start3A_6 : memref<128xi32, #tpu.memory_space<vmem>>) semaphore(%arg10 : memref<!tpu.dma_semaphore, #tpu.memory_space<semaphore_mem>>)
    %dma_start3A_10 = arith.constant 1 : i32
    %dma_start3A_11 = arith.constant 128 : i32
    %dma_start3A_12 = arith.constant 0 : i32
    %dma_start3A_13 = tpu.memref_slice %arg7[%dma_start3A_11, %dma_start3A_12] : memref<640x128xf32, #tpu.memory_space<vmem>> -> memref<128x128xf32, #tpu.memory_space<vmem>>
    %dma_start3A_14 = arith.constant 0 : i32
    %dma_start3A_15 = tpu.memref_slice %arg6[%dma_start3A_10, %dma_start3A_14] : memref<5x128xi32, #tpu.memory_space<vmem>> -> memref<1x128xi32, #tpu.memory_space<vmem>>
    %dma_start3A_16 = tpu.memref_squeeze %dma_start3A_15 : memref<1x128xi32, #tpu.memory_space<vmem>> -> memref<128xi32, #tpu.memory_space<vmem>>
    %dma_start3A_17 = arith.constant 0 : i32
    %dma_start3A_18 = arith.constant 0 : i32
    %dma_start3A_19 = tpu.memref_slice %arg4[%dma_start3A_17, %dma_start3A_18] : memref<4096x128xf32, #tpu.memory_space<hbm>> -> memref<4096x128xf32, #tpu.memory_space<hbm>>
    tpu.enqueue_indirect_dma source(%dma_start3A_19 : memref<4096x128xf32, #tpu.memory_space<hbm>>) target(%dma_start3A_13 : memref<128x128xf32, #tpu.memory_space<vmem>>) offsets(%dma_start3A_16 : memref<128xi32, #tpu.memory_space<vmem>>) semaphore(%arg10 : memref<!tpu.dma_semaphore, #tpu.memory_space<semaphore_mem>>)
    %dma_start3A_20 = arith.constant 2 : i32
    %dma_start3A_21 = arith.constant 256 : i32
    %dma_start3A_22 = arith.constant 0 : i32
    %dma_start3A_23 = tpu.memref_slice %arg7[%dma_start3A_21, %dma_start3A_22] : memref<640x128xf32, #tpu.memory_space<vmem>> -> memref<128x128xf32, #tpu.memory_space<vmem>>
    %dma_start3A_24 = arith.constant 0 : i32
    %dma_start3A_25 = tpu.memref_slice %arg6[%dma_start3A_20, %dma_start3A_24] : memref<5x128xi32, #tpu.memory_space<vmem>> -> memref<1x128xi32, #tpu.memory_space<vmem>>
    %dma_start3A_26 = tpu.memref_squeeze %dma_start3A_25 : memref<1x128xi32, #tpu.memory_space<vmem>> -> memref<128xi32, #tpu.memory_space<vmem>>
    %dma_start3A_27 = arith.constant 0 : i32
    %dma_start3A_28 = arith.constant 0 : i32
    %dma_start3A_29 = tpu.memref_slice %arg4[%dma_start3A_27, %dma_start3A_28] : memref<4096x128xf32, #tpu.memory_space<hbm>> -> memref<4096x128xf32, #tpu.memory_space<hbm>>
    tpu.enqueue_indirect_dma source(%dma_start3A_29 : memref<4096x128xf32, #tpu.memory_space<hbm>>) target(%dma_start3A_23 : memref<128x128xf32, #tpu.memory_space<vmem>>) offsets(%dma_start3A_26 : memref<128xi32, #tpu.memory_space<vmem>>) semaphore(%arg10 : memref<!tpu.dma_semaphore, #tpu.memory_space<semaphore_mem>>)
    %dma_start3A_30 = arith.constant 3 : i32
    %dma_start3A_31 = arith.constant 384 : i32
    %dma_start3A_32 = arith.constant 0 : i32
    %dma_start3A_33 = tpu.memref_slice %arg7[%dma_start3A_31, %dma_start3A_32] : memref<640x128xf32, #tpu.memory_space<vmem>> -> memref<128x128xf32, #tpu.memory_space<vmem>>
    %dma_start3A_34 = arith.constant 0 : i32
    %dma_start3A_35 = tpu.memref_slice %arg6[%dma_start3A_30, %dma_start3A_34] : memref<5x128xi32, #tpu.memory_space<vmem>> -> memref<1x128xi32, #tpu.memory_space<vmem>>
    %dma_start3A_36 = tpu.memref_squeeze %dma_start3A_35 : memref<1x128xi32, #tpu.memory_space<vmem>> -> memref<128xi32, #tpu.memory_space<vmem>>
    %dma_start3A_37 = arith.constant 0 : i32
    %dma_start3A_38 = arith.constant 0 : i32
    %dma_start3A_39 = tpu.memref_slice %arg4[%dma_start3A_37, %dma_start3A_38] : memref<4096x128xf32, #tpu.memory_space<hbm>> -> memref<4096x128xf32, #tpu.memory_space<hbm>>
    tpu.enqueue_indirect_dma source(%dma_start3A_39 : memref<4096x128xf32, #tpu.memory_space<hbm>>) target(%dma_start3A_33 : memref<128x128xf32, #tpu.memory_space<vmem>>) offsets(%dma_start3A_36 : memref<128xi32, #tpu.memory_space<vmem>>) semaphore(%arg10 : memref<!tpu.dma_semaphore, #tpu.memory_space<semaphore_mem>>)
    %dma_start3A_40 = arith.constant 4 : i32
    %dma_start3A_41 = arith.constant 512 : i32
    %dma_start3A_42 = arith.constant 0 : i32
    %dma_start3A_43 = tpu.memref_slice %arg7[%dma_start3A_41, %dma_start3A_42] : memref<640x128xf32, #tpu.memory_space<vmem>> -> memref<128x128xf32, #tpu.memory_space<vmem>>
    %dma_start3A_44 = arith.constant 0 : i32
    %dma_start3A_45 = tpu.memref_slice %arg6[%dma_start3A_40, %dma_start3A_44] : memref<5x128xi32, #tpu.memory_space<vmem>> -> memref<1x128xi32, #tpu.memory_space<vmem>>
    %dma_start3A_46 = tpu.memref_squeeze %dma_start3A_45 : memref<1x128xi32, #tpu.memory_space<vmem>> -> memref<128xi32, #tpu.memory_space<vmem>>
    %dma_start3A_47 = arith.constant 0 : i32
    %dma_start3A_48 = arith.constant 0 : i32
    %dma_start3A_49 = tpu.memref_slice %arg4[%dma_start3A_47, %dma_start3A_48] : memref<4096x128xf32, #tpu.memory_space<hbm>> -> memref<4096x128xf32, #tpu.memory_space<hbm>>
    tpu.enqueue_indirect_dma source(%dma_start3A_49 : memref<4096x128xf32, #tpu.memory_space<hbm>>) target(%dma_start3A_43 : memref<128x128xf32, #tpu.memory_space<vmem>>) offsets(%dma_start3A_46 : memref<128xi32, #tpu.memory_space<vmem>>) semaphore(%arg10 : memref<!tpu.dma_semaphore, #tpu.memory_space<semaphore_mem>>)
    %mul3A_50 = arith.constant 128 : i32
    %mul3A_51 = arith.muli %add3A, %mul3A_50 : i32
    "tpu.region"() ({
      %run_scoped3A_122 = tpu.sem_alloc : memref<!tpu.dma_semaphore, #tpu.memory_space<semaphore_mem>>
      %dma_start3A_123 = arith.constant 0 : i32
      %dma_start3A_124 = tpu.memref_slice %arg3[%mul3A_51, %dma_start3A_123] : memref<4096x128xf32, #tpu.memory_space<hbm>> -> memref<128x128xf32, #tpu.memory_space<hbm>>
      %dma_start3A_125 = arith.constant 0 : i32
      %dma_start3A_126 = tpu.memref_slice %arg3[%mul3A_51, %dma_start3A_125] : memref<4096x128xf32, #tpu.memory_space<hbm>> -> memref<128x128xf32, #tpu.memory_space<hbm>>
      tpu.enqueue_dma source(%dma_start3A_126 : memref<128x128xf32, #tpu.memory_space<hbm>>) target(%arg8 : memref<128x128xf32, #tpu.memory_space<vmem>>) target_semaphore(%run_scoped3A_122 : memref<!tpu.dma_semaphore, #tpu.memory_space<semaphore_mem>>)
      %dma_wait3A_127 = arith.constant 0 : i32
      %dma_wait3A_128 = tpu.memref_slice %arg3[%mul3A_51, %dma_wait3A_127] : memref<4096x128xf32, #tpu.memory_space<hbm>> -> memref<128x128xf32, #tpu.memory_space<hbm>>
      %dma_wait3A_129 = arith.constant 0 : i32
      %dma_wait3A_130 = tpu.memref_slice %arg3[%mul3A_51, %dma_wait3A_129] : memref<4096x128xf32, #tpu.memory_space<hbm>> -> memref<128x128xf32, #tpu.memory_space<hbm>>
      tpu.wait_dma2 semaphore(%run_scoped3A_122 : memref<!tpu.dma_semaphore, #tpu.memory_space<semaphore_mem>>) src(%dma_wait3A_130 : memref<128x128xf32, #tpu.memory_space<hbm>>) dst(%arg8 : memref<128x128xf32, #tpu.memory_space<vmem>>)
      tpu.yield
    }) : () -> ()
    %mul3A_52 = arith.constant 128 : i32
    %mul3A_53 = arith.muli %add3A, %mul3A_52 : i32
    "tpu.region"() ({
      %run_scoped3A_122 = tpu.sem_alloc : memref<!tpu.dma_semaphore, #tpu.memory_space<semaphore_mem>>
      %dma_start3A_123 = arith.constant 0 : i32
      %dma_start3A_124 = tpu.memref_slice %arg4[%mul3A_53, %dma_start3A_123] : memref<4096x128xf32, #tpu.memory_space<hbm>> -> memref<128x128xf32, #tpu.memory_space<hbm>>
      %dma_start3A_125 = arith.constant 0 : i32
      %dma_start3A_126 = tpu.memref_slice %arg4[%mul3A_53, %dma_start3A_125] : memref<4096x128xf32, #tpu.memory_space<hbm>> -> memref<128x128xf32, #tpu.memory_space<hbm>>
      tpu.enqueue_dma source(%dma_start3A_126 : memref<128x128xf32, #tpu.memory_space<hbm>>) target(%arg9 : memref<128x128xf32, #tpu.memory_space<vmem>>) target_semaphore(%run_scoped3A_122 : memref<!tpu.dma_semaphore, #tpu.memory_space<semaphore_mem>>)
      %dma_wait3A_127 = arith.constant 0 : i32
      %dma_wait3A_128 = tpu.memref_slice %arg4[%mul3A_53, %dma_wait3A_127] : memref<4096x128xf32, #tpu.memory_space<hbm>> -> memref<128x128xf32, #tpu.memory_space<hbm>>
      %dma_wait3A_129 = arith.constant 0 : i32
      %dma_wait3A_130 = tpu.memref_slice %arg4[%mul3A_53, %dma_wait3A_129] : memref<4096x128xf32, #tpu.memory_space<hbm>> -> memref<128x128xf32, #tpu.memory_space<hbm>>
      tpu.wait_dma2 semaphore(%run_scoped3A_122 : memref<!tpu.dma_semaphore, #tpu.memory_space<semaphore_mem>>) src(%dma_wait3A_130 : memref<128x128xf32, #tpu.memory_space<hbm>>) dst(%arg9 : memref<128x128xf32, #tpu.memory_space<vmem>>)
      tpu.yield
    }) : () -> ()
    %dma_wait3A = arith.constant 0 : i32
    %dma_wait3A_54 = arith.constant 0 : i32
    %dma_wait3A_55 = arith.constant 0 : i32
    %dma_wait3A_56 = tpu.memref_slice %arg7[%dma_wait3A_54, %dma_wait3A_55] : memref<640x128xf32, #tpu.memory_space<vmem>> -> memref<128x128xf32, #tpu.memory_space<vmem>>
    %dma_wait3A_57 = arith.constant 0 : i32
    %dma_wait3A_58 = tpu.memref_slice %arg6[%dma_wait3A, %dma_wait3A_57] : memref<5x128xi32, #tpu.memory_space<vmem>> -> memref<1x128xi32, #tpu.memory_space<vmem>>
    %dma_wait3A_59 = tpu.memref_squeeze %dma_wait3A_58 : memref<1x128xi32, #tpu.memory_space<vmem>> -> memref<128xi32, #tpu.memory_space<vmem>>
    %dma_wait3A_60 = arith.constant 0 : i32
    %dma_wait3A_61 = arith.constant 0 : i32
    %dma_wait3A_62 = tpu.memref_slice %arg4[%dma_wait3A_60, %dma_wait3A_61] : memref<4096x128xf32, #tpu.memory_space<hbm>> -> memref<4096x128xf32, #tpu.memory_space<hbm>>
    tpu.wait_indirect_dma semaphore(%arg10 : memref<!tpu.dma_semaphore, #tpu.memory_space<semaphore_mem>>) src(%dma_wait3A_62 : memref<4096x128xf32, #tpu.memory_space<hbm>>) dst(%dma_wait3A_56 : memref<128x128xf32, #tpu.memory_space<vmem>>)
    %dma_wait3A_63 = arith.constant 1 : i32
    %dma_wait3A_64 = arith.constant 128 : i32
    %dma_wait3A_65 = arith.constant 0 : i32
    %dma_wait3A_66 = tpu.memref_slice %arg7[%dma_wait3A_64, %dma_wait3A_65] : memref<640x128xf32, #tpu.memory_space<vmem>> -> memref<128x128xf32, #tpu.memory_space<vmem>>
    %dma_wait3A_67 = arith.constant 0 : i32
    %dma_wait3A_68 = tpu.memref_slice %arg6[%dma_wait3A_63, %dma_wait3A_67] : memref<5x128xi32, #tpu.memory_space<vmem>> -> memref<1x128xi32, #tpu.memory_space<vmem>>
    %dma_wait3A_69 = tpu.memref_squeeze %dma_wait3A_68 : memref<1x128xi32, #tpu.memory_space<vmem>> -> memref<128xi32, #tpu.memory_space<vmem>>
    %dma_wait3A_70 = arith.constant 0 : i32
    %dma_wait3A_71 = arith.constant 0 : i32
    %dma_wait3A_72 = tpu.memref_slice %arg4[%dma_wait3A_70, %dma_wait3A_71] : memref<4096x128xf32, #tpu.memory_space<hbm>> -> memref<4096x128xf32, #tpu.memory_space<hbm>>
    tpu.wait_indirect_dma semaphore(%arg10 : memref<!tpu.dma_semaphore, #tpu.memory_space<semaphore_mem>>) src(%dma_wait3A_72 : memref<4096x128xf32, #tpu.memory_space<hbm>>) dst(%dma_wait3A_66 : memref<128x128xf32, #tpu.memory_space<vmem>>)
    %dma_wait3A_73 = arith.constant 2 : i32
    %dma_wait3A_74 = arith.constant 256 : i32
    %dma_wait3A_75 = arith.constant 0 : i32
    %dma_wait3A_76 = tpu.memref_slice %arg7[%dma_wait3A_74, %dma_wait3A_75] : memref<640x128xf32, #tpu.memory_space<vmem>> -> memref<128x128xf32, #tpu.memory_space<vmem>>
    %dma_wait3A_77 = arith.constant 0 : i32
    %dma_wait3A_78 = tpu.memref_slice %arg6[%dma_wait3A_73, %dma_wait3A_77] : memref<5x128xi32, #tpu.memory_space<vmem>> -> memref<1x128xi32, #tpu.memory_space<vmem>>
    %dma_wait3A_79 = tpu.memref_squeeze %dma_wait3A_78 : memref<1x128xi32, #tpu.memory_space<vmem>> -> memref<128xi32, #tpu.memory_space<vmem>>
    %dma_wait3A_80 = arith.constant 0 : i32
    %dma_wait3A_81 = arith.constant 0 : i32
    %dma_wait3A_82 = tpu.memref_slice %arg4[%dma_wait3A_80, %dma_wait3A_81] : memref<4096x128xf32, #tpu.memory_space<hbm>> -> memref<4096x128xf32, #tpu.memory_space<hbm>>
    tpu.wait_indirect_dma semaphore(%arg10 : memref<!tpu.dma_semaphore, #tpu.memory_space<semaphore_mem>>) src(%dma_wait3A_82 : memref<4096x128xf32, #tpu.memory_space<hbm>>) dst(%dma_wait3A_76 : memref<128x128xf32, #tpu.memory_space<vmem>>)
    %dma_wait3A_83 = arith.constant 3 : i32
    %dma_wait3A_84 = arith.constant 384 : i32
    %dma_wait3A_85 = arith.constant 0 : i32
    %dma_wait3A_86 = tpu.memref_slice %arg7[%dma_wait3A_84, %dma_wait3A_85] : memref<640x128xf32, #tpu.memory_space<vmem>> -> memref<128x128xf32, #tpu.memory_space<vmem>>
    %dma_wait3A_87 = arith.constant 0 : i32
    %dma_wait3A_88 = tpu.memref_slice %arg6[%dma_wait3A_83, %dma_wait3A_87] : memref<5x128xi32, #tpu.memory_space<vmem>> -> memref<1x128xi32, #tpu.memory_space<vmem>>
    %dma_wait3A_89 = tpu.memref_squeeze %dma_wait3A_88 : memref<1x128xi32, #tpu.memory_space<vmem>> -> memref<128xi32, #tpu.memory_space<vmem>>
    %dma_wait3A_90 = arith.constant 0 : i32
    %dma_wait3A_91 = arith.constant 0 : i32
    %dma_wait3A_92 = tpu.memref_slice %arg4[%dma_wait3A_90, %dma_wait3A_91] : memref<4096x128xf32, #tpu.memory_space<hbm>> -> memref<4096x128xf32, #tpu.memory_space<hbm>>
    tpu.wait_indirect_dma semaphore(%arg10 : memref<!tpu.dma_semaphore, #tpu.memory_space<semaphore_mem>>) src(%dma_wait3A_92 : memref<4096x128xf32, #tpu.memory_space<hbm>>) dst(%dma_wait3A_86 : memref<128x128xf32, #tpu.memory_space<vmem>>)
    %dma_wait3A_93 = arith.constant 4 : i32
    %dma_wait3A_94 = arith.constant 512 : i32
    %dma_wait3A_95 = arith.constant 0 : i32
    %dma_wait3A_96 = tpu.memref_slice %arg7[%dma_wait3A_94, %dma_wait3A_95] : memref<640x128xf32, #tpu.memory_space<vmem>> -> memref<128x128xf32, #tpu.memory_space<vmem>>
    %dma_wait3A_97 = arith.constant 0 : i32
    %dma_wait3A_98 = tpu.memref_slice %arg6[%dma_wait3A_93, %dma_wait3A_97] : memref<5x128xi32, #tpu.memory_space<vmem>> -> memref<1x128xi32, #tpu.memory_space<vmem>>
    %dma_wait3A_99 = tpu.memref_squeeze %dma_wait3A_98 : memref<1x128xi32, #tpu.memory_space<vmem>> -> memref<128xi32, #tpu.memory_space<vmem>>
    %dma_wait3A_100 = arith.constant 0 : i32
    %dma_wait3A_101 = arith.constant 0 : i32
    %dma_wait3A_102 = tpu.memref_slice %arg4[%dma_wait3A_100, %dma_wait3A_101] : memref<4096x128xf32, #tpu.memory_space<hbm>> -> memref<4096x128xf32, #tpu.memory_space<hbm>>
    tpu.wait_indirect_dma semaphore(%arg10 : memref<!tpu.dma_semaphore, #tpu.memory_space<semaphore_mem>>) src(%dma_wait3A_102 : memref<4096x128xf32, #tpu.memory_space<hbm>>) dst(%dma_wait3A_96 : memref<128x128xf32, #tpu.memory_space<vmem>>)
    %scan3A = arith.constant 0 : i32
    %scan3A_103 = arith.constant 0 : i32
    %scan3A_104 = arith.constant 128 : i32
    %scan3A_105 = arith.addi %scan3A_103, %scan3A_104 : i32
    %scan3A_106 = arith.constant 1 : i32
    scf.for %scan3A_122 = %scan3A_103 to %scan3A_105 step %scan3A_106  : i32 {
      %get3A = arith.index_cast %scan3A_122 : i32 to index
      %get3A_123 = arith.constant 0 : index
      %get3A_124 = tpu.vector_load %arg8[%get3A, %get3A_123] {strides = array<i32>} : memref<128x128xf32, #tpu.memory_space<vmem>>, vector<1x16xf32>,
      %get3A_125 = vector.shape_cast %get3A_124 : vector<1x16xf32> to vector<16xf32>
      %get3A_126 = arith.index_cast %scan3A_122 : i32 to index
      %get3A_127 = arith.constant 0 : index
      %get3A_128 = tpu.vector_load %arg9[%get3A_126, %get3A_127] {strides = array<i32>} : memref<128x128xf32, #tpu.memory_space<vmem>>, vector<1x16xf32>,
      %get3A_129 = vector.shape_cast %get3A_128 : vector<1x16xf32> to vector<16xf32>
      %add3A_130 = arith.constant 0 : i32
      %add3A_131 = arith.addi %add3A_130, %scan3A_122 : i32
      %get3A_132 = arith.index_cast %add3A_131 : i32 to index
      %get3A_133 = arith.constant 0 : index
      %get3A_134 = tpu.vector_load %arg7[%get3A_132, %get3A_133] {strides = array<i32>} : memref<640x128xf32, #tpu.memory_space<vmem>>, vector<1x16xf32>,
      %get3A_135 = vector.shape_cast %get3A_134 : vector<1x16xf32> to vector<16xf32>
      %sub3A = arith.subf %get3A_135, %get3A_129 : vector<16xf32>
      %add3A_136 = arith.addf %get3A_125, %sub3A : vector<16xf32>
      %swap3A = arith.index_cast %add3A_131 : i32 to index
      %swap3A_137 = arith.constant 0 : index
      %swap3A_138 = tpu.vector_load %arg7[%swap3A, %swap3A_137] {strides = array<i32>} : memref<640x128xf32, #tpu.memory_space<vmem>>, vector<1x16xf32>,
      %swap3A_139 = vector.shape_cast %swap3A_138 : vector<1x16xf32> to vector<16xf32>
      %swap3A_140 = vector.shape_cast %add3A_136 : vector<16xf32> to vector<1x16xf32>
      tpu.vector_store %arg7[%swap3A, %swap3A_137], %swap3A_140 {strides = array<i32>} : memref<640x128xf32, #tpu.memory_space<vmem>>, vector<1x16xf32>,
      %add3A_141 = arith.constant 128 : i32
      %add3A_142 = arith.addi %add3A_141, %scan3A_122 : i32
      %get3A_143 = arith.index_cast %add3A_142 : i32 to index
      %get3A_144 = arith.constant 0 : index
      %get3A_145 = tpu.vector_load %arg7[%get3A_143, %get3A_144] {strides = array<i32>} : memref<640x128xf32, #tpu.memory_space<vmem>>, vector<1x16xf32>,
      %get3A_146 = vector.shape_cast %get3A_145 : vector<1x16xf32> to vector<16xf32>
      %sub3A_147 = arith.subf %get3A_146, %get3A_129 : vector<16xf32>
      %add3A_148 = arith.addf %get3A_125, %sub3A_147 : vector<16xf32>
      %swap3A_149 = arith.index_cast %add3A_142 : i32 to index
      %swap3A_150 = arith.constant 0 : index
      %swap3A_151 = tpu.vector_load %arg7[%swap3A_149, %swap3A_150] {strides = array<i32>} : memref<640x128xf32, #tpu.memory_space<vmem>>, vector<1x16xf32>,
      %swap3A_152 = vector.shape_cast %swap3A_151 : vector<1x16xf32> to vector<16xf32>
      %swap3A_153 = vector.shape_cast %add3A_148 : vector<16xf32> to vector<1x16xf32>
      tpu.vector_store %arg7[%swap3A_149, %swap3A_150], %swap3A_153 {strides = array<i32>} : memref<640x128xf32, #tpu.memory_space<vmem>>, vector<1x16xf32>,
      %add3A_154 = arith.constant 256 : i32
      %add3A_155 = arith.addi %add3A_154, %scan3A_122 : i32
      %get3A_156 = arith.index_cast %add3A_155 : i32 to index
      %get3A_157 = arith.constant 0 : index
      %get3A_158 = tpu.vector_load %arg7[%get3A_156, %get3A_157] {strides = array<i32>} : memref<640x128xf32, #tpu.memory_space<vmem>>, vector<1x16xf32>,
      %get3A_159 = vector.shape_cast %get3A_158 : vector<1x16xf32> to vector<16xf32>
      %sub3A_160 = arith.subf %get3A_159, %get3A_129 : vector<16xf32>
      %add3A_161 = arith.addf %get3A_125, %sub3A_160 : vector<16xf32>
      %swap3A_162 = arith.index_cast %add3A_155 : i32 to index
      %swap3A_163 = arith.constant 0 : index
      %swap3A_164 = tpu.vector_load %arg7[%swap3A_162, %swap3A_163] {strides = array<i32>} : memref<640x128xf32, #tpu.memory_space<vmem>>, vector<1x16xf32>,
      %swap3A_165 = vector.shape_cast %swap3A_164 : vector<1x16xf32> to vector<16xf32>
      %swap3A_166 = vector.shape_cast %add3A_161 : vector<16xf32> to vector<1x16xf32>
      tpu.vector_store %arg7[%swap3A_162, %swap3A_163], %swap3A_166 {strides = array<i32>} : memref<640x128xf32, #tpu.memory_space<vmem>>, vector<1x16xf32>,
      %add3A_167 = arith.constant 384 : i32
      %add3A_168 = arith.addi %add3A_167, %scan3A_122 : i32
      %get3A_169 = arith.index_cast %add3A_168 : i32 to index
      %get3A_170 = arith.constant 0 : index
      %get3A_171 = tpu.vector_load %arg7[%get3A_169, %get3A_170] {strides = array<i32>} : memref<640x128xf32, #tpu.memory_space<vmem>>, vector<1x16xf32>,
      %get3A_172 = vector.shape_cast %get3A_171 : vector<1x16xf32> to vector<16xf32>
      %sub3A_173 = arith.subf %get3A_172, %get3A_129 : vector<16xf32>
      %add3A_174 = arith.addf %get3A_125, %sub3A_173 : vector<16xf32>
      %swap3A_175 = arith.index_cast %add3A_168 : i32 to index
      %swap3A_176 = arith.constant 0 : index
      %swap3A_177 = tpu.vector_load %arg7[%swap3A_175, %swap3A_176] {strides = array<i32>} : memref<640x128xf32, #tpu.memory_space<vmem>>, vector<1x16xf32>,
      %swap3A_178 = vector.shape_cast %swap3A_177 : vector<1x16xf32> to vector<16xf32>
      %swap3A_179 = vector.shape_cast %add3A_174 : vector<16xf32> to vector<1x16xf32>
      tpu.vector_store %arg7[%swap3A_175, %swap3A_176], %swap3A_179 {strides = array<i32>} : memref<640x128xf32, #tpu.memory_space<vmem>>, vector<1x16xf32>,
      %add3A_180 = arith.constant 512 : i32
      %add3A_181 = arith.addi %add3A_180, %scan3A_122 : i32
      %get3A_182 = arith.index_cast %add3A_181 : i32 to index
      %get3A_183 = arith.constant 0 : index
      %get3A_184 = tpu.vector_load %arg7[%get3A_182, %get3A_183] {strides = array<i32>} : memref<640x128xf32, #tpu.memory_space<vmem>>, vector<1x16xf32>,
      %get3A_185 = vector.shape_cast %get3A_184 : vector<1x16xf32> to vector<16xf32>
      %sub3A_186 = arith.subf %get3A_185, %get3A_129 : vector<16xf32>
      %add3A_187 = arith.addf %get3A_125, %sub3A_186 : vector<16xf32>
      %swap3A_188 = arith.index_cast %add3A_181 : i32 to index
      %swap3A_189 = arith.constant 0 : index
      %swap3A_190 = tpu.vector_load %arg7[%swap3A_188, %swap3A_189] {strides = array<i32>} : memref<640x128xf32, #tpu.memory_space<vmem>>, vector<1x16xf32>,
      %swap3A_191 = vector.shape_cast %swap3A_190 : vector<1x16xf32> to vector<16xf32>
      %swap3A_192 = vector.shape_cast %add3A_187 : vector<16xf32> to vector<1x16xf32>
      tpu.vector_store %arg7[%swap3A_188, %swap3A_189], %swap3A_192 {strides = array<i32>} : memref<640x128xf32, #tpu.memory_space<vmem>>, vector<1x16xf32>,
      %get3A_193 = arith.index_cast %scan3A_122 : i32 to index
      %get3A_194 = arith.constant 16 : index
      %get3A_195 = tpu.vector_load %arg8[%get3A_193, %get3A_194] {strides = array<i32>} : memref<128x128xf32, #tpu.memory_space<vmem>>, vector<1x16xf32>,
      %get3A_196 = vector.shape_cast %get3A_195 : vector<1x16xf32> to vector<16xf32>
      %get3A_197 = arith.index_cast %scan3A_122 : i32 to index
      %get3A_198 = arith.constant 16 : index
      %get3A_199 = tpu.vector_load %arg9[%get3A_197, %get3A_198] {strides = array<i32>} : memref<128x128xf32, #tpu.memory_space<vmem>>, vector<1x16xf32>,
      %get3A_200 = vector.shape_cast %get3A_199 : vector<1x16xf32> to vector<16xf32>
      %add3A_201 = arith.constant 0 : i32
      %add3A_202 = arith.addi %add3A_201, %scan3A_122 : i32
      %get3A_203 = arith.index_cast %add3A_202 : i32 to index
      %get3A_204 = arith.constant 16 : index
      %get3A_205 = tpu.vector_load %arg7[%get3A_203, %get3A_204] {strides = array<i32>} : memref<640x128xf32, #tpu.memory_space<vmem>>, vector<1x16xf32>,
      %get3A_206 = vector.shape_cast %get3A_205 : vector<1x16xf32> to vector<16xf32>
      %sub3A_207 = arith.subf %get3A_206, %get3A_200 : vector<16xf32>
      %add3A_208 = arith.addf %get3A_196, %sub3A_207 : vector<16xf32>
      %swap3A_209 = arith.index_cast %add3A_202 : i32 to index
      %swap3A_210 = arith.constant 16 : index
      %swap3A_211 = tpu.vector_load %arg7[%swap3A_209, %swap3A_210] {strides = array<i32>} : memref<640x128xf32, #tpu.memory_space<vmem>>, vector<1x16xf32>,
      %swap3A_212 = vector.shape_cast %swap3A_211 : vector<1x16xf32> to vector<16xf32>
      %swap3A_213 = vector.shape_cast %add3A_208 : vector<16xf32> to vector<1x16xf32>
      tpu.vector_store %arg7[%swap3A_209, %swap3A_210], %swap3A_213 {strides = array<i32>} : memref<640x128xf32, #tpu.memory_space<vmem>>, vector<1x16xf32>,
      %add3A_214 = arith.constant 128 : i32
      %add3A_215 = arith.addi %add3A_214, %scan3A_122 : i32
      %get3A_216 = arith.index_cast %add3A_215 : i32 to index
      %get3A_217 = arith.constant 16 : index
      %get3A_218 = tpu.vector_load %arg7[%get3A_216, %get3A_217] {strides = array<i32>} : memref<640x128xf32, #tpu.memory_space<vmem>>, vector<1x16xf32>,
      %get3A_219 = vector.shape_cast %get3A_218 : vector<1x16xf32> to vector<16xf32>
      %sub3A_220 = arith.subf %get3A_219, %get3A_200 : vector<16xf32>
      %add3A_221 = arith.addf %get3A_196, %sub3A_220 : vector<16xf32>
      %swap3A_222 = arith.index_cast %add3A_215 : i32 to index
      %swap3A_223 = arith.constant 16 : index
      %swap3A_224 = tpu.vector_load %arg7[%swap3A_222, %swap3A_223] {strides = array<i32>} : memref<640x128xf32, #tpu.memory_space<vmem>>, vector<1x16xf32>,
      %swap3A_225 = vector.shape_cast %swap3A_224 : vector<1x16xf32> to vector<16xf32>
      %swap3A_226 = vector.shape_cast %add3A_221 : vector<16xf32> to vector<1x16xf32>
      tpu.vector_store %arg7[%swap3A_222, %swap3A_223], %swap3A_226 {strides = array<i32>} : memref<640x128xf32, #tpu.memory_space<vmem>>, vector<1x16xf32>,
      %add3A_227 = arith.constant 256 : i32
      %add3A_228 = arith.addi %add3A_227, %scan3A_122 : i32
      %get3A_229 = arith.index_cast %add3A_228 : i32 to index
      %get3A_230 = arith.constant 16 : index
      %get3A_231 = tpu.vector_load %arg7[%get3A_229, %get3A_230] {strides = array<i32>} : memref<640x128xf32, #tpu.memory_space<vmem>>, vector<1x16xf32>,
      %get3A_232 = vector.shape_cast %get3A_231 : vector<1x16xf32> to vector<16xf32>
      %sub3A_233 = arith.subf %get3A_232, %get3A_200 : vector<16xf32>
      %add3A_234 = arith.addf %get3A_196, %sub3A_233 : vector<16xf32>
      %swap3A_235 = arith.index_cast %add3A_228 : i32 to index
      %swap3A_236 = arith.constant 16 : index
      %swap3A_237 = tpu.vector_load %arg7[%swap3A_235, %swap3A_236] {strides = array<i32>} : memref<640x128xf32, #tpu.memory_space<vmem>>, vector<1x16xf32>,
      %swap3A_238 = vector.shape_cast %swap3A_237 : vector<1x16xf32> to vector<16xf32>
      %swap3A_239 = vector.shape_cast %add3A_234 : vector<16xf32> to vector<1x16xf32>
      tpu.vector_store %arg7[%swap3A_235, %swap3A_236], %swap3A_239 {strides = array<i32>} : memref<640x128xf32, #tpu.memory_space<vmem>>, vector<1x16xf32>,
      %add3A_240 = arith.constant 384 : i32
      %add3A_241 = arith.addi %add3A_240, %scan3A_122 : i32
      %get3A_242 = arith.index_cast %add3A_241 : i32 to index
      %get3A_243 = arith.constant 16 : index
      %get3A_244 = tpu.vector_load %arg7[%get3A_242, %get3A_243] {strides = array<i32>} : memref<640x128xf32, #tpu.memory_space<vmem>>, vector<1x16xf32>,
      %get3A_245 = vector.shape_cast %get3A_244 : vector<1x16xf32> to vector<16xf32>
      %sub3A_246 = arith.subf %get3A_245, %get3A_200 : vector<16xf32>
      %add3A_247 = arith.addf %get3A_196, %sub3A_246 : vector<16xf32>
      %swap3A_248 = arith.index_cast %add3A_241 : i32 to index
      %swap3A_249 = arith.constant 16 : index
      %swap3A_250 = tpu.vector_load %arg7[%swap3A_248, %swap3A_249] {strides = array<i32>} : memref<640x128xf32, #tpu.memory_space<vmem>>, vector<1x16xf32>,
      %swap3A_251 = vector.shape_cast %swap3A_250 : vector<1x16xf32> to vector<16xf32>
      %swap3A_252 = vector.shape_cast %add3A_247 : vector<16xf32> to vector<1x16xf32>
      tpu.vector_store %arg7[%swap3A_248, %swap3A_249], %swap3A_252 {strides = array<i32>} : memref<640x128xf32, #tpu.memory_space<vmem>>, vector<1x16xf32>,
      %add3A_253 = arith.constant 512 : i32
      %add3A_254 = arith.addi %add3A_253, %scan3A_122 : i32
      %get3A_255 = arith.index_cast %add3A_254 : i32 to index
      %get3A_256 = arith.constant 16 : index
      %get3A_257 = tpu.vector_load %arg7[%get3A_255, %get3A_256] {strides = array<i32>} : memref<640x128xf32, #tpu.memory_space<vmem>>, vector<1x16xf32>,
      %get3A_258 = vector.shape_cast %get3A_257 : vector<1x16xf32> to vector<16xf32>
      %sub3A_259 = arith.subf %get3A_258, %get3A_200 : vector<16xf32>
      %add3A_260 = arith.addf %get3A_196, %sub3A_259 : vector<16xf32>
      %swap3A_261 = arith.index_cast %add3A_254 : i32 to index
      %swap3A_262 = arith.constant 16 : index
      %swap3A_263 = tpu.vector_load %arg7[%swap3A_261, %swap3A_262] {strides = array<i32>} : memref<640x128xf32, #tpu.memory_space<vmem>>, vector<1x16xf32>,
      %swap3A_264 = vector.shape_cast %swap3A_263 : vector<1x16xf32> to vector<16xf32>
      %swap3A_265 = vector.shape_cast %add3A_260 : vector<16xf32> to vector<1x16xf32>
      tpu.vector_store %arg7[%swap3A_261, %swap3A_262], %swap3A_265 {strides = array<i32>} : memref<640x128xf32, #tpu.memory_space<vmem>>, vector<1x16xf32>,
      %get3A_266 = arith.index_cast %scan3A_122 : i32 to index
      %get3A_267 = arith.constant 32 : index
      %get3A_268 = tpu.vector_load %arg8[%get3A_266, %get3A_267] {strides = array<i32>} : memref<128x128xf32, #tpu.memory_space<vmem>>, vector<1x16xf32>,
      %get3A_269 = vector.shape_cast %get3A_268 : vector<1x16xf32> to vector<16xf32>
      %get3A_270 = arith.index_cast %scan3A_122 : i32 to index
      %get3A_271 = arith.constant 32 : index
      %get3A_272 = tpu.vector_load %arg9[%get3A_270, %get3A_271] {strides = array<i32>} : memref<128x128xf32, #tpu.memory_space<vmem>>, vector<1x16xf32>,
      %get3A_273 = vector.shape_cast %get3A_272 : vector<1x16xf32> to vector<16xf32>
      %add3A_274 = arith.constant 0 : i32
      %add3A_275 = arith.addi %add3A_274, %scan3A_122 : i32
      %get3A_276 = arith.index_cast %add3A_275 : i32 to index
      %get3A_277 = arith.constant 32 : index
      %get3A_278 = tpu.vector_load %arg7[%get3A_276, %get3A_277] {strides = array<i32>} : memref<640x128xf32, #tpu.memory_space<vmem>>, vector<1x16xf32>,
      %get3A_279 = vector.shape_cast %get3A_278 : vector<1x16xf32> to vector<16xf32>
      %sub3A_280 = arith.subf %get3A_279, %get3A_273 : vector<16xf32>
      %add3A_281 = arith.addf %get3A_269, %sub3A_280 : vector<16xf32>
      %swap3A_282 = arith.index_cast %add3A_275 : i32 to index
      %swap3A_283 = arith.constant 32 : index
      %swap3A_284 = tpu.vector_load %arg7[%swap3A_282, %swap3A_283] {strides = array<i32>} : memref<640x128xf32, #tpu.memory_space<vmem>>, vector<1x16xf32>,
      %swap3A_285 = vector.shape_cast %swap3A_284 : vector<1x16xf32> to vector<16xf32>
      %swap3A_286 = vector.shape_cast %add3A_281 : vector<16xf32> to vector<1x16xf32>
      tpu.vector_store %arg7[%swap3A_282, %swap3A_283], %swap3A_286 {strides = array<i32>} : memref<640x128xf32, #tpu.memory_space<vmem>>, vector<1x16xf32>,
      %add3A_287 = arith.constant 128 : i32
      %add3A_288 = arith.addi %add3A_287, %scan3A_122 : i32
      %get3A_289 = arith.index_cast %add3A_288 : i32 to index
      %get3A_290 = arith.constant 32 : index
      %get3A_291 = tpu.vector_load %arg7[%get3A_289, %get3A_290] {strides = array<i32>} : memref<640x128xf32, #tpu.memory_space<vmem>>, vector<1x16xf32>,
      %get3A_292 = vector.shape_cast %get3A_291 : vector<1x16xf32> to vector<16xf32>
      %sub3A_293 = arith.subf %get3A_292, %get3A_273 : vector<16xf32>
      %add3A_294 = arith.addf %get3A_269, %sub3A_293 : vector<16xf32>
      %swap3A_295 = arith.index_cast %add3A_288 : i32 to index
      %swap3A_296 = arith.constant 32 : index
      %swap3A_297 = tpu.vector_load %arg7[%swap3A_295, %swap3A_296] {strides = array<i32>} : memref<640x128xf32, #tpu.memory_space<vmem>>, vector<1x16xf32>,
      %swap3A_298 = vector.shape_cast %swap3A_297 : vector<1x16xf32> to vector<16xf32>
      %swap3A_299 = vector.shape_cast %add3A_294 : vector<16xf32> to vector<1x16xf32>
      tpu.vector_store %arg7[%swap3A_295, %swap3A_296], %swap3A_299 {strides = array<i32>} : memref<640x128xf32, #tpu.memory_space<vmem>>, vector<1x16xf32>,
      %add3A_300 = arith.constant 256 : i32
      %add3A_301 = arith.addi %add3A_300, %scan3A_122 : i32
      %get3A_302 = arith.index_cast %add3A_301 : i32 to index
      %get3A_303 = arith.constant 32 : index
      %get3A_304 = tpu.vector_load %arg7[%get3A_302, %get3A_303] {strides = array<i32>} : memref<640x128xf32, #tpu.memory_space<vmem>>, vector<1x16xf32>,
      %get3A_305 = vector.shape_cast %get3A_304 : vector<1x16xf32> to vector<16xf32>
      %sub3A_306 = arith.subf %get3A_305, %get3A_273 : vector<16xf32>
      %add3A_307 = arith.addf %get3A_269, %sub3A_306 : vector<16xf32>
      %swap3A_308 = arith.index_cast %add3A_301 : i32 to index
      %swap3A_309 = arith.constant 32 : index
      %swap3A_310 = tpu.vector_load %arg7[%swap3A_308, %swap3A_309] {strides = array<i32>} : memref<640x128xf32, #tpu.memory_space<vmem>>, vector<1x16xf32>,
      %swap3A_311 = vector.shape_cast %swap3A_310 : vector<1x16xf32> to vector<16xf32>
      %swap3A_312 = vector.shape_cast %add3A_307 : vector<16xf32> to vector<1x16xf32>
      tpu.vector_store %arg7[%swap3A_308, %swap3A_309], %swap3A_312 {strides = array<i32>} : memref<640x128xf32, #tpu.memory_space<vmem>>, vector<1x16xf32>,
      %add3A_313 = arith.constant 384 : i32
      %add3A_314 = arith.addi %add3A_313, %scan3A_122 : i32
      %get3A_315 = arith.index_cast %add3A_314 : i32 to index
      %get3A_316 = arith.constant 32 : index
      %get3A_317 = tpu.vector_load %arg7[%get3A_315, %get3A_316] {strides = array<i32>} : memref<640x128xf32, #tpu.memory_space<vmem>>, vector<1x16xf32>,
      %get3A_318 = vector.shape_cast %get3A_317 : vector<1x16xf32> to vector<16xf32>
      %sub3A_319 = arith.subf %get3A_318, %get3A_273 : vector<16xf32>
      %add3A_320 = arith.addf %get3A_269, %sub3A_319 : vector<16xf32>
      %swap3A_321 = arith.index_cast %add3A_314 : i32 to index
      %swap3A_322 = arith.constant 32 : index
      %swap3A_323 = tpu.vector_load %arg7[%swap3A_321, %swap3A_322] {strides = array<i32>} : memref<640x128xf32, #tpu.memory_space<vmem>>, vector<1x16xf32>,
      %swap3A_324 = vector.shape_cast %swap3A_323 : vector<1x16xf32> to vector<16xf32>
      %swap3A_325 = vector.shape_cast %add3A_320 : vector<16xf32> to vector<1x16xf32>
      tpu.vector_store %arg7[%swap3A_321, %swap3A_322], %swap3A_325 {strides = array<i32>} : memref<640x128xf32, #tpu.memory_space<vmem>>, vector<1x16xf32>,
      %add3A_326 = arith.constant 512 : i32
      %add3A_327 = arith.addi %add3A_326, %scan3A_122 : i32
      %get3A_328 = arith.index_cast %add3A_327 : i32 to index
      %get3A_329 = arith.constant 32 : index
      %get3A_330 = tpu.vector_load %arg7[%get3A_328, %get3A_329] {strides = array<i32>} : memref<640x128xf32, #tpu.memory_space<vmem>>, vector<1x16xf32>,
      %get3A_331 = vector.shape_cast %get3A_330 : vector<1x16xf32> to vector<16xf32>
      %sub3A_332 = arith.subf %get3A_331, %get3A_273 : vector<16xf32>
      %add3A_333 = arith.addf %get3A_269, %sub3A_332 : vector<16xf32>
      %swap3A_334 = arith.index_cast %add3A_327 : i32 to index
      %swap3A_335 = arith.constant 32 : index
      %swap3A_336 = tpu.vector_load %arg7[%swap3A_334, %swap3A_335] {strides = array<i32>} : memref<640x128xf32, #tpu.memory_space<vmem>>, vector<1x16xf32>,
      %swap3A_337 = vector.shape_cast %swap3A_336 : vector<1x16xf32> to vector<16xf32>
      %swap3A_338 = vector.shape_cast %add3A_333 : vector<16xf32> to vector<1x16xf32>
      tpu.vector_store %arg7[%swap3A_334, %swap3A_335], %swap3A_338 {strides = array<i32>} : memref<640x128xf32, #tpu.memory_space<vmem>>, vector<1x16xf32>,
      %get3A_339 = arith.index_cast %scan3A_122 : i32 to index
      %get3A_340 = arith.constant 48 : index
      %get3A_341 = tpu.vector_load %arg8[%get3A_339, %get3A_340] {strides = array<i32>} : memref<128x128xf32, #tpu.memory_space<vmem>>, vector<1x16xf32>,
      %get3A_342 = vector.shape_cast %get3A_341 : vector<1x16xf32> to vector<16xf32>
      %get3A_343 = arith.index_cast %scan3A_122 : i32 to index
      %get3A_344 = arith.constant 48 : index
      %get3A_345 = tpu.vector_load %arg9[%get3A_343, %get3A_344] {strides = array<i32>} : memref<128x128xf32, #tpu.memory_space<vmem>>, vector<1x16xf32>,
      %get3A_346 = vector.shape_cast %get3A_345 : vector<1x16xf32> to vector<16xf32>
      %add3A_347 = arith.constant 0 : i32
      %add3A_348 = arith.addi %add3A_347, %scan3A_122 : i32
      %get3A_349 = arith.index_cast %add3A_348 : i32 to index
      %get3A_350 = arith.constant 48 : index
      %get3A_351 = tpu.vector_load %arg7[%get3A_349, %get3A_350] {strides = array<i32>} : memref<640x128xf32, #tpu.memory_space<vmem>>, vector<1x16xf32>,
      %get3A_352 = vector.shape_cast %get3A_351 : vector<1x16xf32> to vector<16xf32>
      %sub3A_353 = arith.subf %get3A_352, %get3A_346 : vector<16xf32>
      %add3A_354 = arith.addf %get3A_342, %sub3A_353 : vector<16xf32>
      %swap3A_355 = arith.index_cast %add3A_348 : i32 to index
      %swap3A_356 = arith.constant 48 : index
      %swap3A_357 = tpu.vector_load %arg7[%swap3A_355, %swap3A_356] {strides = array<i32>} : memref<640x128xf32, #tpu.memory_space<vmem>>, vector<1x16xf32>,
      %swap3A_358 = vector.shape_cast %swap3A_357 : vector<1x16xf32> to vector<16xf32>
      %swap3A_359 = vector.shape_cast %add3A_354 : vector<16xf32> to vector<1x16xf32>
      tpu.vector_store %arg7[%swap3A_355, %swap3A_356], %swap3A_359 {strides = array<i32>} : memref<640x128xf32, #tpu.memory_space<vmem>>, vector<1x16xf32>,
      %add3A_360 = arith.constant 128 : i32
      %add3A_361 = arith.addi %add3A_360, %scan3A_122 : i32
      %get3A_362 = arith.index_cast %add3A_361 : i32 to index
      %get3A_363 = arith.constant 48 : index
      %get3A_364 = tpu.vector_load %arg7[%get3A_362, %get3A_363] {strides = array<i32>} : memref<640x128xf32, #tpu.memory_space<vmem>>, vector<1x16xf32>,
      %get3A_365 = vector.shape_cast %get3A_364 : vector<1x16xf32> to vector<16xf32>
      %sub3A_366 = arith.subf %get3A_365, %get3A_346 : vector<16xf32>
      %add3A_367 = arith.addf %get3A_342, %sub3A_366 : vector<16xf32>
      %swap3A_368 = arith.index_cast %add3A_361 : i32 to index
      %swap3A_369 = arith.constant 48 : index
      %swap3A_370 = tpu.vector_load %arg7[%swap3A_368, %swap3A_369] {strides = array<i32>} : memref<640x128xf32, #tpu.memory_space<vmem>>, vector<1x16xf32>,
      %swap3A_371 = vector.shape_cast %swap3A_370 : vector<1x16xf32> to vector<16xf32>
      %swap3A_372 = vector.shape_cast %add3A_367 : vector<16xf32> to vector<1x16xf32>
      tpu.vector_store %arg7[%swap3A_368, %swap3A_369], %swap3A_372 {strides = array<i32>} : memref<640x128xf32, #tpu.memory_space<vmem>>, vector<1x16xf32>,
      %add3A_373 = arith.constant 256 : i32
      %add3A_374 = arith.addi %add3A_373, %scan3A_122 : i32
      %get3A_375 = arith.index_cast %add3A_374 : i32 to index
      %get3A_376 = arith.constant 48 : index
      %get3A_377 = tpu.vector_load %arg7[%get3A_375, %get3A_376] {strides = array<i32>} : memref<640x128xf32, #tpu.memory_space<vmem>>, vector<1x16xf32>,
      %get3A_378 = vector.shape_cast %get3A_377 : vector<1x16xf32> to vector<16xf32>
      %sub3A_379 = arith.subf %get3A_378, %get3A_346 : vector<16xf32>
      %add3A_380 = arith.addf %get3A_342, %sub3A_379 : vector<16xf32>
      %swap3A_381 = arith.index_cast %add3A_374 : i32 to index
      %swap3A_382 = arith.constant 48 : index
      %swap3A_383 = tpu.vector_load %arg7[%swap3A_381, %swap3A_382] {strides = array<i32>} : memref<640x128xf32, #tpu.memory_space<vmem>>, vector<1x16xf32>,
      %swap3A_384 = vector.shape_cast %swap3A_383 : vector<1x16xf32> to vector<16xf32>
      %swap3A_385 = vector.shape_cast %add3A_380 : vector<16xf32> to vector<1x16xf32>
      tpu.vector_store %arg7[%swap3A_381, %swap3A_382], %swap3A_385 {strides = array<i32>} : memref<640x128xf32, #tpu.memory_space<vmem>>, vector<1x16xf32>,
      %add3A_386 = arith.constant 384 : i32
      %add3A_387 = arith.addi %add3A_386, %scan3A_122 : i32
      %get3A_388 = arith.index_cast %add3A_387 : i32 to index
      %get3A_389 = arith.constant 48 : index
      %get3A_390 = tpu.vector_load %arg7[%get3A_388, %get3A_389] {strides = array<i32>} : memref<640x128xf32, #tpu.memory_space<vmem>>, vector<1x16xf32>,
      %get3A_391 = vector.shape_cast %get3A_390 : vector<1x16xf32> to vector<16xf32>
      %sub3A_392 = arith.subf %get3A_391, %get3A_346 : vector<16xf32>
      %add3A_393 = arith.addf %get3A_342, %sub3A_392 : vector<16xf32>
      %swap3A_394 = arith.index_cast %add3A_387 : i32 to index
      %swap3A_395 = arith.constant 48 : index
      %swap3A_396 = tpu.vector_load %arg7[%swap3A_394, %swap3A_395] {strides = array<i32>} : memref<640x128xf32, #tpu.memory_space<vmem>>, vector<1x16xf32>,
      %swap3A_397 = vector.shape_cast %swap3A_396 : vector<1x16xf32> to vector<16xf32>
      %swap3A_398 = vector.shape_cast %add3A_393 : vector<16xf32> to vector<1x16xf32>
      tpu.vector_store %arg7[%swap3A_394, %swap3A_395], %swap3A_398 {strides = array<i32>} : memref<640x128xf32, #tpu.memory_space<vmem>>, vector<1x16xf32>,
      %add3A_399 = arith.constant 512 : i32
      %add3A_400 = arith.addi %add3A_399, %scan3A_122 : i32
      %get3A_401 = arith.index_cast %add3A_400 : i32 to index
      %get3A_402 = arith.constant 48 : index
      %get3A_403 = tpu.vector_load %arg7[%get3A_401, %get3A_402] {strides = array<i32>} : memref<640x128xf32, #tpu.memory_space<vmem>>, vector<1x16xf32>,
      %get3A_404 = vector.shape_cast %get3A_403 : vector<1x16xf32> to vector<16xf32>
      %sub3A_405 = arith.subf %get3A_404, %get3A_346 : vector<16xf32>
      %add3A_406 = arith.addf %get3A_342, %sub3A_405 : vector<16xf32>
      %swap3A_407 = arith.index_cast %add3A_400 : i32 to index
      %swap3A_408 = arith.constant 48 : index
      %swap3A_409 = tpu.vector_load %arg7[%swap3A_407, %swap3A_408] {strides = array<i32>} : memref<640x128xf32, #tpu.memory_space<vmem>>, vector<1x16xf32>,
      %swap3A_410 = vector.shape_cast %swap3A_409 : vector<1x16xf32> to vector<16xf32>
      %swap3A_411 = vector.shape_cast %add3A_406 : vector<16xf32> to vector<1x16xf32>
      tpu.vector_store %arg7[%swap3A_407, %swap3A_408], %swap3A_411 {strides = array<i32>} : memref<640x128xf32, #tpu.memory_space<vmem>>, vector<1x16xf32>,
      %get3A_412 = arith.index_cast %scan3A_122 : i32 to index
      %get3A_413 = arith.constant 64 : index
      %get3A_414 = tpu.vector_load %arg8[%get3A_412, %get3A_413] {strides = array<i32>} : memref<128x128xf32, #tpu.memory_space<vmem>>, vector<1x16xf32>,
      %get3A_415 = vector.shape_cast %get3A_414 : vector<1x16xf32> to vector<16xf32>
      %get3A_416 = arith.index_cast %scan3A_122 : i32 to index
      %get3A_417 = arith.constant 64 : index
      %get3A_418 = tpu.vector_load %arg9[%get3A_416, %get3A_417] {strides = array<i32>} : memref<128x128xf32, #tpu.memory_space<vmem>>, vector<1x16xf32>,
      %get3A_419 = vector.shape_cast %get3A_418 : vector<1x16xf32> to vector<16xf32>
      %add3A_420 = arith.constant 0 : i32
      %add3A_421 = arith.addi %add3A_420, %scan3A_122 : i32
      %get3A_422 = arith.index_cast %add3A_421 : i32 to index
      %get3A_423 = arith.constant 64 : index
      %get3A_424 = tpu.vector_load %arg7[%get3A_422, %get3A_423] {strides = array<i32>} : memref<640x128xf32, #tpu.memory_space<vmem>>, vector<1x16xf32>,
      %get3A_425 = vector.shape_cast %get3A_424 : vector<1x16xf32> to vector<16xf32>
      %sub3A_426 = arith.subf %get3A_425, %get3A_419 : vector<16xf32>
      %add3A_427 = arith.addf %get3A_415, %sub3A_426 : vector<16xf32>
      %swap3A_428 = arith.index_cast %add3A_421 : i32 to index
      %swap3A_429 = arith.constant 64 : index
      %swap3A_430 = tpu.vector_load %arg7[%swap3A_428, %swap3A_429] {strides = array<i32>} : memref<640x128xf32, #tpu.memory_space<vmem>>, vector<1x16xf32>,
      %swap3A_431 = vector.shape_cast %swap3A_430 : vector<1x16xf32> to vector<16xf32>
      %swap3A_432 = vector.shape_cast %add3A_427 : vector<16xf32> to vector<1x16xf32>
      tpu.vector_store %arg7[%swap3A_428, %swap3A_429], %swap3A_432 {strides = array<i32>} : memref<640x128xf32, #tpu.memory_space<vmem>>, vector<1x16xf32>,
      %add3A_433 = arith.constant 128 : i32
      %add3A_434 = arith.addi %add3A_433, %scan3A_122 : i32
      %get3A_435 = arith.index_cast %add3A_434 : i32 to index
      %get3A_436 = arith.constant 64 : index
      %get3A_437 = tpu.vector_load %arg7[%get3A_435, %get3A_436] {strides = array<i32>} : memref<640x128xf32, #tpu.memory_space<vmem>>, vector<1x16xf32>,
      %get3A_438 = vector.shape_cast %get3A_437 : vector<1x16xf32> to vector<16xf32>
      %sub3A_439 = arith.subf %get3A_438, %get3A_419 : vector<16xf32>
      %add3A_440 = arith.addf %get3A_415, %sub3A_439 : vector<16xf32>
      %swap3A_441 = arith.index_cast %add3A_434 : i32 to index
      %swap3A_442 = arith.constant 64 : index
      %swap3A_443 = tpu.vector_load %arg7[%swap3A_441, %swap3A_442] {strides = array<i32>} : memref<640x128xf32, #tpu.memory_space<vmem>>, vector<1x16xf32>,
      %swap3A_444 = vector.shape_cast %swap3A_443 : vector<1x16xf32> to vector<16xf32>
      %swap3A_445 = vector.shape_cast %add3A_440 : vector<16xf32> to vector<1x16xf32>
      tpu.vector_store %arg7[%swap3A_441, %swap3A_442], %swap3A_445 {strides = array<i32>} : memref<640x128xf32, #tpu.memory_space<vmem>>, vector<1x16xf32>,
      %add3A_446 = arith.constant 256 : i32
      %add3A_447 = arith.addi %add3A_446, %scan3A_122 : i32
      %get3A_448 = arith.index_cast %add3A_447 : i32 to index
      %get3A_449 = arith.constant 64 : index
      %get3A_450 = tpu.vector_load %arg7[%get3A_448, %get3A_449] {strides = array<i32>} : memref<640x128xf32, #tpu.memory_space<vmem>>, vector<1x16xf32>,
      %get3A_451 = vector.shape_cast %get3A_450 : vector<1x16xf32> to vector<16xf32>
      %sub3A_452 = arith.subf %get3A_451, %get3A_419 : vector<16xf32>
      %add3A_453 = arith.addf %get3A_415, %sub3A_452 : vector<16xf32>
      %swap3A_454 = arith.index_cast %add3A_447 : i32 to index
      %swap3A_455 = arith.constant 64 : index
      %swap3A_456 = tpu.vector_load %arg7[%swap3A_454, %swap3A_455] {strides = array<i32>} : memref<640x128xf32, #tpu.memory_space<vmem>>, vector<1x16xf32>,
      %swap3A_457 = vector.shape_cast %swap3A_456 : vector<1x16xf32> to vector<16xf32>
      %swap3A_458 = vector.shape_cast %add3A_453 : vector<16xf32> to vector<1x16xf32>
      tpu.vector_store %arg7[%swap3A_454, %swap3A_455], %swap3A_458 {strides = array<i32>} : memref<640x128xf32, #tpu.memory_space<vmem>>, vector<1x16xf32>,
      %add3A_459 = arith.constant 384 : i32
      %add3A_460 = arith.addi %add3A_459, %scan3A_122 : i32
      %get3A_461 = arith.index_cast %add3A_460 : i32 to index
      %get3A_462 = arith.constant 64 : index
      %get3A_463 = tpu.vector_load %arg7[%get3A_461, %get3A_462] {strides = array<i32>} : memref<640x128xf32, #tpu.memory_space<vmem>>, vector<1x16xf32>,
      %get3A_464 = vector.shape_cast %get3A_463 : vector<1x16xf32> to vector<16xf32>
      %sub3A_465 = arith.subf %get3A_464, %get3A_419 : vector<16xf32>
      %add3A_466 = arith.addf %get3A_415, %sub3A_465 : vector<16xf32>
      %swap3A_467 = arith.index_cast %add3A_460 : i32 to index
      %swap3A_468 = arith.constant 64 : index
      %swap3A_469 = tpu.vector_load %arg7[%swap3A_467, %swap3A_468] {strides = array<i32>} : memref<640x128xf32, #tpu.memory_space<vmem>>, vector<1x16xf32>,
      %swap3A_470 = vector.shape_cast %swap3A_469 : vector<1x16xf32> to vector<16xf32>
      %swap3A_471 = vector.shape_cast %add3A_466 : vector<16xf32> to vector<1x16xf32>
      tpu.vector_store %arg7[%swap3A_467, %swap3A_468], %swap3A_471 {strides = array<i32>} : memref<640x128xf32, #tpu.memory_space<vmem>>, vector<1x16xf32>,
      %add3A_472 = arith.constant 512 : i32
      %add3A_473 = arith.addi %add3A_472, %scan3A_122 : i32
      %get3A_474 = arith.index_cast %add3A_473 : i32 to index
      %get3A_475 = arith.constant 64 : index
      %get3A_476 = tpu.vector_load %arg7[%get3A_474, %get3A_475] {strides = array<i32>} : memref<640x128xf32, #tpu.memory_space<vmem>>, vector<1x16xf32>,
      %get3A_477 = vector.shape_cast %get3A_476 : vector<1x16xf32> to vector<16xf32>
      %sub3A_478 = arith.subf %get3A_477, %get3A_419 : vector<16xf32>
      %add3A_479 = arith.addf %get3A_415, %sub3A_478 : vector<16xf32>
      %swap3A_480 = arith.index_cast %add3A_473 : i32 to index
      %swap3A_481 = arith.constant 64 : index
      %swap3A_482 = tpu.vector_load %arg7[%swap3A_480, %swap3A_481] {strides = array<i32>} : memref<640x128xf32, #tpu.memory_space<vmem>>, vector<1x16xf32>,
      %swap3A_483 = vector.shape_cast %swap3A_482 : vector<1x16xf32> to vector<16xf32>
      %swap3A_484 = vector.shape_cast %add3A_479 : vector<16xf32> to vector<1x16xf32>
      tpu.vector_store %arg7[%swap3A_480, %swap3A_481], %swap3A_484 {strides = array<i32>} : memref<640x128xf32, #tpu.memory_space<vmem>>, vector<1x16xf32>,
      %get3A_485 = arith.index_cast %scan3A_122 : i32 to index
      %get3A_486 = arith.constant 80 : index
      %get3A_487 = tpu.vector_load %arg8[%get3A_485, %get3A_486] {strides = array<i32>} : memref<128x128xf32, #tpu.memory_space<vmem>>, vector<1x16xf32>,
      %get3A_488 = vector.shape_cast %get3A_487 : vector<1x16xf32> to vector<16xf32>
      %get3A_489 = arith.index_cast %scan3A_122 : i32 to index
      %get3A_490 = arith.constant 80 : index
      %get3A_491 = tpu.vector_load %arg9[%get3A_489, %get3A_490] {strides = array<i32>} : memref<128x128xf32, #tpu.memory_space<vmem>>, vector<1x16xf32>,
      %get3A_492 = vector.shape_cast %get3A_491 : vector<1x16xf32> to vector<16xf32>
      %add3A_493 = arith.constant 0 : i32
      %add3A_494 = arith.addi %add3A_493, %scan3A_122 : i32
      %get3A_495 = arith.index_cast %add3A_494 : i32 to index
      %get3A_496 = arith.constant 80 : index
      %get3A_497 = tpu.vector_load %arg7[%get3A_495, %get3A_496] {strides = array<i32>} : memref<640x128xf32, #tpu.memory_space<vmem>>, vector<1x16xf32>,
      %get3A_498 = vector.shape_cast %get3A_497 : vector<1x16xf32> to vector<16xf32>
      %sub3A_499 = arith.subf %get3A_498, %get3A_492 : vector<16xf32>
      %add3A_500 = arith.addf %get3A_488, %sub3A_499 : vector<16xf32>
      %swap3A_501 = arith.index_cast %add3A_494 : i32 to index
      %swap3A_502 = arith.constant 80 : index
      %swap3A_503 = tpu.vector_load %arg7[%swap3A_501, %swap3A_502] {strides = array<i32>} : memref<640x128xf32, #tpu.memory_space<vmem>>, vector<1x16xf32>,
      %swap3A_504 = vector.shape_cast %swap3A_503 : vector<1x16xf32> to vector<16xf32>
      %swap3A_505 = vector.shape_cast %add3A_500 : vector<16xf32> to vector<1x16xf32>
      tpu.vector_store %arg7[%swap3A_501, %swap3A_502], %swap3A_505 {strides = array<i32>} : memref<640x128xf32, #tpu.memory_space<vmem>>, vector<1x16xf32>,
      %add3A_506 = arith.constant 128 : i32
      %add3A_507 = arith.addi %add3A_506, %scan3A_122 : i32
      %get3A_508 = arith.index_cast %add3A_507 : i32 to index
      %get3A_509 = arith.constant 80 : index
      %get3A_510 = tpu.vector_load %arg7[%get3A_508, %get3A_509] {strides = array<i32>} : memref<640x128xf32, #tpu.memory_space<vmem>>, vector<1x16xf32>,
      %get3A_511 = vector.shape_cast %get3A_510 : vector<1x16xf32> to vector<16xf32>
      %sub3A_512 = arith.subf %get3A_511, %get3A_492 : vector<16xf32>
      %add3A_513 = arith.addf %get3A_488, %sub3A_512 : vector<16xf32>
      %swap3A_514 = arith.index_cast %add3A_507 : i32 to index
      %swap3A_515 = arith.constant 80 : index
      %swap3A_516 = tpu.vector_load %arg7[%swap3A_514, %swap3A_515] {strides = array<i32>} : memref<640x128xf32, #tpu.memory_space<vmem>>, vector<1x16xf32>,
      %swap3A_517 = vector.shape_cast %swap3A_516 : vector<1x16xf32> to vector<16xf32>
      %swap3A_518 = vector.shape_cast %add3A_513 : vector<16xf32> to vector<1x16xf32>
      tpu.vector_store %arg7[%swap3A_514, %swap3A_515], %swap3A_518 {strides = array<i32>} : memref<640x128xf32, #tpu.memory_space<vmem>>, vector<1x16xf32>,
      %add3A_519 = arith.constant 256 : i32
      %add3A_520 = arith.addi %add3A_519, %scan3A_122 : i32
      %get3A_521 = arith.index_cast %add3A_520 : i32 to index
      %get3A_522 = arith.constant 80 : index
      %get3A_523 = tpu.vector_load %arg7[%get3A_521, %get3A_522] {strides = array<i32>} : memref<640x128xf32, #tpu.memory_space<vmem>>, vector<1x16xf32>,
      %get3A_524 = vector.shape_cast %get3A_523 : vector<1x16xf32> to vector<16xf32>
      %sub3A_525 = arith.subf %get3A_524, %get3A_492 : vector<16xf32>
      %add3A_526 = arith.addf %get3A_488, %sub3A_525 : vector<16xf32>
      %swap3A_527 = arith.index_cast %add3A_520 : i32 to index
      %swap3A_528 = arith.constant 80 : index
      %swap3A_529 = tpu.vector_load %arg7[%swap3A_527, %swap3A_528] {strides = array<i32>} : memref<640x128xf32, #tpu.memory_space<vmem>>, vector<1x16xf32>,
      %swap3A_530 = vector.shape_cast %swap3A_529 : vector<1x16xf32> to vector<16xf32>
      %swap3A_531 = vector.shape_cast %add3A_526 : vector<16xf32> to vector<1x16xf32>
      tpu.vector_store %arg7[%swap3A_527, %swap3A_528], %swap3A_531 {strides = array<i32>} : memref<640x128xf32, #tpu.memory_space<vmem>>, vector<1x16xf32>,
      %add3A_532 = arith.constant 384 : i32
      %add3A_533 = arith.addi %add3A_532, %scan3A_122 : i32
      %get3A_534 = arith.index_cast %add3A_533 : i32 to index
      %get3A_535 = arith.constant 80 : index
      %get3A_536 = tpu.vector_load %arg7[%get3A_534, %get3A_535] {strides = array<i32>} : memref<640x128xf32, #tpu.memory_space<vmem>>, vector<1x16xf32>,
      %get3A_537 = vector.shape_cast %get3A_536 : vector<1x16xf32> to vector<16xf32>
      %sub3A_538 = arith.subf %get3A_537, %get3A_492 : vector<16xf32>
      %add3A_539 = arith.addf %get3A_488, %sub3A_538 : vector<16xf32>
      %swap3A_540 = arith.index_cast %add3A_533 : i32 to index
      %swap3A_541 = arith.constant 80 : index
      %swap3A_542 = tpu.vector_load %arg7[%swap3A_540, %swap3A_541] {strides = array<i32>} : memref<640x128xf32, #tpu.memory_space<vmem>>, vector<1x16xf32>,
      %swap3A_543 = vector.shape_cast %swap3A_542 : vector<1x16xf32> to vector<16xf32>
      %swap3A_544 = vector.shape_cast %add3A_539 : vector<16xf32> to vector<1x16xf32>
      tpu.vector_store %arg7[%swap3A_540, %swap3A_541], %swap3A_544 {strides = array<i32>} : memref<640x128xf32, #tpu.memory_space<vmem>>, vector<1x16xf32>,
      %add3A_545 = arith.constant 512 : i32
      %add3A_546 = arith.addi %add3A_545, %scan3A_122 : i32
      %get3A_547 = arith.index_cast %add3A_546 : i32 to index
      %get3A_548 = arith.constant 80 : index
      %get3A_549 = tpu.vector_load %arg7[%get3A_547, %get3A_548] {strides = array<i32>} : memref<640x128xf32, #tpu.memory_space<vmem>>, vector<1x16xf32>,
      %get3A_550 = vector.shape_cast %get3A_549 : vector<1x16xf32> to vector<16xf32>
      %sub3A_551 = arith.subf %get3A_550, %get3A_492 : vector<16xf32>
      %add3A_552 = arith.addf %get3A_488, %sub3A_551 : vector<16xf32>
      %swap3A_553 = arith.index_cast %add3A_546 : i32 to index
      %swap3A_554 = arith.constant 80 : index
      %swap3A_555 = tpu.vector_load %arg7[%swap3A_553, %swap3A_554] {strides = array<i32>} : memref<640x128xf32, #tpu.memory_space<vmem>>, vector<1x16xf32>,
      %swap3A_556 = vector.shape_cast %swap3A_555 : vector<1x16xf32> to vector<16xf32>
      %swap3A_557 = vector.shape_cast %add3A_552 : vector<16xf32> to vector<1x16xf32>
      tpu.vector_store %arg7[%swap3A_553, %swap3A_554], %swap3A_557 {strides = array<i32>} : memref<640x128xf32, #tpu.memory_space<vmem>>, vector<1x16xf32>,
      %get3A_558 = arith.index_cast %scan3A_122 : i32 to index
      %get3A_559 = arith.constant 96 : index
      %get3A_560 = tpu.vector_load %arg8[%get3A_558, %get3A_559] {strides = array<i32>} : memref<128x128xf32, #tpu.memory_space<vmem>>, vector<1x16xf32>,
      %get3A_561 = vector.shape_cast %get3A_560 : vector<1x16xf32> to vector<16xf32>
      %get3A_562 = arith.index_cast %scan3A_122 : i32 to index
      %get3A_563 = arith.constant 96 : index
      %get3A_564 = tpu.vector_load %arg9[%get3A_562, %get3A_563] {strides = array<i32>} : memref<128x128xf32, #tpu.memory_space<vmem>>, vector<1x16xf32>,
      %get3A_565 = vector.shape_cast %get3A_564 : vector<1x16xf32> to vector<16xf32>
      %add3A_566 = arith.constant 0 : i32
      %add3A_567 = arith.addi %add3A_566, %scan3A_122 : i32
      %get3A_568 = arith.index_cast %add3A_567 : i32 to index
      %get3A_569 = arith.constant 96 : index
      %get3A_570 = tpu.vector_load %arg7[%get3A_568, %get3A_569] {strides = array<i32>} : memref<640x128xf32, #tpu.memory_space<vmem>>, vector<1x16xf32>,
      %get3A_571 = vector.shape_cast %get3A_570 : vector<1x16xf32> to vector<16xf32>
      %sub3A_572 = arith.subf %get3A_571, %get3A_565 : vector<16xf32>
      %add3A_573 = arith.addf %get3A_561, %sub3A_572 : vector<16xf32>
      %swap3A_574 = arith.index_cast %add3A_567 : i32 to index
      %swap3A_575 = arith.constant 96 : index
      %swap3A_576 = tpu.vector_load %arg7[%swap3A_574, %swap3A_575] {strides = array<i32>} : memref<640x128xf32, #tpu.memory_space<vmem>>, vector<1x16xf32>,
      %swap3A_577 = vector.shape_cast %swap3A_576 : vector<1x16xf32> to vector<16xf32>
      %swap3A_578 = vector.shape_cast %add3A_573 : vector<16xf32> to vector<1x16xf32>
      tpu.vector_store %arg7[%swap3A_574, %swap3A_575], %swap3A_578 {strides = array<i32>} : memref<640x128xf32, #tpu.memory_space<vmem>>, vector<1x16xf32>,
      %add3A_579 = arith.constant 128 : i32
      %add3A_580 = arith.addi %add3A_579, %scan3A_122 : i32
      %get3A_581 = arith.index_cast %add3A_580 : i32 to index
      %get3A_582 = arith.constant 96 : index
      %get3A_583 = tpu.vector_load %arg7[%get3A_581, %get3A_582] {strides = array<i32>} : memref<640x128xf32, #tpu.memory_space<vmem>>, vector<1x16xf32>,
      %get3A_584 = vector.shape_cast %get3A_583 : vector<1x16xf32> to vector<16xf32>
      %sub3A_585 = arith.subf %get3A_584, %get3A_565 : vector<16xf32>
      %add3A_586 = arith.addf %get3A_561, %sub3A_585 : vector<16xf32>
      %swap3A_587 = arith.index_cast %add3A_580 : i32 to index
      %swap3A_588 = arith.constant 96 : index
      %swap3A_589 = tpu.vector_load %arg7[%swap3A_587, %swap3A_588] {strides = array<i32>} : memref<640x128xf32, #tpu.memory_space<vmem>>, vector<1x16xf32>,
      %swap3A_590 = vector.shape_cast %swap3A_589 : vector<1x16xf32> to vector<16xf32>
      %swap3A_591 = vector.shape_cast %add3A_586 : vector<16xf32> to vector<1x16xf32>
      tpu.vector_store %arg7[%swap3A_587, %swap3A_588], %swap3A_591 {strides = array<i32>} : memref<640x128xf32, #tpu.memory_space<vmem>>, vector<1x16xf32>,
      %add3A_592 = arith.constant 256 : i32
      %add3A_593 = arith.addi %add3A_592, %scan3A_122 : i32
      %get3A_594 = arith.index_cast %add3A_593 : i32 to index
      %get3A_595 = arith.constant 96 : index
      %get3A_596 = tpu.vector_load %arg7[%get3A_594, %get3A_595] {strides = array<i32>} : memref<640x128xf32, #tpu.memory_space<vmem>>, vector<1x16xf32>,
      %get3A_597 = vector.shape_cast %get3A_596 : vector<1x16xf32> to vector<16xf32>
      %sub3A_598 = arith.subf %get3A_597, %get3A_565 : vector<16xf32>
      %add3A_599 = arith.addf %get3A_561, %sub3A_598 : vector<16xf32>
      %swap3A_600 = arith.index_cast %add3A_593 : i32 to index
      %swap3A_601 = arith.constant 96 : index
      %swap3A_602 = tpu.vector_load %arg7[%swap3A_600, %swap3A_601] {strides = array<i32>} : memref<640x128xf32, #tpu.memory_space<vmem>>, vector<1x16xf32>,
      %swap3A_603 = vector.shape_cast %swap3A_602 : vector<1x16xf32> to vector<16xf32>
      %swap3A_604 = vector.shape_cast %add3A_599 : vector<16xf32> to vector<1x16xf32>
      tpu.vector_store %arg7[%swap3A_600, %swap3A_601], %swap3A_604 {strides = array<i32>} : memref<640x128xf32, #tpu.memory_space<vmem>>, vector<1x16xf32>,
      %add3A_605 = arith.constant 384 : i32
      %add3A_606 = arith.addi %add3A_605, %scan3A_122 : i32
      %get3A_607 = arith.index_cast %add3A_606 : i32 to index
      %get3A_608 = arith.constant 96 : index
      %get3A_609 = tpu.vector_load %arg7[%get3A_607, %get3A_608] {strides = array<i32>} : memref<640x128xf32, #tpu.memory_space<vmem>>, vector<1x16xf32>,
      %get3A_610 = vector.shape_cast %get3A_609 : vector<1x16xf32> to vector<16xf32>
      %sub3A_611 = arith.subf %get3A_610, %get3A_565 : vector<16xf32>
      %add3A_612 = arith.addf %get3A_561, %sub3A_611 : vector<16xf32>
      %swap3A_613 = arith.index_cast %add3A_606 : i32 to index
      %swap3A_614 = arith.constant 96 : index
      %swap3A_615 = tpu.vector_load %arg7[%swap3A_613, %swap3A_614] {strides = array<i32>} : memref<640x128xf32, #tpu.memory_space<vmem>>, vector<1x16xf32>,
      %swap3A_616 = vector.shape_cast %swap3A_615 : vector<1x16xf32> to vector<16xf32>
      %swap3A_617 = vector.shape_cast %add3A_612 : vector<16xf32> to vector<1x16xf32>
      tpu.vector_store %arg7[%swap3A_613, %swap3A_614], %swap3A_617 {strides = array<i32>} : memref<640x128xf32, #tpu.memory_space<vmem>>, vector<1x16xf32>,
      %add3A_618 = arith.constant 512 : i32
      %add3A_619 = arith.addi %add3A_618, %scan3A_122 : i32
      %get3A_620 = arith.index_cast %add3A_619 : i32 to index
      %get3A_621 = arith.constant 96 : index
      %get3A_622 = tpu.vector_load %arg7[%get3A_620, %get3A_621] {strides = array<i32>} : memref<640x128xf32, #tpu.memory_space<vmem>>, vector<1x16xf32>,
      %get3A_623 = vector.shape_cast %get3A_622 : vector<1x16xf32> to vector<16xf32>
      %sub3A_624 = arith.subf %get3A_623, %get3A_565 : vector<16xf32>
      %add3A_625 = arith.addf %get3A_561, %sub3A_624 : vector<16xf32>
      %swap3A_626 = arith.index_cast %add3A_619 : i32 to index
      %swap3A_627 = arith.constant 96 : index
      %swap3A_628 = tpu.vector_load %arg7[%swap3A_626, %swap3A_627] {strides = array<i32>} : memref<640x128xf32, #tpu.memory_space<vmem>>, vector<1x16xf32>,
      %swap3A_629 = vector.shape_cast %swap3A_628 : vector<1x16xf32> to vector<16xf32>
      %swap3A_630 = vector.shape_cast %add3A_625 : vector<16xf32> to vector<1x16xf32>
      tpu.vector_store %arg7[%swap3A_626, %swap3A_627], %swap3A_630 {strides = array<i32>} : memref<640x128xf32, #tpu.memory_space<vmem>>, vector<1x16xf32>,
      %get3A_631 = arith.index_cast %scan3A_122 : i32 to index
      %get3A_632 = arith.constant 112 : index
      %get3A_633 = tpu.vector_load %arg8[%get3A_631, %get3A_632] {strides = array<i32>} : memref<128x128xf32, #tpu.memory_space<vmem>>, vector<1x16xf32>,
      %get3A_634 = vector.shape_cast %get3A_633 : vector<1x16xf32> to vector<16xf32>
      %get3A_635 = arith.index_cast %scan3A_122 : i32 to index
      %get3A_636 = arith.constant 112 : index
      %get3A_637 = tpu.vector_load %arg9[%get3A_635, %get3A_636] {strides = array<i32>} : memref<128x128xf32, #tpu.memory_space<vmem>>, vector<1x16xf32>,
      %get3A_638 = vector.shape_cast %get3A_637 : vector<1x16xf32> to vector<16xf32>
      %add3A_639 = arith.constant 0 : i32
      %add3A_640 = arith.addi %add3A_639, %scan3A_122 : i32
      %get3A_641 = arith.index_cast %add3A_640 : i32 to index
      %get3A_642 = arith.constant 112 : index
      %get3A_643 = tpu.vector_load %arg7[%get3A_641, %get3A_642] {strides = array<i32>} : memref<640x128xf32, #tpu.memory_space<vmem>>, vector<1x16xf32>,
      %get3A_644 = vector.shape_cast %get3A_643 : vector<1x16xf32> to vector<16xf32>
      %sub3A_645 = arith.subf %get3A_644, %get3A_638 : vector<16xf32>
      %add3A_646 = arith.addf %get3A_634, %sub3A_645 : vector<16xf32>
      %swap3A_647 = arith.index_cast %add3A_640 : i32 to index
      %swap3A_648 = arith.constant 112 : index
      %swap3A_649 = tpu.vector_load %arg7[%swap3A_647, %swap3A_648] {strides = array<i32>} : memref<640x128xf32, #tpu.memory_space<vmem>>, vector<1x16xf32>,
      %swap3A_650 = vector.shape_cast %swap3A_649 : vector<1x16xf32> to vector<16xf32>
      %swap3A_651 = vector.shape_cast %add3A_646 : vector<16xf32> to vector<1x16xf32>
      tpu.vector_store %arg7[%swap3A_647, %swap3A_648], %swap3A_651 {strides = array<i32>} : memref<640x128xf32, #tpu.memory_space<vmem>>, vector<1x16xf32>,
      %add3A_652 = arith.constant 128 : i32
      %add3A_653 = arith.addi %add3A_652, %scan3A_122 : i32
      %get3A_654 = arith.index_cast %add3A_653 : i32 to index
      %get3A_655 = arith.constant 112 : index
      %get3A_656 = tpu.vector_load %arg7[%get3A_654, %get3A_655] {strides = array<i32>} : memref<640x128xf32, #tpu.memory_space<vmem>>, vector<1x16xf32>,
      %get3A_657 = vector.shape_cast %get3A_656 : vector<1x16xf32> to vector<16xf32>
      %sub3A_658 = arith.subf %get3A_657, %get3A_638 : vector<16xf32>
      %add3A_659 = arith.addf %get3A_634, %sub3A_658 : vector<16xf32>
      %swap3A_660 = arith.index_cast %add3A_653 : i32 to index
      %swap3A_661 = arith.constant 112 : index
      %swap3A_662 = tpu.vector_load %arg7[%swap3A_660, %swap3A_661] {strides = array<i32>} : memref<640x128xf32, #tpu.memory_space<vmem>>, vector<1x16xf32>,
      %swap3A_663 = vector.shape_cast %swap3A_662 : vector<1x16xf32> to vector<16xf32>
      %swap3A_664 = vector.shape_cast %add3A_659 : vector<16xf32> to vector<1x16xf32>
      tpu.vector_store %arg7[%swap3A_660, %swap3A_661], %swap3A_664 {strides = array<i32>} : memref<640x128xf32, #tpu.memory_space<vmem>>, vector<1x16xf32>,
      %add3A_665 = arith.constant 256 : i32
      %add3A_666 = arith.addi %add3A_665, %scan3A_122 : i32
      %get3A_667 = arith.index_cast %add3A_666 : i32 to index
      %get3A_668 = arith.constant 112 : index
      %get3A_669 = tpu.vector_load %arg7[%get3A_667, %get3A_668] {strides = array<i32>} : memref<640x128xf32, #tpu.memory_space<vmem>>, vector<1x16xf32>,
      %get3A_670 = vector.shape_cast %get3A_669 : vector<1x16xf32> to vector<16xf32>
      %sub3A_671 = arith.subf %get3A_670, %get3A_638 : vector<16xf32>
      %add3A_672 = arith.addf %get3A_634, %sub3A_671 : vector<16xf32>
      %swap3A_673 = arith.index_cast %add3A_666 : i32 to index
      %swap3A_674 = arith.constant 112 : index
      %swap3A_675 = tpu.vector_load %arg7[%swap3A_673, %swap3A_674] {strides = array<i32>} : memref<640x128xf32, #tpu.memory_space<vmem>>, vector<1x16xf32>,
      %swap3A_676 = vector.shape_cast %swap3A_675 : vector<1x16xf32> to vector<16xf32>
      %swap3A_677 = vector.shape_cast %add3A_672 : vector<16xf32> to vector<1x16xf32>
      tpu.vector_store %arg7[%swap3A_673, %swap3A_674], %swap3A_677 {strides = array<i32>} : memref<640x128xf32, #tpu.memory_space<vmem>>, vector<1x16xf32>,
      %add3A_678 = arith.constant 384 : i32
      %add3A_679 = arith.addi %add3A_678, %scan3A_122 : i32
      %get3A_680 = arith.index_cast %add3A_679 : i32 to index
      %get3A_681 = arith.constant 112 : index
      %get3A_682 = tpu.vector_load %arg7[%get3A_680, %get3A_681] {strides = array<i32>} : memref<640x128xf32, #tpu.memory_space<vmem>>, vector<1x16xf32>,
      %get3A_683 = vector.shape_cast %get3A_682 : vector<1x16xf32> to vector<16xf32>
      %sub3A_684 = arith.subf %get3A_683, %get3A_638 : vector<16xf32>
      %add3A_685 = arith.addf %get3A_634, %sub3A_684 : vector<16xf32>
      %swap3A_686 = arith.index_cast %add3A_679 : i32 to index
      %swap3A_687 = arith.constant 112 : index
      %swap3A_688 = tpu.vector_load %arg7[%swap3A_686, %swap3A_687] {strides = array<i32>} : memref<640x128xf32, #tpu.memory_space<vmem>>, vector<1x16xf32>,
      %swap3A_689 = vector.shape_cast %swap3A_688 : vector<1x16xf32> to vector<16xf32>
      %swap3A_690 = vector.shape_cast %add3A_685 : vector<16xf32> to vector<1x16xf32>
      tpu.vector_store %arg7[%swap3A_686, %swap3A_687], %swap3A_690 {strides = array<i32>} : memref<640x128xf32, #tpu.memory_space<vmem>>, vector<1x16xf32>,
      %add3A_691 = arith.constant 512 : i32
      %add3A_692 = arith.addi %add3A_691, %scan3A_122 : i32
      %get3A_693 = arith.index_cast %add3A_692 : i32 to index
      %get3A_694 = arith.constant 112 : index
      %get3A_695 = tpu.vector_load %arg7[%get3A_693, %get3A_694] {strides = array<i32>} : memref<640x128xf32, #tpu.memory_space<vmem>>, vector<1x16xf32>,
      %get3A_696 = vector.shape_cast %get3A_695 : vector<1x16xf32> to vector<16xf32>
      %sub3A_697 = arith.subf %get3A_696, %get3A_638 : vector<16xf32>
      %add3A_698 = arith.addf %get3A_634, %sub3A_697 : vector<16xf32>
      %swap3A_699 = arith.index_cast %add3A_692 : i32 to index
      %swap3A_700 = arith.constant 112 : index
      %swap3A_701 = tpu.vector_load %arg7[%swap3A_699, %swap3A_700] {strides = array<i32>} : memref<640x128xf32, #tpu.memory_space<vmem>>, vector<1x16xf32>,
      %swap3A_702 = vector.shape_cast %swap3A_701 : vector<1x16xf32> to vector<16xf32>
      %swap3A_703 = vector.shape_cast %add3A_698 : vector<16xf32> to vector<1x16xf32>
      tpu.vector_store %arg7[%swap3A_699, %swap3A_700], %swap3A_703 {strides = array<i32>} : memref<640x128xf32, #tpu.memory_space<vmem>>, vector<1x16xf32>,
    }
    %scan3A_107 = arith.constant 128 : i32
    %mul3A_108 = arith.constant 128 : i32
    %mul3A_109 = arith.muli %add3A, %mul3A_108 : i32
    %run_scoped3A = arith.constant 0 : i32
    "tpu.region"() ({
      %run_scoped3A_122 = tpu.sem_alloc : memref<!tpu.dma_semaphore, #tpu.memory_space<semaphore_mem>>
      %dma_start3A_123 = arith.constant 0 : i32
      %dma_start3A_124 = arith.constant 0 : i32
      %dma_start3A_125 = tpu.memref_slice %arg7[%dma_start3A_123, %dma_start3A_124] : memref<640x128xf32, #tpu.memory_space<vmem>> -> memref<128x128xf32, #tpu.memory_space<vmem>>
      %dma_start3A_126 = arith.constant 0 : i32
      %dma_start3A_127 = tpu.memref_slice %arg5[%run_scoped3A, %mul3A_109, %dma_start3A_126] : memref<5x4096x128xf32, #tpu.memory_space<hbm>> -> memref<1x128x128xf32, #tpu.memory_space<hbm>>
      %dma_start3A_128 = tpu.memref_squeeze %dma_start3A_127 : memref<1x128x128xf32, #tpu.memory_space<hbm>> -> memref<128x128xf32, #tpu.memory_space<hbm>>
      %dma_start3A_129 = arith.constant 0 : i32
      %dma_start3A_130 = tpu.memref_slice %arg5[%run_scoped3A, %mul3A_109, %dma_start3A_129] : memref<5x4096x128xf32, #tpu.memory_space<hbm>> -> memref<1x128x128xf32, #tpu.memory_space<hbm>>
      %dma_start3A_131 = tpu.memref_squeeze %dma_start3A_130 : memref<1x128x128xf32, #tpu.memory_space<hbm>> -> memref<128x128xf32, #tpu.memory_space<hbm>>
      %dma_start3A_132 = arith.constant 0 : i32
      %dma_start3A_133 = arith.constant 0 : i32
      %dma_start3A_134 = tpu.memref_slice %arg7[%dma_start3A_132, %dma_start3A_133] : memref<640x128xf32, #tpu.memory_space<vmem>> -> memref<128x128xf32, #tpu.memory_space<vmem>>
      tpu.enqueue_dma source(%dma_start3A_134 : memref<128x128xf32, #tpu.memory_space<vmem>>) target(%dma_start3A_131 : memref<128x128xf32, #tpu.memory_space<hbm>>) target_semaphore(%run_scoped3A_122 : memref<!tpu.dma_semaphore, #tpu.memory_space<semaphore_mem>>)
      %dma_wait3A_135 = arith.constant 0 : i32
      %dma_wait3A_136 = arith.constant 0 : i32
      %dma_wait3A_137 = tpu.memref_slice %arg7[%dma_wait3A_135, %dma_wait3A_136] : memref<640x128xf32, #tpu.memory_space<vmem>> -> memref<128x128xf32, #tpu.memory_space<vmem>>
      %dma_wait3A_138 = arith.constant 0 : i32
      %dma_wait3A_139 = tpu.memref_slice %arg5[%run_scoped3A, %mul3A_109, %dma_wait3A_138] : memref<5x4096x128xf32, #tpu.memory_space<hbm>> -> memref<1x128x128xf32, #tpu.memory_space<hbm>>
      %dma_wait3A_140 = tpu.memref_squeeze %dma_wait3A_139 : memref<1x128x128xf32, #tpu.memory_space<hbm>> -> memref<128x128xf32, #tpu.memory_space<hbm>>
      %dma_wait3A_141 = arith.constant 0 : i32
      %dma_wait3A_142 = tpu.memref_slice %arg5[%run_scoped3A, %mul3A_109, %dma_wait3A_141] : memref<5x4096x128xf32, #tpu.memory_space<hbm>> -> memref<1x128x128xf32, #tpu.memory_space<hbm>>
      %dma_wait3A_143 = tpu.memref_squeeze %dma_wait3A_142 : memref<1x128x128xf32, #tpu.memory_space<hbm>> -> memref<128x128xf32, #tpu.memory_space<hbm>>
      %dma_wait3A_144 = arith.constant 0 : i32
      %dma_wait3A_145 = arith.constant 0 : i32
      %dma_wait3A_146 = tpu.memref_slice %arg7[%dma_wait3A_144, %dma_wait3A_145] : memref<640x128xf32, #tpu.memory_space<vmem>> -> memref<128x128xf32, #tpu.memory_space<vmem>>
      tpu.wait_dma2 semaphore(%run_scoped3A_122 : memref<!tpu.dma_semaphore, #tpu.memory_space<semaphore_mem>>) src(%dma_wait3A_146 : memref<128x128xf32, #tpu.memory_space<vmem>>) dst(%dma_wait3A_143 : memref<128x128xf32, #tpu.memory_space<hbm>>)
      tpu.yield
    }) : () -> ()
    %mul3A_110 = arith.constant 128 : i32
    %mul3A_111 = arith.muli %add3A, %mul3A_110 : i32
    %run_scoped3A_112 = arith.constant 1 : i32
    "tpu.region"() ({
      %run_scoped3A_122 = tpu.sem_alloc : memref<!tpu.dma_semaphore, #tpu.memory_space<semaphore_mem>>
      %dma_start3A_123 = arith.constant 128 : i32
      %dma_start3A_124 = arith.constant 0 : i32
      %dma_start3A_125 = tpu.memref_slice %arg7[%dma_start3A_123, %dma_start3A_124] : memref<640x128xf32, #tpu.memory_space<vmem>> -> memref<128x128xf32, #tpu.memory_space<vmem>>
      %dma_start3A_126 = arith.constant 0 : i32
      %dma_start3A_127 = tpu.memref_slice %arg5[%run_scoped3A_112, %mul3A_111, %dma_start3A_126] : memref<5x4096x128xf32, #tpu.memory_space<hbm>> -> memref<1x128x128xf32, #tpu.memory_space<hbm>>
      %dma_start3A_128 = tpu.memref_squeeze %dma_start3A_127 : memref<1x128x128xf32, #tpu.memory_space<hbm>> -> memref<128x128xf32, #tpu.memory_space<hbm>>
      %dma_start3A_129 = arith.constant 0 : i32
      %dma_start3A_130 = tpu.memref_slice %arg5[%run_scoped3A_112, %mul3A_111, %dma_start3A_129] : memref<5x4096x128xf32, #tpu.memory_space<hbm>> -> memref<1x128x128xf32, #tpu.memory_space<hbm>>
      %dma_start3A_131 = tpu.memref_squeeze %dma_start3A_130 : memref<1x128x128xf32, #tpu.memory_space<hbm>> -> memref<128x128xf32, #tpu.memory_space<hbm>>
      %dma_start3A_132 = arith.constant 128 : i32
      %dma_start3A_133 = arith.constant 0 : i32
      %dma_start3A_134 = tpu.memref_slice %arg7[%dma_start3A_132, %dma_start3A_133] : memref<640x128xf32, #tpu.memory_space<vmem>> -> memref<128x128xf32, #tpu.memory_space<vmem>>
      tpu.enqueue_dma source(%dma_start3A_134 : memref<128x128xf32, #tpu.memory_space<vmem>>) target(%dma_start3A_131 : memref<128x128xf32, #tpu.memory_space<hbm>>) target_semaphore(%run_scoped3A_122 : memref<!tpu.dma_semaphore, #tpu.memory_space<semaphore_mem>>)
      %dma_wait3A_135 = arith.constant 128 : i32
      %dma_wait3A_136 = arith.constant 0 : i32
      %dma_wait3A_137 = tpu.memref_slice %arg7[%dma_wait3A_135, %dma_wait3A_136] : memref<640x128xf32, #tpu.memory_space<vmem>> -> memref<128x128xf32, #tpu.memory_space<vmem>>
      %dma_wait3A_138 = arith.constant 0 : i32
      %dma_wait3A_139 = tpu.memref_slice %arg5[%run_scoped3A_112, %mul3A_111, %dma_wait3A_138] : memref<5x4096x128xf32, #tpu.memory_space<hbm>> -> memref<1x128x128xf32, #tpu.memory_space<hbm>>
      %dma_wait3A_140 = tpu.memref_squeeze %dma_wait3A_139 : memref<1x128x128xf32, #tpu.memory_space<hbm>> -> memref<128x128xf32, #tpu.memory_space<hbm>>
      %dma_wait3A_141 = arith.constant 0 : i32
      %dma_wait3A_142 = tpu.memref_slice %arg5[%run_scoped3A_112, %mul3A_111, %dma_wait3A_141] : memref<5x4096x128xf32, #tpu.memory_space<hbm>> -> memref<1x128x128xf32, #tpu.memory_space<hbm>>
      %dma_wait3A_143 = tpu.memref_squeeze %dma_wait3A_142 : memref<1x128x128xf32, #tpu.memory_space<hbm>> -> memref<128x128xf32, #tpu.memory_space<hbm>>
      %dma_wait3A_144 = arith.constant 128 : i32
      %dma_wait3A_145 = arith.constant 0 : i32
      %dma_wait3A_146 = tpu.memref_slice %arg7[%dma_wait3A_144, %dma_wait3A_145] : memref<640x128xf32, #tpu.memory_space<vmem>> -> memref<128x128xf32, #tpu.memory_space<vmem>>
      tpu.wait_dma2 semaphore(%run_scoped3A_122 : memref<!tpu.dma_semaphore, #tpu.memory_space<semaphore_mem>>) src(%dma_wait3A_146 : memref<128x128xf32, #tpu.memory_space<vmem>>) dst(%dma_wait3A_143 : memref<128x128xf32, #tpu.memory_space<hbm>>)
      tpu.yield
    }) : () -> ()
    %mul3A_113 = arith.constant 128 : i32
    %mul3A_114 = arith.muli %add3A, %mul3A_113 : i32
    %run_scoped3A_115 = arith.constant 2 : i32
    "tpu.region"() ({
      %run_scoped3A_122 = tpu.sem_alloc : memref<!tpu.dma_semaphore, #tpu.memory_space<semaphore_mem>>
      %dma_start3A_123 = arith.constant 256 : i32
      %dma_start3A_124 = arith.constant 0 : i32
      %dma_start3A_125 = tpu.memref_slice %arg7[%dma_start3A_123, %dma_start3A_124] : memref<640x128xf32, #tpu.memory_space<vmem>> -> memref<128x128xf32, #tpu.memory_space<vmem>>
      %dma_start3A_126 = arith.constant 0 : i32
      %dma_start3A_127 = tpu.memref_slice %arg5[%run_scoped3A_115, %mul3A_114, %dma_start3A_126] : memref<5x4096x128xf32, #tpu.memory_space<hbm>> -> memref<1x128x128xf32, #tpu.memory_space<hbm>>
      %dma_start3A_128 = tpu.memref_squeeze %dma_start3A_127 : memref<1x128x128xf32, #tpu.memory_space<hbm>> -> memref<128x128xf32, #tpu.memory_space<hbm>>
      %dma_start3A_129 = arith.constant 0 : i32
      %dma_start3A_130 = tpu.memref_slice %arg5[%run_scoped3A_115, %mul3A_114, %dma_start3A_129] : memref<5x4096x128xf32, #tpu.memory_space<hbm>> -> memref<1x128x128xf32, #tpu.memory_space<hbm>>
      %dma_start3A_131 = tpu.memref_squeeze %dma_start3A_130 : memref<1x128x128xf32, #tpu.memory_space<hbm>> -> memref<128x128xf32, #tpu.memory_space<hbm>>
      %dma_start3A_132 = arith.constant 256 : i32
      %dma_start3A_133 = arith.constant 0 : i32
      %dma_start3A_134 = tpu.memref_slice %arg7[%dma_start3A_132, %dma_start3A_133] : memref<640x128xf32, #tpu.memory_space<vmem>> -> memref<128x128xf32, #tpu.memory_space<vmem>>
      tpu.enqueue_dma source(%dma_start3A_134 : memref<128x128xf32, #tpu.memory_space<vmem>>) target(%dma_start3A_131 : memref<128x128xf32, #tpu.memory_space<hbm>>) target_semaphore(%run_scoped3A_122 : memref<!tpu.dma_semaphore, #tpu.memory_space<semaphore_mem>>)
      %dma_wait3A_135 = arith.constant 256 : i32
      %dma_wait3A_136 = arith.constant 0 : i32
      %dma_wait3A_137 = tpu.memref_slice %arg7[%dma_wait3A_135, %dma_wait3A_136] : memref<640x128xf32, #tpu.memory_space<vmem>> -> memref<128x128xf32, #tpu.memory_space<vmem>>
      %dma_wait3A_138 = arith.constant 0 : i32
      %dma_wait3A_139 = tpu.memref_slice %arg5[%run_scoped3A_115, %mul3A_114, %dma_wait3A_138] : memref<5x4096x128xf32, #tpu.memory_space<hbm>> -> memref<1x128x128xf32, #tpu.memory_space<hbm>>
      %dma_wait3A_140 = tpu.memref_squeeze %dma_wait3A_139 : memref<1x128x128xf32, #tpu.memory_space<hbm>> -> memref<128x128xf32, #tpu.memory_space<hbm>>
      %dma_wait3A_141 = arith.constant 0 : i32
      %dma_wait3A_142 = tpu.memref_slice %arg5[%run_scoped3A_115, %mul3A_114, %dma_wait3A_141] : memref<5x4096x128xf32, #tpu.memory_space<hbm>> -> memref<1x128x128xf32, #tpu.memory_space<hbm>>
      %dma_wait3A_143 = tpu.memref_squeeze %dma_wait3A_142 : memref<1x128x128xf32, #tpu.memory_space<hbm>> -> memref<128x128xf32, #tpu.memory_space<hbm>>
      %dma_wait3A_144 = arith.constant 256 : i32
      %dma_wait3A_145 = arith.constant 0 : i32
      %dma_wait3A_146 = tpu.memref_slice %arg7[%dma_wait3A_144, %dma_wait3A_145] : memref<640x128xf32, #tpu.memory_space<vmem>> -> memref<128x128xf32, #tpu.memory_space<vmem>>
      tpu.wait_dma2 semaphore(%run_scoped3A_122 : memref<!tpu.dma_semaphore, #tpu.memory_space<semaphore_mem>>) src(%dma_wait3A_146 : memref<128x128xf32, #tpu.memory_space<vmem>>) dst(%dma_wait3A_143 : memref<128x128xf32, #tpu.memory_space<hbm>>)
      tpu.yield
    }) : () -> ()
    %mul3A_116 = arith.constant 128 : i32
    %mul3A_117 = arith.muli %add3A, %mul3A_116 : i32
    %run_scoped3A_118 = arith.constant 3 : i32
    "tpu.region"() ({
      %run_scoped3A_122 = tpu.sem_alloc : memref<!tpu.dma_semaphore, #tpu.memory_space<semaphore_mem>>
      %dma_start3A_123 = arith.constant 384 : i32
      %dma_start3A_124 = arith.constant 0 : i32
      %dma_start3A_125 = tpu.memref_slice %arg7[%dma_start3A_123, %dma_start3A_124] : memref<640x128xf32, #tpu.memory_space<vmem>> -> memref<128x128xf32, #tpu.memory_space<vmem>>
      %dma_start3A_126 = arith.constant 0 : i32
      %dma_start3A_127 = tpu.memref_slice %arg5[%run_scoped3A_118, %mul3A_117, %dma_start3A_126] : memref<5x4096x128xf32, #tpu.memory_space<hbm>> -> memref<1x128x128xf32, #tpu.memory_space<hbm>>
      %dma_start3A_128 = tpu.memref_squeeze %dma_start3A_127 : memref<1x128x128xf32, #tpu.memory_space<hbm>> -> memref<128x128xf32, #tpu.memory_space<hbm>>
      %dma_start3A_129 = arith.constant 0 : i32
      %dma_start3A_130 = tpu.memref_slice %arg5[%run_scoped3A_118, %mul3A_117, %dma_start3A_129] : memref<5x4096x128xf32, #tpu.memory_space<hbm>> -> memref<1x128x128xf32, #tpu.memory_space<hbm>>
      %dma_start3A_131 = tpu.memref_squeeze %dma_start3A_130 : memref<1x128x128xf32, #tpu.memory_space<hbm>> -> memref<128x128xf32, #tpu.memory_space<hbm>>
      %dma_start3A_132 = arith.constant 384 : i32
      %dma_start3A_133 = arith.constant 0 : i32
      %dma_start3A_134 = tpu.memref_slice %arg7[%dma_start3A_132, %dma_start3A_133] : memref<640x128xf32, #tpu.memory_space<vmem>> -> memref<128x128xf32, #tpu.memory_space<vmem>>
      tpu.enqueue_dma source(%dma_start3A_134 : memref<128x128xf32, #tpu.memory_space<vmem>>) target(%dma_start3A_131 : memref<128x128xf32, #tpu.memory_space<hbm>>) target_semaphore(%run_scoped3A_122 : memref<!tpu.dma_semaphore, #tpu.memory_space<semaphore_mem>>)
      %dma_wait3A_135 = arith.constant 384 : i32
      %dma_wait3A_136 = arith.constant 0 : i32
      %dma_wait3A_137 = tpu.memref_slice %arg7[%dma_wait3A_135, %dma_wait3A_136] : memref<640x128xf32, #tpu.memory_space<vmem>> -> memref<128x128xf32, #tpu.memory_space<vmem>>
      %dma_wait3A_138 = arith.constant 0 : i32
      %dma_wait3A_139 = tpu.memref_slice %arg5[%run_scoped3A_118, %mul3A_117, %dma_wait3A_138] : memref<5x4096x128xf32, #tpu.memory_space<hbm>> -> memref<1x128x128xf32, #tpu.memory_space<hbm>>
      %dma_wait3A_140 = tpu.memref_squeeze %dma_wait3A_139 : memref<1x128x128xf32, #tpu.memory_space<hbm>> -> memref<128x128xf32, #tpu.memory_space<hbm>>
      %dma_wait3A_141 = arith.constant 0 : i32
      %dma_wait3A_142 = tpu.memref_slice %arg5[%run_scoped3A_118, %mul3A_117, %dma_wait3A_141] : memref<5x4096x128xf32, #tpu.memory_space<hbm>> -> memref<1x128x128xf32, #tpu.memory_space<hbm>>
      %dma_wait3A_143 = tpu.memref_squeeze %dma_wait3A_142 : memref<1x128x128xf32, #tpu.memory_space<hbm>> -> memref<128x128xf32, #tpu.memory_space<hbm>>
      %dma_wait3A_144 = arith.constant 384 : i32
      %dma_wait3A_145 = arith.constant 0 : i32
      %dma_wait3A_146 = tpu.memref_slice %arg7[%dma_wait3A_144, %dma_wait3A_145] : memref<640x128xf32, #tpu.memory_space<vmem>> -> memref<128x128xf32, #tpu.memory_space<vmem>>
      tpu.wait_dma2 semaphore(%run_scoped3A_122 : memref<!tpu.dma_semaphore, #tpu.memory_space<semaphore_mem>>) src(%dma_wait3A_146 : memref<128x128xf32, #tpu.memory_space<vmem>>) dst(%dma_wait3A_143 : memref<128x128xf32, #tpu.memory_space<hbm>>)
      tpu.yield
    }) : () -> ()
    %mul3A_119 = arith.constant 128 : i32
    %mul3A_120 = arith.muli %add3A, %mul3A_119 : i32
    %run_scoped3A_121 = arith.constant 4 : i32
    "tpu.region"() ({
      %run_scoped3A_122 = tpu.sem_alloc : memref<!tpu.dma_semaphore, #tpu.memory_space<semaphore_mem>>
      %dma_start3A_123 = arith.constant 512 : i32
      %dma_start3A_124 = arith.constant 0 : i32
      %dma_start3A_125 = tpu.memref_slice %arg7[%dma_start3A_123, %dma_start3A_124] : memref<640x128xf32, #tpu.memory_space<vmem>> -> memref<128x128xf32, #tpu.memory_space<vmem>>
      %dma_start3A_126 = arith.constant 0 : i32
      %dma_start3A_127 = tpu.memref_slice %arg5[%run_scoped3A_121, %mul3A_120, %dma_start3A_126] : memref<5x4096x128xf32, #tpu.memory_space<hbm>> -> memref<1x128x128xf32, #tpu.memory_space<hbm>>
      %dma_start3A_128 = tpu.memref_squeeze %dma_start3A_127 : memref<1x128x128xf32, #tpu.memory_space<hbm>> -> memref<128x128xf32, #tpu.memory_space<hbm>>
      %dma_start3A_129 = arith.constant 0 : i32
      %dma_start3A_130 = tpu.memref_slice %arg5[%run_scoped3A_121, %mul3A_120, %dma_start3A_129] : memref<5x4096x128xf32, #tpu.memory_space<hbm>> -> memref<1x128x128xf32, #tpu.memory_space<hbm>>
      %dma_start3A_131 = tpu.memref_squeeze %dma_start3A_130 : memref<1x128x128xf32, #tpu.memory_space<hbm>> -> memref<128x128xf32, #tpu.memory_space<hbm>>
      %dma_start3A_132 = arith.constant 512 : i32
      %dma_start3A_133 = arith.constant 0 : i32
      %dma_start3A_134 = tpu.memref_slice %arg7[%dma_start3A_132, %dma_start3A_133] : memref<640x128xf32, #tpu.memory_space<vmem>> -> memref<128x128xf32, #tpu.memory_space<vmem>>
      tpu.enqueue_dma source(%dma_start3A_134 : memref<128x128xf32, #tpu.memory_space<vmem>>) target(%dma_start3A_131 : memref<128x128xf32, #tpu.memory_space<hbm>>) target_semaphore(%run_scoped3A_122 : memref<!tpu.dma_semaphore, #tpu.memory_space<semaphore_mem>>)
      %dma_wait3A_135 = arith.constant 512 : i32
      %dma_wait3A_136 = arith.constant 0 : i32
      %dma_wait3A_137 = tpu.memref_slice %arg7[%dma_wait3A_135, %dma_wait3A_136] : memref<640x128xf32, #tpu.memory_space<vmem>> -> memref<128x128xf32, #tpu.memory_space<vmem>>
      %dma_wait3A_138 = arith.constant 0 : i32
      %dma_wait3A_139 = tpu.memref_slice %arg5[%run_scoped3A_121, %mul3A_120, %dma_wait3A_138] : memref<5x4096x128xf32, #tpu.memory_space<hbm>> -> memref<1x128x128xf32, #tpu.memory_space<hbm>>
      %dma_wait3A_140 = tpu.memref_squeeze %dma_wait3A_139 : memref<1x128x128xf32, #tpu.memory_space<hbm>> -> memref<128x128xf32, #tpu.memory_space<hbm>>
      %dma_wait3A_141 = arith.constant 0 : i32
      %dma_wait3A_142 = tpu.memref_slice %arg5[%run_scoped3A_121, %mul3A_120, %dma_wait3A_141] : memref<5x4096x128xf32, #tpu.memory_space<hbm>> -> memref<1x128x128xf32, #tpu.memory_space<hbm>>
      %dma_wait3A_143 = tpu.memref_squeeze %dma_wait3A_142 : memref<1x128x128xf32, #tpu.memory_space<hbm>> -> memref<128x128xf32, #tpu.memory_space<hbm>>
      %dma_wait3A_144 = arith.constant 512 : i32
      %dma_wait3A_145 = arith.constant 0 : i32
      %dma_wait3A_146 = tpu.memref_slice %arg7[%dma_wait3A_144, %dma_wait3A_145] : memref<640x128xf32, #tpu.memory_space<vmem>> -> memref<128x128xf32, #tpu.memory_space<vmem>>
      tpu.wait_dma2 semaphore(%run_scoped3A_122 : memref<!tpu.dma_semaphore, #tpu.memory_space<semaphore_mem>>) src(%dma_wait3A_146 : memref<128x128xf32, #tpu.memory_space<vmem>>) dst(%dma_wait3A_143 : memref<128x128xf32, #tpu.memory_space<hbm>>)
      tpu.yield
    }) : () -> ()
    return
  }
}

#map = affine_map<(d0, d1) -> (0, 0, 0)>
#map1 = affine_map<(d0, d1) -> (0, 0)>
module attributes {stable_mosaic.version = 14 : i64} {
  func.func @_edge_feat_body(%arg0: i32, %arg1: i32, %arg2: memref<32x5x128xi32, #tpu.memory_space<hbm>>, %arg3: memref<4096x128xf32, #tpu.memory_space<hbm>>, %arg4: memref<4096x128xf32, #tpu.memory_space<hbm>>, %arg5: memref<5x4096x128xf32, #tpu.memory_space<hbm>>, %arg6: memref<5x128xi32, #tpu.memory_space<vmem>>, %arg7: memref<640x128xf32, #tpu.memory_space<vmem>>, %arg8: memref<128x128xf32, #tpu.memory_space<vmem>>, %arg9: memref<128x128xf32, #tpu.memory_space<vmem>>, %arg10: memref<!tpu.dma_semaphore, #tpu.memory_space<semaphore_mem>>) attributes {dimension_semantics = [#tpu.dimension_semantics<core_parallel>, #tpu.dimension_semantics<subcore_parallel>], iteration_bounds = array<i64: 2, 16>, scalar_prefetch = 0 : i64, scratch_operands = 5 : i64, tpu.core_type = #tpu.core_type<sc_vector_subcore>, window_params = [{transform_indices = #map}, {transform_indices = #map1}, {transform_indices = #map1}, {transform_indices = #map}]} {
    %mul3A = arith.constant 2 : i32
    %mul3A_0 = arith.muli %arg1, %mul3A : i32
    %add3A = arith.addi %mul3A_0, %arg0 : i32
    "tpu.region"() ({
      %run_scoped3A_122 = tpu.sem_alloc : memref<!tpu.dma_semaphore, #tpu.memory_space<semaphore_mem>>
      %dma_start3A_123 = arith.constant 0 : i32
      %dma_start3A_124 = arith.constant 0 : i32
      %dma_start3A_125 = tpu.memref_slice %arg2[%add3A, %dma_start3A_123, %dma_start3A_124] : memref<32x5x128xi32, #tpu.memory_space<hbm>> -> memref<1x5x128xi32, #tpu.memory_space<hbm>>
      %dma_start3A_126 = tpu.memref_squeeze %dma_start3A_125 : memref<1x5x128xi32, #tpu.memory_space<hbm>> -> memref<5x128xi32, #tpu.memory_space<hbm>>
      %dma_start3A_127 = arith.constant 0 : i32
      %dma_start3A_128 = arith.constant 0 : i32
      %dma_start3A_129 = tpu.memref_slice %arg2[%add3A, %dma_start3A_127, %dma_start3A_128] : memref<32x5x128xi32, #tpu.memory_space<hbm>> -> memref<1x5x128xi32, #tpu.memory_space<hbm>>
      %dma_start3A_130 = tpu.memref_squeeze %dma_start3A_129 : memref<1x5x128xi32, #tpu.memory_space<hbm>> -> memref<5x128xi32, #tpu.memory_space<hbm>>
      tpu.enqueue_dma source(%dma_start3A_130 : memref<5x128xi32, #tpu.memory_space<hbm>>) target(%arg6 : memref<5x128xi32, #tpu.memory_space<vmem>>) target_semaphore(%run_scoped3A_122 : memref<!tpu.dma_semaphore, #tpu.memory_space<semaphore_mem>>)
      %dma_wait3A_131 = arith.constant 0 : i32
      %dma_wait3A_132 = arith.constant 0 : i32
      %dma_wait3A_133 = tpu.memref_slice %arg2[%add3A, %dma_wait3A_131, %dma_wait3A_132] : memref<32x5x128xi32, #tpu.memory_space<hbm>> -> memref<1x5x128xi32, #tpu.memory_space<hbm>>
      %dma_wait3A_134 = tpu.memref_squeeze %dma_wait3A_133 : memref<1x5x128xi32, #tpu.memory_space<hbm>> -> memref<5x128xi32, #tpu.memory_space<hbm>>
      %dma_wait3A_135 = arith.constant 0 : i32
      %dma_wait3A_136 = arith.constant 0 : i32
      %dma_wait3A_137 = tpu.memref_slice %arg2[%add3A, %dma_wait3A_135, %dma_wait3A_136] : memref<32x5x128xi32, #tpu.memory_space<hbm>> -> memref<1x5x128xi32, #tpu.memory_space<hbm>>
      %dma_wait3A_138 = tpu.memref_squeeze %dma_wait3A_137 : memref<1x5x128xi32, #tpu.memory_space<hbm>> -> memref<5x128xi32, #tpu.memory_space<hbm>>
      tpu.wait_dma2 semaphore(%run_scoped3A_122 : memref<!tpu.dma_semaphore, #tpu.memory_space<semaphore_mem>>) src(%dma_wait3A_138 : memref<5x128xi32, #tpu.memory_space<hbm>>) dst(%arg6 : memref<5x128xi32, #tpu.memory_space<vmem>>)
      tpu.yield
    }) : () -> ()
    %dma_start3A = arith.constant 0 : i32
    %dma_start3A_1 = arith.constant 0 : i32
    %dma_start3A_2 = arith.constant 0 : i32
    %dma_start3A_3 = tpu.memref_slice %arg7[%dma_start3A_1, %dma_start3A_2] : memref<640x128xf32, #tpu.memory_space<vmem>> -> memref<128x128xf32, #tpu.memory_space<vmem>>
    %dma_start3A_4 = arith.constant 0 : i32
    %dma_start3A_5 = tpu.memref_slice %arg6[%dma_start3A, %dma_start3A_4] : memref<5x128xi32, #tpu.memory_space<vmem>> -> memref<1x128xi32, #tpu.memory_space<vmem>>
    %dma_start3A_6 = tpu.memref_squeeze %dma_start3A_5 : memref<1x128xi32, #tpu.memory_space<vmem>> -> memref<128xi32, #tpu.memory_space<vmem>>
    %dma_start3A_7 = arith.constant 0 : i32
    %dma_start3A_8 = arith.constant 0 : i32
    %dma_start3A_9 = tpu.memref_slice %arg4[%dma_start3A_7, %dma_start3A_8] : memref<4096x128xf32, #tpu.memory_space<hbm>> -> memref<4096x128xf32, #tpu.memory_space<hbm>>
    tpu.enqueue_indirect_dma source(%dma_start3A_9 : memref<4096x128xf32, #tpu.memory_space<hbm>>) target(%dma_start3A_3 : memref<128x128xf32, #tpu.memory_space<vmem>>) offsets(%dma_start3A_6 : memref<128xi32, #tpu.memory_space<vmem>>) semaphore(%arg10 : memref<!tpu.dma_semaphore, #tpu.memory_space<semaphore_mem>>)
    %dma_start3A_10 = arith.constant 1 : i32
    %dma_start3A_11 = arith.constant 128 : i32
    %dma_start3A_12 = arith.constant 0 : i32
    %dma_start3A_13 = tpu.memref_slice %arg7[%dma_start3A_11, %dma_start3A_12] : memref<640x128xf32, #tpu.memory_space<vmem>> -> memref<128x128xf32, #tpu.memory_space<vmem>>
    %dma_start3A_14 = arith.constant 0 : i32
    %dma_start3A_15 = tpu.memref_slice %arg6[%dma_start3A_10, %dma_start3A_14] : memref<5x128xi32, #tpu.memory_space<vmem>> -> memref<1x128xi32, #tpu.memory_space<vmem>>
    %dma_start3A_16 = tpu.memref_squeeze %dma_start3A_15 : memref<1x128xi32, #tpu.memory_space<vmem>> -> memref<128xi32, #tpu.memory_space<vmem>>
    %dma_start3A_17 = arith.constant 0 : i32
    %dma_start3A_18 = arith.constant 0 : i32
    %dma_start3A_19 = tpu.memref_slice %arg4[%dma_start3A_17, %dma_start3A_18] : memref<4096x128xf32, #tpu.memory_space<hbm>> -> memref<4096x128xf32, #tpu.memory_space<hbm>>
    tpu.enqueue_indirect_dma source(%dma_start3A_19 : memref<4096x128xf32, #tpu.memory_space<hbm>>) target(%dma_start3A_13 : memref<128x128xf32, #tpu.memory_space<vmem>>) offsets(%dma_start3A_16 : memref<128xi32, #tpu.memory_space<vmem>>) semaphore(%arg10 : memref<!tpu.dma_semaphore, #tpu.memory_space<semaphore_mem>>)
    %dma_start3A_20 = arith.constant 2 : i32
    %dma_start3A_21 = arith.constant 256 : i32
    %dma_start3A_22 = arith.constant 0 : i32
    %dma_start3A_23 = tpu.memref_slice %arg7[%dma_start3A_21, %dma_start3A_22] : memref<640x128xf32, #tpu.memory_space<vmem>> -> memref<128x128xf32, #tpu.memory_space<vmem>>
    %dma_start3A_24 = arith.constant 0 : i32
    %dma_start3A_25 = tpu.memref_slice %arg6[%dma_start3A_20, %dma_start3A_24] : memref<5x128xi32, #tpu.memory_space<vmem>> -> memref<1x128xi32, #tpu.memory_space<vmem>>
    %dma_start3A_26 = tpu.memref_squeeze %dma_start3A_25 : memref<1x128xi32, #tpu.memory_space<vmem>> -> memref<128xi32, #tpu.memory_space<vmem>>
    %dma_start3A_27 = arith.constant 0 : i32
    %dma_start3A_28 = arith.constant 0 : i32
    %dma_start3A_29 = tpu.memref_slice %arg4[%dma_start3A_27, %dma_start3A_28] : memref<4096x128xf32, #tpu.memory_space<hbm>> -> memref<4096x128xf32, #tpu.memory_space<hbm>>
    tpu.enqueue_indirect_dma source(%dma_start3A_29 : memref<4096x128xf32, #tpu.memory_space<hbm>>) target(%dma_start3A_23 : memref<128x128xf32, #tpu.memory_space<vmem>>) offsets(%dma_start3A_26 : memref<128xi32, #tpu.memory_space<vmem>>) semaphore(%arg10 : memref<!tpu.dma_semaphore, #tpu.memory_space<semaphore_mem>>)
    %dma_start3A_30 = arith.constant 3 : i32
    %dma_start3A_31 = arith.constant 384 : i32
    %dma_start3A_32 = arith.constant 0 : i32
    %dma_start3A_33 = tpu.memref_slice %arg7[%dma_start3A_31, %dma_start3A_32] : memref<640x128xf32, #tpu.memory_space<vmem>> -> memref<128x128xf32, #tpu.memory_space<vmem>>
    %dma_start3A_34 = arith.constant 0 : i32
    %dma_start3A_35 = tpu.memref_slice %arg6[%dma_start3A_30, %dma_start3A_34] : memref<5x128xi32, #tpu.memory_space<vmem>> -> memref<1x128xi32, #tpu.memory_space<vmem>>
    %dma_start3A_36 = tpu.memref_squeeze %dma_start3A_35 : memref<1x128xi32, #tpu.memory_space<vmem>> -> memref<128xi32, #tpu.memory_space<vmem>>
    %dma_start3A_37 = arith.constant 0 : i32
    %dma_start3A_38 = arith.constant 0 : i32
    %dma_start3A_39 = tpu.memref_slice %arg4[%dma_start3A_37, %dma_start3A_38] : memref<4096x128xf32, #tpu.memory_space<hbm>> -> memref<4096x128xf32, #tpu.memory_space<hbm>>
    tpu.enqueue_indirect_dma source(%dma_start3A_39 : memref<4096x128xf32, #tpu.memory_space<hbm>>) target(%dma_start3A_33 : memref<128x128xf32, #tpu.memory_space<vmem>>) offsets(%dma_start3A_36 : memref<128xi32, #tpu.memory_space<vmem>>) semaphore(%arg10 : memref<!tpu.dma_semaphore, #tpu.memory_space<semaphore_mem>>)
    %dma_start3A_40 = arith.constant 4 : i32
    %dma_start3A_41 = arith.constant 512 : i32
    %dma_start3A_42 = arith.constant 0 : i32
    %dma_start3A_43 = tpu.memref_slice %arg7[%dma_start3A_41, %dma_start3A_42] : memref<640x128xf32, #tpu.memory_space<vmem>> -> memref<128x128xf32, #tpu.memory_space<vmem>>
    %dma_start3A_44 = arith.constant 0 : i32
    %dma_start3A_45 = tpu.memref_slice %arg6[%dma_start3A_40, %dma_start3A_44] : memref<5x128xi32, #tpu.memory_space<vmem>> -> memref<1x128xi32, #tpu.memory_space<vmem>>
    %dma_start3A_46 = tpu.memref_squeeze %dma_start3A_45 : memref<1x128xi32, #tpu.memory_space<vmem>> -> memref<128xi32, #tpu.memory_space<vmem>>
    %dma_start3A_47 = arith.constant 0 : i32
    %dma_start3A_48 = arith.constant 0 : i32
    %dma_start3A_49 = tpu.memref_slice %arg4[%dma_start3A_47, %dma_start3A_48] : memref<4096x128xf32, #tpu.memory_space<hbm>> -> memref<4096x128xf32, #tpu.memory_space<hbm>>
    tpu.enqueue_indirect_dma source(%dma_start3A_49 : memref<4096x128xf32, #tpu.memory_space<hbm>>) target(%dma_start3A_43 : memref<128x128xf32, #tpu.memory_space<vmem>>) offsets(%dma_start3A_46 : memref<128xi32, #tpu.memory_space<vmem>>) semaphore(%arg10 : memref<!tpu.dma_semaphore, #tpu.memory_space<semaphore_mem>>)
    %mul3A_50 = arith.constant 128 : i32
    %mul3A_51 = arith.muli %add3A, %mul3A_50 : i32
    "tpu.region"() ({
      %run_scoped3A_122 = tpu.sem_alloc : memref<!tpu.dma_semaphore, #tpu.memory_space<semaphore_mem>>
      %dma_start3A_123 = arith.constant 0 : i32
      %dma_start3A_124 = tpu.memref_slice %arg3[%mul3A_51, %dma_start3A_123] : memref<4096x128xf32, #tpu.memory_space<hbm>> -> memref<128x128xf32, #tpu.memory_space<hbm>>
      %dma_start3A_125 = arith.constant 0 : i32
      %dma_start3A_126 = tpu.memref_slice %arg3[%mul3A_51, %dma_start3A_125] : memref<4096x128xf32, #tpu.memory_space<hbm>> -> memref<128x128xf32, #tpu.memory_space<hbm>>
      tpu.enqueue_dma source(%dma_start3A_126 : memref<128x128xf32, #tpu.memory_space<hbm>>) target(%arg8 : memref<128x128xf32, #tpu.memory_space<vmem>>) target_semaphore(%run_scoped3A_122 : memref<!tpu.dma_semaphore, #tpu.memory_space<semaphore_mem>>)
      %dma_wait3A_127 = arith.constant 0 : i32
      %dma_wait3A_128 = tpu.memref_slice %arg3[%mul3A_51, %dma_wait3A_127] : memref<4096x128xf32, #tpu.memory_space<hbm>> -> memref<128x128xf32, #tpu.memory_space<hbm>>
      %dma_wait3A_129 = arith.constant 0 : i32
      %dma_wait3A_130 = tpu.memref_slice %arg3[%mul3A_51, %dma_wait3A_129] : memref<4096x128xf32, #tpu.memory_space<hbm>> -> memref<128x128xf32, #tpu.memory_space<hbm>>
      tpu.wait_dma2 semaphore(%run_scoped3A_122 : memref<!tpu.dma_semaphore, #tpu.memory_space<semaphore_mem>>) src(%dma_wait3A_130 : memref<128x128xf32, #tpu.memory_space<hbm>>) dst(%arg8 : memref<128x128xf32, #tpu.memory_space<vmem>>)
      tpu.yield
    }) : () -> ()
    %mul3A_52 = arith.constant 128 : i32
    %mul3A_53 = arith.muli %add3A, %mul3A_52 : i32
    "tpu.region"() ({
      %run_scoped3A_122 = tpu.sem_alloc : memref<!tpu.dma_semaphore, #tpu.memory_space<semaphore_mem>>
      %dma_start3A_123 = arith.constant 0 : i32
      %dma_start3A_124 = tpu.memref_slice %arg4[%mul3A_53, %dma_start3A_123] : memref<4096x128xf32, #tpu.memory_space<hbm>> -> memref<128x128xf32, #tpu.memory_space<hbm>>
      %dma_start3A_125 = arith.constant 0 : i32
      %dma_start3A_126 = tpu.memref_slice %arg4[%mul3A_53, %dma_start3A_125] : memref<4096x128xf32, #tpu.memory_space<hbm>> -> memref<128x128xf32, #tpu.memory_space<hbm>>
      tpu.enqueue_dma source(%dma_start3A_126 : memref<128x128xf32, #tpu.memory_space<hbm>>) target(%arg9 : memref<128x128xf32, #tpu.memory_space<vmem>>) target_semaphore(%run_scoped3A_122 : memref<!tpu.dma_semaphore, #tpu.memory_space<semaphore_mem>>)
      %dma_wait3A_127 = arith.constant 0 : i32
      %dma_wait3A_128 = tpu.memref_slice %arg4[%mul3A_53, %dma_wait3A_127] : memref<4096x128xf32, #tpu.memory_space<hbm>> -> memref<128x128xf32, #tpu.memory_space<hbm>>
      %dma_wait3A_129 = arith.constant 0 : i32
      %dma_wait3A_130 = tpu.memref_slice %arg4[%mul3A_53, %dma_wait3A_129] : memref<4096x128xf32, #tpu.memory_space<hbm>> -> memref<128x128xf32, #tpu.memory_space<hbm>>
      tpu.wait_dma2 semaphore(%run_scoped3A_122 : memref<!tpu.dma_semaphore, #tpu.memory_space<semaphore_mem>>) src(%dma_wait3A_130 : memref<128x128xf32, #tpu.memory_space<hbm>>) dst(%arg9 : memref<128x128xf32, #tpu.memory_space<vmem>>)
      tpu.yield
    }) : () -> ()
    %dma_wait3A = arith.constant 0 : i32
    %dma_wait3A_54 = arith.constant 0 : i32
    %dma_wait3A_55 = arith.constant 0 : i32
    %dma_wait3A_56 = tpu.memref_slice %arg7[%dma_wait3A_54, %dma_wait3A_55] : memref<640x128xf32, #tpu.memory_space<vmem>> -> memref<128x128xf32, #tpu.memory_space<vmem>>
    %dma_wait3A_57 = arith.constant 0 : i32
    %dma_wait3A_58 = tpu.memref_slice %arg6[%dma_wait3A, %dma_wait3A_57] : memref<5x128xi32, #tpu.memory_space<vmem>> -> memref<1x128xi32, #tpu.memory_space<vmem>>
    %dma_wait3A_59 = tpu.memref_squeeze %dma_wait3A_58 : memref<1x128xi32, #tpu.memory_space<vmem>> -> memref<128xi32, #tpu.memory_space<vmem>>
    %dma_wait3A_60 = arith.constant 0 : i32
    %dma_wait3A_61 = arith.constant 0 : i32
    %dma_wait3A_62 = tpu.memref_slice %arg4[%dma_wait3A_60, %dma_wait3A_61] : memref<4096x128xf32, #tpu.memory_space<hbm>> -> memref<4096x128xf32, #tpu.memory_space<hbm>>
    tpu.wait_indirect_dma semaphore(%arg10 : memref<!tpu.dma_semaphore, #tpu.memory_space<semaphore_mem>>) src(%dma_wait3A_62 : memref<4096x128xf32, #tpu.memory_space<hbm>>) dst(%dma_wait3A_56 : memref<128x128xf32, #tpu.memory_space<vmem>>)
    %dma_wait3A_63 = arith.constant 1 : i32
    %dma_wait3A_64 = arith.constant 128 : i32
    %dma_wait3A_65 = arith.constant 0 : i32
    %dma_wait3A_66 = tpu.memref_slice %arg7[%dma_wait3A_64, %dma_wait3A_65] : memref<640x128xf32, #tpu.memory_space<vmem>> -> memref<128x128xf32, #tpu.memory_space<vmem>>
    %dma_wait3A_67 = arith.constant 0 : i32
    %dma_wait3A_68 = tpu.memref_slice %arg6[%dma_wait3A_63, %dma_wait3A_67] : memref<5x128xi32, #tpu.memory_space<vmem>> -> memref<1x128xi32, #tpu.memory_space<vmem>>
    %dma_wait3A_69 = tpu.memref_squeeze %dma_wait3A_68 : memref<1x128xi32, #tpu.memory_space<vmem>> -> memref<128xi32, #tpu.memory_space<vmem>>
    %dma_wait3A_70 = arith.constant 0 : i32
    %dma_wait3A_71 = arith.constant 0 : i32
    %dma_wait3A_72 = tpu.memref_slice %arg4[%dma_wait3A_70, %dma_wait3A_71] : memref<4096x128xf32, #tpu.memory_space<hbm>> -> memref<4096x128xf32, #tpu.memory_space<hbm>>
    tpu.wait_indirect_dma semaphore(%arg10 : memref<!tpu.dma_semaphore, #tpu.memory_space<semaphore_mem>>) src(%dma_wait3A_72 : memref<4096x128xf32, #tpu.memory_space<hbm>>) dst(%dma_wait3A_66 : memref<128x128xf32, #tpu.memory_space<vmem>>)
    %dma_wait3A_73 = arith.constant 2 : i32
    %dma_wait3A_74 = arith.constant 256 : i32
    %dma_wait3A_75 = arith.constant 0 : i32
    %dma_wait3A_76 = tpu.memref_slice %arg7[%dma_wait3A_74, %dma_wait3A_75] : memref<640x128xf32, #tpu.memory_space<vmem>> -> memref<128x128xf32, #tpu.memory_space<vmem>>
    %dma_wait3A_77 = arith.constant 0 : i32
    %dma_wait3A_78 = tpu.memref_slice %arg6[%dma_wait3A_73, %dma_wait3A_77] : memref<5x128xi32, #tpu.memory_space<vmem>> -> memref<1x128xi32, #tpu.memory_space<vmem>>
    %dma_wait3A_79 = tpu.memref_squeeze %dma_wait3A_78 : memref<1x128xi32, #tpu.memory_space<vmem>> -> memref<128xi32, #tpu.memory_space<vmem>>
    %dma_wait3A_80 = arith.constant 0 : i32
    %dma_wait3A_81 = arith.constant 0 : i32
    %dma_wait3A_82 = tpu.memref_slice %arg4[%dma_wait3A_80, %dma_wait3A_81] : memref<4096x128xf32, #tpu.memory_space<hbm>> -> memref<4096x128xf32, #tpu.memory_space<hbm>>
    tpu.wait_indirect_dma semaphore(%arg10 : memref<!tpu.dma_semaphore, #tpu.memory_space<semaphore_mem>>) src(%dma_wait3A_82 : memref<4096x128xf32, #tpu.memory_space<hbm>>) dst(%dma_wait3A_76 : memref<128x128xf32, #tpu.memory_space<vmem>>)
    %dma_wait3A_83 = arith.constant 3 : i32
    %dma_wait3A_84 = arith.constant 384 : i32
    %dma_wait3A_85 = arith.constant 0 : i32
    %dma_wait3A_86 = tpu.memref_slice %arg7[%dma_wait3A_84, %dma_wait3A_85] : memref<640x128xf32, #tpu.memory_space<vmem>> -> memref<128x128xf32, #tpu.memory_space<vmem>>
    %dma_wait3A_87 = arith.constant 0 : i32
    %dma_wait3A_88 = tpu.memref_slice %arg6[%dma_wait3A_83, %dma_wait3A_87] : memref<5x128xi32, #tpu.memory_space<vmem>> -> memref<1x128xi32, #tpu.memory_space<vmem>>
    %dma_wait3A_89 = tpu.memref_squeeze %dma_wait3A_88 : memref<1x128xi32, #tpu.memory_space<vmem>> -> memref<128xi32, #tpu.memory_space<vmem>>
    %dma_wait3A_90 = arith.constant 0 : i32
    %dma_wait3A_91 = arith.constant 0 : i32
    %dma_wait3A_92 = tpu.memref_slice %arg4[%dma_wait3A_90, %dma_wait3A_91] : memref<4096x128xf32, #tpu.memory_space<hbm>> -> memref<4096x128xf32, #tpu.memory_space<hbm>>
    tpu.wait_indirect_dma semaphore(%arg10 : memref<!tpu.dma_semaphore, #tpu.memory_space<semaphore_mem>>) src(%dma_wait3A_92 : memref<4096x128xf32, #tpu.memory_space<hbm>>) dst(%dma_wait3A_86 : memref<128x128xf32, #tpu.memory_space<vmem>>)
    %dma_wait3A_93 = arith.constant 4 : i32
    %dma_wait3A_94 = arith.constant 512 : i32
    %dma_wait3A_95 = arith.constant 0 : i32
    %dma_wait3A_96 = tpu.memref_slice %arg7[%dma_wait3A_94, %dma_wait3A_95] : memref<640x128xf32, #tpu.memory_space<vmem>> -> memref<128x128xf32, #tpu.memory_space<vmem>>
    %dma_wait3A_97 = arith.constant 0 : i32
    %dma_wait3A_98 = tpu.memref_slice %arg6[%dma_wait3A_93, %dma_wait3A_97] : memref<5x128xi32, #tpu.memory_space<vmem>> -> memref<1x128xi32, #tpu.memory_space<vmem>>
    %dma_wait3A_99 = tpu.memref_squeeze %dma_wait3A_98 : memref<1x128xi32, #tpu.memory_space<vmem>> -> memref<128xi32, #tpu.memory_space<vmem>>
    %dma_wait3A_100 = arith.constant 0 : i32
    %dma_wait3A_101 = arith.constant 0 : i32
    %dma_wait3A_102 = tpu.memref_slice %arg4[%dma_wait3A_100, %dma_wait3A_101] : memref<4096x128xf32, #tpu.memory_space<hbm>> -> memref<4096x128xf32, #tpu.memory_space<hbm>>
    tpu.wait_indirect_dma semaphore(%arg10 : memref<!tpu.dma_semaphore, #tpu.memory_space<semaphore_mem>>) src(%dma_wait3A_102 : memref<4096x128xf32, #tpu.memory_space<hbm>>) dst(%dma_wait3A_96 : memref<128x128xf32, #tpu.memory_space<vmem>>)
    %scan3A = arith.constant 0 : i32
    %scan3A_103 = arith.constant 0 : i32
    %scan3A_104 = arith.constant 128 : i32
    %scan3A_105 = arith.addi %scan3A_103, %scan3A_104 : i32
    %scan3A_106 = arith.constant 1 : i32
    scf.for %scan3A_122 = %scan3A_103 to %scan3A_105 step %scan3A_106  : i32 {
      %get3A = arith.index_cast %scan3A_122 : i32 to index
      %get3A_123 = arith.constant 0 : index
      %get3A_124 = tpu.vector_load %arg8[%get3A, %get3A_123] {strides = array<i32>} : memref<128x128xf32, #tpu.memory_space<vmem>>, vector<1x16xf32>,
      %get3A_125 = vector.shape_cast %get3A_124 : vector<1x16xf32> to vector<16xf32>
      %get3A_126 = arith.index_cast %scan3A_122 : i32 to index
      %get3A_127 = arith.constant 0 : index
      %get3A_128 = tpu.vector_load %arg9[%get3A_126, %get3A_127] {strides = array<i32>} : memref<128x128xf32, #tpu.memory_space<vmem>>, vector<1x16xf32>,
      %get3A_129 = vector.shape_cast %get3A_128 : vector<1x16xf32> to vector<16xf32>
      %add3A_130 = arith.constant 0 : i32
      %add3A_131 = arith.addi %add3A_130, %scan3A_122 : i32
      %get3A_132 = arith.index_cast %add3A_131 : i32 to index
      %get3A_133 = arith.constant 0 : index
      %get3A_134 = tpu.vector_load %arg7[%get3A_132, %get3A_133] {strides = array<i32>} : memref<640x128xf32, #tpu.memory_space<vmem>>, vector<1x16xf32>,
      %get3A_135 = vector.shape_cast %get3A_134 : vector<1x16xf32> to vector<16xf32>
      %sub3A = arith.subf %get3A_135, %get3A_129 : vector<16xf32>
      %add3A_136 = arith.addf %get3A_125, %sub3A : vector<16xf32>
      %swap3A = arith.index_cast %add3A_131 : i32 to index
      %swap3A_137 = arith.constant 0 : index
      %swap3A_138 = tpu.vector_load %arg7[%swap3A, %swap3A_137] {strides = array<i32>} : memref<640x128xf32, #tpu.memory_space<vmem>>, vector<1x16xf32>,
      %swap3A_139 = vector.shape_cast %swap3A_138 : vector<1x16xf32> to vector<16xf32>
      %swap3A_140 = vector.shape_cast %add3A_136 : vector<16xf32> to vector<1x16xf32>
      tpu.vector_store %arg7[%swap3A, %swap3A_137], %swap3A_140 {strides = array<i32>} : memref<640x128xf32, #tpu.memory_space<vmem>>, vector<1x16xf32>,
      %add3A_141 = arith.constant 128 : i32
      %add3A_142 = arith.addi %add3A_141, %scan3A_122 : i32
      %get3A_143 = arith.index_cast %add3A_142 : i32 to index
      %get3A_144 = arith.constant 0 : index
      %get3A_145 = tpu.vector_load %arg7[%get3A_143, %get3A_144] {strides = array<i32>} : memref<640x128xf32, #tpu.memory_space<vmem>>, vector<1x16xf32>,
      %get3A_146 = vector.shape_cast %get3A_145 : vector<1x16xf32> to vector<16xf32>
      %sub3A_147 = arith.subf %get3A_146, %get3A_129 : vector<16xf32>
      %add3A_148 = arith.addf %get3A_125, %sub3A_147 : vector<16xf32>
      %swap3A_149 = arith.index_cast %add3A_142 : i32 to index
      %swap3A_150 = arith.constant 0 : index
      %swap3A_151 = tpu.vector_load %arg7[%swap3A_149, %swap3A_150] {strides = array<i32>} : memref<640x128xf32, #tpu.memory_space<vmem>>, vector<1x16xf32>,
      %swap3A_152 = vector.shape_cast %swap3A_151 : vector<1x16xf32> to vector<16xf32>
      %swap3A_153 = vector.shape_cast %add3A_148 : vector<16xf32> to vector<1x16xf32>
      tpu.vector_store %arg7[%swap3A_149, %swap3A_150], %swap3A_153 {strides = array<i32>} : memref<640x128xf32, #tpu.memory_space<vmem>>, vector<1x16xf32>,
      %add3A_154 = arith.constant 256 : i32
      %add3A_155 = arith.addi %add3A_154, %scan3A_122 : i32
      %get3A_156 = arith.index_cast %add3A_155 : i32 to index
      %get3A_157 = arith.constant 0 : index
      %get3A_158 = tpu.vector_load %arg7[%get3A_156, %get3A_157] {strides = array<i32>} : memref<640x128xf32, #tpu.memory_space<vmem>>, vector<1x16xf32>,
      %get3A_159 = vector.shape_cast %get3A_158 : vector<1x16xf32> to vector<16xf32>
      %sub3A_160 = arith.subf %get3A_159, %get3A_129 : vector<16xf32>
      %add3A_161 = arith.addf %get3A_125, %sub3A_160 : vector<16xf32>
      %swap3A_162 = arith.index_cast %add3A_155 : i32 to index
      %swap3A_163 = arith.constant 0 : index
      %swap3A_164 = tpu.vector_load %arg7[%swap3A_162, %swap3A_163] {strides = array<i32>} : memref<640x128xf32, #tpu.memory_space<vmem>>, vector<1x16xf32>,
      %swap3A_165 = vector.shape_cast %swap3A_164 : vector<1x16xf32> to vector<16xf32>
      %swap3A_166 = vector.shape_cast %add3A_161 : vector<16xf32> to vector<1x16xf32>
      tpu.vector_store %arg7[%swap3A_162, %swap3A_163], %swap3A_166 {strides = array<i32>} : memref<640x128xf32, #tpu.memory_space<vmem>>, vector<1x16xf32>,
      %add3A_167 = arith.constant 384 : i32
      %add3A_168 = arith.addi %add3A_167, %scan3A_122 : i32
      %get3A_169 = arith.index_cast %add3A_168 : i32 to index
      %get3A_170 = arith.constant 0 : index
      %get3A_171 = tpu.vector_load %arg7[%get3A_169, %get3A_170] {strides = array<i32>} : memref<640x128xf32, #tpu.memory_space<vmem>>, vector<1x16xf32>,
      %get3A_172 = vector.shape_cast %get3A_171 : vector<1x16xf32> to vector<16xf32>
      %sub3A_173 = arith.subf %get3A_172, %get3A_129 : vector<16xf32>
      %add3A_174 = arith.addf %get3A_125, %sub3A_173 : vector<16xf32>
      %swap3A_175 = arith.index_cast %add3A_168 : i32 to index
      %swap3A_176 = arith.constant 0 : index
      %swap3A_177 = tpu.vector_load %arg7[%swap3A_175, %swap3A_176] {strides = array<i32>} : memref<640x128xf32, #tpu.memory_space<vmem>>, vector<1x16xf32>,
      %swap3A_178 = vector.shape_cast %swap3A_177 : vector<1x16xf32> to vector<16xf32>
      %swap3A_179 = vector.shape_cast %add3A_174 : vector<16xf32> to vector<1x16xf32>
      tpu.vector_store %arg7[%swap3A_175, %swap3A_176], %swap3A_179 {strides = array<i32>} : memref<640x128xf32, #tpu.memory_space<vmem>>, vector<1x16xf32>,
      %add3A_180 = arith.constant 512 : i32
      %add3A_181 = arith.addi %add3A_180, %scan3A_122 : i32
      %get3A_182 = arith.index_cast %add3A_181 : i32 to index
      %get3A_183 = arith.constant 0 : index
      %get3A_184 = tpu.vector_load %arg7[%get3A_182, %get3A_183] {strides = array<i32>} : memref<640x128xf32, #tpu.memory_space<vmem>>, vector<1x16xf32>,
      %get3A_185 = vector.shape_cast %get3A_184 : vector<1x16xf32> to vector<16xf32>
      %sub3A_186 = arith.subf %get3A_185, %get3A_129 : vector<16xf32>
      %add3A_187 = arith.addf %get3A_125, %sub3A_186 : vector<16xf32>
      %swap3A_188 = arith.index_cast %add3A_181 : i32 to index
      %swap3A_189 = arith.constant 0 : index
      %swap3A_190 = tpu.vector_load %arg7[%swap3A_188, %swap3A_189] {strides = array<i32>} : memref<640x128xf32, #tpu.memory_space<vmem>>, vector<1x16xf32>,
      %swap3A_191 = vector.shape_cast %swap3A_190 : vector<1x16xf32> to vector<16xf32>
      %swap3A_192 = vector.shape_cast %add3A_187 : vector<16xf32> to vector<1x16xf32>
      tpu.vector_store %arg7[%swap3A_188, %swap3A_189], %swap3A_192 {strides = array<i32>} : memref<640x128xf32, #tpu.memory_space<vmem>>, vector<1x16xf32>,
      %get3A_193 = arith.index_cast %scan3A_122 : i32 to index
      %get3A_194 = arith.constant 16 : index
      %get3A_195 = tpu.vector_load %arg8[%get3A_193, %get3A_194] {strides = array<i32>} : memref<128x128xf32, #tpu.memory_space<vmem>>, vector<1x16xf32>,
      %get3A_196 = vector.shape_cast %get3A_195 : vector<1x16xf32> to vector<16xf32>
      %get3A_197 = arith.index_cast %scan3A_122 : i32 to index
      %get3A_198 = arith.constant 16 : index
      %get3A_199 = tpu.vector_load %arg9[%get3A_197, %get3A_198] {strides = array<i32>} : memref<128x128xf32, #tpu.memory_space<vmem>>, vector<1x16xf32>,
      %get3A_200 = vector.shape_cast %get3A_199 : vector<1x16xf32> to vector<16xf32>
      %add3A_201 = arith.constant 0 : i32
      %add3A_202 = arith.addi %add3A_201, %scan3A_122 : i32
      %get3A_203 = arith.index_cast %add3A_202 : i32 to index
      %get3A_204 = arith.constant 16 : index
      %get3A_205 = tpu.vector_load %arg7[%get3A_203, %get3A_204] {strides = array<i32>} : memref<640x128xf32, #tpu.memory_space<vmem>>, vector<1x16xf32>,
      %get3A_206 = vector.shape_cast %get3A_205 : vector<1x16xf32> to vector<16xf32>
      %sub3A_207 = arith.subf %get3A_206, %get3A_200 : vector<16xf32>
      %add3A_208 = arith.addf %get3A_196, %sub3A_207 : vector<16xf32>
      %swap3A_209 = arith.index_cast %add3A_202 : i32 to index
      %swap3A_210 = arith.constant 16 : index
      %swap3A_211 = tpu.vector_load %arg7[%swap3A_209, %swap3A_210] {strides = array<i32>} : memref<640x128xf32, #tpu.memory_space<vmem>>, vector<1x16xf32>,
      %swap3A_212 = vector.shape_cast %swap3A_211 : vector<1x16xf32> to vector<16xf32>
      %swap3A_213 = vector.shape_cast %add3A_208 : vector<16xf32> to vector<1x16xf32>
      tpu.vector_store %arg7[%swap3A_209, %swap3A_210], %swap3A_213 {strides = array<i32>} : memref<640x128xf32, #tpu.memory_space<vmem>>, vector<1x16xf32>,
      %add3A_214 = arith.constant 128 : i32
      %add3A_215 = arith.addi %add3A_214, %scan3A_122 : i32
      %get3A_216 = arith.index_cast %add3A_215 : i32 to index
      %get3A_217 = arith.constant 16 : index
      %get3A_218 = tpu.vector_load %arg7[%get3A_216, %get3A_217] {strides = array<i32>} : memref<640x128xf32, #tpu.memory_space<vmem>>, vector<1x16xf32>,
      %get3A_219 = vector.shape_cast %get3A_218 : vector<1x16xf32> to vector<16xf32>
      %sub3A_220 = arith.subf %get3A_219, %get3A_200 : vector<16xf32>
      %add3A_221 = arith.addf %get3A_196, %sub3A_220 : vector<16xf32>
      %swap3A_222 = arith.index_cast %add3A_215 : i32 to index
      %swap3A_223 = arith.constant 16 : index
      %swap3A_224 = tpu.vector_load %arg7[%swap3A_222, %swap3A_223] {strides = array<i32>} : memref<640x128xf32, #tpu.memory_space<vmem>>, vector<1x16xf32>,
      %swap3A_225 = vector.shape_cast %swap3A_224 : vector<1x16xf32> to vector<16xf32>
      %swap3A_226 = vector.shape_cast %add3A_221 : vector<16xf32> to vector<1x16xf32>
      tpu.vector_store %arg7[%swap3A_222, %swap3A_223], %swap3A_226 {strides = array<i32>} : memref<640x128xf32, #tpu.memory_space<vmem>>, vector<1x16xf32>,
      %add3A_227 = arith.constant 256 : i32
      %add3A_228 = arith.addi %add3A_227, %scan3A_122 : i32
      %get3A_229 = arith.index_cast %add3A_228 : i32 to index
      %get3A_230 = arith.constant 16 : index
      %get3A_231 = tpu.vector_load %arg7[%get3A_229, %get3A_230] {strides = array<i32>} : memref<640x128xf32, #tpu.memory_space<vmem>>, vector<1x16xf32>,
      %get3A_232 = vector.shape_cast %get3A_231 : vector<1x16xf32> to vector<16xf32>
      %sub3A_233 = arith.subf %get3A_232, %get3A_200 : vector<16xf32>
      %add3A_234 = arith.addf %get3A_196, %sub3A_233 : vector<16xf32>
      %swap3A_235 = arith.index_cast %add3A_228 : i32 to index
      %swap3A_236 = arith.constant 16 : index
      %swap3A_237 = tpu.vector_load %arg7[%swap3A_235, %swap3A_236] {strides = array<i32>} : memref<640x128xf32, #tpu.memory_space<vmem>>, vector<1x16xf32>,
      %swap3A_238 = vector.shape_cast %swap3A_237 : vector<1x16xf32> to vector<16xf32>
      %swap3A_239 = vector.shape_cast %add3A_234 : vector<16xf32> to vector<1x16xf32>
      tpu.vector_store %arg7[%swap3A_235, %swap3A_236], %swap3A_239 {strides = array<i32>} : memref<640x128xf32, #tpu.memory_space<vmem>>, vector<1x16xf32>,
      %add3A_240 = arith.constant 384 : i32
      %add3A_241 = arith.addi %add3A_240, %scan3A_122 : i32
      %get3A_242 = arith.index_cast %add3A_241 : i32 to index
      %get3A_243 = arith.constant 16 : index
      %get3A_244 = tpu.vector_load %arg7[%get3A_242, %get3A_243] {strides = array<i32>} : memref<640x128xf32, #tpu.memory_space<vmem>>, vector<1x16xf32>,
      %get3A_245 = vector.shape_cast %get3A_244 : vector<1x16xf32> to vector<16xf32>
      %sub3A_246 = arith.subf %get3A_245, %get3A_200 : vector<16xf32>
      %add3A_247 = arith.addf %get3A_196, %sub3A_246 : vector<16xf32>
      %swap3A_248 = arith.index_cast %add3A_241 : i32 to index
      %swap3A_249 = arith.constant 16 : index
      %swap3A_250 = tpu.vector_load %arg7[%swap3A_248, %swap3A_249] {strides = array<i32>} : memref<640x128xf32, #tpu.memory_space<vmem>>, vector<1x16xf32>,
      %swap3A_251 = vector.shape_cast %swap3A_250 : vector<1x16xf32> to vector<16xf32>
      %swap3A_252 = vector.shape_cast %add3A_247 : vector<16xf32> to vector<1x16xf32>
      tpu.vector_store %arg7[%swap3A_248, %swap3A_249], %swap3A_252 {strides = array<i32>} : memref<640x128xf32, #tpu.memory_space<vmem>>, vector<1x16xf32>,
      %add3A_253 = arith.constant 512 : i32
      %add3A_254 = arith.addi %add3A_253, %scan3A_122 : i32
      %get3A_255 = arith.index_cast %add3A_254 : i32 to index
      %get3A_256 = arith.constant 16 : index
      %get3A_257 = tpu.vector_load %arg7[%get3A_255, %get3A_256] {strides = array<i32>} : memref<640x128xf32, #tpu.memory_space<vmem>>, vector<1x16xf32>,
      %get3A_258 = vector.shape_cast %get3A_257 : vector<1x16xf32> to vector<16xf32>
      %sub3A_259 = arith.subf %get3A_258, %get3A_200 : vector<16xf32>
      %add3A_260 = arith.addf %get3A_196, %sub3A_259 : vector<16xf32>
      %swap3A_261 = arith.index_cast %add3A_254 : i32 to index
      %swap3A_262 = arith.constant 16 : index
      %swap3A_263 = tpu.vector_load %arg7[%swap3A_261, %swap3A_262] {strides = array<i32>} : memref<640x128xf32, #tpu.memory_space<vmem>>, vector<1x16xf32>,
      %swap3A_264 = vector.shape_cast %swap3A_263 : vector<1x16xf32> to vector<16xf32>
      %swap3A_265 = vector.shape_cast %add3A_260 : vector<16xf32> to vector<1x16xf32>
      tpu.vector_store %arg7[%swap3A_261, %swap3A_262], %swap3A_265 {strides = array<i32>} : memref<640x128xf32, #tpu.memory_space<vmem>>, vector<1x16xf32>,
      %get3A_266 = arith.index_cast %scan3A_122 : i32 to index
      %get3A_267 = arith.constant 32 : index
      %get3A_268 = tpu.vector_load %arg8[%get3A_266, %get3A_267] {strides = array<i32>} : memref<128x128xf32, #tpu.memory_space<vmem>>, vector<1x16xf32>,
      %get3A_269 = vector.shape_cast %get3A_268 : vector<1x16xf32> to vector<16xf32>
      %get3A_270 = arith.index_cast %scan3A_122 : i32 to index
      %get3A_271 = arith.constant 32 : index
      %get3A_272 = tpu.vector_load %arg9[%get3A_270, %get3A_271] {strides = array<i32>} : memref<128x128xf32, #tpu.memory_space<vmem>>, vector<1x16xf32>,
      %get3A_273 = vector.shape_cast %get3A_272 : vector<1x16xf32> to vector<16xf32>
      %add3A_274 = arith.constant 0 : i32
      %add3A_275 = arith.addi %add3A_274, %scan3A_122 : i32
      %get3A_276 = arith.index_cast %add3A_275 : i32 to index
      %get3A_277 = arith.constant 32 : index
      %get3A_278 = tpu.vector_load %arg7[%get3A_276, %get3A_277] {strides = array<i32>} : memref<640x128xf32, #tpu.memory_space<vmem>>, vector<1x16xf32>,
      %get3A_279 = vector.shape_cast %get3A_278 : vector<1x16xf32> to vector<16xf32>
      %sub3A_280 = arith.subf %get3A_279, %get3A_273 : vector<16xf32>
      %add3A_281 = arith.addf %get3A_269, %sub3A_280 : vector<16xf32>
      %swap3A_282 = arith.index_cast %add3A_275 : i32 to index
      %swap3A_283 = arith.constant 32 : index
      %swap3A_284 = tpu.vector_load %arg7[%swap3A_282, %swap3A_283] {strides = array<i32>} : memref<640x128xf32, #tpu.memory_space<vmem>>, vector<1x16xf32>,
      %swap3A_285 = vector.shape_cast %swap3A_284 : vector<1x16xf32> to vector<16xf32>
      %swap3A_286 = vector.shape_cast %add3A_281 : vector<16xf32> to vector<1x16xf32>
      tpu.vector_store %arg7[%swap3A_282, %swap3A_283], %swap3A_286 {strides = array<i32>} : memref<640x128xf32, #tpu.memory_space<vmem>>, vector<1x16xf32>,
      %add3A_287 = arith.constant 128 : i32
      %add3A_288 = arith.addi %add3A_287, %scan3A_122 : i32
      %get3A_289 = arith.index_cast %add3A_288 : i32 to index
      %get3A_290 = arith.constant 32 : index
      %get3A_291 = tpu.vector_load %arg7[%get3A_289, %get3A_290] {strides = array<i32>} : memref<640x128xf32, #tpu.memory_space<vmem>>, vector<1x16xf32>,
      %get3A_292 = vector.shape_cast %get3A_291 : vector<1x16xf32> to vector<16xf32>
      %sub3A_293 = arith.subf %get3A_292, %get3A_273 : vector<16xf32>
      %add3A_294 = arith.addf %get3A_269, %sub3A_293 : vector<16xf32>
      %swap3A_295 = arith.index_cast %add3A_288 : i32 to index
      %swap3A_296 = arith.constant 32 : index
      %swap3A_297 = tpu.vector_load %arg7[%swap3A_295, %swap3A_296] {strides = array<i32>} : memref<640x128xf32, #tpu.memory_space<vmem>>, vector<1x16xf32>,
      %swap3A_298 = vector.shape_cast %swap3A_297 : vector<1x16xf32> to vector<16xf32>
      %swap3A_299 = vector.shape_cast %add3A_294 : vector<16xf32> to vector<1x16xf32>
      tpu.vector_store %arg7[%swap3A_295, %swap3A_296], %swap3A_299 {strides = array<i32>} : memref<640x128xf32, #tpu.memory_space<vmem>>, vector<1x16xf32>,
      %add3A_300 = arith.constant 256 : i32
      %add3A_301 = arith.addi %add3A_300, %scan3A_122 : i32
      %get3A_302 = arith.index_cast %add3A_301 : i32 to index
      %get3A_303 = arith.constant 32 : index
      %get3A_304 = tpu.vector_load %arg7[%get3A_302, %get3A_303] {strides = array<i32>} : memref<640x128xf32, #tpu.memory_space<vmem>>, vector<1x16xf32>,
      %get3A_305 = vector.shape_cast %get3A_304 : vector<1x16xf32> to vector<16xf32>
      %sub3A_306 = arith.subf %get3A_305, %get3A_273 : vector<16xf32>
      %add3A_307 = arith.addf %get3A_269, %sub3A_306 : vector<16xf32>
      %swap3A_308 = arith.index_cast %add3A_301 : i32 to index
      %swap3A_309 = arith.constant 32 : index
      %swap3A_310 = tpu.vector_load %arg7[%swap3A_308, %swap3A_309] {strides = array<i32>} : memref<640x128xf32, #tpu.memory_space<vmem>>, vector<1x16xf32>,
      %swap3A_311 = vector.shape_cast %swap3A_310 : vector<1x16xf32> to vector<16xf32>
      %swap3A_312 = vector.shape_cast %add3A_307 : vector<16xf32> to vector<1x16xf32>
      tpu.vector_store %arg7[%swap3A_308, %swap3A_309], %swap3A_312 {strides = array<i32>} : memref<640x128xf32, #tpu.memory_space<vmem>>, vector<1x16xf32>,
      %add3A_313 = arith.constant 384 : i32
      %add3A_314 = arith.addi %add3A_313, %scan3A_122 : i32
      %get3A_315 = arith.index_cast %add3A_314 : i32 to index
      %get3A_316 = arith.constant 32 : index
      %get3A_317 = tpu.vector_load %arg7[%get3A_315, %get3A_316] {strides = array<i32>} : memref<640x128xf32, #tpu.memory_space<vmem>>, vector<1x16xf32>,
      %get3A_318 = vector.shape_cast %get3A_317 : vector<1x16xf32> to vector<16xf32>
      %sub3A_319 = arith.subf %get3A_318, %get3A_273 : vector<16xf32>
      %add3A_320 = arith.addf %get3A_269, %sub3A_319 : vector<16xf32>
      %swap3A_321 = arith.index_cast %add3A_314 : i32 to index
      %swap3A_322 = arith.constant 32 : index
      %swap3A_323 = tpu.vector_load %arg7[%swap3A_321, %swap3A_322] {strides = array<i32>} : memref<640x128xf32, #tpu.memory_space<vmem>>, vector<1x16xf32>,
      %swap3A_324 = vector.shape_cast %swap3A_323 : vector<1x16xf32> to vector<16xf32>
      %swap3A_325 = vector.shape_cast %add3A_320 : vector<16xf32> to vector<1x16xf32>
      tpu.vector_store %arg7[%swap3A_321, %swap3A_322], %swap3A_325 {strides = array<i32>} : memref<640x128xf32, #tpu.memory_space<vmem>>, vector<1x16xf32>,
      %add3A_326 = arith.constant 512 : i32
      %add3A_327 = arith.addi %add3A_326, %scan3A_122 : i32
      %get3A_328 = arith.index_cast %add3A_327 : i32 to index
      %get3A_329 = arith.constant 32 : index
      %get3A_330 = tpu.vector_load %arg7[%get3A_328, %get3A_329] {strides = array<i32>} : memref<640x128xf32, #tpu.memory_space<vmem>>, vector<1x16xf32>,
      %get3A_331 = vector.shape_cast %get3A_330 : vector<1x16xf32> to vector<16xf32>
      %sub3A_332 = arith.subf %get3A_331, %get3A_273 : vector<16xf32>
      %add3A_333 = arith.addf %get3A_269, %sub3A_332 : vector<16xf32>
      %swap3A_334 = arith.index_cast %add3A_327 : i32 to index
      %swap3A_335 = arith.constant 32 : index
      %swap3A_336 = tpu.vector_load %arg7[%swap3A_334, %swap3A_335] {strides = array<i32>} : memref<640x128xf32, #tpu.memory_space<vmem>>, vector<1x16xf32>,
      %swap3A_337 = vector.shape_cast %swap3A_336 : vector<1x16xf32> to vector<16xf32>
      %swap3A_338 = vector.shape_cast %add3A_333 : vector<16xf32> to vector<1x16xf32>
      tpu.vector_store %arg7[%swap3A_334, %swap3A_335], %swap3A_338 {strides = array<i32>} : memref<640x128xf32, #tpu.memory_space<vmem>>, vector<1x16xf32>,
      %get3A_339 = arith.index_cast %scan3A_122 : i32 to index
      %get3A_340 = arith.constant 48 : index
      %get3A_341 = tpu.vector_load %arg8[%get3A_339, %get3A_340] {strides = array<i32>} : memref<128x128xf32, #tpu.memory_space<vmem>>, vector<1x16xf32>,
      %get3A_342 = vector.shape_cast %get3A_341 : vector<1x16xf32> to vector<16xf32>
      %get3A_343 = arith.index_cast %scan3A_122 : i32 to index
      %get3A_344 = arith.constant 48 : index
      %get3A_345 = tpu.vector_load %arg9[%get3A_343, %get3A_344] {strides = array<i32>} : memref<128x128xf32, #tpu.memory_space<vmem>>, vector<1x16xf32>,
      %get3A_346 = vector.shape_cast %get3A_345 : vector<1x16xf32> to vector<16xf32>
      %add3A_347 = arith.constant 0 : i32
      %add3A_348 = arith.addi %add3A_347, %scan3A_122 : i32
      %get3A_349 = arith.index_cast %add3A_348 : i32 to index
      %get3A_350 = arith.constant 48 : index
      %get3A_351 = tpu.vector_load %arg7[%get3A_349, %get3A_350] {strides = array<i32>} : memref<640x128xf32, #tpu.memory_space<vmem>>, vector<1x16xf32>,
      %get3A_352 = vector.shape_cast %get3A_351 : vector<1x16xf32> to vector<16xf32>
      %sub3A_353 = arith.subf %get3A_352, %get3A_346 : vector<16xf32>
      %add3A_354 = arith.addf %get3A_342, %sub3A_353 : vector<16xf32>
      %swap3A_355 = arith.index_cast %add3A_348 : i32 to index
      %swap3A_356 = arith.constant 48 : index
      %swap3A_357 = tpu.vector_load %arg7[%swap3A_355, %swap3A_356] {strides = array<i32>} : memref<640x128xf32, #tpu.memory_space<vmem>>, vector<1x16xf32>,
      %swap3A_358 = vector.shape_cast %swap3A_357 : vector<1x16xf32> to vector<16xf32>
      %swap3A_359 = vector.shape_cast %add3A_354 : vector<16xf32> to vector<1x16xf32>
      tpu.vector_store %arg7[%swap3A_355, %swap3A_356], %swap3A_359 {strides = array<i32>} : memref<640x128xf32, #tpu.memory_space<vmem>>, vector<1x16xf32>,
      %add3A_360 = arith.constant 128 : i32
      %add3A_361 = arith.addi %add3A_360, %scan3A_122 : i32
      %get3A_362 = arith.index_cast %add3A_361 : i32 to index
      %get3A_363 = arith.constant 48 : index
      %get3A_364 = tpu.vector_load %arg7[%get3A_362, %get3A_363] {strides = array<i32>} : memref<640x128xf32, #tpu.memory_space<vmem>>, vector<1x16xf32>,
      %get3A_365 = vector.shape_cast %get3A_364 : vector<1x16xf32> to vector<16xf32>
      %sub3A_366 = arith.subf %get3A_365, %get3A_346 : vector<16xf32>
      %add3A_367 = arith.addf %get3A_342, %sub3A_366 : vector<16xf32>
      %swap3A_368 = arith.index_cast %add3A_361 : i32 to index
      %swap3A_369 = arith.constant 48 : index
      %swap3A_370 = tpu.vector_load %arg7[%swap3A_368, %swap3A_369] {strides = array<i32>} : memref<640x128xf32, #tpu.memory_space<vmem>>, vector<1x16xf32>,
      %swap3A_371 = vector.shape_cast %swap3A_370 : vector<1x16xf32> to vector<16xf32>
      %swap3A_372 = vector.shape_cast %add3A_367 : vector<16xf32> to vector<1x16xf32>
      tpu.vector_store %arg7[%swap3A_368, %swap3A_369], %swap3A_372 {strides = array<i32>} : memref<640x128xf32, #tpu.memory_space<vmem>>, vector<1x16xf32>,
      %add3A_373 = arith.constant 256 : i32
      %add3A_374 = arith.addi %add3A_373, %scan3A_122 : i32
      %get3A_375 = arith.index_cast %add3A_374 : i32 to index
      %get3A_376 = arith.constant 48 : index
      %get3A_377 = tpu.vector_load %arg7[%get3A_375, %get3A_376] {strides = array<i32>} : memref<640x128xf32, #tpu.memory_space<vmem>>, vector<1x16xf32>,
      %get3A_378 = vector.shape_cast %get3A_377 : vector<1x16xf32> to vector<16xf32>
      %sub3A_379 = arith.subf %get3A_378, %get3A_346 : vector<16xf32>
      %add3A_380 = arith.addf %get3A_342, %sub3A_379 : vector<16xf32>
      %swap3A_381 = arith.index_cast %add3A_374 : i32 to index
      %swap3A_382 = arith.constant 48 : index
      %swap3A_383 = tpu.vector_load %arg7[%swap3A_381, %swap3A_382] {strides = array<i32>} : memref<640x128xf32, #tpu.memory_space<vmem>>, vector<1x16xf32>,
      %swap3A_384 = vector.shape_cast %swap3A_383 : vector<1x16xf32> to vector<16xf32>
      %swap3A_385 = vector.shape_cast %add3A_380 : vector<16xf32> to vector<1x16xf32>
      tpu.vector_store %arg7[%swap3A_381, %swap3A_382], %swap3A_385 {strides = array<i32>} : memref<640x128xf32, #tpu.memory_space<vmem>>, vector<1x16xf32>,
      %add3A_386 = arith.constant 384 : i32
      %add3A_387 = arith.addi %add3A_386, %scan3A_122 : i32
      %get3A_388 = arith.index_cast %add3A_387 : i32 to index
      %get3A_389 = arith.constant 48 : index
      %get3A_390 = tpu.vector_load %arg7[%get3A_388, %get3A_389] {strides = array<i32>} : memref<640x128xf32, #tpu.memory_space<vmem>>, vector<1x16xf32>,
      %get3A_391 = vector.shape_cast %get3A_390 : vector<1x16xf32> to vector<16xf32>
      %sub3A_392 = arith.subf %get3A_391, %get3A_346 : vector<16xf32>
      %add3A_393 = arith.addf %get3A_342, %sub3A_392 : vector<16xf32>
      %swap3A_394 = arith.index_cast %add3A_387 : i32 to index
      %swap3A_395 = arith.constant 48 : index
      %swap3A_396 = tpu.vector_load %arg7[%swap3A_394, %swap3A_395] {strides = array<i32>} : memref<640x128xf32, #tpu.memory_space<vmem>>, vector<1x16xf32>,
      %swap3A_397 = vector.shape_cast %swap3A_396 : vector<1x16xf32> to vector<16xf32>
      %swap3A_398 = vector.shape_cast %add3A_393 : vector<16xf32> to vector<1x16xf32>
      tpu.vector_store %arg7[%swap3A_394, %swap3A_395], %swap3A_398 {strides = array<i32>} : memref<640x128xf32, #tpu.memory_space<vmem>>, vector<1x16xf32>,
      %add3A_399 = arith.constant 512 : i32
      %add3A_400 = arith.addi %add3A_399, %scan3A_122 : i32
      %get3A_401 = arith.index_cast %add3A_400 : i32 to index
      %get3A_402 = arith.constant 48 : index
      %get3A_403 = tpu.vector_load %arg7[%get3A_401, %get3A_402] {strides = array<i32>} : memref<640x128xf32, #tpu.memory_space<vmem>>, vector<1x16xf32>,
      %get3A_404 = vector.shape_cast %get3A_403 : vector<1x16xf32> to vector<16xf32>
      %sub3A_405 = arith.subf %get3A_404, %get3A_346 : vector<16xf32>
      %add3A_406 = arith.addf %get3A_342, %sub3A_405 : vector<16xf32>
      %swap3A_407 = arith.index_cast %add3A_400 : i32 to index
      %swap3A_408 = arith.constant 48 : index
      %swap3A_409 = tpu.vector_load %arg7[%swap3A_407, %swap3A_408] {strides = array<i32>} : memref<640x128xf32, #tpu.memory_space<vmem>>, vector<1x16xf32>,
      %swap3A_410 = vector.shape_cast %swap3A_409 : vector<1x16xf32> to vector<16xf32>
      %swap3A_411 = vector.shape_cast %add3A_406 : vector<16xf32> to vector<1x16xf32>
      tpu.vector_store %arg7[%swap3A_407, %swap3A_408], %swap3A_411 {strides = array<i32>} : memref<640x128xf32, #tpu.memory_space<vmem>>, vector<1x16xf32>,
      %get3A_412 = arith.index_cast %scan3A_122 : i32 to index
      %get3A_413 = arith.constant 64 : index
      %get3A_414 = tpu.vector_load %arg8[%get3A_412, %get3A_413] {strides = array<i32>} : memref<128x128xf32, #tpu.memory_space<vmem>>, vector<1x16xf32>,
      %get3A_415 = vector.shape_cast %get3A_414 : vector<1x16xf32> to vector<16xf32>
      %get3A_416 = arith.index_cast %scan3A_122 : i32 to index
      %get3A_417 = arith.constant 64 : index
      %get3A_418 = tpu.vector_load %arg9[%get3A_416, %get3A_417] {strides = array<i32>} : memref<128x128xf32, #tpu.memory_space<vmem>>, vector<1x16xf32>,
      %get3A_419 = vector.shape_cast %get3A_418 : vector<1x16xf32> to vector<16xf32>
      %add3A_420 = arith.constant 0 : i32
      %add3A_421 = arith.addi %add3A_420, %scan3A_122 : i32
      %get3A_422 = arith.index_cast %add3A_421 : i32 to index
      %get3A_423 = arith.constant 64 : index
      %get3A_424 = tpu.vector_load %arg7[%get3A_422, %get3A_423] {strides = array<i32>} : memref<640x128xf32, #tpu.memory_space<vmem>>, vector<1x16xf32>,
      %get3A_425 = vector.shape_cast %get3A_424 : vector<1x16xf32> to vector<16xf32>
      %sub3A_426 = arith.subf %get3A_425, %get3A_419 : vector<16xf32>
      %add3A_427 = arith.addf %get3A_415, %sub3A_426 : vector<16xf32>
      %swap3A_428 = arith.index_cast %add3A_421 : i32 to index
      %swap3A_429 = arith.constant 64 : index
      %swap3A_430 = tpu.vector_load %arg7[%swap3A_428, %swap3A_429] {strides = array<i32>} : memref<640x128xf32, #tpu.memory_space<vmem>>, vector<1x16xf32>,
      %swap3A_431 = vector.shape_cast %swap3A_430 : vector<1x16xf32> to vector<16xf32>
      %swap3A_432 = vector.shape_cast %add3A_427 : vector<16xf32> to vector<1x16xf32>
      tpu.vector_store %arg7[%swap3A_428, %swap3A_429], %swap3A_432 {strides = array<i32>} : memref<640x128xf32, #tpu.memory_space<vmem>>, vector<1x16xf32>,
      %add3A_433 = arith.constant 128 : i32
      %add3A_434 = arith.addi %add3A_433, %scan3A_122 : i32
      %get3A_435 = arith.index_cast %add3A_434 : i32 to index
      %get3A_436 = arith.constant 64 : index
      %get3A_437 = tpu.vector_load %arg7[%get3A_435, %get3A_436] {strides = array<i32>} : memref<640x128xf32, #tpu.memory_space<vmem>>, vector<1x16xf32>,
      %get3A_438 = vector.shape_cast %get3A_437 : vector<1x16xf32> to vector<16xf32>
      %sub3A_439 = arith.subf %get3A_438, %get3A_419 : vector<16xf32>
      %add3A_440 = arith.addf %get3A_415, %sub3A_439 : vector<16xf32>
      %swap3A_441 = arith.index_cast %add3A_434 : i32 to index
      %swap3A_442 = arith.constant 64 : index
      %swap3A_443 = tpu.vector_load %arg7[%swap3A_441, %swap3A_442] {strides = array<i32>} : memref<640x128xf32, #tpu.memory_space<vmem>>, vector<1x16xf32>,
      %swap3A_444 = vector.shape_cast %swap3A_443 : vector<1x16xf32> to vector<16xf32>
      %swap3A_445 = vector.shape_cast %add3A_440 : vector<16xf32> to vector<1x16xf32>
      tpu.vector_store %arg7[%swap3A_441, %swap3A_442], %swap3A_445 {strides = array<i32>} : memref<640x128xf32, #tpu.memory_space<vmem>>, vector<1x16xf32>,
      %add3A_446 = arith.constant 256 : i32
      %add3A_447 = arith.addi %add3A_446, %scan3A_122 : i32
      %get3A_448 = arith.index_cast %add3A_447 : i32 to index
      %get3A_449 = arith.constant 64 : index
      %get3A_450 = tpu.vector_load %arg7[%get3A_448, %get3A_449] {strides = array<i32>} : memref<640x128xf32, #tpu.memory_space<vmem>>, vector<1x16xf32>,
      %get3A_451 = vector.shape_cast %get3A_450 : vector<1x16xf32> to vector<16xf32>
      %sub3A_452 = arith.subf %get3A_451, %get3A_419 : vector<16xf32>
      %add3A_453 = arith.addf %get3A_415, %sub3A_452 : vector<16xf32>
      %swap3A_454 = arith.index_cast %add3A_447 : i32 to index
      %swap3A_455 = arith.constant 64 : index
      %swap3A_456 = tpu.vector_load %arg7[%swap3A_454, %swap3A_455] {strides = array<i32>} : memref<640x128xf32, #tpu.memory_space<vmem>>, vector<1x16xf32>,
      %swap3A_457 = vector.shape_cast %swap3A_456 : vector<1x16xf32> to vector<16xf32>
      %swap3A_458 = vector.shape_cast %add3A_453 : vector<16xf32> to vector<1x16xf32>
      tpu.vector_store %arg7[%swap3A_454, %swap3A_455], %swap3A_458 {strides = array<i32>} : memref<640x128xf32, #tpu.memory_space<vmem>>, vector<1x16xf32>,
      %add3A_459 = arith.constant 384 : i32
      %add3A_460 = arith.addi %add3A_459, %scan3A_122 : i32
      %get3A_461 = arith.index_cast %add3A_460 : i32 to index
      %get3A_462 = arith.constant 64 : index
      %get3A_463 = tpu.vector_load %arg7[%get3A_461, %get3A_462] {strides = array<i32>} : memref<640x128xf32, #tpu.memory_space<vmem>>, vector<1x16xf32>,
      %get3A_464 = vector.shape_cast %get3A_463 : vector<1x16xf32> to vector<16xf32>
      %sub3A_465 = arith.subf %get3A_464, %get3A_419 : vector<16xf32>
      %add3A_466 = arith.addf %get3A_415, %sub3A_465 : vector<16xf32>
      %swap3A_467 = arith.index_cast %add3A_460 : i32 to index
      %swap3A_468 = arith.constant 64 : index
      %swap3A_469 = tpu.vector_load %arg7[%swap3A_467, %swap3A_468] {strides = array<i32>} : memref<640x128xf32, #tpu.memory_space<vmem>>, vector<1x16xf32>,
      %swap3A_470 = vector.shape_cast %swap3A_469 : vector<1x16xf32> to vector<16xf32>
      %swap3A_471 = vector.shape_cast %add3A_466 : vector<16xf32> to vector<1x16xf32>
      tpu.vector_store %arg7[%swap3A_467, %swap3A_468], %swap3A_471 {strides = array<i32>} : memref<640x128xf32, #tpu.memory_space<vmem>>, vector<1x16xf32>,
      %add3A_472 = arith.constant 512 : i32
      %add3A_473 = arith.addi %add3A_472, %scan3A_122 : i32
      %get3A_474 = arith.index_cast %add3A_473 : i32 to index
      %get3A_475 = arith.constant 64 : index
      %get3A_476 = tpu.vector_load %arg7[%get3A_474, %get3A_475] {strides = array<i32>} : memref<640x128xf32, #tpu.memory_space<vmem>>, vector<1x16xf32>,
      %get3A_477 = vector.shape_cast %get3A_476 : vector<1x16xf32> to vector<16xf32>
      %sub3A_478 = arith.subf %get3A_477, %get3A_419 : vector<16xf32>
      %add3A_479 = arith.addf %get3A_415, %sub3A_478 : vector<16xf32>
      %swap3A_480 = arith.index_cast %add3A_473 : i32 to index
      %swap3A_481 = arith.constant 64 : index
      %swap3A_482 = tpu.vector_load %arg7[%swap3A_480, %swap3A_481] {strides = array<i32>} : memref<640x128xf32, #tpu.memory_space<vmem>>, vector<1x16xf32>,
      %swap3A_483 = vector.shape_cast %swap3A_482 : vector<1x16xf32> to vector<16xf32>
      %swap3A_484 = vector.shape_cast %add3A_479 : vector<16xf32> to vector<1x16xf32>
      tpu.vector_store %arg7[%swap3A_480, %swap3A_481], %swap3A_484 {strides = array<i32>} : memref<640x128xf32, #tpu.memory_space<vmem>>, vector<1x16xf32>,
      %get3A_485 = arith.index_cast %scan3A_122 : i32 to index
      %get3A_486 = arith.constant 80 : index
      %get3A_487 = tpu.vector_load %arg8[%get3A_485, %get3A_486] {strides = array<i32>} : memref<128x128xf32, #tpu.memory_space<vmem>>, vector<1x16xf32>,
      %get3A_488 = vector.shape_cast %get3A_487 : vector<1x16xf32> to vector<16xf32>
      %get3A_489 = arith.index_cast %scan3A_122 : i32 to index
      %get3A_490 = arith.constant 80 : index
      %get3A_491 = tpu.vector_load %arg9[%get3A_489, %get3A_490] {strides = array<i32>} : memref<128x128xf32, #tpu.memory_space<vmem>>, vector<1x16xf32>,
      %get3A_492 = vector.shape_cast %get3A_491 : vector<1x16xf32> to vector<16xf32>
      %add3A_493 = arith.constant 0 : i32
      %add3A_494 = arith.addi %add3A_493, %scan3A_122 : i32
      %get3A_495 = arith.index_cast %add3A_494 : i32 to index
      %get3A_496 = arith.constant 80 : index
      %get3A_497 = tpu.vector_load %arg7[%get3A_495, %get3A_496] {strides = array<i32>} : memref<640x128xf32, #tpu.memory_space<vmem>>, vector<1x16xf32>,
      %get3A_498 = vector.shape_cast %get3A_497 : vector<1x16xf32> to vector<16xf32>
      %sub3A_499 = arith.subf %get3A_498, %get3A_492 : vector<16xf32>
      %add3A_500 = arith.addf %get3A_488, %sub3A_499 : vector<16xf32>
      %swap3A_501 = arith.index_cast %add3A_494 : i32 to index
      %swap3A_502 = arith.constant 80 : index
      %swap3A_503 = tpu.vector_load %arg7[%swap3A_501, %swap3A_502] {strides = array<i32>} : memref<640x128xf32, #tpu.memory_space<vmem>>, vector<1x16xf32>,
      %swap3A_504 = vector.shape_cast %swap3A_503 : vector<1x16xf32> to vector<16xf32>
      %swap3A_505 = vector.shape_cast %add3A_500 : vector<16xf32> to vector<1x16xf32>
      tpu.vector_store %arg7[%swap3A_501, %swap3A_502], %swap3A_505 {strides = array<i32>} : memref<640x128xf32, #tpu.memory_space<vmem>>, vector<1x16xf32>,
      %add3A_506 = arith.constant 128 : i32
      %add3A_507 = arith.addi %add3A_506, %scan3A_122 : i32
      %get3A_508 = arith.index_cast %add3A_507 : i32 to index
      %get3A_509 = arith.constant 80 : index
      %get3A_510 = tpu.vector_load %arg7[%get3A_508, %get3A_509] {strides = array<i32>} : memref<640x128xf32, #tpu.memory_space<vmem>>, vector<1x16xf32>,
      %get3A_511 = vector.shape_cast %get3A_510 : vector<1x16xf32> to vector<16xf32>
      %sub3A_512 = arith.subf %get3A_511, %get3A_492 : vector<16xf32>
      %add3A_513 = arith.addf %get3A_488, %sub3A_512 : vector<16xf32>
      %swap3A_514 = arith.index_cast %add3A_507 : i32 to index
      %swap3A_515 = arith.constant 80 : index
      %swap3A_516 = tpu.vector_load %arg7[%swap3A_514, %swap3A_515] {strides = array<i32>} : memref<640x128xf32, #tpu.memory_space<vmem>>, vector<1x16xf32>,
      %swap3A_517 = vector.shape_cast %swap3A_516 : vector<1x16xf32> to vector<16xf32>
      %swap3A_518 = vector.shape_cast %add3A_513 : vector<16xf32> to vector<1x16xf32>
      tpu.vector_store %arg7[%swap3A_514, %swap3A_515], %swap3A_518 {strides = array<i32>} : memref<640x128xf32, #tpu.memory_space<vmem>>, vector<1x16xf32>,
      %add3A_519 = arith.constant 256 : i32
      %add3A_520 = arith.addi %add3A_519, %scan3A_122 : i32
      %get3A_521 = arith.index_cast %add3A_520 : i32 to index
      %get3A_522 = arith.constant 80 : index
      %get3A_523 = tpu.vector_load %arg7[%get3A_521, %get3A_522] {strides = array<i32>} : memref<640x128xf32, #tpu.memory_space<vmem>>, vector<1x16xf32>,
      %get3A_524 = vector.shape_cast %get3A_523 : vector<1x16xf32> to vector<16xf32>
      %sub3A_525 = arith.subf %get3A_524, %get3A_492 : vector<16xf32>
      %add3A_526 = arith.addf %get3A_488, %sub3A_525 : vector<16xf32>
      %swap3A_527 = arith.index_cast %add3A_520 : i32 to index
      %swap3A_528 = arith.constant 80 : index
      %swap3A_529 = tpu.vector_load %arg7[%swap3A_527, %swap3A_528] {strides = array<i32>} : memref<640x128xf32, #tpu.memory_space<vmem>>, vector<1x16xf32>,
      %swap3A_530 = vector.shape_cast %swap3A_529 : vector<1x16xf32> to vector<16xf32>
      %swap3A_531 = vector.shape_cast %add3A_526 : vector<16xf32> to vector<1x16xf32>
      tpu.vector_store %arg7[%swap3A_527, %swap3A_528], %swap3A_531 {strides = array<i32>} : memref<640x128xf32, #tpu.memory_space<vmem>>, vector<1x16xf32>,
      %add3A_532 = arith.constant 384 : i32
      %add3A_533 = arith.addi %add3A_532, %scan3A_122 : i32
      %get3A_534 = arith.index_cast %add3A_533 : i32 to index
      %get3A_535 = arith.constant 80 : index
      %get3A_536 = tpu.vector_load %arg7[%get3A_534, %get3A_535] {strides = array<i32>} : memref<640x128xf32, #tpu.memory_space<vmem>>, vector<1x16xf32>,
      %get3A_537 = vector.shape_cast %get3A_536 : vector<1x16xf32> to vector<16xf32>
      %sub3A_538 = arith.subf %get3A_537, %get3A_492 : vector<16xf32>
      %add3A_539 = arith.addf %get3A_488, %sub3A_538 : vector<16xf32>
      %swap3A_540 = arith.index_cast %add3A_533 : i32 to index
      %swap3A_541 = arith.constant 80 : index
      %swap3A_542 = tpu.vector_load %arg7[%swap3A_540, %swap3A_541] {strides = array<i32>} : memref<640x128xf32, #tpu.memory_space<vmem>>, vector<1x16xf32>,
      %swap3A_543 = vector.shape_cast %swap3A_542 : vector<1x16xf32> to vector<16xf32>
      %swap3A_544 = vector.shape_cast %add3A_539 : vector<16xf32> to vector<1x16xf32>
      tpu.vector_store %arg7[%swap3A_540, %swap3A_541], %swap3A_544 {strides = array<i32>} : memref<640x128xf32, #tpu.memory_space<vmem>>, vector<1x16xf32>,
      %add3A_545 = arith.constant 512 : i32
      %add3A_546 = arith.addi %add3A_545, %scan3A_122 : i32
      %get3A_547 = arith.index_cast %add3A_546 : i32 to index
      %get3A_548 = arith.constant 80 : index
      %get3A_549 = tpu.vector_load %arg7[%get3A_547, %get3A_548] {strides = array<i32>} : memref<640x128xf32, #tpu.memory_space<vmem>>, vector<1x16xf32>,
      %get3A_550 = vector.shape_cast %get3A_549 : vector<1x16xf32> to vector<16xf32>
      %sub3A_551 = arith.subf %get3A_550, %get3A_492 : vector<16xf32>
      %add3A_552 = arith.addf %get3A_488, %sub3A_551 : vector<16xf32>
      %swap3A_553 = arith.index_cast %add3A_546 : i32 to index
      %swap3A_554 = arith.constant 80 : index
      %swap3A_555 = tpu.vector_load %arg7[%swap3A_553, %swap3A_554] {strides = array<i32>} : memref<640x128xf32, #tpu.memory_space<vmem>>, vector<1x16xf32>,
      %swap3A_556 = vector.shape_cast %swap3A_555 : vector<1x16xf32> to vector<16xf32>
      %swap3A_557 = vector.shape_cast %add3A_552 : vector<16xf32> to vector<1x16xf32>
      tpu.vector_store %arg7[%swap3A_553, %swap3A_554], %swap3A_557 {strides = array<i32>} : memref<640x128xf32, #tpu.memory_space<vmem>>, vector<1x16xf32>,
      %get3A_558 = arith.index_cast %scan3A_122 : i32 to index
      %get3A_559 = arith.constant 96 : index
      %get3A_560 = tpu.vector_load %arg8[%get3A_558, %get3A_559] {strides = array<i32>} : memref<128x128xf32, #tpu.memory_space<vmem>>, vector<1x16xf32>,
      %get3A_561 = vector.shape_cast %get3A_560 : vector<1x16xf32> to vector<16xf32>
      %get3A_562 = arith.index_cast %scan3A_122 : i32 to index
      %get3A_563 = arith.constant 96 : index
      %get3A_564 = tpu.vector_load %arg9[%get3A_562, %get3A_563] {strides = array<i32>} : memref<128x128xf32, #tpu.memory_space<vmem>>, vector<1x16xf32>,
      %get3A_565 = vector.shape_cast %get3A_564 : vector<1x16xf32> to vector<16xf32>
      %add3A_566 = arith.constant 0 : i32
      %add3A_567 = arith.addi %add3A_566, %scan3A_122 : i32
      %get3A_568 = arith.index_cast %add3A_567 : i32 to index
      %get3A_569 = arith.constant 96 : index
      %get3A_570 = tpu.vector_load %arg7[%get3A_568, %get3A_569] {strides = array<i32>} : memref<640x128xf32, #tpu.memory_space<vmem>>, vector<1x16xf32>,
      %get3A_571 = vector.shape_cast %get3A_570 : vector<1x16xf32> to vector<16xf32>
      %sub3A_572 = arith.subf %get3A_571, %get3A_565 : vector<16xf32>
      %add3A_573 = arith.addf %get3A_561, %sub3A_572 : vector<16xf32>
      %swap3A_574 = arith.index_cast %add3A_567 : i32 to index
      %swap3A_575 = arith.constant 96 : index
      %swap3A_576 = tpu.vector_load %arg7[%swap3A_574, %swap3A_575] {strides = array<i32>} : memref<640x128xf32, #tpu.memory_space<vmem>>, vector<1x16xf32>,
      %swap3A_577 = vector.shape_cast %swap3A_576 : vector<1x16xf32> to vector<16xf32>
      %swap3A_578 = vector.shape_cast %add3A_573 : vector<16xf32> to vector<1x16xf32>
      tpu.vector_store %arg7[%swap3A_574, %swap3A_575], %swap3A_578 {strides = array<i32>} : memref<640x128xf32, #tpu.memory_space<vmem>>, vector<1x16xf32>,
      %add3A_579 = arith.constant 128 : i32
      %add3A_580 = arith.addi %add3A_579, %scan3A_122 : i32
      %get3A_581 = arith.index_cast %add3A_580 : i32 to index
      %get3A_582 = arith.constant 96 : index
      %get3A_583 = tpu.vector_load %arg7[%get3A_581, %get3A_582] {strides = array<i32>} : memref<640x128xf32, #tpu.memory_space<vmem>>, vector<1x16xf32>,
      %get3A_584 = vector.shape_cast %get3A_583 : vector<1x16xf32> to vector<16xf32>
      %sub3A_585 = arith.subf %get3A_584, %get3A_565 : vector<16xf32>
      %add3A_586 = arith.addf %get3A_561, %sub3A_585 : vector<16xf32>
      %swap3A_587 = arith.index_cast %add3A_580 : i32 to index
      %swap3A_588 = arith.constant 96 : index
      %swap3A_589 = tpu.vector_load %arg7[%swap3A_587, %swap3A_588] {strides = array<i32>} : memref<640x128xf32, #tpu.memory_space<vmem>>, vector<1x16xf32>,
      %swap3A_590 = vector.shape_cast %swap3A_589 : vector<1x16xf32> to vector<16xf32>
      %swap3A_591 = vector.shape_cast %add3A_586 : vector<16xf32> to vector<1x16xf32>
      tpu.vector_store %arg7[%swap3A_587, %swap3A_588], %swap3A_591 {strides = array<i32>} : memref<640x128xf32, #tpu.memory_space<vmem>>, vector<1x16xf32>,
      %add3A_592 = arith.constant 256 : i32
      %add3A_593 = arith.addi %add3A_592, %scan3A_122 : i32
      %get3A_594 = arith.index_cast %add3A_593 : i32 to index
      %get3A_595 = arith.constant 96 : index
      %get3A_596 = tpu.vector_load %arg7[%get3A_594, %get3A_595] {strides = array<i32>} : memref<640x128xf32, #tpu.memory_space<vmem>>, vector<1x16xf32>,
      %get3A_597 = vector.shape_cast %get3A_596 : vector<1x16xf32> to vector<16xf32>
      %sub3A_598 = arith.subf %get3A_597, %get3A_565 : vector<16xf32>
      %add3A_599 = arith.addf %get3A_561, %sub3A_598 : vector<16xf32>
      %swap3A_600 = arith.index_cast %add3A_593 : i32 to index
      %swap3A_601 = arith.constant 96 : index
      %swap3A_602 = tpu.vector_load %arg7[%swap3A_600, %swap3A_601] {strides = array<i32>} : memref<640x128xf32, #tpu.memory_space<vmem>>, vector<1x16xf32>,
      %swap3A_603 = vector.shape_cast %swap3A_602 : vector<1x16xf32> to vector<16xf32>
      %swap3A_604 = vector.shape_cast %add3A_599 : vector<16xf32> to vector<1x16xf32>
      tpu.vector_store %arg7[%swap3A_600, %swap3A_601], %swap3A_604 {strides = array<i32>} : memref<640x128xf32, #tpu.memory_space<vmem>>, vector<1x16xf32>,
      %add3A_605 = arith.constant 384 : i32
      %add3A_606 = arith.addi %add3A_605, %scan3A_122 : i32
      %get3A_607 = arith.index_cast %add3A_606 : i32 to index
      %get3A_608 = arith.constant 96 : index
      %get3A_609 = tpu.vector_load %arg7[%get3A_607, %get3A_608] {strides = array<i32>} : memref<640x128xf32, #tpu.memory_space<vmem>>, vector<1x16xf32>,
      %get3A_610 = vector.shape_cast %get3A_609 : vector<1x16xf32> to vector<16xf32>
      %sub3A_611 = arith.subf %get3A_610, %get3A_565 : vector<16xf32>
      %add3A_612 = arith.addf %get3A_561, %sub3A_611 : vector<16xf32>
      %swap3A_613 = arith.index_cast %add3A_606 : i32 to index
      %swap3A_614 = arith.constant 96 : index
      %swap3A_615 = tpu.vector_load %arg7[%swap3A_613, %swap3A_614] {strides = array<i32>} : memref<640x128xf32, #tpu.memory_space<vmem>>, vector<1x16xf32>,
      %swap3A_616 = vector.shape_cast %swap3A_615 : vector<1x16xf32> to vector<16xf32>
      %swap3A_617 = vector.shape_cast %add3A_612 : vector<16xf32> to vector<1x16xf32>
      tpu.vector_store %arg7[%swap3A_613, %swap3A_614], %swap3A_617 {strides = array<i32>} : memref<640x128xf32, #tpu.memory_space<vmem>>, vector<1x16xf32>,
      %add3A_618 = arith.constant 512 : i32
      %add3A_619 = arith.addi %add3A_618, %scan3A_122 : i32
      %get3A_620 = arith.index_cast %add3A_619 : i32 to index
      %get3A_621 = arith.constant 96 : index
      %get3A_622 = tpu.vector_load %arg7[%get3A_620, %get3A_621] {strides = array<i32>} : memref<640x128xf32, #tpu.memory_space<vmem>>, vector<1x16xf32>,
      %get3A_623 = vector.shape_cast %get3A_622 : vector<1x16xf32> to vector<16xf32>
      %sub3A_624 = arith.subf %get3A_623, %get3A_565 : vector<16xf32>
      %add3A_625 = arith.addf %get3A_561, %sub3A_624 : vector<16xf32>
      %swap3A_626 = arith.index_cast %add3A_619 : i32 to index
      %swap3A_627 = arith.constant 96 : index
      %swap3A_628 = tpu.vector_load %arg7[%swap3A_626, %swap3A_627] {strides = array<i32>} : memref<640x128xf32, #tpu.memory_space<vmem>>, vector<1x16xf32>,
      %swap3A_629 = vector.shape_cast %swap3A_628 : vector<1x16xf32> to vector<16xf32>
      %swap3A_630 = vector.shape_cast %add3A_625 : vector<16xf32> to vector<1x16xf32>
      tpu.vector_store %arg7[%swap3A_626, %swap3A_627], %swap3A_630 {strides = array<i32>} : memref<640x128xf32, #tpu.memory_space<vmem>>, vector<1x16xf32>,
      %get3A_631 = arith.index_cast %scan3A_122 : i32 to index
      %get3A_632 = arith.constant 112 : index
      %get3A_633 = tpu.vector_load %arg8[%get3A_631, %get3A_632] {strides = array<i32>} : memref<128x128xf32, #tpu.memory_space<vmem>>, vector<1x16xf32>,
      %get3A_634 = vector.shape_cast %get3A_633 : vector<1x16xf32> to vector<16xf32>
      %get3A_635 = arith.index_cast %scan3A_122 : i32 to index
      %get3A_636 = arith.constant 112 : index
      %get3A_637 = tpu.vector_load %arg9[%get3A_635, %get3A_636] {strides = array<i32>} : memref<128x128xf32, #tpu.memory_space<vmem>>, vector<1x16xf32>,
      %get3A_638 = vector.shape_cast %get3A_637 : vector<1x16xf32> to vector<16xf32>
      %add3A_639 = arith.constant 0 : i32
      %add3A_640 = arith.addi %add3A_639, %scan3A_122 : i32
      %get3A_641 = arith.index_cast %add3A_640 : i32 to index
      %get3A_642 = arith.constant 112 : index
      %get3A_643 = tpu.vector_load %arg7[%get3A_641, %get3A_642] {strides = array<i32>} : memref<640x128xf32, #tpu.memory_space<vmem>>, vector<1x16xf32>,
      %get3A_644 = vector.shape_cast %get3A_643 : vector<1x16xf32> to vector<16xf32>
      %sub3A_645 = arith.subf %get3A_644, %get3A_638 : vector<16xf32>
      %add3A_646 = arith.addf %get3A_634, %sub3A_645 : vector<16xf32>
      %swap3A_647 = arith.index_cast %add3A_640 : i32 to index
      %swap3A_648 = arith.constant 112 : index
      %swap3A_649 = tpu.vector_load %arg7[%swap3A_647, %swap3A_648] {strides = array<i32>} : memref<640x128xf32, #tpu.memory_space<vmem>>, vector<1x16xf32>,
      %swap3A_650 = vector.shape_cast %swap3A_649 : vector<1x16xf32> to vector<16xf32>
      %swap3A_651 = vector.shape_cast %add3A_646 : vector<16xf32> to vector<1x16xf32>
      tpu.vector_store %arg7[%swap3A_647, %swap3A_648], %swap3A_651 {strides = array<i32>} : memref<640x128xf32, #tpu.memory_space<vmem>>, vector<1x16xf32>,
      %add3A_652 = arith.constant 128 : i32
      %add3A_653 = arith.addi %add3A_652, %scan3A_122 : i32
      %get3A_654 = arith.index_cast %add3A_653 : i32 to index
      %get3A_655 = arith.constant 112 : index
      %get3A_656 = tpu.vector_load %arg7[%get3A_654, %get3A_655] {strides = array<i32>} : memref<640x128xf32, #tpu.memory_space<vmem>>, vector<1x16xf32>,
      %get3A_657 = vector.shape_cast %get3A_656 : vector<1x16xf32> to vector<16xf32>
      %sub3A_658 = arith.subf %get3A_657, %get3A_638 : vector<16xf32>
      %add3A_659 = arith.addf %get3A_634, %sub3A_658 : vector<16xf32>
      %swap3A_660 = arith.index_cast %add3A_653 : i32 to index
      %swap3A_661 = arith.constant 112 : index
      %swap3A_662 = tpu.vector_load %arg7[%swap3A_660, %swap3A_661] {strides = array<i32>} : memref<640x128xf32, #tpu.memory_space<vmem>>, vector<1x16xf32>,
      %swap3A_663 = vector.shape_cast %swap3A_662 : vector<1x16xf32> to vector<16xf32>
      %swap3A_664 = vector.shape_cast %add3A_659 : vector<16xf32> to vector<1x16xf32>
      tpu.vector_store %arg7[%swap3A_660, %swap3A_661], %swap3A_664 {strides = array<i32>} : memref<640x128xf32, #tpu.memory_space<vmem>>, vector<1x16xf32>,
      %add3A_665 = arith.constant 256 : i32
      %add3A_666 = arith.addi %add3A_665, %scan3A_122 : i32
      %get3A_667 = arith.index_cast %add3A_666 : i32 to index
      %get3A_668 = arith.constant 112 : index
      %get3A_669 = tpu.vector_load %arg7[%get3A_667, %get3A_668] {strides = array<i32>} : memref<640x128xf32, #tpu.memory_space<vmem>>, vector<1x16xf32>,
      %get3A_670 = vector.shape_cast %get3A_669 : vector<1x16xf32> to vector<16xf32>
      %sub3A_671 = arith.subf %get3A_670, %get3A_638 : vector<16xf32>
      %add3A_672 = arith.addf %get3A_634, %sub3A_671 : vector<16xf32>
      %swap3A_673 = arith.index_cast %add3A_666 : i32 to index
      %swap3A_674 = arith.constant 112 : index
      %swap3A_675 = tpu.vector_load %arg7[%swap3A_673, %swap3A_674] {strides = array<i32>} : memref<640x128xf32, #tpu.memory_space<vmem>>, vector<1x16xf32>,
      %swap3A_676 = vector.shape_cast %swap3A_675 : vector<1x16xf32> to vector<16xf32>
      %swap3A_677 = vector.shape_cast %add3A_672 : vector<16xf32> to vector<1x16xf32>
      tpu.vector_store %arg7[%swap3A_673, %swap3A_674], %swap3A_677 {strides = array<i32>} : memref<640x128xf32, #tpu.memory_space<vmem>>, vector<1x16xf32>,
      %add3A_678 = arith.constant 384 : i32
      %add3A_679 = arith.addi %add3A_678, %scan3A_122 : i32
      %get3A_680 = arith.index_cast %add3A_679 : i32 to index
      %get3A_681 = arith.constant 112 : index
      %get3A_682 = tpu.vector_load %arg7[%get3A_680, %get3A_681] {strides = array<i32>} : memref<640x128xf32, #tpu.memory_space<vmem>>, vector<1x16xf32>,
      %get3A_683 = vector.shape_cast %get3A_682 : vector<1x16xf32> to vector<16xf32>
      %sub3A_684 = arith.subf %get3A_683, %get3A_638 : vector<16xf32>
      %add3A_685 = arith.addf %get3A_634, %sub3A_684 : vector<16xf32>
      %swap3A_686 = arith.index_cast %add3A_679 : i32 to index
      %swap3A_687 = arith.constant 112 : index
      %swap3A_688 = tpu.vector_load %arg7[%swap3A_686, %swap3A_687] {strides = array<i32>} : memref<640x128xf32, #tpu.memory_space<vmem>>, vector<1x16xf32>,
      %swap3A_689 = vector.shape_cast %swap3A_688 : vector<1x16xf32> to vector<16xf32>
      %swap3A_690 = vector.shape_cast %add3A_685 : vector<16xf32> to vector<1x16xf32>
      tpu.vector_store %arg7[%swap3A_686, %swap3A_687], %swap3A_690 {strides = array<i32>} : memref<640x128xf32, #tpu.memory_space<vmem>>, vector<1x16xf32>,
      %add3A_691 = arith.constant 512 : i32
      %add3A_692 = arith.addi %add3A_691, %scan3A_122 : i32
      %get3A_693 = arith.index_cast %add3A_692 : i32 to index
      %get3A_694 = arith.constant 112 : index
      %get3A_695 = tpu.vector_load %arg7[%get3A_693, %get3A_694] {strides = array<i32>} : memref<640x128xf32, #tpu.memory_space<vmem>>, vector<1x16xf32>,
      %get3A_696 = vector.shape_cast %get3A_695 : vector<1x16xf32> to vector<16xf32>
      %sub3A_697 = arith.subf %get3A_696, %get3A_638 : vector<16xf32>
      %add3A_698 = arith.addf %get3A_634, %sub3A_697 : vector<16xf32>
      %swap3A_699 = arith.index_cast %add3A_692 : i32 to index
      %swap3A_700 = arith.constant 112 : index
      %swap3A_701 = tpu.vector_load %arg7[%swap3A_699, %swap3A_700] {strides = array<i32>} : memref<640x128xf32, #tpu.memory_space<vmem>>, vector<1x16xf32>,
      %swap3A_702 = vector.shape_cast %swap3A_701 : vector<1x16xf32> to vector<16xf32>
      %swap3A_703 = vector.shape_cast %add3A_698 : vector<16xf32> to vector<1x16xf32>
      tpu.vector_store %arg7[%swap3A_699, %swap3A_700], %swap3A_703 {strides = array<i32>} : memref<640x128xf32, #tpu.memory_space<vmem>>, vector<1x16xf32>,
    }
    %scan3A_107 = arith.constant 128 : i32
    %mul3A_108 = arith.constant 128 : i32
    %mul3A_109 = arith.muli %add3A, %mul3A_108 : i32
    %run_scoped3A = arith.constant 0 : i32
    "tpu.region"() ({
      %run_scoped3A_122 = tpu.sem_alloc : memref<!tpu.dma_semaphore, #tpu.memory_space<semaphore_mem>>
      %dma_start3A_123 = arith.constant 0 : i32
      %dma_start3A_124 = arith.constant 0 : i32
      %dma_start3A_125 = tpu.memref_slice %arg7[%dma_start3A_123, %dma_start3A_124] : memref<640x128xf32, #tpu.memory_space<vmem>> -> memref<128x128xf32, #tpu.memory_space<vmem>>
      %dma_start3A_126 = arith.constant 0 : i32
      %dma_start3A_127 = tpu.memref_slice %arg5[%run_scoped3A, %mul3A_109, %dma_start3A_126] : memref<5x4096x128xf32, #tpu.memory_space<hbm>> -> memref<1x128x128xf32, #tpu.memory_space<hbm>>
      %dma_start3A_128 = tpu.memref_squeeze %dma_start3A_127 : memref<1x128x128xf32, #tpu.memory_space<hbm>> -> memref<128x128xf32, #tpu.memory_space<hbm>>
      %dma_start3A_129 = arith.constant 0 : i32
      %dma_start3A_130 = tpu.memref_slice %arg5[%run_scoped3A, %mul3A_109, %dma_start3A_129] : memref<5x4096x128xf32, #tpu.memory_space<hbm>> -> memref<1x128x128xf32, #tpu.memory_space<hbm>>
      %dma_start3A_131 = tpu.memref_squeeze %dma_start3A_130 : memref<1x128x128xf32, #tpu.memory_space<hbm>> -> memref<128x128xf32, #tpu.memory_space<hbm>>
      %dma_start3A_132 = arith.constant 0 : i32
      %dma_start3A_133 = arith.constant 0 : i32
      %dma_start3A_134 = tpu.memref_slice %arg7[%dma_start3A_132, %dma_start3A_133] : memref<640x128xf32, #tpu.memory_space<vmem>> -> memref<128x128xf32, #tpu.memory_space<vmem>>
      tpu.enqueue_dma source(%dma_start3A_134 : memref<128x128xf32, #tpu.memory_space<vmem>>) target(%dma_start3A_131 : memref<128x128xf32, #tpu.memory_space<hbm>>) target_semaphore(%run_scoped3A_122 : memref<!tpu.dma_semaphore, #tpu.memory_space<semaphore_mem>>)
      %dma_wait3A_135 = arith.constant 0 : i32
      %dma_wait3A_136 = arith.constant 0 : i32
      %dma_wait3A_137 = tpu.memref_slice %arg7[%dma_wait3A_135, %dma_wait3A_136] : memref<640x128xf32, #tpu.memory_space<vmem>> -> memref<128x128xf32, #tpu.memory_space<vmem>>
      %dma_wait3A_138 = arith.constant 0 : i32
      %dma_wait3A_139 = tpu.memref_slice %arg5[%run_scoped3A, %mul3A_109, %dma_wait3A_138] : memref<5x4096x128xf32, #tpu.memory_space<hbm>> -> memref<1x128x128xf32, #tpu.memory_space<hbm>>
      %dma_wait3A_140 = tpu.memref_squeeze %dma_wait3A_139 : memref<1x128x128xf32, #tpu.memory_space<hbm>> -> memref<128x128xf32, #tpu.memory_space<hbm>>
      %dma_wait3A_141 = arith.constant 0 : i32
      %dma_wait3A_142 = tpu.memref_slice %arg5[%run_scoped3A, %mul3A_109, %dma_wait3A_141] : memref<5x4096x128xf32, #tpu.memory_space<hbm>> -> memref<1x128x128xf32, #tpu.memory_space<hbm>>
      %dma_wait3A_143 = tpu.memref_squeeze %dma_wait3A_142 : memref<1x128x128xf32, #tpu.memory_space<hbm>> -> memref<128x128xf32, #tpu.memory_space<hbm>>
      %dma_wait3A_144 = arith.constant 0 : i32
      %dma_wait3A_145 = arith.constant 0 : i32
      %dma_wait3A_146 = tpu.memref_slice %arg7[%dma_wait3A_144, %dma_wait3A_145] : memref<640x128xf32, #tpu.memory_space<vmem>> -> memref<128x128xf32, #tpu.memory_space<vmem>>
      tpu.wait_dma2 semaphore(%run_scoped3A_122 : memref<!tpu.dma_semaphore, #tpu.memory_space<semaphore_mem>>) src(%dma_wait3A_146 : memref<128x128xf32, #tpu.memory_space<vmem>>) dst(%dma_wait3A_143 : memref<128x128xf32, #tpu.memory_space<hbm>>)
      tpu.yield
    }) : () -> ()
    %mul3A_110 = arith.constant 128 : i32
    %mul3A_111 = arith.muli %add3A, %mul3A_110 : i32
    %run_scoped3A_112 = arith.constant 1 : i32
    "tpu.region"() ({
      %run_scoped3A_122 = tpu.sem_alloc : memref<!tpu.dma_semaphore, #tpu.memory_space<semaphore_mem>>
      %dma_start3A_123 = arith.constant 128 : i32
      %dma_start3A_124 = arith.constant 0 : i32
      %dma_start3A_125 = tpu.memref_slice %arg7[%dma_start3A_123, %dma_start3A_124] : memref<640x128xf32, #tpu.memory_space<vmem>> -> memref<128x128xf32, #tpu.memory_space<vmem>>
      %dma_start3A_126 = arith.constant 0 : i32
      %dma_start3A_127 = tpu.memref_slice %arg5[%run_scoped3A_112, %mul3A_111, %dma_start3A_126] : memref<5x4096x128xf32, #tpu.memory_space<hbm>> -> memref<1x128x128xf32, #tpu.memory_space<hbm>>
      %dma_start3A_128 = tpu.memref_squeeze %dma_start3A_127 : memref<1x128x128xf32, #tpu.memory_space<hbm>> -> memref<128x128xf32, #tpu.memory_space<hbm>>
      %dma_start3A_129 = arith.constant 0 : i32
      %dma_start3A_130 = tpu.memref_slice %arg5[%run_scoped3A_112, %mul3A_111, %dma_start3A_129] : memref<5x4096x128xf32, #tpu.memory_space<hbm>> -> memref<1x128x128xf32, #tpu.memory_space<hbm>>
      %dma_start3A_131 = tpu.memref_squeeze %dma_start3A_130 : memref<1x128x128xf32, #tpu.memory_space<hbm>> -> memref<128x128xf32, #tpu.memory_space<hbm>>
      %dma_start3A_132 = arith.constant 128 : i32
      %dma_start3A_133 = arith.constant 0 : i32
      %dma_start3A_134 = tpu.memref_slice %arg7[%dma_start3A_132, %dma_start3A_133] : memref<640x128xf32, #tpu.memory_space<vmem>> -> memref<128x128xf32, #tpu.memory_space<vmem>>
      tpu.enqueue_dma source(%dma_start3A_134 : memref<128x128xf32, #tpu.memory_space<vmem>>) target(%dma_start3A_131 : memref<128x128xf32, #tpu.memory_space<hbm>>) target_semaphore(%run_scoped3A_122 : memref<!tpu.dma_semaphore, #tpu.memory_space<semaphore_mem>>)
      %dma_wait3A_135 = arith.constant 128 : i32
      %dma_wait3A_136 = arith.constant 0 : i32
      %dma_wait3A_137 = tpu.memref_slice %arg7[%dma_wait3A_135, %dma_wait3A_136] : memref<640x128xf32, #tpu.memory_space<vmem>> -> memref<128x128xf32, #tpu.memory_space<vmem>>
      %dma_wait3A_138 = arith.constant 0 : i32
      %dma_wait3A_139 = tpu.memref_slice %arg5[%run_scoped3A_112, %mul3A_111, %dma_wait3A_138] : memref<5x4096x128xf32, #tpu.memory_space<hbm>> -> memref<1x128x128xf32, #tpu.memory_space<hbm>>
      %dma_wait3A_140 = tpu.memref_squeeze %dma_wait3A_139 : memref<1x128x128xf32, #tpu.memory_space<hbm>> -> memref<128x128xf32, #tpu.memory_space<hbm>>
      %dma_wait3A_141 = arith.constant 0 : i32
      %dma_wait3A_142 = tpu.memref_slice %arg5[%run_scoped3A_112, %mul3A_111, %dma_wait3A_141] : memref<5x4096x128xf32, #tpu.memory_space<hbm>> -> memref<1x128x128xf32, #tpu.memory_space<hbm>>
      %dma_wait3A_143 = tpu.memref_squeeze %dma_wait3A_142 : memref<1x128x128xf32, #tpu.memory_space<hbm>> -> memref<128x128xf32, #tpu.memory_space<hbm>>
      %dma_wait3A_144 = arith.constant 128 : i32
      %dma_wait3A_145 = arith.constant 0 : i32
      %dma_wait3A_146 = tpu.memref_slice %arg7[%dma_wait3A_144, %dma_wait3A_145] : memref<640x128xf32, #tpu.memory_space<vmem>> -> memref<128x128xf32, #tpu.memory_space<vmem>>
      tpu.wait_dma2 semaphore(%run_scoped3A_122 : memref<!tpu.dma_semaphore, #tpu.memory_space<semaphore_mem>>) src(%dma_wait3A_146 : memref<128x128xf32, #tpu.memory_space<vmem>>) dst(%dma_wait3A_143 : memref<128x128xf32, #tpu.memory_space<hbm>>)
      tpu.yield
    }) : () -> ()
    %mul3A_113 = arith.constant 128 : i32
    %mul3A_114 = arith.muli %add3A, %mul3A_113 : i32
    %run_scoped3A_115 = arith.constant 2 : i32
    "tpu.region"() ({
      %run_scoped3A_122 = tpu.sem_alloc : memref<!tpu.dma_semaphore, #tpu.memory_space<semaphore_mem>>
      %dma_start3A_123 = arith.constant 256 : i32
      %dma_start3A_124 = arith.constant 0 : i32
      %dma_start3A_125 = tpu.memref_slice %arg7[%dma_start3A_123, %dma_start3A_124] : memref<640x128xf32, #tpu.memory_space<vmem>> -> memref<128x128xf32, #tpu.memory_space<vmem>>
      %dma_start3A_126 = arith.constant 0 : i32
      %dma_start3A_127 = tpu.memref_slice %arg5[%run_scoped3A_115, %mul3A_114, %dma_start3A_126] : memref<5x4096x128xf32, #tpu.memory_space<hbm>> -> memref<1x128x128xf32, #tpu.memory_space<hbm>>
      %dma_start3A_128 = tpu.memref_squeeze %dma_start3A_127 : memref<1x128x128xf32, #tpu.memory_space<hbm>> -> memref<128x128xf32, #tpu.memory_space<hbm>>
      %dma_start3A_129 = arith.constant 0 : i32
      %dma_start3A_130 = tpu.memref_slice %arg5[%run_scoped3A_115, %mul3A_114, %dma_start3A_129] : memref<5x4096x128xf32, #tpu.memory_space<hbm>> -> memref<1x128x128xf32, #tpu.memory_space<hbm>>
      %dma_start3A_131 = tpu.memref_squeeze %dma_start3A_130 : memref<1x128x128xf32, #tpu.memory_space<hbm>> -> memref<128x128xf32, #tpu.memory_space<hbm>>
      %dma_start3A_132 = arith.constant 256 : i32
      %dma_start3A_133 = arith.constant 0 : i32
      %dma_start3A_134 = tpu.memref_slice %arg7[%dma_start3A_132, %dma_start3A_133] : memref<640x128xf32, #tpu.memory_space<vmem>> -> memref<128x128xf32, #tpu.memory_space<vmem>>
      tpu.enqueue_dma source(%dma_start3A_134 : memref<128x128xf32, #tpu.memory_space<vmem>>) target(%dma_start3A_131 : memref<128x128xf32, #tpu.memory_space<hbm>>) target_semaphore(%run_scoped3A_122 : memref<!tpu.dma_semaphore, #tpu.memory_space<semaphore_mem>>)
      %dma_wait3A_135 = arith.constant 256 : i32
      %dma_wait3A_136 = arith.constant 0 : i32
      %dma_wait3A_137 = tpu.memref_slice %arg7[%dma_wait3A_135, %dma_wait3A_136] : memref<640x128xf32, #tpu.memory_space<vmem>> -> memref<128x128xf32, #tpu.memory_space<vmem>>
      %dma_wait3A_138 = arith.constant 0 : i32
      %dma_wait3A_139 = tpu.memref_slice %arg5[%run_scoped3A_115, %mul3A_114, %dma_wait3A_138] : memref<5x4096x128xf32, #tpu.memory_space<hbm>> -> memref<1x128x128xf32, #tpu.memory_space<hbm>>
      %dma_wait3A_140 = tpu.memref_squeeze %dma_wait3A_139 : memref<1x128x128xf32, #tpu.memory_space<hbm>> -> memref<128x128xf32, #tpu.memory_space<hbm>>
      %dma_wait3A_141 = arith.constant 0 : i32
      %dma_wait3A_142 = tpu.memref_slice %arg5[%run_scoped3A_115, %mul3A_114, %dma_wait3A_141] : memref<5x4096x128xf32, #tpu.memory_space<hbm>> -> memref<1x128x128xf32, #tpu.memory_space<hbm>>
      %dma_wait3A_143 = tpu.memref_squeeze %dma_wait3A_142 : memref<1x128x128xf32, #tpu.memory_space<hbm>> -> memref<128x128xf32, #tpu.memory_space<hbm>>
      %dma_wait3A_144 = arith.constant 256 : i32
      %dma_wait3A_145 = arith.constant 0 : i32
      %dma_wait3A_146 = tpu.memref_slice %arg7[%dma_wait3A_144, %dma_wait3A_145] : memref<640x128xf32, #tpu.memory_space<vmem>> -> memref<128x128xf32, #tpu.memory_space<vmem>>
      tpu.wait_dma2 semaphore(%run_scoped3A_122 : memref<!tpu.dma_semaphore, #tpu.memory_space<semaphore_mem>>) src(%dma_wait3A_146 : memref<128x128xf32, #tpu.memory_space<vmem>>) dst(%dma_wait3A_143 : memref<128x128xf32, #tpu.memory_space<hbm>>)
      tpu.yield
    }) : () -> ()
    %mul3A_116 = arith.constant 128 : i32
    %mul3A_117 = arith.muli %add3A, %mul3A_116 : i32
    %run_scoped3A_118 = arith.constant 3 : i32
    "tpu.region"() ({
      %run_scoped3A_122 = tpu.sem_alloc : memref<!tpu.dma_semaphore, #tpu.memory_space<semaphore_mem>>
      %dma_start3A_123 = arith.constant 384 : i32
      %dma_start3A_124 = arith.constant 0 : i32
      %dma_start3A_125 = tpu.memref_slice %arg7[%dma_start3A_123, %dma_start3A_124] : memref<640x128xf32, #tpu.memory_space<vmem>> -> memref<128x128xf32, #tpu.memory_space<vmem>>
      %dma_start3A_126 = arith.constant 0 : i32
      %dma_start3A_127 = tpu.memref_slice %arg5[%run_scoped3A_118, %mul3A_117, %dma_start3A_126] : memref<5x4096x128xf32, #tpu.memory_space<hbm>> -> memref<1x128x128xf32, #tpu.memory_space<hbm>>
      %dma_start3A_128 = tpu.memref_squeeze %dma_start3A_127 : memref<1x128x128xf32, #tpu.memory_space<hbm>> -> memref<128x128xf32, #tpu.memory_space<hbm>>
      %dma_start3A_129 = arith.constant 0 : i32
      %dma_start3A_130 = tpu.memref_slice %arg5[%run_scoped3A_118, %mul3A_117, %dma_start3A_129] : memref<5x4096x128xf32, #tpu.memory_space<hbm>> -> memref<1x128x128xf32, #tpu.memory_space<hbm>>
      %dma_start3A_131 = tpu.memref_squeeze %dma_start3A_130 : memref<1x128x128xf32, #tpu.memory_space<hbm>> -> memref<128x128xf32, #tpu.memory_space<hbm>>
      %dma_start3A_132 = arith.constant 384 : i32
      %dma_start3A_133 = arith.constant 0 : i32
      %dma_start3A_134 = tpu.memref_slice %arg7[%dma_start3A_132, %dma_start3A_133] : memref<640x128xf32, #tpu.memory_space<vmem>> -> memref<128x128xf32, #tpu.memory_space<vmem>>
      tpu.enqueue_dma source(%dma_start3A_134 : memref<128x128xf32, #tpu.memory_space<vmem>>) target(%dma_start3A_131 : memref<128x128xf32, #tpu.memory_space<hbm>>) target_semaphore(%run_scoped3A_122 : memref<!tpu.dma_semaphore, #tpu.memory_space<semaphore_mem>>)
      %dma_wait3A_135 = arith.constant 384 : i32
      %dma_wait3A_136 = arith.constant 0 : i32
      %dma_wait3A_137 = tpu.memref_slice %arg7[%dma_wait3A_135, %dma_wait3A_136] : memref<640x128xf32, #tpu.memory_space<vmem>> -> memref<128x128xf32, #tpu.memory_space<vmem>>
      %dma_wait3A_138 = arith.constant 0 : i32
      %dma_wait3A_139 = tpu.memref_slice %arg5[%run_scoped3A_118, %mul3A_117, %dma_wait3A_138] : memref<5x4096x128xf32, #tpu.memory_space<hbm>> -> memref<1x128x128xf32, #tpu.memory_space<hbm>>
      %dma_wait3A_140 = tpu.memref_squeeze %dma_wait3A_139 : memref<1x128x128xf32, #tpu.memory_space<hbm>> -> memref<128x128xf32, #tpu.memory_space<hbm>>
      %dma_wait3A_141 = arith.constant 0 : i32
      %dma_wait3A_142 = tpu.memref_slice %arg5[%run_scoped3A_118, %mul3A_117, %dma_wait3A_141] : memref<5x4096x128xf32, #tpu.memory_space<hbm>> -> memref<1x128x128xf32, #tpu.memory_space<hbm>>
      %dma_wait3A_143 = tpu.memref_squeeze %dma_wait3A_142 : memref<1x128x128xf32, #tpu.memory_space<hbm>> -> memref<128x128xf32, #tpu.memory_space<hbm>>
      %dma_wait3A_144 = arith.constant 384 : i32
      %dma_wait3A_145 = arith.constant 0 : i32
      %dma_wait3A_146 = tpu.memref_slice %arg7[%dma_wait3A_144, %dma_wait3A_145] : memref<640x128xf32, #tpu.memory_space<vmem>> -> memref<128x128xf32, #tpu.memory_space<vmem>>
      tpu.wait_dma2 semaphore(%run_scoped3A_122 : memref<!tpu.dma_semaphore, #tpu.memory_space<semaphore_mem>>) src(%dma_wait3A_146 : memref<128x128xf32, #tpu.memory_space<vmem>>) dst(%dma_wait3A_143 : memref<128x128xf32, #tpu.memory_space<hbm>>)
      tpu.yield
    }) : () -> ()
    %mul3A_119 = arith.constant 128 : i32
    %mul3A_120 = arith.muli %add3A, %mul3A_119 : i32
    %run_scoped3A_121 = arith.constant 4 : i32
    "tpu.region"() ({
      %run_scoped3A_122 = tpu.sem_alloc : memref<!tpu.dma_semaphore, #tpu.memory_space<semaphore_mem>>
      %dma_start3A_123 = arith.constant 512 : i32
      %dma_start3A_124 = arith.constant 0 : i32
      %dma_start3A_125 = tpu.memref_slice %arg7[%dma_start3A_123, %dma_start3A_124] : memref<640x128xf32, #tpu.memory_space<vmem>> -> memref<128x128xf32, #tpu.memory_space<vmem>>
      %dma_start3A_126 = arith.constant 0 : i32
      %dma_start3A_127 = tpu.memref_slice %arg5[%run_scoped3A_121, %mul3A_120, %dma_start3A_126] : memref<5x4096x128xf32, #tpu.memory_space<hbm>> -> memref<1x128x128xf32, #tpu.memory_space<hbm>>
      %dma_start3A_128 = tpu.memref_squeeze %dma_start3A_127 : memref<1x128x128xf32, #tpu.memory_space<hbm>> -> memref<128x128xf32, #tpu.memory_space<hbm>>
      %dma_start3A_129 = arith.constant 0 : i32
      %dma_start3A_130 = tpu.memref_slice %arg5[%run_scoped3A_121, %mul3A_120, %dma_start3A_129] : memref<5x4096x128xf32, #tpu.memory_space<hbm>> -> memref<1x128x128xf32, #tpu.memory_space<hbm>>
      %dma_start3A_131 = tpu.memref_squeeze %dma_start3A_130 : memref<1x128x128xf32, #tpu.memory_space<hbm>> -> memref<128x128xf32, #tpu.memory_space<hbm>>
      %dma_start3A_132 = arith.constant 512 : i32
      %dma_start3A_133 = arith.constant 0 : i32
      %dma_start3A_134 = tpu.memref_slice %arg7[%dma_start3A_132, %dma_start3A_133] : memref<640x128xf32, #tpu.memory_space<vmem>> -> memref<128x128xf32, #tpu.memory_space<vmem>>
      tpu.enqueue_dma source(%dma_start3A_134 : memref<128x128xf32, #tpu.memory_space<vmem>>) target(%dma_start3A_131 : memref<128x128xf32, #tpu.memory_space<hbm>>) target_semaphore(%run_scoped3A_122 : memref<!tpu.dma_semaphore, #tpu.memory_space<semaphore_mem>>)
      %dma_wait3A_135 = arith.constant 512 : i32
      %dma_wait3A_136 = arith.constant 0 : i32
      %dma_wait3A_137 = tpu.memref_slice %arg7[%dma_wait3A_135, %dma_wait3A_136] : memref<640x128xf32, #tpu.memory_space<vmem>> -> memref<128x128xf32, #tpu.memory_space<vmem>>
      %dma_wait3A_138 = arith.constant 0 : i32
      %dma_wait3A_139 = tpu.memref_slice %arg5[%run_scoped3A_121, %mul3A_120, %dma_wait3A_138] : memref<5x4096x128xf32, #tpu.memory_space<hbm>> -> memref<1x128x128xf32, #tpu.memory_space<hbm>>
      %dma_wait3A_140 = tpu.memref_squeeze %dma_wait3A_139 : memref<1x128x128xf32, #tpu.memory_space<hbm>> -> memref<128x128xf32, #tpu.memory_space<hbm>>
      %dma_wait3A_141 = arith.constant 0 : i32
      %dma_wait3A_142 = tpu.memref_slice %arg5[%run_scoped3A_121, %mul3A_120, %dma_wait3A_141] : memref<5x4096x128xf32, #tpu.memory_space<hbm>> -> memref<1x128x128xf32, #tpu.memory_space<hbm>>
      %dma_wait3A_143 = tpu.memref_squeeze %dma_wait3A_142 : memref<1x128x128xf32, #tpu.memory_space<hbm>> -> memref<128x128xf32, #tpu.memory_space<hbm>>
      %dma_wait3A_144 = arith.constant 512 : i32
      %dma_wait3A_145 = arith.constant 0 : i32
      %dma_wait3A_146 = tpu.memref_slice %arg7[%dma_wait3A_144, %dma_wait3A_145] : memref<640x128xf32, #tpu.memory_space<vmem>> -> memref<128x128xf32, #tpu.memory_space<vmem>>
      tpu.wait_dma2 semaphore(%run_scoped3A_122 : memref<!tpu.dma_semaphore, #tpu.memory_space<semaphore_mem>>) src(%dma_wait3A_146 : memref<128x128xf32, #tpu.memory_space<vmem>>) dst(%dma_wait3A_143 : memref<128x128xf32, #tpu.memory_space<hbm>>)
      tpu.yield
    }) : () -> ()
    return
  }
}

module attributes {stable_mosaic.version = 14 : i64} {
  func.func @_knn_body(%arg0: i32, %arg1: memref<256x8xf32, #tpu.memory_space<vmem>>, %arg2: memref<8x4096xf32, #tpu.memory_space<vmem>>, %arg3: memref<8x4096xf32, #tpu.memory_space<vmem>>, %arg4: memref<256x8xf32, #tpu.memory_space<vmem>>, %arg5: memref<256x8xi32, #tpu.memory_space<vmem>>) attributes {dimension_semantics = [#tpu.dimension_semantics<arbitrary>], iteration_bounds = array<i64: 16>, scalar_prefetch = 0 : i64, scratch_operands = 0 : i64, tpu.core_type = #tpu.core_type<tc>, window_params = [{transform_indices = @transform_0, window_bounds = array<i64: 256, 8>}, {pipeline_mode = #tpu.pipeline_mode<synchronous>, transform_indices = @transform_1, window_bounds = array<i64: 8, 4096>}, {pipeline_mode = #tpu.pipeline_mode<synchronous>, transform_indices = @transform_2, window_bounds = array<i64: 8, 4096>}, {transform_indices = @transform_3, window_bounds = array<i64: 256, 8>}, {transform_indices = @transform_4, window_bounds = array<i64: 256, 8>}]} {
    %get3A = arith.constant 0 : index
    %get3A_0 = arith.constant 0 : index
    %get3A_1 = vector.load %arg1[%get3A, %get3A_0] : memref<256x8xf32, #tpu.memory_space<vmem>>, vector<256x8xf32>
    %get3A_2 = arith.constant 0 : index
    %get3A_3 = arith.constant 0 : index
    %get3A_4 = vector.load %arg2[%get3A_2, %get3A_3] : memref<8x4096xf32, #tpu.memory_space<vmem>>, vector<8x4096xf32>
    %dot_general3A = arith.constant dense<0.000000e+00> : vector<256x4096xf32>
    %dot_general3A_5 = tpu.matmul %get3A_1, %get3A_4, %dot_general3A {dimension_numbers = #tpu.dot_dimension_numbers<[1], [0], [0], [1], [0, 0, 1, 1], [], []>, transpose_lhs_hint = false} : vector<256x8xf32>, vector<8x4096xf32>, vector<256x4096xf32> -> vector<256x4096xf32>
    %mul3A = arith.mulf %get3A_1, %get3A_1 : vector<256x8xf32>
    %reduce_sum3A = arith.constant dense<0.000000e+00> : vector<256xf32>
    %reduce_sum3A_6 = vector.multi_reduction <add>, %mul3A, %reduce_sum3A [1] : vector<256x8xf32> to vector<256xf32>
    %broadcast_in_dim3A = vector.shape_cast %reduce_sum3A_6 : vector<256xf32> to vector<256x1xf32>
    %mul3A_7 = arith.mulf %get3A_4, %get3A_4 : vector<8x4096xf32>
    %reduce_sum3A_8 = arith.constant dense<0.000000e+00> : vector<4096xf32>
    %reduce_sum3A_9 = vector.multi_reduction <add>, %mul3A_7, %reduce_sum3A_8 [0] : vector<8x4096xf32> to vector<4096xf32>
    %broadcast_in_dim3A_10 = vector.shape_cast %reduce_sum3A_9 : vector<4096xf32> to vector<1x4096xf32>
    %add3A = vector.broadcast %broadcast_in_dim3A : vector<256x1xf32> to vector<256x4096xf32>
    %add3A_11 = vector.broadcast %broadcast_in_dim3A_10 : vector<1x4096xf32> to vector<256x4096xf32>
    %add3A_12 = arith.addf %add3A, %add3A_11 : vector<256x4096xf32>
    %mul3A_13 = arith.constant 2.000000e+00 : f32
    %mul3A_14 = vector.broadcast %mul3A_13 : f32 to vector<256x4096xf32>
    %mul3A_15 = arith.mulf %mul3A_14, %dot_general3A_5 : vector<256x4096xf32>
    %sub3A = arith.subf %add3A_12, %mul3A_15 : vector<256x4096xf32>
    %get3A_16 = arith.constant 0 : index
    %get3A_17 = arith.constant 0 : index
    %get3A_18 = vector.load %arg4[%get3A_16, %get3A_17] : memref<256x8xf32, #tpu.memory_space<vmem>>, vector<256x1xf32>
    %get3A_19 = arith.constant 0 : index
    %get3A_20 = arith.constant 0 : index
    %get3A_21 = vector.load %arg3[%get3A_19, %get3A_20] : memref<8x4096xf32, #tpu.memory_space<vmem>>, vector<1x4096xf32>
    %ne3A = vector.broadcast %get3A_18 : vector<256x1xf32> to vector<256x4096xf32>
    %ne3A_22 = vector.broadcast %get3A_21 : vector<1x4096xf32> to vector<256x4096xf32>
    %ne3A_23 = arith.cmpf one, %ne3A, %ne3A_22 : vector<256x4096xf32>
    %jit3A = arith.constant 0x7F800000 : f32
    %broadcast_in_dim3A_24 = vector.broadcast %jit3A : f32 to vector<256x4096xf32>
    %select_n3A = arith.select %ne3A_23, %broadcast_in_dim3A_24, %sub3A : vector<256x4096xi1>, vector<256x4096xf32>
    %iota3A = tpu.iota {dimensions = array<i32: 1>} : vector<256x4096xi32>
    %reduce_min3A = arith.constant dense<0x7F800000> : vector<256xf32>
    %reduce_min3A_25 = vector.multi_reduction <minimumf>, %select_n3A, %reduce_min3A [1] : vector<256x4096xf32> to vector<256xf32>
    %broadcast_in_dim3A_26 = vector.shape_cast %reduce_min3A_25 : vector<256xf32> to vector<256x1xf32>
    %eq3A = vector.broadcast %broadcast_in_dim3A_26 : vector<256x1xf32> to vector<256x4096xf32>
    %eq3A_27 = arith.cmpf oeq, %select_n3A, %eq3A : vector<256x4096xf32>
    %jit3A_28 = arith.constant 1073741824 : i32
    %broadcast_in_dim3A_29 = vector.broadcast %jit3A_28 : i32 to vector<256x4096xi32>
    %select_n3A_30 = arith.select %eq3A_27, %iota3A, %broadcast_in_dim3A_29 : vector<256x4096xi1>, vector<256x4096xi32>
    %reduce_min3A_31 = arith.constant dense<2147483647> : vector<256xi32>
    %reduce_min3A_32 = vector.multi_reduction <minsi>, %select_n3A_30, %reduce_min3A_31 [1] : vector<256x4096xi32> to vector<256xi32>
    %broadcast_in_dim3A_33 = vector.shape_cast %reduce_min3A_32 : vector<256xi32> to vector<256x1xi32>
    %broadcast_in_dim3A_34 = vector.shape_cast %reduce_min3A_32 : vector<256xi32> to vector<256x1xi32>
    %eq3A_35 = vector.broadcast %broadcast_in_dim3A_34 : vector<256x1xi32> to vector<256x4096xi32>
    %eq3A_36 = arith.cmpi eq, %iota3A, %eq3A_35 : vector<256x4096xi32>
    %jit3A_37 = arith.constant 0x7F800000 : f32
    %broadcast_in_dim3A_38 = vector.broadcast %jit3A_37 : f32 to vector<256x4096xf32>
    %select_n3A_39 = arith.select %eq3A_36, %broadcast_in_dim3A_38, %select_n3A : vector<256x4096xi1>, vector<256x4096xf32>
    %reduce_min3A_40 = arith.constant dense<0x7F800000> : vector<256xf32>
    %reduce_min3A_41 = vector.multi_reduction <minimumf>, %select_n3A_39, %reduce_min3A_40 [1] : vector<256x4096xf32> to vector<256xf32>
    %broadcast_in_dim3A_42 = vector.shape_cast %reduce_min3A_41 : vector<256xf32> to vector<256x1xf32>
    %eq3A_43 = vector.broadcast %broadcast_in_dim3A_42 : vector<256x1xf32> to vector<256x4096xf32>
    %eq3A_44 = arith.cmpf oeq, %select_n3A_39, %eq3A_43 : vector<256x4096xf32>
    %jit3A_45 = arith.constant 1073741824 : i32
    %broadcast_in_dim3A_46 = vector.broadcast %jit3A_45 : i32 to vector<256x4096xi32>
    %select_n3A_47 = arith.select %eq3A_44, %iota3A, %broadcast_in_dim3A_46 : vector<256x4096xi1>, vector<256x4096xi32>
    %reduce_min3A_48 = arith.constant dense<2147483647> : vector<256xi32>
    %reduce_min3A_49 = vector.multi_reduction <minsi>, %select_n3A_47, %reduce_min3A_48 [1] : vector<256x4096xi32> to vector<256xi32>
    %broadcast_in_dim3A_50 = vector.shape_cast %reduce_min3A_49 : vector<256xi32> to vector<256x1xi32>
    %broadcast_in_dim3A_51 = vector.shape_cast %reduce_min3A_49 : vector<256xi32> to vector<256x1xi32>
    %eq3A_52 = vector.broadcast %broadcast_in_dim3A_51 : vector<256x1xi32> to vector<256x4096xi32>
    %eq3A_53 = arith.cmpi eq, %iota3A, %eq3A_52 : vector<256x4096xi32>
    %jit3A_54 = arith.constant 0x7F800000 : f32
    %broadcast_in_dim3A_55 = vector.broadcast %jit3A_54 : f32 to vector<256x4096xf32>
    %select_n3A_56 = arith.select %eq3A_53, %broadcast_in_dim3A_55, %select_n3A_39 : vector<256x4096xi1>, vector<256x4096xf32>
    %reduce_min3A_57 = arith.constant dense<0x7F800000> : vector<256xf32>
    %reduce_min3A_58 = vector.multi_reduction <minimumf>, %select_n3A_56, %reduce_min3A_57 [1] : vector<256x4096xf32> to vector<256xf32>
    %broadcast_in_dim3A_59 = vector.shape_cast %reduce_min3A_58 : vector<256xf32> to vector<256x1xf32>
    %eq3A_60 = vector.broadcast %broadcast_in_dim3A_59 : vector<256x1xf32> to vector<256x4096xf32>
    %eq3A_61 = arith.cmpf oeq, %select_n3A_56, %eq3A_60 : vector<256x4096xf32>
    %jit3A_62 = arith.constant 1073741824 : i32
    %broadcast_in_dim3A_63 = vector.broadcast %jit3A_62 : i32 to vector<256x4096xi32>
    %select_n3A_64 = arith.select %eq3A_61, %iota3A, %broadcast_in_dim3A_63 : vector<256x4096xi1>, vector<256x4096xi32>
    %reduce_min3A_65 = arith.constant dense<2147483647> : vector<256xi32>
    %reduce_min3A_66 = vector.multi_reduction <minsi>, %select_n3A_64, %reduce_min3A_65 [1] : vector<256x4096xi32> to vector<256xi32>
    %broadcast_in_dim3A_67 = vector.shape_cast %reduce_min3A_66 : vector<256xi32> to vector<256x1xi32>
    %broadcast_in_dim3A_68 = vector.shape_cast %reduce_min3A_66 : vector<256xi32> to vector<256x1xi32>
    %eq3A_69 = vector.broadcast %broadcast_in_dim3A_68 : vector<256x1xi32> to vector<256x4096xi32>
    %eq3A_70 = arith.cmpi eq, %iota3A, %eq3A_69 : vector<256x4096xi32>
    %jit3A_71 = arith.constant 0x7F800000 : f32
    %broadcast_in_dim3A_72 = vector.broadcast %jit3A_71 : f32 to vector<256x4096xf32>
    %select_n3A_73 = arith.select %eq3A_70, %broadcast_in_dim3A_72, %select_n3A_56 : vector<256x4096xi1>, vector<256x4096xf32>
    %reduce_min3A_74 = arith.constant dense<0x7F800000> : vector<256xf32>
    %reduce_min3A_75 = vector.multi_reduction <minimumf>, %select_n3A_73, %reduce_min3A_74 [1] : vector<256x4096xf32> to vector<256xf32>
    %broadcast_in_dim3A_76 = vector.shape_cast %reduce_min3A_75 : vector<256xf32> to vector<256x1xf32>
    %eq3A_77 = vector.broadcast %broadcast_in_dim3A_76 : vector<256x1xf32> to vector<256x4096xf32>
    %eq3A_78 = arith.cmpf oeq, %select_n3A_73, %eq3A_77 : vector<256x4096xf32>
    %jit3A_79 = arith.constant 1073741824 : i32
    %broadcast_in_dim3A_80 = vector.broadcast %jit3A_79 : i32 to vector<256x4096xi32>
    %select_n3A_81 = arith.select %eq3A_78, %iota3A, %broadcast_in_dim3A_80 : vector<256x4096xi1>, vector<256x4096xi32>
    %reduce_min3A_82 = arith.constant dense<2147483647> : vector<256xi32>
    %reduce_min3A_83 = vector.multi_reduction <minsi>, %select_n3A_81, %reduce_min3A_82 [1] : vector<256x4096xi32> to vector<256xi32>
    %broadcast_in_dim3A_84 = vector.shape_cast %reduce_min3A_83 : vector<256xi32> to vector<256x1xi32>
    %broadcast_in_dim3A_85 = vector.shape_cast %reduce_min3A_83 : vector<256xi32> to vector<256x1xi32>
    %eq3A_86 = vector.broadcast %broadcast_in_dim3A_85 : vector<256x1xi32> to vector<256x4096xi32>
    %eq3A_87 = arith.cmpi eq, %iota3A, %eq3A_86 : vector<256x4096xi32>
    %jit3A_88 = arith.constant 0x7F800000 : f32
    %broadcast_in_dim3A_89 = vector.broadcast %jit3A_88 : f32 to vector<256x4096xf32>
    %select_n3A_90 = arith.select %eq3A_87, %broadcast_in_dim3A_89, %select_n3A_73 : vector<256x4096xi1>, vector<256x4096xf32>
    %reduce_min3A_91 = arith.constant dense<0x7F800000> : vector<256xf32>
    %reduce_min3A_92 = vector.multi_reduction <minimumf>, %select_n3A_90, %reduce_min3A_91 [1] : vector<256x4096xf32> to vector<256xf32>
    %broadcast_in_dim3A_93 = vector.shape_cast %reduce_min3A_92 : vector<256xf32> to vector<256x1xf32>
    %eq3A_94 = vector.broadcast %broadcast_in_dim3A_93 : vector<256x1xf32> to vector<256x4096xf32>
    %eq3A_95 = arith.cmpf oeq, %select_n3A_90, %eq3A_94 : vector<256x4096xf32>
    %jit3A_96 = arith.constant 1073741824 : i32
    %broadcast_in_dim3A_97 = vector.broadcast %jit3A_96 : i32 to vector<256x4096xi32>
    %select_n3A_98 = arith.select %eq3A_95, %iota3A, %broadcast_in_dim3A_97 : vector<256x4096xi1>, vector<256x4096xi32>
    %reduce_min3A_99 = arith.constant dense<2147483647> : vector<256xi32>
    %reduce_min3A_100 = vector.multi_reduction <minsi>, %select_n3A_98, %reduce_min3A_99 [1] : vector<256x4096xi32> to vector<256xi32>
    %broadcast_in_dim3A_101 = vector.shape_cast %reduce_min3A_100 : vector<256xi32> to vector<256x1xi32>
    %concatenate3A = tpu.concatenate %broadcast_in_dim3A_33, %broadcast_in_dim3A_50, %broadcast_in_dim3A_67, %broadcast_in_dim3A_84, %broadcast_in_dim3A_101, %broadcast_in_dim3A_33, %broadcast_in_dim3A_33, %broadcast_in_dim3A_33 in 1 : vector<256x1xi32>, vector<256x1xi32>, vector<256x1xi32>, vector<256x1xi32>, vector<256x1xi32>, vector<256x1xi32>, vector<256x1xi32>, vector<256x1xi32> -> vector<256x8xi32>
    %swap3A = arith.constant 0 : index
    %swap3A_102 = arith.constant 0 : index
    %swap3A_103 = vector.load %arg5[%swap3A, %swap3A_102] : memref<256x8xi32, #tpu.memory_space<vmem>>, vector<256x8xi32>
    tpu.vector_store %arg5[%swap3A, %swap3A_102], %concatenate3A {strides = array<i32>} : memref<256x8xi32, #tpu.memory_space<vmem>>, vector<256x8xi32>,
    return
  }
  func.func @transform_0(%arg0: i32) -> (i32, i32) {
    %c0_i32 = arith.constant 0 : i32
    %c0_i32_0 = arith.constant 0 : i32
    return %arg0, %c0_i32 : i32, i32
  }
  func.func @transform_1(%arg0: i32) -> (i32, i32) {
    %c0_i32 = arith.constant 0 : i32
    %c0_i32_0 = arith.constant 0 : i32
    %c0_i32_1 = arith.constant 0 : i32
    return %c0_i32, %c0_i32_0 : i32, i32
  }
  func.func @transform_2(%arg0: i32) -> (i32, i32) {
    %c0_i32 = arith.constant 0 : i32
    %c0_i32_0 = arith.constant 0 : i32
    %c0_i32_1 = arith.constant 0 : i32
    return %c0_i32, %c0_i32_0 : i32, i32
  }
  func.func @transform_3(%arg0: i32) -> (i32, i32) {
    %c0_i32 = arith.constant 0 : i32
    %c0_i32_0 = arith.constant 0 : i32
    return %arg0, %c0_i32 : i32, i32
  }
  func.func @transform_4(%arg0: i32) -> (i32, i32) {
    %c0_i32 = arith.constant 0 : i32
    %c0_i32_0 = arith.constant 0 : i32
    return %arg0, %c0_i32 : i32, i32
  }
}

module attributes {stable_mosaic.version = 14 : i64} {
  func.func @_mlp_body(%arg0: i32, %arg1: memref<2048x128xf32, #tpu.memory_space<vmem>>, %arg2: memref<8x128xf32, #tpu.memory_space<vmem>>, %arg3: memref<8x128xf32, #tpu.memory_space<vmem>>, %arg4: memref<8x128xf32, #tpu.memory_space<vmem>>, %arg5: memref<128x64xf32, #tpu.memory_space<vmem>>, %arg6: memref<8x64xf32, #tpu.memory_space<vmem>>, %arg7: memref<2048x64xf32, #tpu.memory_space<vmem>>, %arg8: memref<8x64xf32, #tpu.memory_space<vmem>>) attributes {dimension_semantics = [#tpu.dimension_semantics<arbitrary>], iteration_bounds = array<i64: 10>, scalar_prefetch = 0 : i64, scratch_operands = 0 : i64, tpu.core_type = #tpu.core_type<tc>, window_params = [{transform_indices = @transform_0, window_bounds = array<i64: 2048, 128>}, {pipeline_mode = #tpu.pipeline_mode<synchronous>, transform_indices = @transform_1, window_bounds = array<i64: 8, 128>}, {pipeline_mode = #tpu.pipeline_mode<synchronous>, transform_indices = @transform_2, window_bounds = array<i64: 8, 128>}, {pipeline_mode = #tpu.pipeline_mode<synchronous>, transform_indices = @transform_3, window_bounds = array<i64: 8, 128>}, {pipeline_mode = #tpu.pipeline_mode<synchronous>, transform_indices = @transform_4, window_bounds = array<i64: 128, 64>}, {pipeline_mode = #tpu.pipeline_mode<synchronous>, transform_indices = @transform_5, window_bounds = array<i64: 8, 64>}, {transform_indices = @transform_6, window_bounds = array<i64: 2048, 64>}, {pipeline_mode = #tpu.pipeline_mode<synchronous>, transform_indices = @transform_7, window_bounds = array<i64: 8, 64>}]} {
    %get3A = arith.constant 0 : index
    %get3A_0 = arith.constant 0 : index
    %get3A_1 = vector.load %arg1[%get3A, %get3A_0] : memref<2048x128xf32, #tpu.memory_space<vmem>>, vector<2048x128xf32>
    %get3A_2 = arith.constant 0 : index
    %get3A_3 = arith.constant 0 : index
    %get3A_4 = vector.load %arg5[%get3A_2, %get3A_3] : memref<128x64xf32, #tpu.memory_space<vmem>>, vector<128x64xf32>
    %dot_general3A = arith.constant dense<0.000000e+00> : vector<2048x64xf32>
    %dot_general3A_5 = tpu.matmul %get3A_1, %get3A_4, %dot_general3A {dimension_numbers = #tpu.dot_dimension_numbers<[1], [0], [0], [1], [0, 0, 1, 1], [], []>, transpose_lhs_hint = false} : vector<2048x128xf32>, vector<128x64xf32>, vector<2048x64xf32> -> vector<2048x64xf32>
    %get3A_6 = arith.constant 0 : index
    %get3A_7 = arith.constant 0 : index
    %get3A_8 = vector.load %arg6[%get3A_6, %get3A_7] : memref<8x64xf32, #tpu.memory_space<vmem>>, vector<1x64xf32>
    %add3A = vector.broadcast %get3A_8 : vector<1x64xf32> to vector<2048x64xf32>
    %add3A_9 = arith.addf %dot_general3A_5, %add3A : vector<2048x64xf32>
    %max3A = arith.constant 0.000000e+00 : f32
    %max3A_10 = vector.broadcast %max3A : f32 to vector<2048x64xf32>
    %max3A_11 = arith.maximumf %add3A_9, %max3A_10 : vector<2048x64xf32>
    %swap3A = arith.constant 0 : index
    %swap3A_12 = arith.constant 0 : index
    %swap3A_13 = vector.load %arg7[%swap3A, %swap3A_12] : memref<2048x64xf32, #tpu.memory_space<vmem>>, vector<2048x64xf32>
    tpu.vector_store %arg7[%swap3A, %swap3A_12], %max3A_11 {strides = array<i32>} : memref<2048x64xf32, #tpu.memory_space<vmem>>, vector<2048x64xf32>,
    %broadcast_in_dim3A = arith.constant 0.000000e+00 : f32
    %broadcast_in_dim3A_14 = vector.broadcast %broadcast_in_dim3A : f32 to vector<6x64xf32>
    %reduce_sum3A = arith.constant dense<0.000000e+00> : vector<64xf32>
    %reduce_sum3A_15 = vector.multi_reduction <add>, %max3A_11, %reduce_sum3A [0] : vector<2048x64xf32> to vector<64xf32>
    %broadcast_in_dim3A_16 = vector.shape_cast %reduce_sum3A_15 : vector<64xf32> to vector<1x64xf32>
    %mul3A = arith.mulf %max3A_11, %max3A_11 : vector<2048x64xf32>
    %reduce_sum3A_17 = arith.constant dense<0.000000e+00> : vector<64xf32>
    %reduce_sum3A_18 = vector.multi_reduction <add>, %mul3A, %reduce_sum3A_17 [0] : vector<2048x64xf32> to vector<64xf32>
    %broadcast_in_dim3A_19 = vector.shape_cast %reduce_sum3A_18 : vector<64xf32> to vector<1x64xf32>
    %concatenate3A = tpu.concatenate %broadcast_in_dim3A_16, %broadcast_in_dim3A_19, %broadcast_in_dim3A_14 in 0 : vector<1x64xf32>, vector<1x64xf32>, vector<6x64xf32> -> vector<8x64xf32>
    %eq3A = arith.constant 0 : i32
    %eq3A_20 = arith.cmpi eq, %arg0, %eq3A : i32
    %convert_element_type3A = arith.extui %eq3A_20 : i1 to i32
    %cond3A = arith.constant 0 : i32
    %cond3A_21 = arith.cmpi ne, %convert_element_type3A, %cond3A : i32
    scf.if %cond3A_21 {
      %swap3A_26 = arith.constant 0 : index
      %swap3A_27 = arith.constant 0 : index
      %swap3A_28 = vector.load %arg8[%swap3A_26, %swap3A_27] : memref<8x64xf32, #tpu.memory_space<vmem>>, vector<8x64xf32>
      tpu.vector_store %arg8[%swap3A_26, %swap3A_27], %concatenate3A {strides = array<i32>} : memref<8x64xf32, #tpu.memory_space<vmem>>, vector<8x64xf32>,
    } else {
    }
    %ne3A = arith.constant 0 : i32
    %ne3A_22 = arith.cmpi ne, %arg0, %ne3A : i32
    %convert_element_type3A_23 = arith.extui %ne3A_22 : i1 to i32
    %cond3A_24 = arith.constant 0 : i32
    %cond3A_25 = arith.cmpi ne, %convert_element_type3A_23, %cond3A_24 : i32
    scf.if %cond3A_25 {
      %get3A_26 = arith.constant 0 : index
      %get3A_27 = arith.constant 0 : index
      %get3A_28 = vector.load %arg8[%get3A_26, %get3A_27] : memref<8x64xf32, #tpu.memory_space<vmem>>, vector<8x64xf32>
      %add3A_29 = arith.addf %get3A_28, %concatenate3A : vector<8x64xf32>
      %swap3A_30 = arith.constant 0 : index
      %swap3A_31 = arith.constant 0 : index
      %swap3A_32 = vector.load %arg8[%swap3A_30, %swap3A_31] : memref<8x64xf32, #tpu.memory_space<vmem>>, vector<8x64xf32>
      tpu.vector_store %arg8[%swap3A_30, %swap3A_31], %add3A_29 {strides = array<i32>} : memref<8x64xf32, #tpu.memory_space<vmem>>, vector<8x64xf32>,
    } else {
    }
    return
  }
  func.func @transform_0(%arg0: i32) -> (i32, i32) {
    %c0_i32 = arith.constant 0 : i32
    %c0_i32_0 = arith.constant 0 : i32
    return %arg0, %c0_i32 : i32, i32
  }
  func.func @transform_1(%arg0: i32) -> (i32, i32) {
    %c0_i32 = arith.constant 0 : i32
    %c0_i32_0 = arith.constant 0 : i32
    %c0_i32_1 = arith.constant 0 : i32
    return %c0_i32, %c0_i32_0 : i32, i32
  }
  func.func @transform_2(%arg0: i32) -> (i32, i32) {
    %c0_i32 = arith.constant 0 : i32
    %c0_i32_0 = arith.constant 0 : i32
    %c0_i32_1 = arith.constant 0 : i32
    return %c0_i32, %c0_i32_0 : i32, i32
  }
  func.func @transform_3(%arg0: i32) -> (i32, i32) {
    %c0_i32 = arith.constant 0 : i32
    %c0_i32_0 = arith.constant 0 : i32
    %c0_i32_1 = arith.constant 0 : i32
    return %c0_i32, %c0_i32_0 : i32, i32
  }
  func.func @transform_4(%arg0: i32) -> (i32, i32) {
    %c0_i32 = arith.constant 0 : i32
    %c0_i32_0 = arith.constant 0 : i32
    %c0_i32_1 = arith.constant 0 : i32
    return %c0_i32, %c0_i32_0 : i32, i32
  }
  func.func @transform_5(%arg0: i32) -> (i32, i32) {
    %c0_i32 = arith.constant 0 : i32
    %c0_i32_0 = arith.constant 0 : i32
    %c0_i32_1 = arith.constant 0 : i32
    return %c0_i32, %c0_i32_0 : i32, i32
  }
  func.func @transform_6(%arg0: i32) -> (i32, i32) {
    %c0_i32 = arith.constant 0 : i32
    %c0_i32_0 = arith.constant 0 : i32
    return %arg0, %c0_i32 : i32, i32
  }
  func.func @transform_7(%arg0: i32) -> (i32, i32) {
    %c0_i32 = arith.constant 0 : i32
    %c0_i32_0 = arith.constant 0 : i32
    %c0_i32_1 = arith.constant 0 : i32
    return %c0_i32, %c0_i32_0 : i32, i32
  }
}

module attributes {stable_mosaic.version = 14 : i64} {
  func.func @_m2_body(%arg0: i32, %arg1: memref<2048x64xf32, #tpu.memory_space<vmem>>, %arg2: memref<8x64xf32, #tpu.memory_space<vmem>>, %arg3: memref<8x64xf32, #tpu.memory_space<vmem>>) attributes {dimension_semantics = [#tpu.dimension_semantics<arbitrary>], iteration_bounds = array<i64: 10>, scalar_prefetch = 0 : i64, scratch_operands = 0 : i64, tpu.core_type = #tpu.core_type<tc>, window_params = [{transform_indices = @transform_0, window_bounds = array<i64: 2048, 64>}, {pipeline_mode = #tpu.pipeline_mode<synchronous>, transform_indices = @transform_1, window_bounds = array<i64: 8, 64>}, {pipeline_mode = #tpu.pipeline_mode<synchronous>, transform_indices = @transform_2, window_bounds = array<i64: 8, 64>}]} {
    %get3A = arith.constant 0 : index
    %get3A_0 = arith.constant 0 : index
    %get3A_1 = vector.load %arg1[%get3A, %get3A_0] : memref<2048x64xf32, #tpu.memory_space<vmem>>, vector<2048x64xf32>
    %get3A_2 = arith.constant 0 : index
    %get3A_3 = arith.constant 0 : index
    %get3A_4 = vector.load %arg2[%get3A_2, %get3A_3] : memref<8x64xf32, #tpu.memory_space<vmem>>, vector<1x64xf32>
    %div3A = arith.constant 2.048000e+04 : f32
    %div3A_5 = vector.broadcast %div3A : f32 to vector<1x64xf32>
    %div3A_6 = arith.divf %get3A_4, %div3A_5 : vector<1x64xf32>
    %sub3A = vector.broadcast %div3A_6 : vector<1x64xf32> to vector<2048x64xf32>
    %sub3A_7 = arith.subf %get3A_1, %sub3A : vector<2048x64xf32>
    %broadcast_in_dim3A = arith.constant 0.000000e+00 : f32
    %broadcast_in_dim3A_8 = vector.broadcast %broadcast_in_dim3A : f32 to vector<1x64xf32>
    %mul3A = arith.mulf %sub3A_7, %sub3A_7 : vector<2048x64xf32>
    %reduce_sum3A = arith.constant dense<0.000000e+00> : vector<64xf32>
    %reduce_sum3A_9 = vector.multi_reduction <add>, %mul3A, %reduce_sum3A [0] : vector<2048x64xf32> to vector<64xf32>
    %broadcast_in_dim3A_10 = vector.shape_cast %reduce_sum3A_9 : vector<64xf32> to vector<1x64xf32>
    %broadcast_in_dim3A_11 = arith.constant 0.000000e+00 : f32
    %broadcast_in_dim3A_12 = vector.broadcast %broadcast_in_dim3A_11 : f32 to vector<6x64xf32>
    %concatenate3A = tpu.concatenate %broadcast_in_dim3A_8, %broadcast_in_dim3A_10, %broadcast_in_dim3A_12 in 0 : vector<1x64xf32>, vector<1x64xf32>, vector<6x64xf32> -> vector<8x64xf32>
    %eq3A = arith.constant 0 : i32
    %eq3A_13 = arith.cmpi eq, %arg0, %eq3A : i32
    %convert_element_type3A = arith.extui %eq3A_13 : i1 to i32
    %cond3A = arith.constant 0 : i32
    %cond3A_14 = arith.cmpi ne, %convert_element_type3A, %cond3A : i32
    scf.if %cond3A_14 {
      %swap3A = arith.constant 0 : index
      %swap3A_19 = arith.constant 0 : index
      %swap3A_20 = vector.load %arg3[%swap3A, %swap3A_19] : memref<8x64xf32, #tpu.memory_space<vmem>>, vector<8x64xf32>
      tpu.vector_store %arg3[%swap3A, %swap3A_19], %concatenate3A {strides = array<i32>} : memref<8x64xf32, #tpu.memory_space<vmem>>, vector<8x64xf32>,
    } else {
    }
    %ne3A = arith.constant 0 : i32
    %ne3A_15 = arith.cmpi ne, %arg0, %ne3A : i32
    %convert_element_type3A_16 = arith.extui %ne3A_15 : i1 to i32
    %cond3A_17 = arith.constant 0 : i32
    %cond3A_18 = arith.cmpi ne, %convert_element_type3A_16, %cond3A_17 : i32
    scf.if %cond3A_18 {
      %get3A_19 = arith.constant 0 : index
      %get3A_20 = arith.constant 0 : index
      %get3A_21 = vector.load %arg3[%get3A_19, %get3A_20] : memref<8x64xf32, #tpu.memory_space<vmem>>, vector<8x64xf32>
      %add3A = arith.addf %get3A_21, %concatenate3A : vector<8x64xf32>
      %swap3A = arith.constant 0 : index
      %swap3A_22 = arith.constant 0 : index
      %swap3A_23 = vector.load %arg3[%swap3A, %swap3A_22] : memref<8x64xf32, #tpu.memory_space<vmem>>, vector<8x64xf32>
      tpu.vector_store %arg3[%swap3A, %swap3A_22], %add3A {strides = array<i32>} : memref<8x64xf32, #tpu.memory_space<vmem>>, vector<8x64xf32>,
    } else {
    }
    return
  }
  func.func @transform_0(%arg0: i32) -> (i32, i32) {
    %c0_i32 = arith.constant 0 : i32
    %c0_i32_0 = arith.constant 0 : i32
    return %arg0, %c0_i32 : i32, i32
  }
  func.func @transform_1(%arg0: i32) -> (i32, i32) {
    %c0_i32 = arith.constant 0 : i32
    %c0_i32_0 = arith.constant 0 : i32
    %c0_i32_1 = arith.constant 0 : i32
    return %c0_i32, %c0_i32_0 : i32, i32
  }
  func.func @transform_2(%arg0: i32) -> (i32, i32) {
    %c0_i32 = arith.constant 0 : i32
    %c0_i32_0 = arith.constant 0 : i32
    %c0_i32_1 = arith.constant 0 : i32
    return %c0_i32, %c0_i32_0 : i32, i32
  }
}

module attributes {stable_mosaic.version = 14 : i64} {
  func.func @_mlp_body(%arg0: i32, %arg1: memref<2048x64xf32, #tpu.memory_space<vmem>>, %arg2: memref<8x64xf32, #tpu.memory_space<vmem>>, %arg3: memref<8x64xf32, #tpu.memory_space<vmem>>, %arg4: memref<8x64xf32, #tpu.memory_space<vmem>>, %arg5: memref<64x64xf32, #tpu.memory_space<vmem>>, %arg6: memref<8x64xf32, #tpu.memory_space<vmem>>, %arg7: memref<2048x64xf32, #tpu.memory_space<vmem>>, %arg8: memref<8x64xf32, #tpu.memory_space<vmem>>) attributes {dimension_semantics = [#tpu.dimension_semantics<arbitrary>], iteration_bounds = array<i64: 10>, scalar_prefetch = 0 : i64, scratch_operands = 0 : i64, tpu.core_type = #tpu.core_type<tc>, window_params = [{transform_indices = @transform_0, window_bounds = array<i64: 2048, 64>}, {pipeline_mode = #tpu.pipeline_mode<synchronous>, transform_indices = @transform_1, window_bounds = array<i64: 8, 64>}, {pipeline_mode = #tpu.pipeline_mode<synchronous>, transform_indices = @transform_2, window_bounds = array<i64: 8, 64>}, {pipeline_mode = #tpu.pipeline_mode<synchronous>, transform_indices = @transform_3, window_bounds = array<i64: 8, 64>}, {pipeline_mode = #tpu.pipeline_mode<synchronous>, transform_indices = @transform_4, window_bounds = array<i64: 64, 64>}, {pipeline_mode = #tpu.pipeline_mode<synchronous>, transform_indices = @transform_5, window_bounds = array<i64: 8, 64>}, {transform_indices = @transform_6, window_bounds = array<i64: 2048, 64>}, {pipeline_mode = #tpu.pipeline_mode<synchronous>, transform_indices = @transform_7, window_bounds = array<i64: 8, 64>}]} {
    %get3A = arith.constant 0 : index
    %get3A_0 = arith.constant 0 : index
    %get3A_1 = vector.load %arg1[%get3A, %get3A_0] : memref<2048x64xf32, #tpu.memory_space<vmem>>, vector<2048x64xf32>
    %get3A_2 = arith.constant 0 : index
    %get3A_3 = arith.constant 0 : index
    %get3A_4 = vector.load %arg2[%get3A_2, %get3A_3] : memref<8x64xf32, #tpu.memory_space<vmem>>, vector<1x64xf32>
    %div3A = arith.constant 2.048000e+04 : f32
    %div3A_5 = vector.broadcast %div3A : f32 to vector<1x64xf32>
    %div3A_6 = arith.divf %get3A_4, %div3A_5 : vector<1x64xf32>
    %get3A_7 = arith.constant 1 : index
    %get3A_8 = arith.constant 0 : index
    %get3A_9 = vector.load %arg3[%get3A_7, %get3A_8] : memref<8x64xf32, #tpu.memory_space<vmem>>, vector<1x64xf32>
    %div3A_10 = arith.constant 2.048000e+04 : f32
    %div3A_11 = vector.broadcast %div3A_10 : f32 to vector<1x64xf32>
    %div3A_12 = arith.divf %get3A_9, %div3A_11 : vector<1x64xf32>
    %add3A = arith.constant 9.99999974E-6 : f32
    %add3A_13 = vector.broadcast %add3A : f32 to vector<1x64xf32>
    %add3A_14 = arith.addf %div3A_12, %add3A_13 : vector<1x64xf32>
    %sqrt3A = math.sqrt %add3A_14 : vector<1x64xf32>
    %get3A_15 = arith.constant 0 : index
    %get3A_16 = arith.constant 0 : index
    %get3A_17 = vector.load %arg4[%get3A_15, %get3A_16] : memref<8x64xf32, #tpu.memory_space<vmem>>, vector<1x64xf32>
    %sub3A = vector.broadcast %div3A_6 : vector<1x64xf32> to vector<2048x64xf32>
    %sub3A_18 = arith.subf %get3A_1, %sub3A : vector<2048x64xf32>
    %mul3A = vector.broadcast %get3A_17 : vector<1x64xf32> to vector<2048x64xf32>
    %mul3A_19 = arith.mulf %mul3A, %sub3A_18 : vector<2048x64xf32>
    %div3A_20 = vector.broadcast %sqrt3A : vector<1x64xf32> to vector<2048x64xf32>
    %div3A_21 = arith.divf %mul3A_19, %div3A_20 : vector<2048x64xf32>
    %get3A_22 = arith.constant 1 : index
    %get3A_23 = arith.constant 0 : index
    %get3A_24 = vector.load %arg4[%get3A_22, %get3A_23] : memref<8x64xf32, #tpu.memory_space<vmem>>, vector<1x64xf32>
    %add3A_25 = vector.broadcast %get3A_24 : vector<1x64xf32> to vector<2048x64xf32>
    %add3A_26 = arith.addf %div3A_21, %add3A_25 : vector<2048x64xf32>
    %get3A_27 = arith.constant 0 : index
    %get3A_28 = arith.constant 0 : index
    %get3A_29 = vector.load %arg5[%get3A_27, %get3A_28] : memref<64x64xf32, #tpu.memory_space<vmem>>, vector<64x64xf32>
    %dot_general3A = arith.constant dense<0.000000e+00> : vector<2048x64xf32>
    %dot_general3A_30 = tpu.matmul %add3A_26, %get3A_29, %dot_general3A {dimension_numbers = #tpu.dot_dimension_numbers<[1], [0], [0], [1], [0, 0, 1, 1], [], []>, transpose_lhs_hint = false} : vector<2048x64xf32>, vector<64x64xf32>, vector<2048x64xf32> -> vector<2048x64xf32>
    %get3A_31 = arith.constant 0 : index
    %get3A_32 = arith.constant 0 : index
    %get3A_33 = vector.load %arg6[%get3A_31, %get3A_32] : memref<8x64xf32, #tpu.memory_space<vmem>>, vector<1x64xf32>
    %add3A_34 = vector.broadcast %get3A_33 : vector<1x64xf32> to vector<2048x64xf32>
    %add3A_35 = arith.addf %dot_general3A_30, %add3A_34 : vector<2048x64xf32>
    %max3A = arith.constant 0.000000e+00 : f32
    %max3A_36 = vector.broadcast %max3A : f32 to vector<2048x64xf32>
    %max3A_37 = arith.maximumf %add3A_35, %max3A_36 : vector<2048x64xf32>
    %swap3A = arith.constant 0 : index
    %swap3A_38 = arith.constant 0 : index
    %swap3A_39 = vector.load %arg7[%swap3A, %swap3A_38] : memref<2048x64xf32, #tpu.memory_space<vmem>>, vector<2048x64xf32>
    tpu.vector_store %arg7[%swap3A, %swap3A_38], %max3A_37 {strides = array<i32>} : memref<2048x64xf32, #tpu.memory_space<vmem>>, vector<2048x64xf32>,
    %broadcast_in_dim3A = arith.constant 0.000000e+00 : f32
    %broadcast_in_dim3A_40 = vector.broadcast %broadcast_in_dim3A : f32 to vector<6x64xf32>
    %reduce_sum3A = arith.constant dense<0.000000e+00> : vector<64xf32>
    %reduce_sum3A_41 = vector.multi_reduction <add>, %max3A_37, %reduce_sum3A [0] : vector<2048x64xf32> to vector<64xf32>
    %broadcast_in_dim3A_42 = vector.shape_cast %reduce_sum3A_41 : vector<64xf32> to vector<1x64xf32>
    %mul3A_43 = arith.mulf %max3A_37, %max3A_37 : vector<2048x64xf32>
    %reduce_sum3A_44 = arith.constant dense<0.000000e+00> : vector<64xf32>
    %reduce_sum3A_45 = vector.multi_reduction <add>, %mul3A_43, %reduce_sum3A_44 [0] : vector<2048x64xf32> to vector<64xf32>
    %broadcast_in_dim3A_46 = vector.shape_cast %reduce_sum3A_45 : vector<64xf32> to vector<1x64xf32>
    %concatenate3A = tpu.concatenate %broadcast_in_dim3A_42, %broadcast_in_dim3A_46, %broadcast_in_dim3A_40 in 0 : vector<1x64xf32>, vector<1x64xf32>, vector<6x64xf32> -> vector<8x64xf32>
    %eq3A = arith.constant 0 : i32
    %eq3A_47 = arith.cmpi eq, %arg0, %eq3A : i32
    %convert_element_type3A = arith.extui %eq3A_47 : i1 to i32
    %cond3A = arith.constant 0 : i32
    %cond3A_48 = arith.cmpi ne, %convert_element_type3A, %cond3A : i32
    scf.if %cond3A_48 {
      %swap3A_53 = arith.constant 0 : index
      %swap3A_54 = arith.constant 0 : index
      %swap3A_55 = vector.load %arg8[%swap3A_53, %swap3A_54] : memref<8x64xf32, #tpu.memory_space<vmem>>, vector<8x64xf32>
      tpu.vector_store %arg8[%swap3A_53, %swap3A_54], %concatenate3A {strides = array<i32>} : memref<8x64xf32, #tpu.memory_space<vmem>>, vector<8x64xf32>,
    } else {
    }
    %ne3A = arith.constant 0 : i32
    %ne3A_49 = arith.cmpi ne, %arg0, %ne3A : i32
    %convert_element_type3A_50 = arith.extui %ne3A_49 : i1 to i32
    %cond3A_51 = arith.constant 0 : i32
    %cond3A_52 = arith.cmpi ne, %convert_element_type3A_50, %cond3A_51 : i32
    scf.if %cond3A_52 {
      %get3A_53 = arith.constant 0 : index
      %get3A_54 = arith.constant 0 : index
      %get3A_55 = vector.load %arg8[%get3A_53, %get3A_54] : memref<8x64xf32, #tpu.memory_space<vmem>>, vector<8x64xf32>
      %add3A_56 = arith.addf %get3A_55, %concatenate3A : vector<8x64xf32>
      %swap3A_57 = arith.constant 0 : index
      %swap3A_58 = arith.constant 0 : index
      %swap3A_59 = vector.load %arg8[%swap3A_57, %swap3A_58] : memref<8x64xf32, #tpu.memory_space<vmem>>, vector<8x64xf32>
      tpu.vector_store %arg8[%swap3A_57, %swap3A_58], %add3A_56 {strides = array<i32>} : memref<8x64xf32, #tpu.memory_space<vmem>>, vector<8x64xf32>,
    } else {
    }
    return
  }
  func.func @transform_0(%arg0: i32) -> (i32, i32) {
    %c0_i32 = arith.constant 0 : i32
    %c0_i32_0 = arith.constant 0 : i32
    return %arg0, %c0_i32 : i32, i32
  }
  func.func @transform_1(%arg0: i32) -> (i32, i32) {
    %c0_i32 = arith.constant 0 : i32
    %c0_i32_0 = arith.constant 0 : i32
    %c0_i32_1 = arith.constant 0 : i32
    return %c0_i32, %c0_i32_0 : i32, i32
  }
  func.func @transform_2(%arg0: i32) -> (i32, i32) {
    %c0_i32 = arith.constant 0 : i32
    %c0_i32_0 = arith.constant 0 : i32
    %c0_i32_1 = arith.constant 0 : i32
    return %c0_i32, %c0_i32_0 : i32, i32
  }
  func.func @transform_3(%arg0: i32) -> (i32, i32) {
    %c0_i32 = arith.constant 0 : i32
    %c0_i32_0 = arith.constant 0 : i32
    %c0_i32_1 = arith.constant 0 : i32
    return %c0_i32, %c0_i32_0 : i32, i32
  }
  func.func @transform_4(%arg0: i32) -> (i32, i32) {
    %c0_i32 = arith.constant 0 : i32
    %c0_i32_0 = arith.constant 0 : i32
    %c0_i32_1 = arith.constant 0 : i32
    return %c0_i32, %c0_i32_0 : i32, i32
  }
  func.func @transform_5(%arg0: i32) -> (i32, i32) {
    %c0_i32 = arith.constant 0 : i32
    %c0_i32_0 = arith.constant 0 : i32
    %c0_i32_1 = arith.constant 0 : i32
    return %c0_i32, %c0_i32_0 : i32, i32
  }
  func.func @transform_6(%arg0: i32) -> (i32, i32) {
    %c0_i32 = arith.constant 0 : i32
    %c0_i32_0 = arith.constant 0 : i32
    return %arg0, %c0_i32 : i32, i32
  }
  func.func @transform_7(%arg0: i32) -> (i32, i32) {
    %c0_i32 = arith.constant 0 : i32
    %c0_i32_0 = arith.constant 0 : i32
    %c0_i32_1 = arith.constant 0 : i32
    return %c0_i32, %c0_i32_0 : i32, i32
  }
}

module attributes {stable_mosaic.version = 14 : i64} {
  func.func @_maxagg_body(%arg0: i32, %arg1: memref<5x256x64xf32, #tpu.memory_space<vmem>>, %arg2: memref<8x64xf32, #tpu.memory_space<vmem>>, %arg3: memref<8x64xf32, #tpu.memory_space<vmem>>, %arg4: memref<8x64xf32, #tpu.memory_space<vmem>>, %arg5: memref<256x64xf32, #tpu.memory_space<vmem>>) attributes {dimension_semantics = [#tpu.dimension_semantics<arbitrary>], iteration_bounds = array<i64: 16>, scalar_prefetch = 0 : i64, scratch_operands = 0 : i64, tpu.core_type = #tpu.core_type<tc>, window_params = [{transform_indices = @transform_0, window_bounds = array<i64: 5, 256, 64>}, {pipeline_mode = #tpu.pipeline_mode<synchronous>, transform_indices = @transform_1, window_bounds = array<i64: 8, 64>}, {pipeline_mode = #tpu.pipeline_mode<synchronous>, transform_indices = @transform_2, window_bounds = array<i64: 8, 64>}, {pipeline_mode = #tpu.pipeline_mode<synchronous>, transform_indices = @transform_3, window_bounds = array<i64: 8, 64>}, {transform_indices = @transform_4, window_bounds = array<i64: 256, 64>}]} {
    %get3A = arith.constant 0 : index
    %get3A_0 = arith.constant 0 : index
    %get3A_1 = arith.constant 0 : index
    %get3A_2 = vector.load %arg1[%get3A, %get3A_0, %get3A_1] : memref<5x256x64xf32, #tpu.memory_space<vmem>>, vector<5x256x64xf32>
    %get3A_3 = arith.constant 0 : index
    %get3A_4 = arith.constant 0 : index
    %get3A_5 = vector.load %arg2[%get3A_3, %get3A_4] : memref<8x64xf32, #tpu.memory_space<vmem>>, vector<1x64xf32>
    %div3A = arith.constant 2.048000e+04 : f32
    %div3A_6 = vector.broadcast %div3A : f32 to vector<1x64xf32>
    %div3A_7 = arith.divf %get3A_5, %div3A_6 : vector<1x64xf32>
    %get3A_8 = arith.constant 1 : index
    %get3A_9 = arith.constant 0 : index
    %get3A_10 = vector.load %arg3[%get3A_8, %get3A_9] : memref<8x64xf32, #tpu.memory_space<vmem>>, vector<1x64xf32>
    %div3A_11 = arith.constant 2.048000e+04 : f32
    %div3A_12 = vector.broadcast %div3A_11 : f32 to vector<1x64xf32>
    %div3A_13 = arith.divf %get3A_10, %div3A_12 : vector<1x64xf32>
    %add3A = arith.constant 9.99999974E-6 : f32
    %add3A_14 = vector.broadcast %add3A : f32 to vector<1x64xf32>
    %add3A_15 = arith.addf %div3A_13, %add3A_14 : vector<1x64xf32>
    %sqrt3A = math.sqrt %add3A_15 : vector<1x64xf32>
    %get3A_16 = arith.constant 0 : index
    %get3A_17 = arith.constant 0 : index
    %get3A_18 = vector.load %arg4[%get3A_16, %get3A_17] : memref<8x64xf32, #tpu.memory_space<vmem>>, vector<1x64xf32>
    %broadcast_in_dim3A = vector.shape_cast %get3A_18 : vector<1x64xf32> to vector<1x1x64xf32>
    %broadcast_in_dim3A_19 = vector.shape_cast %div3A_7 : vector<1x64xf32> to vector<1x1x64xf32>
    %sub3A = vector.broadcast %broadcast_in_dim3A_19 : vector<1x1x64xf32> to vector<5x256x64xf32>
    %sub3A_20 = arith.subf %get3A_2, %sub3A : vector<5x256x64xf32>
    %mul3A = vector.broadcast %broadcast_in_dim3A : vector<1x1x64xf32> to vector<5x256x64xf32>
    %mul3A_21 = arith.mulf %mul3A, %sub3A_20 : vector<5x256x64xf32>
    %broadcast_in_dim3A_22 = vector.shape_cast %sqrt3A : vector<1x64xf32> to vector<1x1x64xf32>
    %div3A_23 = vector.broadcast %broadcast_in_dim3A_22 : vector<1x1x64xf32> to vector<5x256x64xf32>
    %div3A_24 = arith.divf %mul3A_21, %div3A_23 : vector<5x256x64xf32>
    %get3A_25 = arith.constant 1 : index
    %get3A_26 = arith.constant 0 : index
    %get3A_27 = vector.load %arg4[%get3A_25, %get3A_26] : memref<8x64xf32, #tpu.memory_space<vmem>>, vector<1x64xf32>
    %broadcast_in_dim3A_28 = vector.shape_cast %get3A_27 : vector<1x64xf32> to vector<1x1x64xf32>
    %add3A_29 = vector.broadcast %broadcast_in_dim3A_28 : vector<1x1x64xf32> to vector<5x256x64xf32>
    %add3A_30 = arith.addf %div3A_24, %add3A_29 : vector<5x256x64xf32>
    %reduce_max3A = arith.constant dense<0xFF800000> : vector<256x64xf32>
    %reduce_max3A_31 = vector.multi_reduction <maximumf>, %add3A_30, %reduce_max3A [0] : vector<5x256x64xf32> to vector<256x64xf32>
    %swap3A = arith.constant 0 : index
    %swap3A_32 = arith.constant 0 : index
    %swap3A_33 = vector.load %arg5[%swap3A, %swap3A_32] : memref<256x64xf32, #tpu.memory_space<vmem>>, vector<256x64xf32>
    tpu.vector_store %arg5[%swap3A, %swap3A_32], %reduce_max3A_31 {strides = array<i32>} : memref<256x64xf32, #tpu.memory_space<vmem>>, vector<256x64xf32>,
    return
  }
  func.func @transform_0(%arg0: i32) -> (i32, i32, i32) {
    %c0_i32 = arith.constant 0 : i32
    %c0_i32_0 = arith.constant 0 : i32
    %c0_i32_1 = arith.constant 0 : i32
    return %c0_i32, %arg0, %c0_i32_0 : i32, i32, i32
  }
  func.func @transform_1(%arg0: i32) -> (i32, i32) {
    %c0_i32 = arith.constant 0 : i32
    %c0_i32_0 = arith.constant 0 : i32
    %c0_i32_1 = arith.constant 0 : i32
    return %c0_i32, %c0_i32_0 : i32, i32
  }
  func.func @transform_2(%arg0: i32) -> (i32, i32) {
    %c0_i32 = arith.constant 0 : i32
    %c0_i32_0 = arith.constant 0 : i32
    %c0_i32_1 = arith.constant 0 : i32
    return %c0_i32, %c0_i32_0 : i32, i32
  }
  func.func @transform_3(%arg0: i32) -> (i32, i32) {
    %c0_i32 = arith.constant 0 : i32
    %c0_i32_0 = arith.constant 0 : i32
    %c0_i32_1 = arith.constant 0 : i32
    return %c0_i32, %c0_i32_0 : i32, i32
  }
  func.func @transform_4(%arg0: i32) -> (i32, i32) {
    %c0_i32 = arith.constant 0 : i32
    %c0_i32_0 = arith.constant 0 : i32
    return %arg0, %c0_i32 : i32, i32
  }
}

module attributes {stable_mosaic.version = 14 : i64} {
  func.func @_knn_body(%arg0: i32, %arg1: memref<256x64xf32, #tpu.memory_space<vmem>>, %arg2: memref<64x4096xf32, #tpu.memory_space<vmem>>, %arg3: memref<8x4096xf32, #tpu.memory_space<vmem>>, %arg4: memref<256x8xf32, #tpu.memory_space<vmem>>, %arg5: memref<256x8xi32, #tpu.memory_space<vmem>>) attributes {dimension_semantics = [#tpu.dimension_semantics<arbitrary>], iteration_bounds = array<i64: 16>, scalar_prefetch = 0 : i64, scratch_operands = 0 : i64, tpu.core_type = #tpu.core_type<tc>, window_params = [{transform_indices = @transform_0, window_bounds = array<i64: 256, 64>}, {pipeline_mode = #tpu.pipeline_mode<synchronous>, transform_indices = @transform_1, window_bounds = array<i64: 64, 4096>}, {pipeline_mode = #tpu.pipeline_mode<synchronous>, transform_indices = @transform_2, window_bounds = array<i64: 8, 4096>}, {transform_indices = @transform_3, window_bounds = array<i64: 256, 8>}, {transform_indices = @transform_4, window_bounds = array<i64: 256, 8>}]} {
    %get3A = arith.constant 0 : index
    %get3A_0 = arith.constant 0 : index
    %get3A_1 = vector.load %arg1[%get3A, %get3A_0] : memref<256x64xf32, #tpu.memory_space<vmem>>, vector<256x64xf32>
    %get3A_2 = arith.constant 0 : index
    %get3A_3 = arith.constant 0 : index
    %get3A_4 = vector.load %arg2[%get3A_2, %get3A_3] : memref<64x4096xf32, #tpu.memory_space<vmem>>, vector<64x4096xf32>
    %dot_general3A = arith.constant dense<0.000000e+00> : vector<256x4096xf32>
    %dot_general3A_5 = tpu.matmul %get3A_1, %get3A_4, %dot_general3A {dimension_numbers = #tpu.dot_dimension_numbers<[1], [0], [0], [1], [0, 0, 1, 1], [], []>, transpose_lhs_hint = false} : vector<256x64xf32>, vector<64x4096xf32>, vector<256x4096xf32> -> vector<256x4096xf32>
    %mul3A = arith.mulf %get3A_1, %get3A_1 : vector<256x64xf32>
    %reduce_sum3A = arith.constant dense<0.000000e+00> : vector<256xf32>
    %reduce_sum3A_6 = vector.multi_reduction <add>, %mul3A, %reduce_sum3A [1] : vector<256x64xf32> to vector<256xf32>
    %broadcast_in_dim3A = vector.shape_cast %reduce_sum3A_6 : vector<256xf32> to vector<256x1xf32>
    %mul3A_7 = arith.mulf %get3A_4, %get3A_4 : vector<64x4096xf32>
    %reduce_sum3A_8 = arith.constant dense<0.000000e+00> : vector<4096xf32>
    %reduce_sum3A_9 = vector.multi_reduction <add>, %mul3A_7, %reduce_sum3A_8 [0] : vector<64x4096xf32> to vector<4096xf32>
    %broadcast_in_dim3A_10 = vector.shape_cast %reduce_sum3A_9 : vector<4096xf32> to vector<1x4096xf32>
    %add3A = vector.broadcast %broadcast_in_dim3A : vector<256x1xf32> to vector<256x4096xf32>
    %add3A_11 = vector.broadcast %broadcast_in_dim3A_10 : vector<1x4096xf32> to vector<256x4096xf32>
    %add3A_12 = arith.addf %add3A, %add3A_11 : vector<256x4096xf32>
    %mul3A_13 = arith.constant 2.000000e+00 : f32
    %mul3A_14 = vector.broadcast %mul3A_13 : f32 to vector<256x4096xf32>
    %mul3A_15 = arith.mulf %mul3A_14, %dot_general3A_5 : vector<256x4096xf32>
    %sub3A = arith.subf %add3A_12, %mul3A_15 : vector<256x4096xf32>
    %get3A_16 = arith.constant 0 : index
    %get3A_17 = arith.constant 0 : index
    %get3A_18 = vector.load %arg4[%get3A_16, %get3A_17] : memref<256x8xf32, #tpu.memory_space<vmem>>, vector<256x1xf32>
    %get3A_19 = arith.constant 0 : index
    %get3A_20 = arith.constant 0 : index
    %get3A_21 = vector.load %arg3[%get3A_19, %get3A_20] : memref<8x4096xf32, #tpu.memory_space<vmem>>, vector<1x4096xf32>
    %ne3A = vector.broadcast %get3A_18 : vector<256x1xf32> to vector<256x4096xf32>
    %ne3A_22 = vector.broadcast %get3A_21 : vector<1x4096xf32> to vector<256x4096xf32>
    %ne3A_23 = arith.cmpf one, %ne3A, %ne3A_22 : vector<256x4096xf32>
    %jit3A = arith.constant 0x7F800000 : f32
    %broadcast_in_dim3A_24 = vector.broadcast %jit3A : f32 to vector<256x4096xf32>
    %select_n3A = arith.select %ne3A_23, %broadcast_in_dim3A_24, %sub3A : vector<256x4096xi1>, vector<256x4096xf32>
    %iota3A = tpu.iota {dimensions = array<i32: 1>} : vector<256x4096xi32>
    %reduce_min3A = arith.constant dense<0x7F800000> : vector<256xf32>
    %reduce_min3A_25 = vector.multi_reduction <minimumf>, %select_n3A, %reduce_min3A [1] : vector<256x4096xf32> to vector<256xf32>
    %broadcast_in_dim3A_26 = vector.shape_cast %reduce_min3A_25 : vector<256xf32> to vector<256x1xf32>
    %eq3A = vector.broadcast %broadcast_in_dim3A_26 : vector<256x1xf32> to vector<256x4096xf32>
    %eq3A_27 = arith.cmpf oeq, %select_n3A, %eq3A : vector<256x4096xf32>
    %jit3A_28 = arith.constant 1073741824 : i32
    %broadcast_in_dim3A_29 = vector.broadcast %jit3A_28 : i32 to vector<256x4096xi32>
    %select_n3A_30 = arith.select %eq3A_27, %iota3A, %broadcast_in_dim3A_29 : vector<256x4096xi1>, vector<256x4096xi32>
    %reduce_min3A_31 = arith.constant dense<2147483647> : vector<256xi32>
    %reduce_min3A_32 = vector.multi_reduction <minsi>, %select_n3A_30, %reduce_min3A_31 [1] : vector<256x4096xi32> to vector<256xi32>
    %broadcast_in_dim3A_33 = vector.shape_cast %reduce_min3A_32 : vector<256xi32> to vector<256x1xi32>
    %broadcast_in_dim3A_34 = vector.shape_cast %reduce_min3A_32 : vector<256xi32> to vector<256x1xi32>
    %eq3A_35 = vector.broadcast %broadcast_in_dim3A_34 : vector<256x1xi32> to vector<256x4096xi32>
    %eq3A_36 = arith.cmpi eq, %iota3A, %eq3A_35 : vector<256x4096xi32>
    %jit3A_37 = arith.constant 0x7F800000 : f32
    %broadcast_in_dim3A_38 = vector.broadcast %jit3A_37 : f32 to vector<256x4096xf32>
    %select_n3A_39 = arith.select %eq3A_36, %broadcast_in_dim3A_38, %select_n3A : vector<256x4096xi1>, vector<256x4096xf32>
    %reduce_min3A_40 = arith.constant dense<0x7F800000> : vector<256xf32>
    %reduce_min3A_41 = vector.multi_reduction <minimumf>, %select_n3A_39, %reduce_min3A_40 [1] : vector<256x4096xf32> to vector<256xf32>
    %broadcast_in_dim3A_42 = vector.shape_cast %reduce_min3A_41 : vector<256xf32> to vector<256x1xf32>
    %eq3A_43 = vector.broadcast %broadcast_in_dim3A_42 : vector<256x1xf32> to vector<256x4096xf32>
    %eq3A_44 = arith.cmpf oeq, %select_n3A_39, %eq3A_43 : vector<256x4096xf32>
    %jit3A_45 = arith.constant 1073741824 : i32
    %broadcast_in_dim3A_46 = vector.broadcast %jit3A_45 : i32 to vector<256x4096xi32>
    %select_n3A_47 = arith.select %eq3A_44, %iota3A, %broadcast_in_dim3A_46 : vector<256x4096xi1>, vector<256x4096xi32>
    %reduce_min3A_48 = arith.constant dense<2147483647> : vector<256xi32>
    %reduce_min3A_49 = vector.multi_reduction <minsi>, %select_n3A_47, %reduce_min3A_48 [1] : vector<256x4096xi32> to vector<256xi32>
    %broadcast_in_dim3A_50 = vector.shape_cast %reduce_min3A_49 : vector<256xi32> to vector<256x1xi32>
    %broadcast_in_dim3A_51 = vector.shape_cast %reduce_min3A_49 : vector<256xi32> to vector<256x1xi32>
    %eq3A_52 = vector.broadcast %broadcast_in_dim3A_51 : vector<256x1xi32> to vector<256x4096xi32>
    %eq3A_53 = arith.cmpi eq, %iota3A, %eq3A_52 : vector<256x4096xi32>
    %jit3A_54 = arith.constant 0x7F800000 : f32
    %broadcast_in_dim3A_55 = vector.broadcast %jit3A_54 : f32 to vector<256x4096xf32>
    %select_n3A_56 = arith.select %eq3A_53, %broadcast_in_dim3A_55, %select_n3A_39 : vector<256x4096xi1>, vector<256x4096xf32>
    %reduce_min3A_57 = arith.constant dense<0x7F800000> : vector<256xf32>
    %reduce_min3A_58 = vector.multi_reduction <minimumf>, %select_n3A_56, %reduce_min3A_57 [1] : vector<256x4096xf32> to vector<256xf32>
    %broadcast_in_dim3A_59 = vector.shape_cast %reduce_min3A_58 : vector<256xf32> to vector<256x1xf32>
    %eq3A_60 = vector.broadcast %broadcast_in_dim3A_59 : vector<256x1xf32> to vector<256x4096xf32>
    %eq3A_61 = arith.cmpf oeq, %select_n3A_56, %eq3A_60 : vector<256x4096xf32>
    %jit3A_62 = arith.constant 1073741824 : i32
    %broadcast_in_dim3A_63 = vector.broadcast %jit3A_62 : i32 to vector<256x4096xi32>
    %select_n3A_64 = arith.select %eq3A_61, %iota3A, %broadcast_in_dim3A_63 : vector<256x4096xi1>, vector<256x4096xi32>
    %reduce_min3A_65 = arith.constant dense<2147483647> : vector<256xi32>
    %reduce_min3A_66 = vector.multi_reduction <minsi>, %select_n3A_64, %reduce_min3A_65 [1] : vector<256x4096xi32> to vector<256xi32>
    %broadcast_in_dim3A_67 = vector.shape_cast %reduce_min3A_66 : vector<256xi32> to vector<256x1xi32>
    %broadcast_in_dim3A_68 = vector.shape_cast %reduce_min3A_66 : vector<256xi32> to vector<256x1xi32>
    %eq3A_69 = vector.broadcast %broadcast_in_dim3A_68 : vector<256x1xi32> to vector<256x4096xi32>
    %eq3A_70 = arith.cmpi eq, %iota3A, %eq3A_69 : vector<256x4096xi32>
    %jit3A_71 = arith.constant 0x7F800000 : f32
    %broadcast_in_dim3A_72 = vector.broadcast %jit3A_71 : f32 to vector<256x4096xf32>
    %select_n3A_73 = arith.select %eq3A_70, %broadcast_in_dim3A_72, %select_n3A_56 : vector<256x4096xi1>, vector<256x4096xf32>
    %reduce_min3A_74 = arith.constant dense<0x7F800000> : vector<256xf32>
    %reduce_min3A_75 = vector.multi_reduction <minimumf>, %select_n3A_73, %reduce_min3A_74 [1] : vector<256x4096xf32> to vector<256xf32>
    %broadcast_in_dim3A_76 = vector.shape_cast %reduce_min3A_75 : vector<256xf32> to vector<256x1xf32>
    %eq3A_77 = vector.broadcast %broadcast_in_dim3A_76 : vector<256x1xf32> to vector<256x4096xf32>
    %eq3A_78 = arith.cmpf oeq, %select_n3A_73, %eq3A_77 : vector<256x4096xf32>
    %jit3A_79 = arith.constant 1073741824 : i32
    %broadcast_in_dim3A_80 = vector.broadcast %jit3A_79 : i32 to vector<256x4096xi32>
    %select_n3A_81 = arith.select %eq3A_78, %iota3A, %broadcast_in_dim3A_80 : vector<256x4096xi1>, vector<256x4096xi32>
    %reduce_min3A_82 = arith.constant dense<2147483647> : vector<256xi32>
    %reduce_min3A_83 = vector.multi_reduction <minsi>, %select_n3A_81, %reduce_min3A_82 [1] : vector<256x4096xi32> to vector<256xi32>
    %broadcast_in_dim3A_84 = vector.shape_cast %reduce_min3A_83 : vector<256xi32> to vector<256x1xi32>
    %broadcast_in_dim3A_85 = vector.shape_cast %reduce_min3A_83 : vector<256xi32> to vector<256x1xi32>
    %eq3A_86 = vector.broadcast %broadcast_in_dim3A_85 : vector<256x1xi32> to vector<256x4096xi32>
    %eq3A_87 = arith.cmpi eq, %iota3A, %eq3A_86 : vector<256x4096xi32>
    %jit3A_88 = arith.constant 0x7F800000 : f32
    %broadcast_in_dim3A_89 = vector.broadcast %jit3A_88 : f32 to vector<256x4096xf32>
    %select_n3A_90 = arith.select %eq3A_87, %broadcast_in_dim3A_89, %select_n3A_73 : vector<256x4096xi1>, vector<256x4096xf32>
    %reduce_min3A_91 = arith.constant dense<0x7F800000> : vector<256xf32>
    %reduce_min3A_92 = vector.multi_reduction <minimumf>, %select_n3A_90, %reduce_min3A_91 [1] : vector<256x4096xf32> to vector<256xf32>
    %broadcast_in_dim3A_93 = vector.shape_cast %reduce_min3A_92 : vector<256xf32> to vector<256x1xf32>
    %eq3A_94 = vector.broadcast %broadcast_in_dim3A_93 : vector<256x1xf32> to vector<256x4096xf32>
    %eq3A_95 = arith.cmpf oeq, %select_n3A_90, %eq3A_94 : vector<256x4096xf32>
    %jit3A_96 = arith.constant 1073741824 : i32
    %broadcast_in_dim3A_97 = vector.broadcast %jit3A_96 : i32 to vector<256x4096xi32>
    %select_n3A_98 = arith.select %eq3A_95, %iota3A, %broadcast_in_dim3A_97 : vector<256x4096xi1>, vector<256x4096xi32>
    %reduce_min3A_99 = arith.constant dense<2147483647> : vector<256xi32>
    %reduce_min3A_100 = vector.multi_reduction <minsi>, %select_n3A_98, %reduce_min3A_99 [1] : vector<256x4096xi32> to vector<256xi32>
    %broadcast_in_dim3A_101 = vector.shape_cast %reduce_min3A_100 : vector<256xi32> to vector<256x1xi32>
    %concatenate3A = tpu.concatenate %broadcast_in_dim3A_33, %broadcast_in_dim3A_50, %broadcast_in_dim3A_67, %broadcast_in_dim3A_84, %broadcast_in_dim3A_101, %broadcast_in_dim3A_33, %broadcast_in_dim3A_33, %broadcast_in_dim3A_33 in 1 : vector<256x1xi32>, vector<256x1xi32>, vector<256x1xi32>, vector<256x1xi32>, vector<256x1xi32>, vector<256x1xi32>, vector<256x1xi32>, vector<256x1xi32> -> vector<256x8xi32>
    %swap3A = arith.constant 0 : index
    %swap3A_102 = arith.constant 0 : index
    %swap3A_103 = vector.load %arg5[%swap3A, %swap3A_102] : memref<256x8xi32, #tpu.memory_space<vmem>>, vector<256x8xi32>
    tpu.vector_store %arg5[%swap3A, %swap3A_102], %concatenate3A {strides = array<i32>} : memref<256x8xi32, #tpu.memory_space<vmem>>, vector<256x8xi32>,
    return
  }
  func.func @transform_0(%arg0: i32) -> (i32, i32) {
    %c0_i32 = arith.constant 0 : i32
    %c0_i32_0 = arith.constant 0 : i32
    return %arg0, %c0_i32 : i32, i32
  }
  func.func @transform_1(%arg0: i32) -> (i32, i32) {
    %c0_i32 = arith.constant 0 : i32
    %c0_i32_0 = arith.constant 0 : i32
    %c0_i32_1 = arith.constant 0 : i32
    return %c0_i32, %c0_i32_0 : i32, i32
  }
  func.func @transform_2(%arg0: i32) -> (i32, i32) {
    %c0_i32 = arith.constant 0 : i32
    %c0_i32_0 = arith.constant 0 : i32
    %c0_i32_1 = arith.constant 0 : i32
    return %c0_i32, %c0_i32_0 : i32, i32
  }
  func.func @transform_3(%arg0: i32) -> (i32, i32) {
    %c0_i32 = arith.constant 0 : i32
    %c0_i32_0 = arith.constant 0 : i32
    return %arg0, %c0_i32 : i32, i32
  }
  func.func @transform_4(%arg0: i32) -> (i32, i32) {
    %c0_i32 = arith.constant 0 : i32
    %c0_i32_0 = arith.constant 0 : i32
    return %arg0, %c0_i32 : i32, i32
  }
}

module attributes {stable_mosaic.version = 14 : i64} {
  func.func @_mlp_body(%arg0: i32, %arg1: memref<2048x128xf32, #tpu.memory_space<vmem>>, %arg2: memref<8x128xf32, #tpu.memory_space<vmem>>, %arg3: memref<8x128xf32, #tpu.memory_space<vmem>>, %arg4: memref<8x128xf32, #tpu.memory_space<vmem>>, %arg5: memref<128x128xf32, #tpu.memory_space<vmem>>, %arg6: memref<8x128xf32, #tpu.memory_space<vmem>>, %arg7: memref<2048x128xf32, #tpu.memory_space<vmem>>, %arg8: memref<8x128xf32, #tpu.memory_space<vmem>>) attributes {dimension_semantics = [#tpu.dimension_semantics<arbitrary>], iteration_bounds = array<i64: 10>, scalar_prefetch = 0 : i64, scratch_operands = 0 : i64, tpu.core_type = #tpu.core_type<tc>, window_params = [{transform_indices = @transform_0, window_bounds = array<i64: 2048, 128>}, {pipeline_mode = #tpu.pipeline_mode<synchronous>, transform_indices = @transform_1, window_bounds = array<i64: 8, 128>}, {pipeline_mode = #tpu.pipeline_mode<synchronous>, transform_indices = @transform_2, window_bounds = array<i64: 8, 128>}, {pipeline_mode = #tpu.pipeline_mode<synchronous>, transform_indices = @transform_3, window_bounds = array<i64: 8, 128>}, {pipeline_mode = #tpu.pipeline_mode<synchronous>, transform_indices = @transform_4, window_bounds = array<i64: 128, 128>}, {pipeline_mode = #tpu.pipeline_mode<synchronous>, transform_indices = @transform_5, window_bounds = array<i64: 8, 128>}, {transform_indices = @transform_6, window_bounds = array<i64: 2048, 128>}, {pipeline_mode = #tpu.pipeline_mode<synchronous>, transform_indices = @transform_7, window_bounds = array<i64: 8, 128>}]} {
    %get3A = arith.constant 0 : index
    %get3A_0 = arith.constant 0 : index
    %get3A_1 = vector.load %arg1[%get3A, %get3A_0] : memref<2048x128xf32, #tpu.memory_space<vmem>>, vector<2048x128xf32>
    %get3A_2 = arith.constant 0 : index
    %get3A_3 = arith.constant 0 : index
    %get3A_4 = vector.load %arg5[%get3A_2, %get3A_3] : memref<128x128xf32, #tpu.memory_space<vmem>>, vector<128x128xf32>
    %dot_general3A = arith.constant dense<0.000000e+00> : vector<2048x128xf32>
    %dot_general3A_5 = tpu.matmul %get3A_1, %get3A_4, %dot_general3A {dimension_numbers = #tpu.dot_dimension_numbers<[1], [0], [0], [1], [0, 0, 1, 1], [], []>, transpose_lhs_hint = false} : vector<2048x128xf32>, vector<128x128xf32>, vector<2048x128xf32> -> vector<2048x128xf32>
    %get3A_6 = arith.constant 0 : index
    %get3A_7 = arith.constant 0 : index
    %get3A_8 = vector.load %arg6[%get3A_6, %get3A_7] : memref<8x128xf32, #tpu.memory_space<vmem>>, vector<1x128xf32>
    %add3A = vector.broadcast %get3A_8 : vector<1x128xf32> to vector<2048x128xf32>
    %add3A_9 = arith.addf %dot_general3A_5, %add3A : vector<2048x128xf32>
    %max3A = arith.constant 0.000000e+00 : f32
    %max3A_10 = vector.broadcast %max3A : f32 to vector<2048x128xf32>
    %max3A_11 = arith.maximumf %add3A_9, %max3A_10 : vector<2048x128xf32>
    %swap3A = arith.constant 0 : index
    %swap3A_12 = arith.constant 0 : index
    %swap3A_13 = vector.load %arg7[%swap3A, %swap3A_12] : memref<2048x128xf32, #tpu.memory_space<vmem>>, vector<2048x128xf32>
    tpu.vector_store %arg7[%swap3A, %swap3A_12], %max3A_11 {strides = array<i32>} : memref<2048x128xf32, #tpu.memory_space<vmem>>, vector<2048x128xf32>,
    %broadcast_in_dim3A = arith.constant 0.000000e+00 : f32
    %broadcast_in_dim3A_14 = vector.broadcast %broadcast_in_dim3A : f32 to vector<6x128xf32>
    %reduce_sum3A = arith.constant dense<0.000000e+00> : vector<128xf32>
    %reduce_sum3A_15 = vector.multi_reduction <add>, %max3A_11, %reduce_sum3A [0] : vector<2048x128xf32> to vector<128xf32>
    %broadcast_in_dim3A_16 = vector.shape_cast %reduce_sum3A_15 : vector<128xf32> to vector<1x128xf32>
    %mul3A = arith.mulf %max3A_11, %max3A_11 : vector<2048x128xf32>
    %reduce_sum3A_17 = arith.constant dense<0.000000e+00> : vector<128xf32>
    %reduce_sum3A_18 = vector.multi_reduction <add>, %mul3A, %reduce_sum3A_17 [0] : vector<2048x128xf32> to vector<128xf32>
    %broadcast_in_dim3A_19 = vector.shape_cast %reduce_sum3A_18 : vector<128xf32> to vector<1x128xf32>
    %concatenate3A = tpu.concatenate %broadcast_in_dim3A_16, %broadcast_in_dim3A_19, %broadcast_in_dim3A_14 in 0 : vector<1x128xf32>, vector<1x128xf32>, vector<6x128xf32> -> vector<8x128xf32>
    %eq3A = arith.constant 0 : i32
    %eq3A_20 = arith.cmpi eq, %arg0, %eq3A : i32
    %convert_element_type3A = arith.extui %eq3A_20 : i1 to i32
    %cond3A = arith.constant 0 : i32
    %cond3A_21 = arith.cmpi ne, %convert_element_type3A, %cond3A : i32
    scf.if %cond3A_21 {
      %swap3A_26 = arith.constant 0 : index
      %swap3A_27 = arith.constant 0 : index
      %swap3A_28 = vector.load %arg8[%swap3A_26, %swap3A_27] : memref<8x128xf32, #tpu.memory_space<vmem>>, vector<8x128xf32>
      tpu.vector_store %arg8[%swap3A_26, %swap3A_27], %concatenate3A {strides = array<i32>} : memref<8x128xf32, #tpu.memory_space<vmem>>, vector<8x128xf32>,
    } else {
    }
    %ne3A = arith.constant 0 : i32
    %ne3A_22 = arith.cmpi ne, %arg0, %ne3A : i32
    %convert_element_type3A_23 = arith.extui %ne3A_22 : i1 to i32
    %cond3A_24 = arith.constant 0 : i32
    %cond3A_25 = arith.cmpi ne, %convert_element_type3A_23, %cond3A_24 : i32
    scf.if %cond3A_25 {
      %get3A_26 = arith.constant 0 : index
      %get3A_27 = arith.constant 0 : index
      %get3A_28 = vector.load %arg8[%get3A_26, %get3A_27] : memref<8x128xf32, #tpu.memory_space<vmem>>, vector<8x128xf32>
      %add3A_29 = arith.addf %get3A_28, %concatenate3A : vector<8x128xf32>
      %swap3A_30 = arith.constant 0 : index
      %swap3A_31 = arith.constant 0 : index
      %swap3A_32 = vector.load %arg8[%swap3A_30, %swap3A_31] : memref<8x128xf32, #tpu.memory_space<vmem>>, vector<8x128xf32>
      tpu.vector_store %arg8[%swap3A_30, %swap3A_31], %add3A_29 {strides = array<i32>} : memref<8x128xf32, #tpu.memory_space<vmem>>, vector<8x128xf32>,
    } else {
    }
    return
  }
  func.func @transform_0(%arg0: i32) -> (i32, i32) {
    %c0_i32 = arith.constant 0 : i32
    %c0_i32_0 = arith.constant 0 : i32
    return %arg0, %c0_i32 : i32, i32
  }
  func.func @transform_1(%arg0: i32) -> (i32, i32) {
    %c0_i32 = arith.constant 0 : i32
    %c0_i32_0 = arith.constant 0 : i32
    %c0_i32_1 = arith.constant 0 : i32
    return %c0_i32, %c0_i32_0 : i32, i32
  }
  func.func @transform_2(%arg0: i32) -> (i32, i32) {
    %c0_i32 = arith.constant 0 : i32
    %c0_i32_0 = arith.constant 0 : i32
    %c0_i32_1 = arith.constant 0 : i32
    return %c0_i32, %c0_i32_0 : i32, i32
  }
  func.func @transform_3(%arg0: i32) -> (i32, i32) {
    %c0_i32 = arith.constant 0 : i32
    %c0_i32_0 = arith.constant 0 : i32
    %c0_i32_1 = arith.constant 0 : i32
    return %c0_i32, %c0_i32_0 : i32, i32
  }
  func.func @transform_4(%arg0: i32) -> (i32, i32) {
    %c0_i32 = arith.constant 0 : i32
    %c0_i32_0 = arith.constant 0 : i32
    %c0_i32_1 = arith.constant 0 : i32
    return %c0_i32, %c0_i32_0 : i32, i32
  }
  func.func @transform_5(%arg0: i32) -> (i32, i32) {
    %c0_i32 = arith.constant 0 : i32
    %c0_i32_0 = arith.constant 0 : i32
    %c0_i32_1 = arith.constant 0 : i32
    return %c0_i32, %c0_i32_0 : i32, i32
  }
  func.func @transform_6(%arg0: i32) -> (i32, i32) {
    %c0_i32 = arith.constant 0 : i32
    %c0_i32_0 = arith.constant 0 : i32
    return %arg0, %c0_i32 : i32, i32
  }
  func.func @transform_7(%arg0: i32) -> (i32, i32) {
    %c0_i32 = arith.constant 0 : i32
    %c0_i32_0 = arith.constant 0 : i32
    %c0_i32_1 = arith.constant 0 : i32
    return %c0_i32, %c0_i32_0 : i32, i32
  }
}

module attributes {stable_mosaic.version = 14 : i64} {
  func.func @_m2_body(%arg0: i32, %arg1: memref<2048x128xf32, #tpu.memory_space<vmem>>, %arg2: memref<8x128xf32, #tpu.memory_space<vmem>>, %arg3: memref<8x128xf32, #tpu.memory_space<vmem>>) attributes {dimension_semantics = [#tpu.dimension_semantics<arbitrary>], iteration_bounds = array<i64: 10>, scalar_prefetch = 0 : i64, scratch_operands = 0 : i64, tpu.core_type = #tpu.core_type<tc>, window_params = [{transform_indices = @transform_0, window_bounds = array<i64: 2048, 128>}, {pipeline_mode = #tpu.pipeline_mode<synchronous>, transform_indices = @transform_1, window_bounds = array<i64: 8, 128>}, {pipeline_mode = #tpu.pipeline_mode<synchronous>, transform_indices = @transform_2, window_bounds = array<i64: 8, 128>}]} {
    %get3A = arith.constant 0 : index
    %get3A_0 = arith.constant 0 : index
    %get3A_1 = vector.load %arg1[%get3A, %get3A_0] : memref<2048x128xf32, #tpu.memory_space<vmem>>, vector<2048x128xf32>
    %get3A_2 = arith.constant 0 : index
    %get3A_3 = arith.constant 0 : index
    %get3A_4 = vector.load %arg2[%get3A_2, %get3A_3] : memref<8x128xf32, #tpu.memory_space<vmem>>, vector<1x128xf32>
    %div3A = arith.constant 2.048000e+04 : f32
    %div3A_5 = vector.broadcast %div3A : f32 to vector<1x128xf32>
    %div3A_6 = arith.divf %get3A_4, %div3A_5 : vector<1x128xf32>
    %sub3A = vector.broadcast %div3A_6 : vector<1x128xf32> to vector<2048x128xf32>
    %sub3A_7 = arith.subf %get3A_1, %sub3A : vector<2048x128xf32>
    %broadcast_in_dim3A = arith.constant 0.000000e+00 : f32
    %broadcast_in_dim3A_8 = vector.broadcast %broadcast_in_dim3A : f32 to vector<1x128xf32>
    %mul3A = arith.mulf %sub3A_7, %sub3A_7 : vector<2048x128xf32>
    %reduce_sum3A = arith.constant dense<0.000000e+00> : vector<128xf32>
    %reduce_sum3A_9 = vector.multi_reduction <add>, %mul3A, %reduce_sum3A [0] : vector<2048x128xf32> to vector<128xf32>
    %broadcast_in_dim3A_10 = vector.shape_cast %reduce_sum3A_9 : vector<128xf32> to vector<1x128xf32>
    %broadcast_in_dim3A_11 = arith.constant 0.000000e+00 : f32
    %broadcast_in_dim3A_12 = vector.broadcast %broadcast_in_dim3A_11 : f32 to vector<6x128xf32>
    %concatenate3A = tpu.concatenate %broadcast_in_dim3A_8, %broadcast_in_dim3A_10, %broadcast_in_dim3A_12 in 0 : vector<1x128xf32>, vector<1x128xf32>, vector<6x128xf32> -> vector<8x128xf32>
    %eq3A = arith.constant 0 : i32
    %eq3A_13 = arith.cmpi eq, %arg0, %eq3A : i32
    %convert_element_type3A = arith.extui %eq3A_13 : i1 to i32
    %cond3A = arith.constant 0 : i32
    %cond3A_14 = arith.cmpi ne, %convert_element_type3A, %cond3A : i32
    scf.if %cond3A_14 {
      %swap3A = arith.constant 0 : index
      %swap3A_19 = arith.constant 0 : index
      %swap3A_20 = vector.load %arg3[%swap3A, %swap3A_19] : memref<8x128xf32, #tpu.memory_space<vmem>>, vector<8x128xf32>
      tpu.vector_store %arg3[%swap3A, %swap3A_19], %concatenate3A {strides = array<i32>} : memref<8x128xf32, #tpu.memory_space<vmem>>, vector<8x128xf32>,
    } else {
    }
    %ne3A = arith.constant 0 : i32
    %ne3A_15 = arith.cmpi ne, %arg0, %ne3A : i32
    %convert_element_type3A_16 = arith.extui %ne3A_15 : i1 to i32
    %cond3A_17 = arith.constant 0 : i32
    %cond3A_18 = arith.cmpi ne, %convert_element_type3A_16, %cond3A_17 : i32
    scf.if %cond3A_18 {
      %get3A_19 = arith.constant 0 : index
      %get3A_20 = arith.constant 0 : index
      %get3A_21 = vector.load %arg3[%get3A_19, %get3A_20] : memref<8x128xf32, #tpu.memory_space<vmem>>, vector<8x128xf32>
      %add3A = arith.addf %get3A_21, %concatenate3A : vector<8x128xf32>
      %swap3A = arith.constant 0 : index
      %swap3A_22 = arith.constant 0 : index
      %swap3A_23 = vector.load %arg3[%swap3A, %swap3A_22] : memref<8x128xf32, #tpu.memory_space<vmem>>, vector<8x128xf32>
      tpu.vector_store %arg3[%swap3A, %swap3A_22], %add3A {strides = array<i32>} : memref<8x128xf32, #tpu.memory_space<vmem>>, vector<8x128xf32>,
    } else {
    }
    return
  }
  func.func @transform_0(%arg0: i32) -> (i32, i32) {
    %c0_i32 = arith.constant 0 : i32
    %c0_i32_0 = arith.constant 0 : i32
    return %arg0, %c0_i32 : i32, i32
  }
  func.func @transform_1(%arg0: i32) -> (i32, i32) {
    %c0_i32 = arith.constant 0 : i32
    %c0_i32_0 = arith.constant 0 : i32
    %c0_i32_1 = arith.constant 0 : i32
    return %c0_i32, %c0_i32_0 : i32, i32
  }
  func.func @transform_2(%arg0: i32) -> (i32, i32) {
    %c0_i32 = arith.constant 0 : i32
    %c0_i32_0 = arith.constant 0 : i32
    %c0_i32_1 = arith.constant 0 : i32
    return %c0_i32, %c0_i32_0 : i32, i32
  }
}

module attributes {stable_mosaic.version = 14 : i64} {
  func.func @_maxagg_body(%arg0: i32, %arg1: memref<5x256x128xf32, #tpu.memory_space<vmem>>, %arg2: memref<8x128xf32, #tpu.memory_space<vmem>>, %arg3: memref<8x128xf32, #tpu.memory_space<vmem>>, %arg4: memref<8x128xf32, #tpu.memory_space<vmem>>, %arg5: memref<256x128xf32, #tpu.memory_space<vmem>>) attributes {dimension_semantics = [#tpu.dimension_semantics<arbitrary>], iteration_bounds = array<i64: 16>, scalar_prefetch = 0 : i64, scratch_operands = 0 : i64, tpu.core_type = #tpu.core_type<tc>, window_params = [{transform_indices = @transform_0, window_bounds = array<i64: 5, 256, 128>}, {pipeline_mode = #tpu.pipeline_mode<synchronous>, transform_indices = @transform_1, window_bounds = array<i64: 8, 128>}, {pipeline_mode = #tpu.pipeline_mode<synchronous>, transform_indices = @transform_2, window_bounds = array<i64: 8, 128>}, {pipeline_mode = #tpu.pipeline_mode<synchronous>, transform_indices = @transform_3, window_bounds = array<i64: 8, 128>}, {transform_indices = @transform_4, window_bounds = array<i64: 256, 128>}]} {
    %get3A = arith.constant 0 : index
    %get3A_0 = arith.constant 0 : index
    %get3A_1 = arith.constant 0 : index
    %get3A_2 = vector.load %arg1[%get3A, %get3A_0, %get3A_1] : memref<5x256x128xf32, #tpu.memory_space<vmem>>, vector<5x256x128xf32>
    %get3A_3 = arith.constant 0 : index
    %get3A_4 = arith.constant 0 : index
    %get3A_5 = vector.load %arg2[%get3A_3, %get3A_4] : memref<8x128xf32, #tpu.memory_space<vmem>>, vector<1x128xf32>
    %div3A = arith.constant 2.048000e+04 : f32
    %div3A_6 = vector.broadcast %div3A : f32 to vector<1x128xf32>
    %div3A_7 = arith.divf %get3A_5, %div3A_6 : vector<1x128xf32>
    %get3A_8 = arith.constant 1 : index
    %get3A_9 = arith.constant 0 : index
    %get3A_10 = vector.load %arg3[%get3A_8, %get3A_9] : memref<8x128xf32, #tpu.memory_space<vmem>>, vector<1x128xf32>
    %div3A_11 = arith.constant 2.048000e+04 : f32
    %div3A_12 = vector.broadcast %div3A_11 : f32 to vector<1x128xf32>
    %div3A_13 = arith.divf %get3A_10, %div3A_12 : vector<1x128xf32>
    %add3A = arith.constant 9.99999974E-6 : f32
    %add3A_14 = vector.broadcast %add3A : f32 to vector<1x128xf32>
    %add3A_15 = arith.addf %div3A_13, %add3A_14 : vector<1x128xf32>
    %sqrt3A = math.sqrt %add3A_15 : vector<1x128xf32>
    %get3A_16 = arith.constant 0 : index
    %get3A_17 = arith.constant 0 : index
    %get3A_18 = vector.load %arg4[%get3A_16, %get3A_17] : memref<8x128xf32, #tpu.memory_space<vmem>>, vector<1x128xf32>
    %broadcast_in_dim3A = vector.shape_cast %get3A_18 : vector<1x128xf32> to vector<1x1x128xf32>
    %broadcast_in_dim3A_19 = vector.shape_cast %div3A_7 : vector<1x128xf32> to vector<1x1x128xf32>
    %sub3A = vector.broadcast %broadcast_in_dim3A_19 : vector<1x1x128xf32> to vector<5x256x128xf32>
    %sub3A_20 = arith.subf %get3A_2, %sub3A : vector<5x256x128xf32>
    %mul3A = vector.broadcast %broadcast_in_dim3A : vector<1x1x128xf32> to vector<5x256x128xf32>
    %mul3A_21 = arith.mulf %mul3A, %sub3A_20 : vector<5x256x128xf32>
    %broadcast_in_dim3A_22 = vector.shape_cast %sqrt3A : vector<1x128xf32> to vector<1x1x128xf32>
    %div3A_23 = vector.broadcast %broadcast_in_dim3A_22 : vector<1x1x128xf32> to vector<5x256x128xf32>
    %div3A_24 = arith.divf %mul3A_21, %div3A_23 : vector<5x256x128xf32>
    %get3A_25 = arith.constant 1 : index
    %get3A_26 = arith.constant 0 : index
    %get3A_27 = vector.load %arg4[%get3A_25, %get3A_26] : memref<8x128xf32, #tpu.memory_space<vmem>>, vector<1x128xf32>
    %broadcast_in_dim3A_28 = vector.shape_cast %get3A_27 : vector<1x128xf32> to vector<1x1x128xf32>
    %add3A_29 = vector.broadcast %broadcast_in_dim3A_28 : vector<1x1x128xf32> to vector<5x256x128xf32>
    %add3A_30 = arith.addf %div3A_24, %add3A_29 : vector<5x256x128xf32>
    %reduce_max3A = arith.constant dense<0xFF800000> : vector<256x128xf32>
    %reduce_max3A_31 = vector.multi_reduction <maximumf>, %add3A_30, %reduce_max3A [0] : vector<5x256x128xf32> to vector<256x128xf32>
    %swap3A = arith.constant 0 : index
    %swap3A_32 = arith.constant 0 : index
    %swap3A_33 = vector.load %arg5[%swap3A, %swap3A_32] : memref<256x128xf32, #tpu.memory_space<vmem>>, vector<256x128xf32>
    tpu.vector_store %arg5[%swap3A, %swap3A_32], %reduce_max3A_31 {strides = array<i32>} : memref<256x128xf32, #tpu.memory_space<vmem>>, vector<256x128xf32>,
    return
  }
  func.func @transform_0(%arg0: i32) -> (i32, i32, i32) {
    %c0_i32 = arith.constant 0 : i32
    %c0_i32_0 = arith.constant 0 : i32
    %c0_i32_1 = arith.constant 0 : i32
    return %c0_i32, %arg0, %c0_i32_0 : i32, i32, i32
  }
  func.func @transform_1(%arg0: i32) -> (i32, i32) {
    %c0_i32 = arith.constant 0 : i32
    %c0_i32_0 = arith.constant 0 : i32
    %c0_i32_1 = arith.constant 0 : i32
    return %c0_i32, %c0_i32_0 : i32, i32
  }
  func.func @transform_2(%arg0: i32) -> (i32, i32) {
    %c0_i32 = arith.constant 0 : i32
    %c0_i32_0 = arith.constant 0 : i32
    %c0_i32_1 = arith.constant 0 : i32
    return %c0_i32, %c0_i32_0 : i32, i32
  }
  func.func @transform_3(%arg0: i32) -> (i32, i32) {
    %c0_i32 = arith.constant 0 : i32
    %c0_i32_0 = arith.constant 0 : i32
    %c0_i32_1 = arith.constant 0 : i32
    return %c0_i32, %c0_i32_0 : i32, i32
  }
  func.func @transform_4(%arg0: i32) -> (i32, i32) {
    %c0_i32 = arith.constant 0 : i32
    %c0_i32_0 = arith.constant 0 : i32
    return %arg0, %c0_i32 : i32, i32
  }
}

module attributes {stable_mosaic.version = 14 : i64} {
  func.func @_lin1_body(%arg0: i32, %arg1: memref<512x64xf32, #tpu.memory_space<vmem>>, %arg2: memref<512x128xf32, #tpu.memory_space<vmem>>, %arg3: memref<512x8xf32, #tpu.memory_space<vmem>>, %arg4: memref<192x1024xf32, #tpu.memory_space<vmem>>, %arg5: memref<8x1024xf32, #tpu.memory_space<vmem>>, %arg6: memref<512x1024xf32, #tpu.memory_space<vmem>>, %arg7: memref<8x1024xf32, #tpu.memory_space<vmem>>, %arg8: memref<8x1024xf32, #tpu.memory_space<vmem>>) attributes {dimension_semantics = [#tpu.dimension_semantics<arbitrary>], iteration_bounds = array<i64: 8>, scalar_prefetch = 0 : i64, scratch_operands = 0 : i64, tpu.core_type = #tpu.core_type<tc>, window_params = [{transform_indices = @transform_0, window_bounds = array<i64: 512, 64>}, {transform_indices = @transform_1, window_bounds = array<i64: 512, 128>}, {transform_indices = @transform_2, window_bounds = array<i64: 512, 8>}, {pipeline_mode = #tpu.pipeline_mode<synchronous>, transform_indices = @transform_3, window_bounds = array<i64: 192, 1024>}, {pipeline_mode = #tpu.pipeline_mode<synchronous>, transform_indices = @transform_4, window_bounds = array<i64: 8, 1024>}, {transform_indices = @transform_5, window_bounds = array<i64: 512, 1024>}, {pipeline_mode = #tpu.pipeline_mode<synchronous>, transform_indices = @transform_6, window_bounds = array<i64: 8, 1024>}, {pipeline_mode = #tpu.pipeline_mode<synchronous>, transform_indices = @transform_7, window_bounds = array<i64: 8, 1024>}]} {
    %get3A = arith.constant 0 : index
    %get3A_0 = arith.constant 0 : index
    %get3A_1 = vector.load %arg1[%get3A, %get3A_0] : memref<512x64xf32, #tpu.memory_space<vmem>>, vector<512x64xf32>
    %get3A_2 = arith.constant 0 : index
    %get3A_3 = arith.constant 0 : index
    %get3A_4 = vector.load %arg2[%get3A_2, %get3A_3] : memref<512x128xf32, #tpu.memory_space<vmem>>, vector<512x128xf32>
    %concatenate3A = tpu.concatenate %get3A_1, %get3A_4 in 1 : vector<512x64xf32>, vector<512x128xf32> -> vector<512x192xf32>
    %get3A_5 = arith.constant 0 : index
    %get3A_6 = arith.constant 0 : index
    %get3A_7 = vector.load %arg4[%get3A_5, %get3A_6] : memref<192x1024xf32, #tpu.memory_space<vmem>>, vector<192x1024xf32>
    %dot_general3A = arith.constant dense<0.000000e+00> : vector<512x1024xf32>
    %dot_general3A_8 = tpu.matmul %concatenate3A, %get3A_7, %dot_general3A {dimension_numbers = #tpu.dot_dimension_numbers<[1], [0], [0], [1], [0, 0, 1, 1], [], []>, transpose_lhs_hint = false} : vector<512x192xf32>, vector<192x1024xf32>, vector<512x1024xf32> -> vector<512x1024xf32>
    %get3A_9 = arith.constant 0 : index
    %get3A_10 = arith.constant 0 : index
    %get3A_11 = vector.load %arg5[%get3A_9, %get3A_10] : memref<8x1024xf32, #tpu.memory_space<vmem>>, vector<1x1024xf32>
    %add3A = vector.broadcast %get3A_11 : vector<1x1024xf32> to vector<512x1024xf32>
    %add3A_12 = arith.addf %dot_general3A_8, %add3A : vector<512x1024xf32>
    %max3A = arith.constant 0.000000e+00 : f32
    %max3A_13 = vector.broadcast %max3A : f32 to vector<512x1024xf32>
    %max3A_14 = arith.maximumf %add3A_12, %max3A_13 : vector<512x1024xf32>
    %broadcast_in_dim3A = arith.constant 0.000000e+00 : f32
    %broadcast_in_dim3A_15 = vector.broadcast %broadcast_in_dim3A : f32 to vector<6x1024xf32>
    %reduce_sum3A = arith.constant dense<0.000000e+00> : vector<1024xf32>
    %reduce_sum3A_16 = vector.multi_reduction <add>, %max3A_14, %reduce_sum3A [0] : vector<512x1024xf32> to vector<1024xf32>
    %broadcast_in_dim3A_17 = vector.shape_cast %reduce_sum3A_16 : vector<1024xf32> to vector<1x1024xf32>
    %mul3A = arith.mulf %max3A_14, %max3A_14 : vector<512x1024xf32>
    %reduce_sum3A_18 = arith.constant dense<0.000000e+00> : vector<1024xf32>
    %reduce_sum3A_19 = vector.multi_reduction <add>, %mul3A, %reduce_sum3A_18 [0] : vector<512x1024xf32> to vector<1024xf32>
    %broadcast_in_dim3A_20 = vector.shape_cast %reduce_sum3A_19 : vector<1024xf32> to vector<1x1024xf32>
    %concatenate3A_21 = tpu.concatenate %broadcast_in_dim3A_17, %broadcast_in_dim3A_20, %broadcast_in_dim3A_15 in 0 : vector<1x1024xf32>, vector<1x1024xf32>, vector<6x1024xf32> -> vector<8x1024xf32>
    %get3A_22 = arith.constant 0 : index
    %get3A_23 = arith.constant 0 : index
    %get3A_24 = vector.load %arg3[%get3A_22, %get3A_23] : memref<512x8xf32, #tpu.memory_space<vmem>>, vector<512x1xf32>
    %eq3A = arith.constant 0.000000e+00 : f32
    %eq3A_25 = vector.broadcast %eq3A : f32 to vector<512x1xf32>
    %eq3A_26 = arith.cmpf oeq, %get3A_24, %eq3A_25 : vector<512x1xf32>
    %jit3A = arith.constant 0xFF800000 : f32
    %broadcast_in_dim3A_27 = vector.shape_cast %eq3A_26 : vector<512x1xi1> to vector<512x1xi1>
    %broadcast_in_dim3A_28 = vector.broadcast %broadcast_in_dim3A_27 : vector<512x1xi1> to vector<512x1024xi1>
    %broadcast_in_dim3A_29 = vector.broadcast %jit3A : f32 to vector<512x1024xf32>
    %select_n3A = arith.select %broadcast_in_dim3A_28, %max3A_14, %broadcast_in_dim3A_29 : vector<512x1024xi1>, vector<512x1024xf32>
    %reduce_max3A = arith.constant dense<0xFF800000> : vector<1024xf32>
    %reduce_max3A_30 = vector.multi_reduction <maximumf>, %select_n3A, %reduce_max3A [0] : vector<512x1024xf32> to vector<1024xf32>
    %broadcast_in_dim3A_31 = vector.shape_cast %reduce_max3A_30 : vector<1024xf32> to vector<1x1024xf32>
    %eq3A_32 = arith.constant 1.000000e+00 : f32
    %eq3A_33 = vector.broadcast %eq3A_32 : f32 to vector<512x1xf32>
    %eq3A_34 = arith.cmpf oeq, %get3A_24, %eq3A_33 : vector<512x1xf32>
    %jit3A_35 = arith.constant 0xFF800000 : f32
    %broadcast_in_dim3A_36 = vector.shape_cast %eq3A_34 : vector<512x1xi1> to vector<512x1xi1>
    %broadcast_in_dim3A_37 = vector.broadcast %broadcast_in_dim3A_36 : vector<512x1xi1> to vector<512x1024xi1>
    %broadcast_in_dim3A_38 = vector.broadcast %jit3A_35 : f32 to vector<512x1024xf32>
    %select_n3A_39 = arith.select %broadcast_in_dim3A_37, %max3A_14, %broadcast_in_dim3A_38 : vector<512x1024xi1>, vector<512x1024xf32>
    %reduce_max3A_40 = arith.constant dense<0xFF800000> : vector<1024xf32>
    %reduce_max3A_41 = vector.multi_reduction <maximumf>, %select_n3A_39, %reduce_max3A_40 [0] : vector<512x1024xf32> to vector<1024xf32>
    %broadcast_in_dim3A_42 = vector.shape_cast %reduce_max3A_41 : vector<1024xf32> to vector<1x1024xf32>
    %eq3A_43 = arith.constant 2.000000e+00 : f32
    %eq3A_44 = vector.broadcast %eq3A_43 : f32 to vector<512x1xf32>
    %eq3A_45 = arith.cmpf oeq, %get3A_24, %eq3A_44 : vector<512x1xf32>
    %jit3A_46 = arith.constant 0xFF800000 : f32
    %broadcast_in_dim3A_47 = vector.shape_cast %eq3A_45 : vector<512x1xi1> to vector<512x1xi1>
    %broadcast_in_dim3A_48 = vector.broadcast %broadcast_in_dim3A_47 : vector<512x1xi1> to vector<512x1024xi1>
    %broadcast_in_dim3A_49 = vector.broadcast %jit3A_46 : f32 to vector<512x1024xf32>
    %select_n3A_50 = arith.select %broadcast_in_dim3A_48, %max3A_14, %broadcast_in_dim3A_49 : vector<512x1024xi1>, vector<512x1024xf32>
    %reduce_max3A_51 = arith.constant dense<0xFF800000> : vector<1024xf32>
    %reduce_max3A_52 = vector.multi_reduction <maximumf>, %select_n3A_50, %reduce_max3A_51 [0] : vector<512x1024xf32> to vector<1024xf32>
    %broadcast_in_dim3A_53 = vector.shape_cast %reduce_max3A_52 : vector<1024xf32> to vector<1x1024xf32>
    %eq3A_54 = arith.constant 3.000000e+00 : f32
    %eq3A_55 = vector.broadcast %eq3A_54 : f32 to vector<512x1xf32>
    %eq3A_56 = arith.cmpf oeq, %get3A_24, %eq3A_55 : vector<512x1xf32>
    %jit3A_57 = arith.constant 0xFF800000 : f32
    %broadcast_in_dim3A_58 = vector.shape_cast %eq3A_56 : vector<512x1xi1> to vector<512x1xi1>
    %broadcast_in_dim3A_59 = vector.broadcast %broadcast_in_dim3A_58 : vector<512x1xi1> to vector<512x1024xi1>
    %broadcast_in_dim3A_60 = vector.broadcast %jit3A_57 : f32 to vector<512x1024xf32>
    %select_n3A_61 = arith.select %broadcast_in_dim3A_59, %max3A_14, %broadcast_in_dim3A_60 : vector<512x1024xi1>, vector<512x1024xf32>
    %reduce_max3A_62 = arith.constant dense<0xFF800000> : vector<1024xf32>
    %reduce_max3A_63 = vector.multi_reduction <maximumf>, %select_n3A_61, %reduce_max3A_62 [0] : vector<512x1024xf32> to vector<1024xf32>
    %broadcast_in_dim3A_64 = vector.shape_cast %reduce_max3A_63 : vector<1024xf32> to vector<1x1024xf32>
    %concatenate3A_65 = tpu.concatenate %broadcast_in_dim3A_31, %broadcast_in_dim3A_42, %broadcast_in_dim3A_53, %broadcast_in_dim3A_64, %broadcast_in_dim3A_31, %broadcast_in_dim3A_31, %broadcast_in_dim3A_31, %broadcast_in_dim3A_31 in 0 : vector<1x1024xf32>, vector<1x1024xf32>, vector<1x1024xf32>, vector<1x1024xf32>, vector<1x1024xf32>, vector<1x1024xf32>, vector<1x1024xf32>, vector<1x1024xf32> -> vector<8x1024xf32>
    %swap3A = arith.constant 0 : index
    %swap3A_66 = arith.constant 0 : index
    %swap3A_67 = vector.load %arg6[%swap3A, %swap3A_66] : memref<512x1024xf32, #tpu.memory_space<vmem>>, vector<512x1024xf32>
    tpu.vector_store %arg6[%swap3A, %swap3A_66], %max3A_14 {strides = array<i32>} : memref<512x1024xf32, #tpu.memory_space<vmem>>, vector<512x1024xf32>,
    %eq3A_68 = arith.constant 0 : i32
    %eq3A_69 = arith.cmpi eq, %arg0, %eq3A_68 : i32
    %convert_element_type3A = arith.extui %eq3A_69 : i1 to i32
    %cond3A = arith.constant 0 : i32
    %cond3A_70 = arith.cmpi ne, %convert_element_type3A, %cond3A : i32
    scf.if %cond3A_70 {
      %swap3A_75 = arith.constant 0 : index
      %swap3A_76 = arith.constant 0 : index
      %swap3A_77 = vector.load %arg7[%swap3A_75, %swap3A_76] : memref<8x1024xf32, #tpu.memory_space<vmem>>, vector<8x1024xf32>
      tpu.vector_store %arg7[%swap3A_75, %swap3A_76], %concatenate3A_65 {strides = array<i32>} : memref<8x1024xf32, #tpu.memory_space<vmem>>, vector<8x1024xf32>,
      %swap3A_78 = arith.constant 0 : index
      %swap3A_79 = arith.constant 0 : index
      %swap3A_80 = vector.load %arg8[%swap3A_78, %swap3A_79] : memref<8x1024xf32, #tpu.memory_space<vmem>>, vector<8x1024xf32>
      tpu.vector_store %arg8[%swap3A_78, %swap3A_79], %concatenate3A_21 {strides = array<i32>} : memref<8x1024xf32, #tpu.memory_space<vmem>>, vector<8x1024xf32>,
    } else {
    }
    %ne3A = arith.constant 0 : i32
    %ne3A_71 = arith.cmpi ne, %arg0, %ne3A : i32
    %convert_element_type3A_72 = arith.extui %ne3A_71 : i1 to i32
    %cond3A_73 = arith.constant 0 : i32
    %cond3A_74 = arith.cmpi ne, %convert_element_type3A_72, %cond3A_73 : i32
    scf.if %cond3A_74 {
      %get3A_75 = arith.constant 0 : index
      %get3A_76 = arith.constant 0 : index
      %get3A_77 = vector.load %arg7[%get3A_75, %get3A_76] : memref<8x1024xf32, #tpu.memory_space<vmem>>, vector<8x1024xf32>
      %max3A_78 = arith.maximumf %get3A_77, %concatenate3A_65 : vector<8x1024xf32>
      %swap3A_79 = arith.constant 0 : index
      %swap3A_80 = arith.constant 0 : index
      %swap3A_81 = vector.load %arg7[%swap3A_79, %swap3A_80] : memref<8x1024xf32, #tpu.memory_space<vmem>>, vector<8x1024xf32>
      tpu.vector_store %arg7[%swap3A_79, %swap3A_80], %max3A_78 {strides = array<i32>} : memref<8x1024xf32, #tpu.memory_space<vmem>>, vector<8x1024xf32>,
      %get3A_82 = arith.constant 0 : index
      %get3A_83 = arith.constant 0 : index
      %get3A_84 = vector.load %arg8[%get3A_82, %get3A_83] : memref<8x1024xf32, #tpu.memory_space<vmem>>, vector<8x1024xf32>
      %add3A_85 = arith.addf %get3A_84, %concatenate3A_21 : vector<8x1024xf32>
      %swap3A_86 = arith.constant 0 : index
      %swap3A_87 = arith.constant 0 : index
      %swap3A_88 = vector.load %arg8[%swap3A_86, %swap3A_87] : memref<8x1024xf32, #tpu.memory_space<vmem>>, vector<8x1024xf32>
      tpu.vector_store %arg8[%swap3A_86, %swap3A_87], %add3A_85 {strides = array<i32>} : memref<8x1024xf32, #tpu.memory_space<vmem>>, vector<8x1024xf32>,
    } else {
    }
    return
  }
  func.func @transform_0(%arg0: i32) -> (i32, i32) {
    %c0_i32 = arith.constant 0 : i32
    %c0_i32_0 = arith.constant 0 : i32
    return %arg0, %c0_i32 : i32, i32
  }
  func.func @transform_1(%arg0: i32) -> (i32, i32) {
    %c0_i32 = arith.constant 0 : i32
    %c0_i32_0 = arith.constant 0 : i32
    return %arg0, %c0_i32 : i32, i32
  }
  func.func @transform_2(%arg0: i32) -> (i32, i32) {
    %c0_i32 = arith.constant 0 : i32
    %c0_i32_0 = arith.constant 0 : i32
    return %arg0, %c0_i32 : i32, i32
  }
  func.func @transform_3(%arg0: i32) -> (i32, i32) {
    %c0_i32 = arith.constant 0 : i32
    %c0_i32_0 = arith.constant 0 : i32
    %c0_i32_1 = arith.constant 0 : i32
    return %c0_i32, %c0_i32_0 : i32, i32
  }
  func.func @transform_4(%arg0: i32) -> (i32, i32) {
    %c0_i32 = arith.constant 0 : i32
    %c0_i32_0 = arith.constant 0 : i32
    %c0_i32_1 = arith.constant 0 : i32
    return %c0_i32, %c0_i32_0 : i32, i32
  }
  func.func @transform_5(%arg0: i32) -> (i32, i32) {
    %c0_i32 = arith.constant 0 : i32
    %c0_i32_0 = arith.constant 0 : i32
    return %arg0, %c0_i32 : i32, i32
  }
  func.func @transform_6(%arg0: i32) -> (i32, i32) {
    %c0_i32 = arith.constant 0 : i32
    %c0_i32_0 = arith.constant 0 : i32
    %c0_i32_1 = arith.constant 0 : i32
    return %c0_i32, %c0_i32_0 : i32, i32
  }
  func.func @transform_7(%arg0: i32) -> (i32, i32) {
    %c0_i32 = arith.constant 0 : i32
    %c0_i32_0 = arith.constant 0 : i32
    %c0_i32_1 = arith.constant 0 : i32
    return %c0_i32, %c0_i32_0 : i32, i32
  }
}

module attributes {stable_mosaic.version = 14 : i64} {
  func.func @_m2_body(%arg0: i32, %arg1: memref<512x1024xf32, #tpu.memory_space<vmem>>, %arg2: memref<8x1024xf32, #tpu.memory_space<vmem>>, %arg3: memref<8x1024xf32, #tpu.memory_space<vmem>>) attributes {dimension_semantics = [#tpu.dimension_semantics<arbitrary>], iteration_bounds = array<i64: 8>, scalar_prefetch = 0 : i64, scratch_operands = 0 : i64, tpu.core_type = #tpu.core_type<tc>, window_params = [{transform_indices = @transform_0, window_bounds = array<i64: 512, 1024>}, {pipeline_mode = #tpu.pipeline_mode<synchronous>, transform_indices = @transform_1, window_bounds = array<i64: 8, 1024>}, {pipeline_mode = #tpu.pipeline_mode<synchronous>, transform_indices = @transform_2, window_bounds = array<i64: 8, 1024>}]} {
    %get3A = arith.constant 0 : index
    %get3A_0 = arith.constant 0 : index
    %get3A_1 = vector.load %arg1[%get3A, %get3A_0] : memref<512x1024xf32, #tpu.memory_space<vmem>>, vector<512x1024xf32>
    %get3A_2 = arith.constant 0 : index
    %get3A_3 = arith.constant 0 : index
    %get3A_4 = vector.load %arg2[%get3A_2, %get3A_3] : memref<8x1024xf32, #tpu.memory_space<vmem>>, vector<1x1024xf32>
    %div3A = arith.constant 4.096000e+03 : f32
    %div3A_5 = vector.broadcast %div3A : f32 to vector<1x1024xf32>
    %div3A_6 = arith.divf %get3A_4, %div3A_5 : vector<1x1024xf32>
    %sub3A = vector.broadcast %div3A_6 : vector<1x1024xf32> to vector<512x1024xf32>
    %sub3A_7 = arith.subf %get3A_1, %sub3A : vector<512x1024xf32>
    %broadcast_in_dim3A = arith.constant 0.000000e+00 : f32
    %broadcast_in_dim3A_8 = vector.broadcast %broadcast_in_dim3A : f32 to vector<1x1024xf32>
    %mul3A = arith.mulf %sub3A_7, %sub3A_7 : vector<512x1024xf32>
    %reduce_sum3A = arith.constant dense<0.000000e+00> : vector<1024xf32>
    %reduce_sum3A_9 = vector.multi_reduction <add>, %mul3A, %reduce_sum3A [0] : vector<512x1024xf32> to vector<1024xf32>
    %broadcast_in_dim3A_10 = vector.shape_cast %reduce_sum3A_9 : vector<1024xf32> to vector<1x1024xf32>
    %broadcast_in_dim3A_11 = arith.constant 0.000000e+00 : f32
    %broadcast_in_dim3A_12 = vector.broadcast %broadcast_in_dim3A_11 : f32 to vector<6x1024xf32>
    %concatenate3A = tpu.concatenate %broadcast_in_dim3A_8, %broadcast_in_dim3A_10, %broadcast_in_dim3A_12 in 0 : vector<1x1024xf32>, vector<1x1024xf32>, vector<6x1024xf32> -> vector<8x1024xf32>
    %eq3A = arith.constant 0 : i32
    %eq3A_13 = arith.cmpi eq, %arg0, %eq3A : i32
    %convert_element_type3A = arith.extui %eq3A_13 : i1 to i32
    %cond3A = arith.constant 0 : i32
    %cond3A_14 = arith.cmpi ne, %convert_element_type3A, %cond3A : i32
    scf.if %cond3A_14 {
      %swap3A = arith.constant 0 : index
      %swap3A_19 = arith.constant 0 : index
      %swap3A_20 = vector.load %arg3[%swap3A, %swap3A_19] : memref<8x1024xf32, #tpu.memory_space<vmem>>, vector<8x1024xf32>
      tpu.vector_store %arg3[%swap3A, %swap3A_19], %concatenate3A {strides = array<i32>} : memref<8x1024xf32, #tpu.memory_space<vmem>>, vector<8x1024xf32>,
    } else {
    }
    %ne3A = arith.constant 0 : i32
    %ne3A_15 = arith.cmpi ne, %arg0, %ne3A : i32
    %convert_element_type3A_16 = arith.extui %ne3A_15 : i1 to i32
    %cond3A_17 = arith.constant 0 : i32
    %cond3A_18 = arith.cmpi ne, %convert_element_type3A_16, %cond3A_17 : i32
    scf.if %cond3A_18 {
      %get3A_19 = arith.constant 0 : index
      %get3A_20 = arith.constant 0 : index
      %get3A_21 = vector.load %arg3[%get3A_19, %get3A_20] : memref<8x1024xf32, #tpu.memory_space<vmem>>, vector<8x1024xf32>
      %add3A = arith.addf %get3A_21, %concatenate3A : vector<8x1024xf32>
      %swap3A = arith.constant 0 : index
      %swap3A_22 = arith.constant 0 : index
      %swap3A_23 = vector.load %arg3[%swap3A, %swap3A_22] : memref<8x1024xf32, #tpu.memory_space<vmem>>, vector<8x1024xf32>
      tpu.vector_store %arg3[%swap3A, %swap3A_22], %add3A {strides = array<i32>} : memref<8x1024xf32, #tpu.memory_space<vmem>>, vector<8x1024xf32>,
    } else {
    }
    return
  }
  func.func @transform_0(%arg0: i32) -> (i32, i32) {
    %c0_i32 = arith.constant 0 : i32
    %c0_i32_0 = arith.constant 0 : i32
    return %arg0, %c0_i32 : i32, i32
  }
  func.func @transform_1(%arg0: i32) -> (i32, i32) {
    %c0_i32 = arith.constant 0 : i32
    %c0_i32_0 = arith.constant 0 : i32
    %c0_i32_1 = arith.constant 0 : i32
    return %c0_i32, %c0_i32_0 : i32, i32
  }
  func.func @transform_2(%arg0: i32) -> (i32, i32) {
    %c0_i32 = arith.constant 0 : i32
    %c0_i32_0 = arith.constant 0 : i32
    %c0_i32_1 = arith.constant 0 : i32
    return %c0_i32, %c0_i32_0 : i32, i32
  }
}

module attributes {stable_mosaic.version = 14 : i64} {
  func.func @_head_body(%arg0: memref<8x1024xf32, #tpu.memory_space<vmem>>, %arg1: memref<8x1024xf32, #tpu.memory_space<vmem>>, %arg2: memref<8x1024xf32, #tpu.memory_space<vmem>>, %arg3: memref<8x1024xf32, #tpu.memory_space<vmem>>, %arg4: memref<1024x512xf32, #tpu.memory_space<vmem>>, %arg5: memref<8x512xf32, #tpu.memory_space<vmem>>, %arg6: memref<512x256xf32, #tpu.memory_space<vmem>>, %arg7: memref<8x256xf32, #tpu.memory_space<vmem>>, %arg8: memref<256x128xf32, #tpu.memory_space<vmem>>, %arg9: memref<8x128xf32, #tpu.memory_space<vmem>>, %arg10: memref<8x128xf32, #tpu.memory_space<vmem>>) attributes {dimension_semantics = [], scalar_prefetch = 0 : i64, scratch_operands = 0 : i64, tpu.core_type = #tpu.core_type<tc>} {
    %iota3A = tpu.iota {dimensions = array<i32: 0>} : vector<8x1xi32>
    %lt3A = arith.constant 4 : i32
    %lt3A_0 = vector.broadcast %lt3A : i32 to vector<8x1xi32>
    %lt3A_1 = arith.cmpi slt, %iota3A, %lt3A_0 : vector<8x1xi32>
    %get3A = arith.constant 0 : index
    %get3A_2 = arith.constant 0 : index
    %get3A_3 = vector.load %arg0[%get3A, %get3A_2] : memref<8x1024xf32, #tpu.memory_space<vmem>>, vector<8x1024xf32>
    %get3A_4 = arith.constant 0 : index
    %get3A_5 = arith.constant 0 : index
    %get3A_6 = vector.load %arg1[%get3A_4, %get3A_5] : memref<8x1024xf32, #tpu.memory_space<vmem>>, vector<1x1024xf32>
    %div3A = arith.constant 4.096000e+03 : f32
    %div3A_7 = vector.broadcast %div3A : f32 to vector<1x1024xf32>
    %div3A_8 = arith.divf %get3A_6, %div3A_7 : vector<1x1024xf32>
    %get3A_9 = arith.constant 1 : index
    %get3A_10 = arith.constant 0 : index
    %get3A_11 = vector.load %arg2[%get3A_9, %get3A_10] : memref<8x1024xf32, #tpu.memory_space<vmem>>, vector<1x1024xf32>
    %div3A_12 = arith.constant 4.096000e+03 : f32
    %div3A_13 = vector.broadcast %div3A_12 : f32 to vector<1x1024xf32>
    %div3A_14 = arith.divf %get3A_11, %div3A_13 : vector<1x1024xf32>
    %add3A = arith.constant 9.99999974E-6 : f32
    %add3A_15 = vector.broadcast %add3A : f32 to vector<1x1024xf32>
    %add3A_16 = arith.addf %div3A_14, %add3A_15 : vector<1x1024xf32>
    %sqrt3A = math.sqrt %add3A_16 : vector<1x1024xf32>
    %get3A_17 = arith.constant 0 : index
    %get3A_18 = arith.constant 0 : index
    %get3A_19 = vector.load %arg3[%get3A_17, %get3A_18] : memref<8x1024xf32, #tpu.memory_space<vmem>>, vector<1x1024xf32>
    %sub3A = vector.broadcast %div3A_8 : vector<1x1024xf32> to vector<8x1024xf32>
    %sub3A_20 = arith.subf %get3A_3, %sub3A : vector<8x1024xf32>
    %mul3A = vector.broadcast %get3A_19 : vector<1x1024xf32> to vector<8x1024xf32>
    %mul3A_21 = arith.mulf %mul3A, %sub3A_20 : vector<8x1024xf32>
    %div3A_22 = vector.broadcast %sqrt3A : vector<1x1024xf32> to vector<8x1024xf32>
    %div3A_23 = arith.divf %mul3A_21, %div3A_22 : vector<8x1024xf32>
    %get3A_24 = arith.constant 1 : index
    %get3A_25 = arith.constant 0 : index
    %get3A_26 = vector.load %arg3[%get3A_24, %get3A_25] : memref<8x1024xf32, #tpu.memory_space<vmem>>, vector<1x1024xf32>
    %add3A_27 = vector.broadcast %get3A_26 : vector<1x1024xf32> to vector<8x1024xf32>
    %add3A_28 = arith.addf %div3A_23, %add3A_27 : vector<8x1024xf32>
    %jit3A = arith.constant 0.000000e+00 : f32
    %broadcast_in_dim3A = vector.shape_cast %lt3A_1 : vector<8x1xi1> to vector<8x1xi1>
    %broadcast_in_dim3A_29 = vector.broadcast %broadcast_in_dim3A : vector<8x1xi1> to vector<8x1024xi1>
    %broadcast_in_dim3A_30 = vector.broadcast %jit3A : f32 to vector<8x1024xf32>
    %select_n3A = arith.select %broadcast_in_dim3A_29, %add3A_28, %broadcast_in_dim3A_30 : vector<8x1024xi1>, vector<8x1024xf32>
    %get3A_31 = arith.constant 0 : index
    %get3A_32 = arith.constant 0 : index
    %get3A_33 = vector.load %arg4[%get3A_31, %get3A_32] : memref<1024x512xf32, #tpu.memory_space<vmem>>, vector<1024x512xf32>
    %dot_general3A = arith.constant dense<0.000000e+00> : vector<8x512xf32>
    %dot_general3A_34 = tpu.matmul %select_n3A, %get3A_33, %dot_general3A {dimension_numbers = #tpu.dot_dimension_numbers<[1], [0], [0], [1], [0, 0, 1, 1], [], []>, transpose_lhs_hint = false} : vector<8x1024xf32>, vector<1024x512xf32>, vector<8x512xf32> -> vector<8x512xf32>
    %get3A_35 = arith.constant 0 : index
    %get3A_36 = arith.constant 0 : index
    %get3A_37 = vector.load %arg5[%get3A_35, %get3A_36] : memref<8x512xf32, #tpu.memory_space<vmem>>, vector<1x512xf32>
    %add3A_38 = vector.broadcast %get3A_37 : vector<1x512xf32> to vector<8x512xf32>
    %add3A_39 = arith.addf %dot_general3A_34, %add3A_38 : vector<8x512xf32>
    %max3A = arith.constant 0.000000e+00 : f32
    %max3A_40 = vector.broadcast %max3A : f32 to vector<8x512xf32>
    %max3A_41 = arith.maximumf %add3A_39, %max3A_40 : vector<8x512xf32>
    %jit3A_42 = arith.constant 0.000000e+00 : f32
    %broadcast_in_dim3A_43 = vector.shape_cast %lt3A_1 : vector<8x1xi1> to vector<8x1xi1>
    %broadcast_in_dim3A_44 = vector.broadcast %broadcast_in_dim3A_43 : vector<8x1xi1> to vector<8x512xi1>
    %broadcast_in_dim3A_45 = vector.broadcast %jit3A_42 : f32 to vector<8x512xf32>
    %select_n3A_46 = arith.select %broadcast_in_dim3A_44, %max3A_41, %broadcast_in_dim3A_45 : vector<8x512xi1>, vector<8x512xf32>
    %reduce_sum3A = arith.constant dense<0.000000e+00> : vector<512xf32>
    %reduce_sum3A_47 = vector.multi_reduction <add>, %select_n3A_46, %reduce_sum3A [0] : vector<8x512xf32> to vector<512xf32>
    %broadcast_in_dim3A_48 = vector.shape_cast %reduce_sum3A_47 : vector<512xf32> to vector<1x512xf32>
    %div3A_49 = arith.constant 4.000000e+00 : f32
    %div3A_50 = vector.broadcast %div3A_49 : f32 to vector<1x512xf32>
    %div3A_51 = arith.divf %broadcast_in_dim3A_48, %div3A_50 : vector<1x512xf32>
    %sub3A_52 = vector.broadcast %div3A_51 : vector<1x512xf32> to vector<8x512xf32>
    %sub3A_53 = arith.subf %select_n3A_46, %sub3A_52 : vector<8x512xf32>
    %integer_pow3A = arith.mulf %sub3A_53, %sub3A_53 : vector<8x512xf32>
    %jit3A_54 = arith.constant 0.000000e+00 : f32
    %broadcast_in_dim3A_55 = vector.shape_cast %lt3A_1 : vector<8x1xi1> to vector<8x1xi1>
    %broadcast_in_dim3A_56 = vector.broadcast %broadcast_in_dim3A_55 : vector<8x1xi1> to vector<8x512xi1>
    %broadcast_in_dim3A_57 = vector.broadcast %jit3A_54 : f32 to vector<8x512xf32>
    %select_n3A_58 = arith.select %broadcast_in_dim3A_56, %integer_pow3A, %broadcast_in_dim3A_57 : vector<8x512xi1>, vector<8x512xf32>
    %reduce_sum3A_59 = arith.constant dense<0.000000e+00> : vector<512xf32>
    %reduce_sum3A_60 = vector.multi_reduction <add>, %select_n3A_58, %reduce_sum3A_59 [0] : vector<8x512xf32> to vector<512xf32>
    %broadcast_in_dim3A_61 = vector.shape_cast %reduce_sum3A_60 : vector<512xf32> to vector<1x512xf32>
    %div3A_62 = arith.constant 4.000000e+00 : f32
    %div3A_63 = vector.broadcast %div3A_62 : f32 to vector<1x512xf32>
    %div3A_64 = arith.divf %broadcast_in_dim3A_61, %div3A_63 : vector<1x512xf32>
    %get3A_65 = arith.constant 1 : index
    %get3A_66 = arith.constant 0 : index
    %get3A_67 = vector.load %arg5[%get3A_65, %get3A_66] : memref<8x512xf32, #tpu.memory_space<vmem>>, vector<1x512xf32>
    %sub3A_68 = vector.broadcast %div3A_51 : vector<1x512xf32> to vector<8x512xf32>
    %sub3A_69 = arith.subf %select_n3A_46, %sub3A_68 : vector<8x512xf32>
    %mul3A_70 = vector.broadcast %get3A_67 : vector<1x512xf32> to vector<8x512xf32>
    %mul3A_71 = arith.mulf %mul3A_70, %sub3A_69 : vector<8x512xf32>
    %add3A_72 = arith.constant 9.99999974E-6 : f32
    %add3A_73 = vector.broadcast %add3A_72 : f32 to vector<1x512xf32>
    %add3A_74 = arith.addf %div3A_64, %add3A_73 : vector<1x512xf32>
    %sqrt3A_75 = math.sqrt %add3A_74 : vector<1x512xf32>
    %div3A_76 = vector.broadcast %sqrt3A_75 : vector<1x512xf32> to vector<8x512xf32>
    %div3A_77 = arith.divf %mul3A_71, %div3A_76 : vector<8x512xf32>
    %get3A_78 = arith.constant 2 : index
    %get3A_79 = arith.constant 0 : index
    %get3A_80 = vector.load %arg5[%get3A_78, %get3A_79] : memref<8x512xf32, #tpu.memory_space<vmem>>, vector<1x512xf32>
    %add3A_81 = vector.broadcast %get3A_80 : vector<1x512xf32> to vector<8x512xf32>
    %add3A_82 = arith.addf %div3A_77, %add3A_81 : vector<8x512xf32>
    %get3A_83 = arith.constant 0 : index
    %get3A_84 = arith.constant 0 : index
    %get3A_85 = vector.load %arg6[%get3A_83, %get3A_84] : memref<512x256xf32, #tpu.memory_space<vmem>>, vector<512x256xf32>
    %dot_general3A_86 = arith.constant dense<0.000000e+00> : vector<8x256xf32>
    %dot_general3A_87 = tpu.matmul %add3A_82, %get3A_85, %dot_general3A_86 {dimension_numbers = #tpu.dot_dimension_numbers<[1], [0], [0], [1], [0, 0, 1, 1], [], []>, transpose_lhs_hint = false} : vector<8x512xf32>, vector<512x256xf32>, vector<8x256xf32> -> vector<8x256xf32>
    %get3A_88 = arith.constant 0 : index
    %get3A_89 = arith.constant 0 : index
    %get3A_90 = vector.load %arg7[%get3A_88, %get3A_89] : memref<8x256xf32, #tpu.memory_space<vmem>>, vector<1x256xf32>
    %add3A_91 = vector.broadcast %get3A_90 : vector<1x256xf32> to vector<8x256xf32>
    %add3A_92 = arith.addf %dot_general3A_87, %add3A_91 : vector<8x256xf32>
    %max3A_93 = arith.constant 0.000000e+00 : f32
    %max3A_94 = vector.broadcast %max3A_93 : f32 to vector<8x256xf32>
    %max3A_95 = arith.maximumf %add3A_92, %max3A_94 : vector<8x256xf32>
    %jit3A_96 = arith.constant 0.000000e+00 : f32
    %broadcast_in_dim3A_97 = vector.shape_cast %lt3A_1 : vector<8x1xi1> to vector<8x1xi1>
    %broadcast_in_dim3A_98 = vector.broadcast %broadcast_in_dim3A_97 : vector<8x1xi1> to vector<8x256xi1>
    %broadcast_in_dim3A_99 = vector.broadcast %jit3A_96 : f32 to vector<8x256xf32>
    %select_n3A_100 = arith.select %broadcast_in_dim3A_98, %max3A_95, %broadcast_in_dim3A_99 : vector<8x256xi1>, vector<8x256xf32>
    %reduce_sum3A_101 = arith.constant dense<0.000000e+00> : vector<256xf32>
    %reduce_sum3A_102 = vector.multi_reduction <add>, %select_n3A_100, %reduce_sum3A_101 [0] : vector<8x256xf32> to vector<256xf32>
    %broadcast_in_dim3A_103 = vector.shape_cast %reduce_sum3A_102 : vector<256xf32> to vector<1x256xf32>
    %div3A_104 = arith.constant 4.000000e+00 : f32
    %div3A_105 = vector.broadcast %div3A_104 : f32 to vector<1x256xf32>
    %div3A_106 = arith.divf %broadcast_in_dim3A_103, %div3A_105 : vector<1x256xf32>
    %sub3A_107 = vector.broadcast %div3A_106 : vector<1x256xf32> to vector<8x256xf32>
    %sub3A_108 = arith.subf %select_n3A_100, %sub3A_107 : vector<8x256xf32>
    %integer_pow3A_109 = arith.mulf %sub3A_108, %sub3A_108 : vector<8x256xf32>
    %jit3A_110 = arith.constant 0.000000e+00 : f32
    %broadcast_in_dim3A_111 = vector.shape_cast %lt3A_1 : vector<8x1xi1> to vector<8x1xi1>
    %broadcast_in_dim3A_112 = vector.broadcast %broadcast_in_dim3A_111 : vector<8x1xi1> to vector<8x256xi1>
    %broadcast_in_dim3A_113 = vector.broadcast %jit3A_110 : f32 to vector<8x256xf32>
    %select_n3A_114 = arith.select %broadcast_in_dim3A_112, %integer_pow3A_109, %broadcast_in_dim3A_113 : vector<8x256xi1>, vector<8x256xf32>
    %reduce_sum3A_115 = arith.constant dense<0.000000e+00> : vector<256xf32>
    %reduce_sum3A_116 = vector.multi_reduction <add>, %select_n3A_114, %reduce_sum3A_115 [0] : vector<8x256xf32> to vector<256xf32>
    %broadcast_in_dim3A_117 = vector.shape_cast %reduce_sum3A_116 : vector<256xf32> to vector<1x256xf32>
    %div3A_118 = arith.constant 4.000000e+00 : f32
    %div3A_119 = vector.broadcast %div3A_118 : f32 to vector<1x256xf32>
    %div3A_120 = arith.divf %broadcast_in_dim3A_117, %div3A_119 : vector<1x256xf32>
    %get3A_121 = arith.constant 1 : index
    %get3A_122 = arith.constant 0 : index
    %get3A_123 = vector.load %arg7[%get3A_121, %get3A_122] : memref<8x256xf32, #tpu.memory_space<vmem>>, vector<1x256xf32>
    %sub3A_124 = vector.broadcast %div3A_106 : vector<1x256xf32> to vector<8x256xf32>
    %sub3A_125 = arith.subf %select_n3A_100, %sub3A_124 : vector<8x256xf32>
    %mul3A_126 = vector.broadcast %get3A_123 : vector<1x256xf32> to vector<8x256xf32>
    %mul3A_127 = arith.mulf %mul3A_126, %sub3A_125 : vector<8x256xf32>
    %add3A_128 = arith.constant 9.99999974E-6 : f32
    %add3A_129 = vector.broadcast %add3A_128 : f32 to vector<1x256xf32>
    %add3A_130 = arith.addf %div3A_120, %add3A_129 : vector<1x256xf32>
    %sqrt3A_131 = math.sqrt %add3A_130 : vector<1x256xf32>
    %div3A_132 = vector.broadcast %sqrt3A_131 : vector<1x256xf32> to vector<8x256xf32>
    %div3A_133 = arith.divf %mul3A_127, %div3A_132 : vector<8x256xf32>
    %get3A_134 = arith.constant 2 : index
    %get3A_135 = arith.constant 0 : index
    %get3A_136 = vector.load %arg7[%get3A_134, %get3A_135] : memref<8x256xf32, #tpu.memory_space<vmem>>, vector<1x256xf32>
    %add3A_137 = vector.broadcast %get3A_136 : vector<1x256xf32> to vector<8x256xf32>
    %add3A_138 = arith.addf %div3A_133, %add3A_137 : vector<8x256xf32>
    %get3A_139 = arith.constant 0 : index
    %get3A_140 = arith.constant 0 : index
    %get3A_141 = vector.load %arg8[%get3A_139, %get3A_140] : memref<256x128xf32, #tpu.memory_space<vmem>>, vector<256x128xf32>
    %dot_general3A_142 = arith.constant dense<0.000000e+00> : vector<8x128xf32>
    %dot_general3A_143 = tpu.matmul %add3A_138, %get3A_141, %dot_general3A_142 {dimension_numbers = #tpu.dot_dimension_numbers<[1], [0], [0], [1], [0, 0, 1, 1], [], []>, transpose_lhs_hint = false} : vector<8x256xf32>, vector<256x128xf32>, vector<8x128xf32> -> vector<8x128xf32>
    %get3A_144 = arith.constant 0 : index
    %get3A_145 = arith.constant 0 : index
    %get3A_146 = vector.load %arg9[%get3A_144, %get3A_145] : memref<8x128xf32, #tpu.memory_space<vmem>>, vector<1x128xf32>
    %add3A_147 = vector.broadcast %get3A_146 : vector<1x128xf32> to vector<8x128xf32>
    %add3A_148 = arith.addf %dot_general3A_143, %add3A_147 : vector<8x128xf32>
    %swap3A = arith.constant 0 : index
    %swap3A_149 = arith.constant 0 : index
    %swap3A_150 = vector.load %arg10[%swap3A, %swap3A_149] : memref<8x128xf32, #tpu.memory_space<vmem>>, vector<8x128xf32>
    tpu.vector_store %arg10[%swap3A, %swap3A_149], %add3A_148 {strides = array<i32>} : memref<8x128xf32, #tpu.memory_space<vmem>>, vector<8x128xf32>,
    return
  }
}

</mosaic_0001>

<sc_bundles>
// kernel: kernel.19.cloned.1.call-start
scs
__scs_entry_jumppad:
0x0: {  	(pc) =	sbr.rel $0x88, $3  }
0x1: {  	(tag) =	ssettag $0x0;
	lr =	simm.s32 $0x1  }
0x2: {  	[smem:$0x3F81] =	sst lr;
	_ =	strace $0xD0000000  }
0x3: {  	_ = 	snop  }
0x4: {  	_ = 	snop  }
0x5: {  	_ = 	snop  }
0x6: {  	_ = 	snop  }
0x7: {  	_ = 	snop  }
__scs_overlays_trampoline_lowered:
0x8: {  	[smem:$0x3F90] =	sst s0  }
0x9: {  	[smem:$0x3F91] =	sst s1  }
0xa: {  	[smem:$0x3F92] =	sst s2  }
0xb: {  	[smem:$0x3F93] =	sst s3  }
0xc: {  	[smem:$0x3F94] =	sst s4  }
0xd: {  	[smem:$0x3F95] =	sst s5  }
0xe: {  	[smem:$0x3F96] =	sst s6  }
0xf: {  	[smem:$0x3F97] =	sst s7  }
0x10: {  	[smem:$0x3F98] =	sst s8  }
0x11: {  	[smem:$0x3F99] =	sst s9;
	s0 =	simm.s32 @!p0 $0x0  }
0x12: {  	s1 =	sld [smem:$0x3F7F];
	s0 =	simm.s32 @p0 $0x1  }
0x13: {  	[smem:$0x3F9A] =	sst s0;
	s0 =	simm.s32 @!p1 $0x0  }
0x14: {  	s2 =	sld [smem:$0x3F7E];
	s0 =	simm.s32 @p1 $0x1  }
0x15: {  	[smem:$0x3F9B] =	sst s0;
	s0 =	simm.s32 @!p2 $0x0  }
0x16: {  	s3 =	sld [smem:$0x3FDB];
	s0 =	simm.s32 @p2 $0x1  }
0x17: {  	s4 =	simm.s32 $0x1BF5;
	[smem:$0x3F9D] =	sst s0  }
0x18: {  	s0 =	sld [smem:$0x3F80];
	_ =	swait.ge [sflag:s4], $0x0  }
0x19: {  	s7 =	sld [smem:$0x3F81]  }
0x1a: {  	s8 =	sadd.s32 $0xFFFFE003, lr  }
0x1b: {  	s9 =	sadd.s32 $0xFFFFFEF7, lr;
	s5 =	simm.s32 $0xFFFFFFFF;
	p2 =	slt.u32 s8, $0xFFFFF086  }
0x1c: {  	p1 =	slt.u32 s9, $0xF7A;
	s5 =	simm.s32 @!p2 $0x0  }
0x1d: {  	s5 =	simm.s32 @p1 $0x1;
	p0 =	seq.s32 s7, s2  }
0x1e: {  	s7 =	smul.u32 @!p0 $0xF7A, s2;
	p2 =	seq.s32 @!p0 s5, $0x0  }
0x1f: {  	s9 =	smul.u32 $0xF7A, s1;
	s8 =	simm.s32 @!p0 $0x1BF5;
	p2 =	por !p2, p0  }
0x20: {  	[sflag:s8] =	ssyncset.s32 @!p0 $0xFFFFF086;
	s6 =	sadd.s32 @!p0 s3, s7;
	s7 =	simm.s32 @!p0 $0x108  }
0x21: {  	s3 =	sadd.s32 s3, s9;
	s6 =	sadd.s32 @!p0 $0x88, s6;
	s7 =	simm.s32 @p2 $0x1082  }
0x22: {  	[simem:s7], [sflag:s8] =	dma.local @!p0 [hbm:s6], $0xF7A  }
0x23: {  	s9 =	sor.u32 $0xD0000000, s2;
	s6 =	simm.s32 $0x108;
	_ =	swait.ge @!p0 [sflag:s8], $0x0  }
0x24: {  	s3 =	sadd.s32 $0x88, s3;
	s6 =	simm.s32 @!p1 $0x1082;
	[sflag:s4] =	ssyncset.s32 $0xFFFFF086  }
0x25: {  	[simem:s6], [sflag:s4] =	dma.local [hbm:s3], $0xF7A  }
0x26: {  	[smem:$0x3F81] =	sst s1;
	(tag) =	ssettag s2;
	_ =	strace s9  }
0x27: {  	s1 =	sld [smem:$0x3F91]  }
0x28: {  	s2 =	sld [smem:$0x3F92]  }
0x29: {  	s4 =	sld [smem:$0x3F94]  }
0x2a: {  	p0 =	seq.s32 s5, $0x0;
	s5 =	sld [smem:$0x3F95]  }
0x2b: {  	s6 =	sld [smem:$0x3F96]  }
0x2c: {  	s7 =	sld [smem:$0x3F97]  }
0x2d: {  	s3 =	simm.s32 $0x108;
	s8 =	sld [smem:$0x3F98]  }
0x2e: {  	s3 =	simm.s32 @!p0 $0x1082;
	s9 =	sld [smem:$0x3F99]  }
0x2f: {  	lr =	sadd.s32 s0, s3;
	s0 =	sld [smem:$0x3F90]  }
0x30: {  	s3 =	sld [smem:$0x3F93]  }
0x31: {  	[smem:$0x3F9C] =	sst s10  }
0x32: {  	s10 =	sld [smem:$0x3F9A];
	_ =	sdelay $0x3  }
0x33: {  	p0 =	seq.s32 s10, $0x1;
	s10 =	sld [smem:$0x3F9C];
	_ =	sdelay $0x3  }
0x34: {  	[smem:$0x3F9C] =	sst s10  }
0x35: {  	s10 =	sld [smem:$0x3F9B];
	_ =	sdelay $0x3  }
0x36: {  	p1 =	seq.s32 s10, $0x1;
	s10 =	sld [smem:$0x3F9C];
	_ =	sdelay $0x3  }
0x37: {  	[smem:$0x3F9C] =	sst s10  }
0x38: {  	s10 =	sld [smem:$0x3F9D]  }
0x39: {  	_ = 	snop;
	(pc) =	sbr.ind lr, $3  }
0x3a: {  	_ = 	snop  }
0x3b: {  	_ = 	snop  }
0x3c: {  	p2 =	seq.s32 s10, $0x1;
	s10 =	sld [smem:$0x3F9C]  }
0x3d: {  	_ =	shalt  }
0x3e: {  	_ =	shalt  }
0x3f: {  	_ =	shalt  }
0x40: {  	_ =	shalt  }
0x41: {  	_ =	shalt  }
0x42: {  	_ =	shalt  }
0x43: {  	_ =	shalt  }
0x44: {  	_ =	shalt  }
0x45: {  	_ =	shalt  }
0x46: {  	_ =	shalt  }
0x47: {  	_ =	shalt  }
0x48: {  	_ =	shalt  }
0x49: {  	_ =	shalt  }
0x4a: {  	_ =	shalt  }
0x4b: {  	_ =	shalt  }
0x4c: {  	_ =	shalt  }
0x4d: {  	_ =	shalt  }
0x4e: {  	_ =	shalt  }
0x4f: {  	_ =	shalt  }
0x50: {  	_ =	shalt  }
0x51: {  	_ =	shalt  }
0x52: {  	_ =	shalt  }
0x53: {  	_ =	shalt  }
0x54: {  	_ =	shalt  }
0x55: {  	_ =	shalt  }
0x56: {  	_ =	shalt  }
0x57: {  	_ =	shalt  }
0x58: {  	_ =	shalt  }
0x59: {  	_ =	shalt  }
0x5a: {  	_ =	shalt  }
0x5b: {  	_ =	shalt  }
0x5c: {  	_ =	shalt  }
0x5d: {  	_ =	shalt  }
0x5e: {  	_ =	shalt  }
0x5f: {  	_ =	shalt  }
0x60: {  	_ =	shalt  }
0x61: {  	_ =	shalt  }
0x62: {  	_ =	shalt  }
0x63: {  	_ =	shalt  }
0x64: {  	_ =	shalt  }
0x65: {  	_ =	shalt  }
0x66: {  	_ =	shalt  }
0x67: {  	_ =	shalt  }
0x68: {  	_ =	shalt  }
0x69: {  	_ =	shalt  }
0x6a: {  	_ =	shalt  }
0x6b: {  	_ =	shalt  }
0x6c: {  	_ =	shalt  }
0x6d: {  	_ =	shalt  }
0x6e: {  	_ =	shalt  }
0x6f: {  	_ =	shalt  }
0x70: {  	_ =	shalt  }
0x71: {  	_ =	shalt  }
0x72: {  	_ =	shalt  }
0x73: {  	_ =	shalt  }
0x74: {  	_ =	shalt  }
0x75: {  	_ =	shalt  }
0x76: {  	_ =	shalt  }
0x77: {  	_ =	shalt  }
0x78: {  	_ =	shalt  }
0x79: {  	_ =	shalt  }
0x7a: {  	_ =	shalt  }
0x7b: {  	_ =	shalt  }
0x7c: {  	_ =	shalt  }
0x7d: {  	_ =	shalt  }
0x7e: {  	_ =	shalt  }
0x7f: {  	_ =	shalt  }
0x80: {  	_ =	shalt  }
0x81: {  	_ =	shalt  }
0x82: {  	_ =	shalt  }
0x83: {  	_ =	shalt  }
0x84: {  	_ =	shalt  }
0x85: {  	_ =	shalt  }
0x86: {  	_ =	shalt  }
0x87: {  	_ =	shalt  }
.Lfunc_end0:
.L_simem_size_0:
called_computation_lowered:
.L_overlay_start_0:
0x88: {  	s2 =	sld [smem:$0x3FD9]  }
0x89: {  	s3 =	sld [smem:$0x3FFE];
	_ =	sdelay $0x1  }
0x8a: {  	s1 =	srdreg.scid  }
0x8b: {  	s0 =	sand.u32 $0x1, s1  }
0x8c: {  	s16 =	sshll.u32 s0, $0xA;
	s2 =	sadd.s32 s3, s2  }
0x8d: {  	s2 =	sadd.s32 s2, s16  }
0x8e: {  	[smem:$0x3FA8] =	sst s2  }
0x8f: {  	_ = 	snop  }
0x90: {  	(tm) =	ssettm $0x1  }
0x91: {  	s17 =	sld [smem:$0x3FFB];
	_ =	sdelay $0x3  }
0x92: {  	_ =	strace s17  }
0x93: {  	s2 =	sld [smem:$0x3FFC];
	_ =	sdelay $0x3  }
0x94: {  	_ =	strace s2  }
0x95: {  	s2 =	sld [smem:$0x3FFD];
	_ =	sdelay $0x3  }
0x96: {  	_ =	strace s2  }
0x97: {  	_ =	strace $0x8FFFFFFF  }
0x98: {  	s18 =	sld [smem:$0x3FDB];
	_ =	sdelay $0x1  }
0x99: {  	s19 =	simm.s32 $_scs_section_size  }
0x9a: {  	s4 =	simm.s32 $_size__tile_overlayer_lowered;
	s5 =	simm.s32 $_tile_overlayer_lowered  }
0x9b: {  	s22 =	simm.s32 $0x1BFF;
	s21 =	sshll.u32 s5, $0x1;
	s2 =	sadd.s32 s19, s18  }
0x9c: {  	s6 =	simm.s32 $0x0;
	s20 =	sshll.u32 s4, $0x1;
	s4 =	sadd.s32 s21, s2  }
0x9d: {  	[timem:s6], [sflag:s22] =	dma.local [hbm:s4], s20  }
0x9e: {  	_ =	swait.ge [sflag:s22], s20  }
0x9f: {  	s3 =	ssub.s32 $0x0, s20;
	[sflag:s22] =	ssyncset.done $0x0  }
0xa0: {  	[sflag:s22] =	ssyncadd.s32 s3;
	_ =	sdelay $0x1  }
0xa1: {  	s23 =	simm.s32 $0x1B8B  }
0xa2: {  	_ =	swait.ge [sflag:s23], $0x1  }
0xa3: {  	[sflag:s23] =	ssyncset.done $0x0  }
0xa4: {  	s25 =	simm.s32 $0x1B8E;
	s24 =	sld [smem:$0x3FFE];
	[sflag:s23] =	ssyncadd.s32 $0xFFFFFFFF  }
0xa5: {  	s26 =	simm.s32 $execute0_lowered;
	[smem:$0x3FD2] =	sst s25  }
0xa6: {  	s4 =	sshll.u32 s26, $0x1;
	_ =	strace $0x80000046;
	[dreg:$0x1] =	wrdreg $0xFFFFFFFF  }
0xa7: {  	s28 =	simm.s32 $_size_execute0_lowered;
	s2 =	sadd.s32 s2, s4;
	[dreg:$0x0] =	wrdreg $0x0  }
0xa8: {  	s4 =	sshll.u32 s28, $0x1;
	[dreg:$0x2] =	wrdreg s2  }
0xa9: {  	[dreg:$0x3] =	wrdreg s4  }
0xaa: {  	[dreg:$0x4] =	wrdreg $0xC0  }
0xab: {  	_ =	task [dreg:s6], $0x5FFFF  }
0xac: {  	[dreg:$0x1] =	wrdreg $0xFFFFFFFF  }
0xad: {  	[dreg:$0x0] =	wrdreg $0x60  }
0xae: {  	[dreg:$0x2] =	wrdreg s24  }
0xaf: {  	[dreg:$0x3] =	wrdreg $0x9  }
0xb0: {  	_ =	task.clear_ibuf [dreg:s6], $0x4FFFF;
	_ =	strace $0x90000046  }
0xb1: {  	s29 =	simm.s32 $0x9;
	_ =	strace $0x80000048  }
0xb2: {  	_ =	swait.ge [sflag:s29], $0x1  }
0xb3: {  	[sflag:s29] =	ssyncadd.s32 $0xFFFFFFFF  }
0xb4: {  	_ =	strace $0x90000048  }
0xb5: {  	_ =	sfence  }
0xb6: {  	s30 =	sld [smem:$0x0];
	_ =	sdelay $0x2  }
0xb7: {  	s31 =	sshll.u32 s1, $0xD;
	s1 =	sshrl.u32 s1, $0x2  }
0xb8: {  	s3 =	sand.u32 $0x4000, s31;
	s1 =	sadd.s32 s1, s30  }
0xb9: {  	s0 =	sor.u32 s3, s0;
	s1 =	sshll.u32 s1, $0x11  }
0xba: {  	s0 =	sor.u32 s1, s0  }
0xbb: {  	s0 =	sadd.s32 $0x8F2B, s0  }
0xbc: {  	[sflag:s0] =	ssyncadd.remote.s32 $0x1  }
0xbd: {  	_ =	sfence.sel $0xFFFF  }
0xbe: {  	[dreg:$0x0] =	wrdreg $0xFFFFFFFF;
	(pc) =	sbr.abs _section_cstart, $3  }
0xbf: {  	[dreg:$0x1] =	wrdreg $0xFFFFFFFF  }
0xc0: {  	_ =	task.clear_ibuf [dreg:s6], $0x2FFFF;
	_ =	strace $0x9FFFFFFF  }
0xc1: {  	(tm) =	ssettm $0x7FFFFFFF  }
tec
execute0_lowered:
.L_overlay_start_1:
0x0: {  	(tag) =	ssettag $0x1  }
0x1: {  	s4 =	rddreg [dreg:$0x0]  }
0x2: {  	s0 =	rddreg [dreg:$0x1]  }
0x3: {  	s3 =	srdreg.scid;
	s1 =	stileid.u32;
	s2 =	simm.s32 $0x0  }
0x4: {  	s13 =	simm.s32 $0x2;
	s14 =	simm.s32 $0x80;
	s15 =	simm.s32 $0x400  }
0x5: {  	s16 =	simm.s32 $0x4400;
	s17 =	simm.s32 $0x100;
	s18 =	simm.s32 $0x8400  }
0x6: {  	s19 =	simm.s32 $0x180;
	s20 =	simm.s32 $0xC400;
	s21 =	simm.s32 $0x200  }
0x7: {  	s22 =	simm.s32 $0x10400;
	s23 =	simm.s32 $0x14400;
	s24 =	simm.s32 $0x18400  }
0x8: {  	s25 =	simm.s32 $0x1;
	s3 =	sand.u32 $0x1, s3;
	s5 =	sshll.u32 s1, $0x1  }
0x9: {  	s26 =	simm.s32 $0x0;
	[smem:$0x7FF] =	sst s2;
	s5 =	sor.u32 s3, s5  }
0xa: {  	_ =	strace $0x80000047;
	s30 =	ssub.s32 $0x2, s3;
	s3 =	sadd.s32 $0x17A00, s4  }
0xb: {  	s6 =	sshll.u32 s5, $0x7;
	s7 =	sshll.u32 s5, $0xB;
	s31 =	sshrl.u32 s30, $0x1  }
0xc: {  	s6 =	sadd.s32 s6, s4;
	s11 =	sadd.s32 s7, s4;
	s12 =	ssub.s32 s30, s31  }
0xd: {  	s4 =	sadd.s32 $0x16A00, s6;
	s5 =	sadd.s32 $0x27A00, s11;
	s6 =	sadd.s32 s3, s7  }
0xe: {  	s7 =	sadd.s32 $0x37A00, s11;
	s8 =	sadd.s32 $0x47A00, s11;
	s9 =	sadd.s32 $0x57A00, s11  }
0xf: {  	s10 =	sadd.s32 $0x67A00, s11;
	s11 =	sadd.s32 $0x77A00, s11;
	s12 =	smax.u32 s12, $0x1  }
.LBB2_1:
0x10: {  	[tilespmem:s2], [sflag:$0x2] =	stream.linear.gather [hbm4b:s4+s2], $0x280, $0x38;
	[tilespmem:$0x1C400] =	vst v63  }
0x11: {  	_ =	swait.ge [sflag:s13], $0x280  }
0x12: {  	[sflag:s13] =	ssyncset.done $0x0  }
0x13: {  	[sflag:s13] =	ssyncadd.s32 $0xFFFFFD80  }
0x14: {  	[tilespmem:s15], [sflag:$0x1] =	stream.indirect.gather [hbm4b:s3+s14], $0x80, s2, s14, $0xb8;
	[tilespmem:$0x1C400] =	vst v63  }
0x15: {  	_ = 	snop  }
0x16: {  	[tilespmem:s16], [sflag:$0x1] =	stream.indirect.gather [hbm4b:s3+s14], $0x80, s14, s14, $0xb8;
	[tilespmem:$0x1C400] =	vst v63  }
0x17: {  	_ = 	snop  }
0x18: {  	[tilespmem:s18], [sflag:$0x1] =	stream.indirect.gather [hbm4b:s3+s14], $0x80, s17, s14, $0xb8;
	[tilespmem:$0x1C400] =	vst v63  }
0x19: {  	_ = 	snop  }
0x1a: {  	[tilespmem:s20], [sflag:$0x1] =	stream.indirect.gather [hbm4b:s3+s14], $0x80, s19, s14, $0xb8;
	[tilespmem:$0x1C400] =	vst v63  }
0x1b: {  	_ = 	snop  }
0x1c: {  	[tilespmem:s22], [sflag:$0x1] =	stream.indirect.gather [hbm4b:s3+s14], $0x80, s21, s14, $0xb8;
	[tilespmem:$0x1C400] =	vst v63  }
0x1d: {  	_ = 	snop  }
0x1e: {  	[tilespmem:s23], [sflag:$0x2] =	stream.linear.gather [hbm4b:s5+s2], $0x4000, $0x38;
	[tilespmem:$0x1C400] =	vst v63  }
0x1f: {  	_ =	swait.ge [sflag:s13], $0x4000  }
0x20: {  	[sflag:s13] =	ssyncset.done $0x0  }
0x21: {  	[sflag:s13] =	ssyncadd.s32 $0xFFFFC000  }
0x22: {  	[tilespmem:s24], [sflag:$0x2] =	stream.linear.gather [hbm4b:s6+s2], $0x4000, $0x38;
	[tilespmem:$0x1C400] =	vst v63  }
0x23: {  	_ =	swait.ge [sflag:s13], $0x4000  }
0x24: {  	[sflag:s13] =	ssyncset.done $0x0  }
0x25: {  	[sflag:s13] =	ssyncadd.s32 $0xFFFFC000  }
0x26: {  	_ =	swait.ge [sflag:s25], $0x4000  }
0x27: {  	[sflag:s25] =	ssyncset.done $0x0  }
0x28: {  	[sflag:s25] =	ssyncadd.s32 $0xFFFFC000  }
0x29: {  	_ =	swait.ge [sflag:s25], $0x4000  }
0x2a: {  	[sflag:s25] =	ssyncset.done $0x0  }
0x2b: {  	[sflag:s25] =	ssyncadd.s32 $0xFFFFC000  }
0x2c: {  	_ =	swait.ge [sflag:s25], $0x4000  }
0x2d: {  	[sflag:s25] =	ssyncset.done $0x0  }
0x2e: {  	[sflag:s25] =	ssyncadd.s32 $0xFFFFC000  }
0x2f: {  	_ =	swait.ge [sflag:s25], $0x4000  }
0x30: {  	[sflag:s25] =	ssyncset.done $0x0  }
0x31: {  	[sflag:s25] =	ssyncadd.s32 $0xFFFFC000  }
0x32: {  	_ =	swait.ge [sflag:s25], $0x4000  }
0x33: {  	[sflag:s25] =	ssyncset.done $0x0  }
0x34: {  	s28 =	simm.s32 $0x0;
	[sflag:s25] =	ssyncadd.s32 $0xFFFFC000  }
0x35: {  	v5 =	vld [tilespmem:s28+$0x14400]  }
0x36: {  	v6 =	vld [tilespmem:s28+$0x14410]  }
0x37: {  	v7 =	vld [tilespmem:s28+$0x14420]  }
0x38: {  	v8 =	vld [tilespmem:s28+$0x14430]  }
0x39: {  	v9 =	vld [tilespmem:s28+$0x14440]  }
0x3a: {  	v4 =	vld [tilespmem:s28+$0x14450]  }
0x3b: {  	v1 =	vld [tilespmem:s28+$0x14460]  }
0x3c: {  	v10 =	vld [tilespmem:s28+$0x18400]  }
0x3d: {  	v11 =	vld [tilespmem:s28+$0x18410]  }
0x3e: {  	v12 =	vld [tilespmem:s28+$0x18420]  }
0x3f: {  	v16 =	vld [tilespmem:s28+$0x400]  }
0x40: {  	v17 =	vld [tilespmem:s28+$0x4400]  }
0x41: {  	v18 =	vld [tilespmem:s28+$0x8400]  }
0x42: {  	v19 =	vld [tilespmem:s28+$0xC400]  }
0x43: {  	v20 =	vld [tilespmem:s28+$0x10400]  }
0x44: {  	v21 =	vld [tilespmem:s28+$0x410]  }
0x45: {  	v22 =	vld [tilespmem:s28+$0x4410]  }
0x46: {  	v23 =	vld [tilespmem:s28+$0x8410]  }
0x47: {  	v24 =	vld [tilespmem:s28+$0xC410]  }
0x48: {  	v13 =	vld [tilespmem:s28+$0x18430];
	v16 =	vsub.f32 v16, v10;
	v17 =	vsub.f32 v17, v10  }
0x49: {  	v47 =	vld [tilespmem:s28+$0x10410];
	v18 =	vsub.f32 v18, v10;
	v19 =	vsub.f32 v19, v10  }
0x4a: {  	v49 =	vld [tilespmem:s28+$0x4420];
	v10 =	vsub.f32 v20, v10;
	v50 =	vsub.f32 v21, v11  }
0x4b: {  	v55 =	vld [tilespmem:s28+$0x430];
	v51 =	vsub.f32 v22, v11;
	v52 =	vsub.f32 v23, v11  }
0x4c: {  	v0 =	vld [tilespmem:s28+$0x14470];
	v54 =	vsub.f32 v24, v11;
	v16 =	vadd.f32 v16, v5  }
0x4d: {  	v48 =	vld [tilespmem:s28+$0x420];
	v17 =	vadd.f32 v17, v5;
	v18 =	vadd.f32 v18, v5  }
0x4e: {  	v53 =	vld [tilespmem:s28+$0x10420];
	v19 =	vadd.f32 v19, v5;
	v5 =	vadd.f32 v10, v5;
	[tilespmem:s28+$0x400] =	vst v16  }
0x4f: {  	v11 =	vsub.f32 v47, v11;
	v58 =	vsub.f32 v49, v12;
	v10 =	vld [tilespmem:s28+$0x8420];
	[tilespmem:s28+$0x4400] =	vst v17  }
0x50: {  	v61 =	vsub.f32 v55, v13;
	v20 =	vadd.f32 v50, v6;
	[tilespmem:s28+$0x10400] =	vst v5;
	v5 =	vld [tilespmem:s28+$0xC420]  }
0x51: {  	v57 =	vld [tilespmem:s28+$0x4430];
	v21 =	vadd.f32 v52, v6;
	v56 =	vadd.f32 v54, v6;
	[tilespmem:s28+$0x8400] =	vst v18  }
0x52: {  	[tilespmem:s28+$0xC400] =	vst v19;
	v19 =	vadd.f32 v51, v6;
	v6 =	vadd.f32 v11, v6;
	v11 =	vld [tilespmem:s28+$0x8430]  }
0x53: {  	v59 =	vld [tilespmem:s28+$0x10430];
	[tilespmem:s28+$0x410] =	vst v20;
	v17 =	vsub.f32 v48, v12;
	v16 =	vadd.f32 v58, v7  }
0x54: {  	v18 =	vadd.f32 v61, v8;
	[tilespmem:s28+$0x10410] =	vst v6;
	v6 =	vld [tilespmem:s28+$0xC430];
	v10 =	vsub.f32 v10, v12  }
0x55: {  	v14 =	vld [tilespmem:s28+$0x18440];
	[tilespmem:s28+$0x8410] =	vst v21;
	v17 =	vadd.f32 v17, v7;
	v5 =	vsub.f32 v5, v12  }
0x56: {  	v15 =	vld [tilespmem:s28+$0x18450];
	[tilespmem:s28+$0xC410] =	vst v56;
	v10 =	vadd.f32 v10, v7;
	v12 =	vsub.f32 v53, v12  }
0x57: {  	v60 =	vld [tilespmem:s28+$0x440];
	[tilespmem:s28+$0x4410] =	vst v19;
	v11 =	vsub.f32 v11, v13;
	v5 =	vadd.f32 v5, v7  }
0x58: {  	[tilespmem:s28+$0x8420] =	vst v10;
	v10 =	vld [tilespmem:s28+$0x4440];
	v7 =	vadd.f32 v12, v7;
	v12 =	vsub.f32 v57, v13  }
0x59: {  	v6 =	vsub.f32 v6, v13;
	v13 =	vsub.f32 v59, v13;
	[tilespmem:s28+$0xC420] =	vst v5;
	v5 =	vld [tilespmem:s28+$0x8440]  }
0x5a: {  	v11 =	vadd.f32 v11, v8;
	[tilespmem:s28+$0x10420] =	vst v7;
	v7 =	vld [tilespmem:s28+$0xC440];
	v12 =	vadd.f32 v12, v8  }
0x5b: {  	v62 =	vld [tilespmem:s28+$0x10440];
	[tilespmem:s28+$0x4420] =	vst v16;
	v6 =	vadd.f32 v6, v8;
	v8 =	vadd.f32 v13, v8  }
0x5c: {  	v3 =	vld [tilespmem:s28+$0x18460];
	[tilespmem:s28+$0x430] =	vst v18;
	v16 =	vsub.f32 v60, v14  }
0x5d: {  	[tilespmem:s28+$0x10430] =	vst v8;
	v8 =	vld [tilespmem:s28+$0xC450]  }
0x5e: {  	v13 =	vadd.f32 v16, v9;
	[tilespmem:s28+$0x4430] =	vst v12;
	v12 =	vld [tilespmem:s28+$0x450];
	v10 =	vsub.f32 v10, v14  }
0x5f: {  	[tilespmem:s28+$0xC430] =	vst v6;
	v6 =	vld [tilespmem:s28+$0x8450];
	v5 =	vsub.f32 v5, v14;
	v7 =	vsub.f32 v7, v14  }
0x60: {  	[tilespmem:s28+$0x8430] =	vst v11;
	v11 =	vld [tilespmem:s28+$0x4450];
	v10 =	vadd.f32 v10, v9;
	v14 =	vsub.f32 v62, v14  }
0x61: {  	v2 =	vld [tilespmem:s28+$0x18470];
	[tilespmem:s28+$0x440] =	vst v13;
	v5 =	vadd.f32 v5, v9;
	v7 =	vadd.f32 v7, v9  }
0x62: {  	v13 =	vld [tilespmem:s28+$0x10450];
	[tilespmem:s28+$0x4440] =	vst v10;
	v9 =	vadd.f32 v14, v9;
	v8 =	vsub.f32 v8, v15  }
0x63: {  	v10 =	vld [tilespmem:s28+$0x460];
	[tilespmem:s28+$0x8440] =	vst v5;
	v5 =	vsub.f32 v12, v15  }
0x64: {  	v63 =	vld [tilespmem:s28+$0x4460];
	[tilespmem:s28+$0x10440] =	vst v9;
	v9 =	vsub.f32 v6, v15;
	v8 =	vadd.f32 v8, v4  }
0x65: {  	[tilespmem:s28+$0xC440] =	vst v7;
	v12 =	vld [tilespmem:s28+$0x8460];
	v7 =	vsub.f32 v11, v15;
	v5 =	vadd.f32 v5, v4  }
0x66: {  	v14 =	vld [tilespmem:s28+$0xC460];
	v9 =	vadd.f32 v9, v4;
	[tilespmem:s28+$0xC450] =	vst v8  }
0x67: {  	v6 =	vld [tilespmem:s28+$0x10460];
	v11 =	vsub.f32 v13, v15;
	v7 =	vadd.f32 v7, v4;
	[tilespmem:s28+$0x450] =	vst v5  }
0x68: {  	v5 =	vld [tilespmem:s28+$0x470];
	[tilespmem:s28+$0x8450] =	vst v9;
	v9 =	vsub.f32 v10, v3  }
0x69: {  	v8 =	vsub.f32 v63, v3;
	[tilespmem:s28+$0x4450] =	vst v7;
	v7 =	vld [tilespmem:s28+$0x4470];
	v10 =	vadd.f32 v11, v4  }
0x6a: {  	[tilespmem:s28+$0x420] =	vst v17;
	v4 =	vld [tilespmem:s28+$0x8470];
	v12 =	vsub.f32 v12, v3;
	v11 =	vadd.f32 v9, v1  }
0x6b: {  	s29 =	simm.s32 $0x200;
	[tilespmem:s28+$0x10450] =	vst v10;
	v9 =	vadd.f32 v8, v1;
	v10 =	vsub.f32 v14, v3;
	v8 =	vld [tilespmem:s28+$0xC470]  }
.LBB2_2:
0x6c: {  	s30 =	sshra.s32 s29, $0x2;
	p0 =	sne.s32 s29, $0xFE00;
	[tilespmem:s28+$0x460] =	vst v11;
	v11 =	vadd.f32 v12, v1;
	v3 =	vsub.f32 v6, v3;
	v6 =	vld [tilespmem:s28+$0x10470]  }
0x6d: {  	v12 =	vld [tilespmem:s30+$0x14400];
	[tilespmem:s28+$0x4460] =	vst v9;
	v10 =	vadd.f32 v10, v1;
	v5 =	vsub.f32 v5, v2  }
0x6e: {  	v13 =	vld [tilespmem:s30+$0x14410];
	[tilespmem:s28+$0x8460] =	vst v11;
	v1 =	vadd.f32 v3, v1;
	v3 =	vsub.f32 v7, v2  }
0x6f: {  	v9 =	vld [tilespmem:s30+$0x14420];
	[tilespmem:s28+$0xC460] =	vst v10;
	v10 =	vadd.f32 v5, v0;
	v4 =	vsub.f32 v4, v2  }
0x70: {  	v7 =	vld [tilespmem:s30+$0x14430];
	[tilespmem:s28+$0x10460] =	vst v1;
	v1 =	vadd.f32 v3, v0;
	v3 =	vsub.f32 v8, v2  }
0x71: {  	v5 =	vld [tilespmem:s30+$0x14440];
	[tilespmem:s28+$0x470] =	vst v10;
	v8 =	vadd.f32 v4, v0;
	v2 =	vsub.f32 v6, v2  }
0x72: {  	v4 =	vld [tilespmem:s30+$0x14450];
	[tilespmem:s28+$0x4470] =	vst v1;
	v3 =	vadd.f32 v3, v0  }
0x73: {  	v1 =	vld [tilespmem:s30+$0x14460];
	[tilespmem:s28+$0x8470] =	vst v8;
	v2 =	vadd.f32 v2, v0  }
0x74: {  	v0 =	vld [tilespmem:s30+$0x14470];
	[tilespmem:s28+$0xC470] =	vst v3  }
0x75: {  	v10 =	vld [tilespmem:s30+$0x18400];
	[tilespmem:s28+$0x10470] =	vst v2;
	s28 =	smov.u32 s30  }
0x76: {  	v11 =	vld [tilespmem:s28+$0x18410]  }
0x77: {  	v14 =	vld [tilespmem:s28+$0x18420]  }
0x78: {  	v15 =	vld [tilespmem:s28+$0x18430]  }
0x79: {  	v8 =	vld [tilespmem:s28+$0x18440]  }
0x7a: {  	v6 =	vld [tilespmem:s28+$0x18450]  }
0x7b: {  	v3 =	vld [tilespmem:s28+$0x18460]  }
0x7c: {  	v2 =	vld [tilespmem:s28+$0x18470]  }
0x7d: {  	v16 =	vld [tilespmem:s28+$0x400]  }
0x7e: {  	v17 =	vld [tilespmem:s28+$0x4400]  }
0x7f: {  	v18 =	vld [tilespmem:s28+$0x8400]  }
0x80: {  	v19 =	vld [tilespmem:s28+$0xC400]  }
0x81: {  	v20 =	vld [tilespmem:s28+$0x10400]  }
0x82: {  	v16 =	vsub.f32 v16, v10;
	v21 =	vld [tilespmem:s28+$0x410]  }
0x83: {  	v17 =	vsub.f32 v17, v10;
	v22 =	vld [tilespmem:s28+$0x4410]  }
0x84: {  	v16 =	vadd.f32 v16, v12;
	v18 =	vsub.f32 v18, v10;
	v23 =	vld [tilespmem:s28+$0x8410]  }
0x85: {  	v17 =	vadd.f32 v17, v12;
	v19 =	vsub.f32 v19, v10;
	v24 =	vld [tilespmem:s28+$0xC410]  }
0x86: {  	[tilespmem:s28+$0x400] =	vst v16;
	v16 =	vadd.f32 v18, v12;
	v10 =	vsub.f32 v20, v10;
	v18 =	vld [tilespmem:s28+$0x10410]  }
0x87: {  	[tilespmem:s28+$0x4400] =	vst v17;
	v17 =	vadd.f32 v19, v12;
	v19 =	vsub.f32 v21, v11;
	v20 =	vld [tilespmem:s28+$0x420]  }
0x88: {  	[tilespmem:s28+$0x8400] =	vst v16;
	v10 =	vadd.f32 v10, v12;
	v12 =	vsub.f32 v22, v11;
	v16 =	vld [tilespmem:s28+$0x4420]  }
0x89: {  	[tilespmem:s28+$0xC400] =	vst v17;
	v17 =	vadd.f32 v19, v13;
	v19 =	vsub.f32 v23, v11;
	v21 =	vld [tilespmem:s28+$0x8420]  }
0x8a: {  	[tilespmem:s28+$0x10400] =	vst v10;
	v10 =	vadd.f32 v12, v13;
	v12 =	vsub.f32 v24, v11;
	v22 =	vld [tilespmem:s28+$0xC420]  }
0x8b: {  	[tilespmem:s28+$0x410] =	vst v17;
	v17 =	vadd.f32 v19, v13;
	v11 =	vsub.f32 v18, v11;
	v18 =	vld [tilespmem:s28+$0x10420]  }
0x8c: {  	[tilespmem:s28+$0x4410] =	vst v10;
	v10 =	vadd.f32 v12, v13;
	v12 =	vsub.f32 v20, v14;
	v19 =	vld [tilespmem:s28+$0x430]  }
0x8d: {  	[tilespmem:s28+$0x8410] =	vst v17;
	v11 =	vadd.f32 v11, v13;
	v13 =	vsub.f32 v16, v14;
	v16 =	vld [tilespmem:s28+$0x4430]  }
0x8e: {  	[tilespmem:s28+$0xC410] =	vst v10;
	v10 =	vadd.f32 v12, v9;
	v12 =	vsub.f32 v21, v14;
	v17 =	vld [tilespmem:s28+$0x8430]  }
0x8f: {  	[tilespmem:s28+$0x10410] =	vst v11;
	v11 =	vadd.f32 v13, v9;
	v13 =	vsub.f32 v22, v14;
	v20 =	vld [tilespmem:s28+$0xC430]  }
0x90: {  	[tilespmem:s28+$0x420] =	vst v10;
	v10 =	vadd.f32 v12, v9;
	v12 =	vsub.f32 v18, v14;
	v14 =	vld [tilespmem:s28+$0x10430]  }
0x91: {  	[tilespmem:s28+$0x4420] =	vst v11;
	v11 =	vadd.f32 v13, v9;
	v13 =	vsub.f32 v19, v15;
	v18 =	vld [tilespmem:s28+$0x440]  }
0x92: {  	[tilespmem:s28+$0x8420] =	vst v10;
	v9 =	vadd.f32 v12, v9;
	v10 =	vsub.f32 v16, v15;
	v12 =	vld [tilespmem:s28+$0x4440]  }
0x93: {  	[tilespmem:s28+$0xC420] =	vst v11;
	v11 =	vadd.f32 v13, v7;
	v13 =	vsub.f32 v17, v15;
	v16 =	vld [tilespmem:s28+$0x8440]  }
0x94: {  	[tilespmem:s28+$0x10420] =	vst v9;
	v9 =	vadd.f32 v10, v7;
	v10 =	vsub.f32 v20, v15;
	v17 =	vld [tilespmem:s28+$0xC440]  }
0x95: {  	[tilespmem:s28+$0x430] =	vst v11;
	v11 =	vadd.f32 v13, v7;
	v13 =	vsub.f32 v14, v15;
	v14 =	vld [tilespmem:s28+$0x10440]  }
0x96: {  	[tilespmem:s28+$0x4430] =	vst v9;
	v9 =	vadd.f32 v10, v7;
	v10 =	vsub.f32 v18, v8;
	v15 =	vld [tilespmem:s28+$0x450]  }
0x97: {  	[tilespmem:s28+$0x8430] =	vst v11;
	v7 =	vadd.f32 v13, v7;
	v11 =	vsub.f32 v12, v8;
	v12 =	vld [tilespmem:s28+$0x4450]  }
0x98: {  	[tilespmem:s28+$0xC430] =	vst v9;
	v9 =	vadd.f32 v10, v5;
	v10 =	vsub.f32 v16, v8;
	v13 =	vld [tilespmem:s28+$0x8450]  }
0x99: {  	[tilespmem:s28+$0x10430] =	vst v7;
	v7 =	vadd.f32 v11, v5;
	v11 =	vsub.f32 v17, v8;
	v16 =	vld [tilespmem:s28+$0xC450]  }
0x9a: {  	[tilespmem:s28+$0x440] =	vst v9;
	v9 =	vadd.f32 v10, v5;
	v8 =	vsub.f32 v14, v8;
	v10 =	vld [tilespmem:s28+$0x10450]  }
0x9b: {  	[tilespmem:s28+$0x4440] =	vst v7;
	v7 =	vadd.f32 v11, v5;
	v11 =	vsub.f32 v15, v6;
	v14 =	vld [tilespmem:s28+$0x460]  }
0x9c: {  	[tilespmem:s28+$0x8440] =	vst v9;
	v5 =	vadd.f32 v8, v5;
	v8 =	vsub.f32 v12, v6;
	v9 =	vld [tilespmem:s28+$0x4460]  }
0x9d: {  	[tilespmem:s28+$0xC440] =	vst v7;
	v7 =	vadd.f32 v11, v4;
	v11 =	vsub.f32 v13, v6;
	v12 =	vld [tilespmem:s28+$0x8460]  }
0x9e: {  	[tilespmem:s28+$0x10440] =	vst v5;
	v5 =	vadd.f32 v8, v4;
	v8 =	vsub.f32 v16, v6;
	v13 =	vld [tilespmem:s28+$0xC460]  }
.Ltmp0:
0x9f: {  	[tilespmem:s28+$0x450] =	vst v7;
	v7 =	vadd.f32 v11, v4;
	v10 =	vsub.f32 v10, v6;
	v6 =	vld [tilespmem:s28+$0x10460];
	(pc) =	sbr.rel @p0 .LBB2_2-.Ltmp0, $4  }
0xa0: {  	[tilespmem:s28+$0x4450] =	vst v5;
	v8 =	vadd.f32 v8, v4;
	v11 =	vsub.f32 v14, v3;
	v5 =	vld [tilespmem:s28+$0x470]  }
0xa1: {  	[tilespmem:s28+$0x8450] =	vst v7;
	v10 =	vadd.f32 v10, v4;
	v9 =	vsub.f32 v9, v3;
	v7 =	vld [tilespmem:s28+$0x4470]  }
0xa2: {  	[tilespmem:s28+$0xC450] =	vst v8;
	v11 =	vadd.f32 v11, v1;
	v12 =	vsub.f32 v12, v3;
	v4 =	vld [tilespmem:s28+$0x8470]  }
0xa3: {  	s29 =	sadd.s32 $0x200, s29;
	[tilespmem:s28+$0x10450] =	vst v10;
	v9 =	vadd.f32 v9, v1;
	v10 =	vsub.f32 v13, v3;
	v8 =	vld [tilespmem:s28+$0xC470]  }
0xa4: {  	[tilespmem:s28+$0x460] =	vst v11;
	v54 =	vadd.f32 v12, v1;
	v3 =	vsub.f32 v6, v3;
	v55 =	vld [tilespmem:s28+$0x10470]  }
0xa5: {  	[tilespmem:s28+$0x4460] =	vst v9;
	v56 =	vadd.f32 v10, v1;
	v5 =	vsub.f32 v5, v2  }
0xa6: {  	[tilespmem:s28+$0x8460] =	vst v54;
	v57 =	vadd.f32 v3, v1;
	v58 =	vsub.f32 v7, v2  }
0xa7: {  	[tilespmem:s28+$0xC460] =	vst v56;
	v5 =	vadd.f32 v5, v0;
	v4 =	vsub.f32 v4, v2  }
0xa8: {  	[tilespmem:s28+$0x10460] =	vst v57;
	v59 =	vadd.f32 v58, v0;
	v60 =	vsub.f32 v8, v2  }
0xa9: {  	[tilespmem:s28+$0x470] =	vst v5;
	v4 =	vadd.f32 v4, v0;
	v61 =	vsub.f32 v55, v2  }
0xaa: {  	[tilespmem:s28+$0x4470] =	vst v59;
	v62 =	vadd.f32 v60, v0  }
0xab: {  	[tilespmem:s28+$0x8470] =	vst v4;
	v63 =	vadd.f32 v61, v0  }
0xac: {  	[tilespmem:s28+$0xC470] =	vst v62  }
0xad: {  	[tilespmem:s28+$0x10470] =	vst v63  }
0xae: {  	[hbm4b:s7+s2] =	stream.linear.scatter [tilespmem:s15], [sflag:$0x2], $0x4000, $0x38;
	[tilespmem:$0x1C400] =	vst v63  }
0xaf: {  	_ =	swait.ge [sflag:s13], $0x4000  }
0xb0: {  	[sflag:s13] =	ssyncset.done $0x0  }
0xb1: {  	[sflag:s13] =	ssyncadd.s32 $0xFFFFC000  }
0xb2: {  	[hbm4b:s8+s2] =	stream.linear.scatter [tilespmem:s16], [sflag:$0x2], $0x4000, $0x38;
	[tilespmem:$0x1C400] =	vst v63  }
0xb3: {  	_ =	swait.ge [sflag:s13], $0x4000  }
0xb4: {  	[sflag:s13] =	ssyncset.done $0x0  }
0xb5: {  	[sflag:s13] =	ssyncadd.s32 $0xFFFFC000  }
0xb6: {  	[hbm4b:s9+s2] =	stream.linear.scatter [tilespmem:s18], [sflag:$0x2], $0x4000, $0x38;
	[tilespmem:$0x1C400] =	vst v63  }
0xb7: {  	_ =	swait.ge [sflag:s13], $0x4000  }
0xb8: {  	[sflag:s13] =	ssyncset.done $0x0  }
0xb9: {  	[sflag:s13] =	ssyncadd.s32 $0xFFFFC000  }
0xba: {  	[hbm4b:s10+s2] =	stream.linear.scatter [tilespmem:s20], [sflag:$0x2], $0x4000, $0x38;
	[tilespmem:$0x1C400] =	vst v63  }
0xbb: {  	s26 =	sadd.s32 $0x1, s26;
	_ =	swait.ge [sflag:s13], $0x4000  }
0xbc: {  	p0 =	sne.s32 s26, s12;
	[sflag:s13] =	ssyncset.done $0x0  }
.Ltmp1:
0xbd: {  	[sflag:s13] =	ssyncadd.s32 $0xFFFFC000;
	(pc) =	sbr.rel @p0 .LBB2_1-.Ltmp1, $4  }
0xbe: {  	[hbm4b:s11+s2] =	stream.linear.scatter [tilespmem:s22], [sflag:$0x2], $0x4000, $0x38;
	[tilespmem:$0x1C400] =	vst v63  }
0xbf: {  	_ =	swait.ge [sflag:s13], $0x4000  }
0xc0: {  	[sflag:s13] =	ssyncset.done $0x0  }
0xc1: {  	[sflag:s13] =	ssyncadd.s32 $0xFFFFC000  }
0xc2: {  	_ =	sfence.sel $0x180000  }
0xc3: {  	[bflag:$0x0] =	sbarrier.arrive $0xFFFF  }
0xc4: {  	p0 =	sne.s32 s1, $0x0;
	_ =	strace $0x90000047  }
0xc5: {  	s0 =	sadd.s32 @!p0 $0x100000, s0;
	[bflag:$0x2] =	sbarrier.arrive $0xFFFF  }
0xc6: {  	[sflag:s0] =	ssyncadd.tile.s32 @!p0 $0x1;
	_ =	shalt  }
.Lfunc_end2:
_tile_overlayer_lowered:
.L_overlay_start_2:
0xc7: {  	(tag) =	ssettag $0x2  }
0xc8: {  	s0 =	rddreg [dreg:$0x0];
	s2 =	stileid.u32  }
0xc9: {  	s1 =	rddreg [dreg:$0x1];
	p0 =	sne.s32 s2, $0x0  }
0xca: {  	s3 =	rddreg [dreg:$0x2];
	[bflag:$0x3] =	sbarrier.arrive $0xFFFF;
	s2 =	simm.s32 @!p0 $0x1C02  }
0xcb: {  	[timem:s3], [sflag:s2] =	dma.local @!p0 [hbm:s0], s1  }
0xcc: {  	s0 =	simm.s32 @!p0 $0x2  }
0xcd: {  	_ =	swait.ge @!p0 [sflag:s0], s1  }
0xce: {  	s1 =	ssub.s32 @!p0 $0x0, s1;
	[sflag:s0] =	ssyncset.done @!p0 $0x0  }
0xcf: {  	[sflag:s0] =	ssyncadd.s32 @!p0 s1  }
0xd0: {  	[bflag:$0x3] =	sbarrier.arrive $0xFFFF  }
0xd1: {  	_ =	shalt  }

// kernel: kernel.22.cloned.1.call-start
scs
__scs_entry_jumppad:
0x0: {  	(pc) =	sbr.rel $0x88, $3  }
0x1: {  	(tag) =	ssettag $0x0;
	lr =	simm.s32 $0x1  }
0x2: {  	[smem:$0x3F81] =	sst lr;
	_ =	strace $0xD0000000  }
0x3: {  	_ = 	snop  }
0x4: {  	_ = 	snop  }
0x5: {  	_ = 	snop  }
0x6: {  	_ = 	snop  }
0x7: {  	_ = 	snop  }
__scs_overlays_trampoline_lowered:
0x8: {  	[smem:$0x3F90] =	sst s0  }
0x9: {  	[smem:$0x3F91] =	sst s1  }
0xa: {  	[smem:$0x3F92] =	sst s2  }
0xb: {  	[smem:$0x3F93] =	sst s3  }
0xc: {  	[smem:$0x3F94] =	sst s4  }
0xd: {  	[smem:$0x3F95] =	sst s5  }
0xe: {  	[smem:$0x3F96] =	sst s6  }
0xf: {  	[smem:$0x3F97] =	sst s7  }
0x10: {  	[smem:$0x3F98] =	sst s8  }
0x11: {  	[smem:$0x3F99] =	sst s9;
	s0 =	simm.s32 @!p0 $0x0  }
0x12: {  	s1 =	sld [smem:$0x3F7F];
	s0 =	simm.s32 @p0 $0x1  }
0x13: {  	[smem:$0x3F9A] =	sst s0;
	s0 =	simm.s32 @!p1 $0x0  }
0x14: {  	s2 =	sld [smem:$0x3F7E];
	s0 =	simm.s32 @p1 $0x1  }
0x15: {  	[smem:$0x3F9B] =	sst s0;
	s0 =	simm.s32 @!p2 $0x0  }
0x16: {  	s3 =	sld [smem:$0x3FDB];
	s0 =	simm.s32 @p2 $0x1  }
0x17: {  	s4 =	simm.s32 $0x1BF5;
	[smem:$0x3F9D] =	sst s0  }
0x18: {  	s0 =	sld [smem:$0x3F80];
	_ =	swait.ge [sflag:s4], $0x0  }
0x19: {  	s7 =	sld [smem:$0x3F81]  }
0x1a: {  	s8 =	sadd.s32 $0xFFFFE003, lr  }
0x1b: {  	s9 =	sadd.s32 $0xFFFFFEF7, lr;
	s5 =	simm.s32 $0xFFFFFFFF;
	p2 =	slt.u32 s8, $0xFFFFF086  }
0x1c: {  	p1 =	slt.u32 s9, $0xF7A;
	s5 =	simm.s32 @!p2 $0x0  }
0x1d: {  	s5 =	simm.s32 @p1 $0x1;
	p0 =	seq.s32 s7, s2  }
0x1e: {  	s7 =	smul.u32 @!p0 $0xF7A, s2;
	p2 =	seq.s32 @!p0 s5, $0x0  }
0x1f: {  	s9 =	smul.u32 $0xF7A, s1;
	s8 =	simm.s32 @!p0 $0x1BF5;
	p2 =	por !p2, p0  }
0x20: {  	[sflag:s8] =	ssyncset.s32 @!p0 $0xFFFFF086;
	s6 =	sadd.s32 @!p0 s3, s7;
	s7 =	simm.s32 @!p0 $0x108  }
0x21: {  	s3 =	sadd.s32 s3, s9;
	s6 =	sadd.s32 @!p0 $0x88, s6;
	s7 =	simm.s32 @p2 $0x1082  }
0x22: {  	[simem:s7], [sflag:s8] =	dma.local @!p0 [hbm:s6], $0xF7A  }
0x23: {  	s9 =	sor.u32 $0xD0000000, s2;
	s6 =	simm.s32 $0x108;
	_ =	swait.ge @!p0 [sflag:s8], $0x0  }
0x24: {  	s3 =	sadd.s32 $0x88, s3;
	s6 =	simm.s32 @!p1 $0x1082;
	[sflag:s4] =	ssyncset.s32 $0xFFFFF086  }
0x25: {  	[simem:s6], [sflag:s4] =	dma.local [hbm:s3], $0xF7A  }
0x26: {  	[smem:$0x3F81] =	sst s1;
	(tag) =	ssettag s2;
	_ =	strace s9  }
0x27: {  	s1 =	sld [smem:$0x3F91]  }
0x28: {  	s2 =	sld [smem:$0x3F92]  }
0x29: {  	s4 =	sld [smem:$0x3F94]  }
0x2a: {  	p0 =	seq.s32 s5, $0x0;
	s5 =	sld [smem:$0x3F95]  }
0x2b: {  	s6 =	sld [smem:$0x3F96]  }
0x2c: {  	s7 =	sld [smem:$0x3F97]  }
0x2d: {  	s3 =	simm.s32 $0x108;
	s8 =	sld [smem:$0x3F98]  }
0x2e: {  	s3 =	simm.s32 @!p0 $0x1082;
	s9 =	sld [smem:$0x3F99]  }
0x2f: {  	lr =	sadd.s32 s0, s3;
	s0 =	sld [smem:$0x3F90]  }
0x30: {  	s3 =	sld [smem:$0x3F93]  }
0x31: {  	[smem:$0x3F9C] =	sst s10  }
0x32: {  	s10 =	sld [smem:$0x3F9A];
	_ =	sdelay $0x3  }
0x33: {  	p0 =	seq.s32 s10, $0x1;
	s10 =	sld [smem:$0x3F9C];
	_ =	sdelay $0x3  }
0x34: {  	[smem:$0x3F9C] =	sst s10  }
0x35: {  	s10 =	sld [smem:$0x3F9B];
	_ =	sdelay $0x3  }
0x36: {  	p1 =	seq.s32 s10, $0x1;
	s10 =	sld [smem:$0x3F9C];
	_ =	sdelay $0x3  }
0x37: {  	[smem:$0x3F9C] =	sst s10  }
0x38: {  	s10 =	sld [smem:$0x3F9D]  }
0x39: {  	_ = 	snop;
	(pc) =	sbr.ind lr, $3  }
0x3a: {  	_ = 	snop  }
0x3b: {  	_ = 	snop  }
0x3c: {  	p2 =	seq.s32 s10, $0x1;
	s10 =	sld [smem:$0x3F9C]  }
0x3d: {  	_ =	shalt  }
0x3e: {  	_ =	shalt  }
0x3f: {  	_ =	shalt  }
0x40: {  	_ =	shalt  }
0x41: {  	_ =	shalt  }
0x42: {  	_ =	shalt  }
0x43: {  	_ =	shalt  }
0x44: {  	_ =	shalt  }
0x45: {  	_ =	shalt  }
0x46: {  	_ =	shalt  }
0x47: {  	_ =	shalt  }
0x48: {  	_ =	shalt  }
0x49: {  	_ =	shalt  }
0x4a: {  	_ =	shalt  }
0x4b: {  	_ =	shalt  }
0x4c: {  	_ =	shalt  }
0x4d: {  	_ =	shalt  }
0x4e: {  	_ =	shalt  }
0x4f: {  	_ =	shalt  }
0x50: {  	_ =	shalt  }
0x51: {  	_ =	shalt  }
0x52: {  	_ =	shalt  }
0x53: {  	_ =	shalt  }
0x54: {  	_ =	shalt  }
0x55: {  	_ =	shalt  }
0x56: {  	_ =	shalt  }
0x57: {  	_ =	shalt  }
0x58: {  	_ =	shalt  }
0x59: {  	_ =	shalt  }
0x5a: {  	_ =	shalt  }
0x5b: {  	_ =	shalt  }
0x5c: {  	_ =	shalt  }
0x5d: {  	_ =	shalt  }
0x5e: {  	_ =	shalt  }
0x5f: {  	_ =	shalt  }
0x60: {  	_ =	shalt  }
0x61: {  	_ =	shalt  }
0x62: {  	_ =	shalt  }
0x63: {  	_ =	shalt  }
0x64: {  	_ =	shalt  }
0x65: {  	_ =	shalt  }
0x66: {  	_ =	shalt  }
0x67: {  	_ =	shalt  }
0x68: {  	_ =	shalt  }
0x69: {  	_ =	shalt  }
0x6a: {  	_ =	shalt  }
0x6b: {  	_ =	shalt  }
0x6c: {  	_ =	shalt  }
0x6d: {  	_ =	shalt  }
0x6e: {  	_ =	shalt  }
0x6f: {  	_ =	shalt  }
0x70: {  	_ =	shalt  }
0x71: {  	_ =	shalt  }
0x72: {  	_ =	shalt  }
0x73: {  	_ =	shalt  }
0x74: {  	_ =	shalt  }
0x75: {  	_ =	shalt  }
0x76: {  	_ =	shalt  }
0x77: {  	_ =	shalt  }
0x78: {  	_ =	shalt  }
0x79: {  	_ =	shalt  }
0x7a: {  	_ =	shalt  }
0x7b: {  	_ =	shalt  }
0x7c: {  	_ =	shalt  }
0x7d: {  	_ =	shalt  }
0x7e: {  	_ =	shalt  }
0x7f: {  	_ =	shalt  }
0x80: {  	_ =	shalt  }
0x81: {  	_ =	shalt  }
0x82: {  	_ =	shalt  }
0x83: {  	_ =	shalt  }
0x84: {  	_ =	shalt  }
0x85: {  	_ =	shalt  }
0x86: {  	_ =	shalt  }
0x87: {  	_ =	shalt  }
.Lfunc_end0:
.L_simem_size_0:
called_computation.1_lowered:
.L_overlay_start_0:
0x88: {  	s2 =	sld [smem:$0x3FD9]  }
0x89: {  	s3 =	sld [smem:$0x3FFE];
	_ =	sdelay $0x1  }
0x8a: {  	s1 =	srdreg.scid  }
0x8b: {  	s0 =	sand.u32 $0x1, s1  }
0x8c: {  	s16 =	sshll.u32 s0, $0xA;
	s2 =	sadd.s32 s3, s2  }
0x8d: {  	s2 =	sadd.s32 s2, s16  }
0x8e: {  	[smem:$0x3FA8] =	sst s2  }
0x8f: {  	_ = 	snop  }
0x90: {  	(tm) =	ssettm $0x1  }
0x91: {  	s17 =	sld [smem:$0x3FFB];
	_ =	sdelay $0x3  }
0x92: {  	_ =	strace s17  }
0x93: {  	s2 =	sld [smem:$0x3FFC];
	_ =	sdelay $0x3  }
0x94: {  	_ =	strace s2  }
0x95: {  	s2 =	sld [smem:$0x3FFD];
	_ =	sdelay $0x3  }
0x96: {  	_ =	strace s2  }
0x97: {  	_ =	strace $0x8FFFFFFF  }
0x98: {  	s18 =	sld [smem:$0x3FDB];
	_ =	sdelay $0x1  }
0x99: {  	s19 =	simm.s32 $_scs_section_size  }
0x9a: {  	s4 =	simm.s32 $_size__tile_overlayer_lowered;
	s5 =	simm.s32 $_tile_overlayer_lowered  }
0x9b: {  	s22 =	simm.s32 $0x1BFF;
	s21 =	sshll.u32 s5, $0x1;
	s2 =	sadd.s32 s19, s18  }
0x9c: {  	s6 =	simm.s32 $0x0;
	s20 =	sshll.u32 s4, $0x1;
	s4 =	sadd.s32 s21, s2  }
0x9d: {  	[timem:s6], [sflag:s22] =	dma.local [hbm:s4], s20  }
0x9e: {  	_ =	swait.ge [sflag:s22], s20  }
0x9f: {  	s3 =	ssub.s32 $0x0, s20;
	[sflag:s22] =	ssyncset.done $0x0  }
0xa0: {  	[sflag:s22] =	ssyncadd.s32 s3;
	_ =	sdelay $0x1  }
0xa1: {  	s23 =	simm.s32 $0x1B8B  }
0xa2: {  	_ =	swait.ge [sflag:s23], $0x1  }
0xa3: {  	[sflag:s23] =	ssyncset.done $0x0  }
0xa4: {  	s25 =	simm.s32 $0x1B8E;
	s24 =	sld [smem:$0x3FFE];
	[sflag:s23] =	ssyncadd.s32 $0xFFFFFFFF  }
0xa5: {  	s26 =	simm.s32 $execute0_lowered;
	[smem:$0x3FD2] =	sst s25  }
0xa6: {  	s4 =	sshll.u32 s26, $0x1;
	_ =	strace $0x80000049;
	[dreg:$0x1] =	wrdreg $0xFFFFFFFF  }
0xa7: {  	s28 =	simm.s32 $_size_execute0_lowered;
	s2 =	sadd.s32 s2, s4;
	[dreg:$0x0] =	wrdreg $0x0  }
0xa8: {  	s4 =	sshll.u32 s28, $0x1;
	[dreg:$0x2] =	wrdreg s2  }
0xa9: {  	[dreg:$0x3] =	wrdreg s4  }
0xaa: {  	[dreg:$0x4] =	wrdreg $0xC0  }
0xab: {  	_ =	task [dreg:s6], $0x5FFFF  }
0xac: {  	[dreg:$0x1] =	wrdreg $0xFFFFFFFF  }
0xad: {  	[dreg:$0x0] =	wrdreg $0x60  }
0xae: {  	[dreg:$0x2] =	wrdreg s24  }
0xaf: {  	[dreg:$0x3] =	wrdreg $0x9  }
0xb0: {  	_ =	task.clear_ibuf [dreg:s6], $0x4FFFF;
	_ =	strace $0x90000049  }
0xb1: {  	s29 =	simm.s32 $0x9;
	_ =	strace $0x8000004B  }
0xb2: {  	_ =	swait.ge [sflag:s29], $0x1  }
0xb3: {  	[sflag:s29] =	ssyncadd.s32 $0xFFFFFFFF  }
0xb4: {  	_ =	strace $0x9000004B  }
0xb5: {  	_ =	sfence  }
0xb6: {  	s30 =	sld [smem:$0x0];
	_ =	sdelay $0x2  }
0xb7: {  	s31 =	sshll.u32 s1, $0xD;
	s1 =	sshrl.u32 s1, $0x2  }
0xb8: {  	s3 =	sand.u32 $0x4000, s31;
	s1 =	sadd.s32 s1, s30  }
0xb9: {  	s0 =	sor.u32 s3, s0;
	s1 =	sshll.u32 s1, $0x11  }
0xba: {  	s0 =	sor.u32 s1, s0  }
0xbb: {  	s0 =	sadd.s32 $0x8F2B, s0  }
0xbc: {  	[sflag:s0] =	ssyncadd.remote.s32 $0x1  }
0xbd: {  	_ =	sfence.sel $0xFFFF  }
0xbe: {  	[dreg:$0x0] =	wrdreg $0xFFFFFFFF;
	(pc) =	sbr.abs _section_cstart, $3  }
0xbf: {  	[dreg:$0x1] =	wrdreg $0xFFFFFFFF  }
0xc0: {  	_ =	task.clear_ibuf [dreg:s6], $0x2FFFF;
	_ =	strace $0x9FFFFFFF  }
0xc1: {  	(tm) =	ssettm $0x7FFFFFFF  }
tec
execute0_lowered:
.L_overlay_start_1:
0x0: {  	(tag) =	ssettag $0x1  }
0x1: {  	s4 =	rddreg [dreg:$0x0]  }
0x2: {  	s0 =	rddreg [dreg:$0x1]  }
0x3: {  	s3 =	srdreg.scid;
	s1 =	stileid.u32;
	s2 =	simm.s32 $0x0  }
0x4: {  	s13 =	simm.s32 $0x2;
	s14 =	simm.s32 $0x80;
	s15 =	simm.s32 $0x400  }
0x5: {  	s16 =	simm.s32 $0x4400;
	s17 =	simm.s32 $0x100;
	s18 =	simm.s32 $0x8400  }
0x6: {  	s19 =	simm.s32 $0x180;
	s20 =	simm.s32 $0xC400;
	s21 =	simm.s32 $0x200  }
0x7: {  	s22 =	simm.s32 $0x10400;
	s23 =	simm.s32 $0x14400;
	s24 =	simm.s32 $0x18400  }
0x8: {  	s25 =	simm.s32 $0x1;
	s3 =	sand.u32 $0x1, s3;
	s5 =	sshll.u32 s1, $0x1  }
0x9: {  	s26 =	simm.s32 $0x0;
	[smem:$0x7FF] =	sst s2;
	s5 =	sor.u32 s3, s5  }
0xa: {  	_ =	strace $0x8000004A;
	s30 =	ssub.s32 $0x2, s3;
	s3 =	sadd.s32 $0x16A00, s4  }
0xb: {  	s6 =	sshll.u32 s5, $0x7;
	s7 =	sshll.u32 s5, $0xB;
	s31 =	sshrl.u32 s30, $0x1  }
0xc: {  	s6 =	sadd.s32 s6, s4;
	s11 =	sadd.s32 s7, s4;
	s12 =	ssub.s32 s30, s31  }
0xd: {  	s4 =	sadd.s32 $0x6A00, s6;
	s5 =	sadd.s32 $0x26A00, s11;
	s6 =	sadd.s32 s3, s7  }
0xe: {  	s7 =	sadd.s32 $0x36A00, s11;
	s8 =	sadd.s32 $0x46A00, s11;
	s9 =	sadd.s32 $0x56A00, s11  }
0xf: {  	s10 =	sadd.s32 $0x66A00, s11;
	s11 =	sadd.s32 $0x76A00, s11;
	s12 =	smax.u32 s12, $0x1  }
.LBB2_1:
0x10: {  	[tilespmem:s2], [sflag:$0x2] =	stream.linear.gather [hbm4b:s4+s2], $0x280, $0x38;
	[tilespmem:$0x1C400] =	vst v63  }
0x11: {  	_ =	swait.ge [sflag:s13], $0x280  }
0x12: {  	[sflag:s13] =	ssyncset.done $0x0  }
0x13: {  	[sflag:s13] =	ssyncadd.s32 $0xFFFFFD80  }
0x14: {  	[tilespmem:s15], [sflag:$0x1] =	stream.indirect.gather [hbm4b:s3+s14], $0x80, s2, s14, $0xb8;
	[tilespmem:$0x1C400] =	vst v63  }
0x15: {  	_ = 	snop  }
0x16: {  	[tilespmem:s16], [sflag:$0x1] =	stream.indirect.gather [hbm4b:s3+s14], $0x80, s14, s14, $0xb8;
	[tilespmem:$0x1C400] =	vst v63  }
0x17: {  	_ = 	snop  }
0x18: {  	[tilespmem:s18], [sflag:$0x1] =	stream.indirect.gather [hbm4b:s3+s14], $0x80, s17, s14, $0xb8;
	[tilespmem:$0x1C400] =	vst v63  }
0x19: {  	_ = 	snop  }
0x1a: {  	[tilespmem:s20], [sflag:$0x1] =	stream.indirect.gather [hbm4b:s3+s14], $0x80, s19, s14, $0xb8;
	[tilespmem:$0x1C400] =	vst v63  }
0x1b: {  	_ = 	snop  }
0x1c: {  	[tilespmem:s22], [sflag:$0x1] =	stream.indirect.gather [hbm4b:s3+s14], $0x80, s21, s14, $0xb8;
	[tilespmem:$0x1C400] =	vst v63  }
0x1d: {  	_ = 	snop  }
0x1e: {  	[tilespmem:s23], [sflag:$0x2] =	stream.linear.gather [hbm4b:s5+s2], $0x4000, $0x38;
	[tilespmem:$0x1C400] =	vst v63  }
0x1f: {  	_ =	swait.ge [sflag:s13], $0x4000  }
0x20: {  	[sflag:s13] =	ssyncset.done $0x0  }
0x21: {  	[sflag:s13] =	ssyncadd.s32 $0xFFFFC000  }
0x22: {  	[tilespmem:s24], [sflag:$0x2] =	stream.linear.gather [hbm4b:s6+s2], $0x4000, $0x38;
	[tilespmem:$0x1C400] =	vst v63  }
0x23: {  	_ =	swait.ge [sflag:s13], $0x4000  }
0x24: {  	[sflag:s13] =	ssyncset.done $0x0  }
0x25: {  	[sflag:s13] =	ssyncadd.s32 $0xFFFFC000  }
0x26: {  	_ =	swait.ge [sflag:s25], $0x4000  }
0x27: {  	[sflag:s25] =	ssyncset.done $0x0  }
0x28: {  	[sflag:s25] =	ssyncadd.s32 $0xFFFFC000  }
0x29: {  	_ =	swait.ge [sflag:s25], $0x4000  }
0x2a: {  	[sflag:s25] =	ssyncset.done $0x0  }
0x2b: {  	[sflag:s25] =	ssyncadd.s32 $0xFFFFC000  }
0x2c: {  	_ =	swait.ge [sflag:s25], $0x4000  }
0x2d: {  	[sflag:s25] =	ssyncset.done $0x0  }
0x2e: {  	[sflag:s25] =	ssyncadd.s32 $0xFFFFC000  }
0x2f: {  	_ =	swait.ge [sflag:s25], $0x4000  }
0x30: {  	[sflag:s25] =	ssyncset.done $0x0  }
0x31: {  	[sflag:s25] =	ssyncadd.s32 $0xFFFFC000  }
0x32: {  	_ =	swait.ge [sflag:s25], $0x4000  }
0x33: {  	[sflag:s25] =	ssyncset.done $0x0  }
0x34: {  	s28 =	simm.s32 $0x0;
	[sflag:s25] =	ssyncadd.s32 $0xFFFFC000  }
0x35: {  	v5 =	vld [tilespmem:s28+$0x14400]  }
0x36: {  	v6 =	vld [tilespmem:s28+$0x14410]  }
0x37: {  	v7 =	vld [tilespmem:s28+$0x14420]  }
0x38: {  	v8 =	vld [tilespmem:s28+$0x14430]  }
0x39: {  	v9 =	vld [tilespmem:s28+$0x14440]  }
0x3a: {  	v4 =	vld [tilespmem:s28+$0x14450]  }
0x3b: {  	v1 =	vld [tilespmem:s28+$0x14460]  }
0x3c: {  	v10 =	vld [tilespmem:s28+$0x18400]  }
0x3d: {  	v11 =	vld [tilespmem:s28+$0x18410]  }
0x3e: {  	v12 =	vld [tilespmem:s28+$0x18420]  }
0x3f: {  	v16 =	vld [tilespmem:s28+$0x400]  }
0x40: {  	v17 =	vld [tilespmem:s28+$0x4400]  }
0x41: {  	v18 =	vld [tilespmem:s28+$0x8400]  }
0x42: {  	v19 =	vld [tilespmem:s28+$0xC400]  }
0x43: {  	v20 =	vld [tilespmem:s28+$0x10400]  }
0x44: {  	v21 =	vld [tilespmem:s28+$0x410]  }
0x45: {  	v22 =	vld [tilespmem:s28+$0x4410]  }
0x46: {  	v23 =	vld [tilespmem:s28+$0x8410]  }
0x47: {  	v24 =	vld [tilespmem:s28+$0xC410]  }
0x48: {  	v13 =	vld [tilespmem:s28+$0x18430];
	v16 =	vsub.f32 v16, v10;
	v17 =	vsub.f32 v17, v10  }
0x49: {  	v47 =	vld [tilespmem:s28+$0x10410];
	v18 =	vsub.f32 v18, v10;
	v19 =	vsub.f32 v19, v10  }
0x4a: {  	v49 =	vld [tilespmem:s28+$0x4420];
	v10 =	vsub.f32 v20, v10;
	v50 =	vsub.f32 v21, v11  }
0x4b: {  	v55 =	vld [tilespmem:s28+$0x430];
	v51 =	vsub.f32 v22, v11;
	v52 =	vsub.f32 v23, v11  }
0x4c: {  	v0 =	vld [tilespmem:s28+$0x14470];
	v54 =	vsub.f32 v24, v11;
	v16 =	vadd.f32 v16, v5  }
0x4d: {  	v48 =	vld [tilespmem:s28+$0x420];
	v17 =	vadd.f32 v17, v5;
	v18 =	vadd.f32 v18, v5  }
0x4e: {  	v53 =	vld [tilespmem:s28+$0x10420];
	v19 =	vadd.f32 v19, v5;
	v5 =	vadd.f32 v10, v5;
	[tilespmem:s28+$0x400] =	vst v16  }
0x4f: {  	v11 =	vsub.f32 v47, v11;
	v58 =	vsub.f32 v49, v12;
	v10 =	vld [tilespmem:s28+$0x8420];
	[tilespmem:s28+$0x4400] =	vst v17  }
0x50: {  	v61 =	vsub.f32 v55, v13;
	v20 =	vadd.f32 v50, v6;
	[tilespmem:s28+$0x10400] =	vst v5;
	v5 =	vld [tilespmem:s28+$0xC420]  }
0x51: {  	v57 =	vld [tilespmem:s28+$0x4430];
	v21 =	vadd.f32 v52, v6;
	v56 =	vadd.f32 v54, v6;
	[tilespmem:s28+$0x8400] =	vst v18  }
0x52: {  	[tilespmem:s28+$0xC400] =	vst v19;
	v19 =	vadd.f32 v51, v6;
	v6 =	vadd.f32 v11, v6;
	v11 =	vld [tilespmem:s28+$0x8430]  }
0x53: {  	v59 =	vld [tilespmem:s28+$0x10430];
	[tilespmem:s28+$0x410] =	vst v20;
	v17 =	vsub.f32 v48, v12;
	v16 =	vadd.f32 v58, v7  }
0x54: {  	v18 =	vadd.f32 v61, v8;
	[tilespmem:s28+$0x10410] =	vst v6;
	v6 =	vld [tilespmem:s28+$0xC430];
	v10 =	vsub.f32 v10, v12  }
0x55: {  	v14 =	vld [tilespmem:s28+$0x18440];
	[tilespmem:s28+$0x8410] =	vst v21;
	v17 =	vadd.f32 v17, v7;
	v5 =	vsub.f32 v5, v12  }
0x56: {  	v15 =	vld [tilespmem:s28+$0x18450];
	[tilespmem:s28+$0xC410] =	vst v56;
	v10 =	vadd.f32 v10, v7;
	v12 =	vsub.f32 v53, v12  }
0x57: {  	v60 =	vld [tilespmem:s28+$0x440];
	[tilespmem:s28+$0x4410] =	vst v19;
	v11 =	vsub.f32 v11, v13;
	v5 =	vadd.f32 v5, v7  }
0x58: {  	[tilespmem:s28+$0x8420] =	vst v10;
	v10 =	vld [tilespmem:s28+$0x4440];
	v7 =	vadd.f32 v12, v7;
	v12 =	vsub.f32 v57, v13  }
0x59: {  	v6 =	vsub.f32 v6, v13;
	v13 =	vsub.f32 v59, v13;
	[tilespmem:s28+$0xC420] =	vst v5;
	v5 =	vld [tilespmem:s28+$0x8440]  }
0x5a: {  	v11 =	vadd.f32 v11, v8;
	[tilespmem:s28+$0x10420] =	vst v7;
	v7 =	vld [tilespmem:s28+$0xC440];
	v12 =	vadd.f32 v12, v8  }
0x5b: {  	v62 =	vld [tilespmem:s28+$0x10440];
	[tilespmem:s28+$0x4420] =	vst v16;
	v6 =	vadd.f32 v6, v8;
	v8 =	vadd.f32 v13, v8  }
0x5c: {  	v3 =	vld [tilespmem:s28+$0x18460];
	[tilespmem:s28+$0x430] =	vst v18;
	v16 =	vsub.f32 v60, v14  }
0x5d: {  	[tilespmem:s28+$0x10430] =	vst v8;
	v8 =	vld [tilespmem:s28+$0xC450]  }
0x5e: {  	v13 =	vadd.f32 v16, v9;
	[tilespmem:s28+$0x4430] =	vst v12;
	v12 =	vld [tilespmem:s28+$0x450];
	v10 =	vsub.f32 v10, v14  }
0x5f: {  	[tilespmem:s28+$0xC430] =	vst v6;
	v6 =	vld [tilespmem:s28+$0x8450];
	v5 =	vsub.f32 v5, v14;
	v7 =	vsub.f32 v7, v14  }
0x60: {  	[tilespmem:s28+$0x8430] =	vst v11;
	v11 =	vld [tilespmem:s28+$0x4450];
	v10 =	vadd.f32 v10, v9;
	v14 =	vsub.f32 v62, v14  }
0x61: {  	v2 =	vld [tilespmem:s28+$0x18470];
	[tilespmem:s28+$0x440] =	vst v13;
	v5 =	vadd.f32 v5, v9;
	v7 =	vadd.f32 v7, v9  }
0x62: {  	v13 =	vld [tilespmem:s28+$0x10450];
	[tilespmem:s28+$0x4440] =	vst v10;
	v9 =	vadd.f32 v14, v9;
	v8 =	vsub.f32 v8, v15  }
0x63: {  	v10 =	vld [tilespmem:s28+$0x460];
	[tilespmem:s28+$0x8440] =	vst v5;
	v5 =	vsub.f32 v12, v15  }
0x64: {  	v63 =	vld [tilespmem:s28+$0x4460];
	[tilespmem:s28+$0x10440] =	vst v9;
	v9 =	vsub.f32 v6, v15;
	v8 =	vadd.f32 v8, v4  }
0x65: {  	[tilespmem:s28+$0xC440] =	vst v7;
	v12 =	vld [tilespmem:s28+$0x8460];
	v7 =	vsub.f32 v11, v15;
	v5 =	vadd.f32 v5, v4  }
0x66: {  	v14 =	vld [tilespmem:s28+$0xC460];
	v9 =	vadd.f32 v9, v4;
	[tilespmem:s28+$0xC450] =	vst v8  }
0x67: {  	v6 =	vld [tilespmem:s28+$0x10460];
	v11 =	vsub.f32 v13, v15;
	v7 =	vadd.f32 v7, v4;
	[tilespmem:s28+$0x450] =	vst v5  }
0x68: {  	v5 =	vld [tilespmem:s28+$0x470];
	[tilespmem:s28+$0x8450] =	vst v9;
	v9 =	vsub.f32 v10, v3  }
0x69: {  	v8 =	vsub.f32 v63, v3;
	[tilespmem:s28+$0x4450] =	vst v7;
	v7 =	vld [tilespmem:s28+$0x4470];
	v10 =	vadd.f32 v11, v4  }
0x6a: {  	[tilespmem:s28+$0x420] =	vst v17;
	v4 =	vld [tilespmem:s28+$0x8470];
	v12 =	vsub.f32 v12, v3;
	v11 =	vadd.f32 v9, v1  }
0x6b: {  	s29 =	simm.s32 $0x200;
	[tilespmem:s28+$0x10450] =	vst v10;
	v9 =	vadd.f32 v8, v1;
	v10 =	vsub.f32 v14, v3;
	v8 =	vld [tilespmem:s28+$0xC470]  }
.LBB2_2:
0x6c: {  	s30 =	sshra.s32 s29, $0x2;
	p0 =	sne.s32 s29, $0xFE00;
	[tilespmem:s28+$0x460] =	vst v11;
	v11 =	vadd.f32 v12, v1;
	v3 =	vsub.f32 v6, v3;
	v6 =	vld [tilespmem:s28+$0x10470]  }
0x6d: {  	v12 =	vld [tilespmem:s30+$0x14400];
	[tilespmem:s28+$0x4460] =	vst v9;
	v10 =	vadd.f32 v10, v1;
	v5 =	vsub.f32 v5, v2  }
0x6e: {  	v13 =	vld [tilespmem:s30+$0x14410];
	[tilespmem:s28+$0x8460] =	vst v11;
	v1 =	vadd.f32 v3, v1;
	v3 =	vsub.f32 v7, v2  }
0x6f: {  	v9 =	vld [tilespmem:s30+$0x14420];
	[tilespmem:s28+$0xC460] =	vst v10;
	v10 =	vadd.f32 v5, v0;
	v4 =	vsub.f32 v4, v2  }
0x70: {  	v7 =	vld [tilespmem:s30+$0x14430];
	[tilespmem:s28+$0x10460] =	vst v1;
	v1 =	vadd.f32 v3, v0;
	v3 =	vsub.f32 v8, v2  }
0x71: {  	v5 =	vld [tilespmem:s30+$0x14440];
	[tilespmem:s28+$0x470] =	vst v10;
	v8 =	vadd.f32 v4, v0;
	v2 =	vsub.f32 v6, v2  }
0x72: {  	v4 =	vld [tilespmem:s30+$0x14450];
	[tilespmem:s28+$0x4470] =	vst v1;
	v3 =	vadd.f32 v3, v0  }
0x73: {  	v1 =	vld [tilespmem:s30+$0x14460];
	[tilespmem:s28+$0x8470] =	vst v8;
	v2 =	vadd.f32 v2, v0  }
0x74: {  	v0 =	vld [tilespmem:s30+$0x14470];
	[tilespmem:s28+$0xC470] =	vst v3  }
0x75: {  	v10 =	vld [tilespmem:s30+$0x18400];
	[tilespmem:s28+$0x10470] =	vst v2;
	s28 =	smov.u32 s30  }
0x76: {  	v11 =	vld [tilespmem:s28+$0x18410]  }
0x77: {  	v14 =	vld [tilespmem:s28+$0x18420]  }
0x78: {  	v15 =	vld [tilespmem:s28+$0x18430]  }
0x79: {  	v8 =	vld [tilespmem:s28+$0x18440]  }
0x7a: {  	v6 =	vld [tilespmem:s28+$0x18450]  }
0x7b: {  	v3 =	vld [tilespmem:s28+$0x18460]  }
0x7c: {  	v2 =	vld [tilespmem:s28+$0x18470]  }
0x7d: {  	v16 =	vld [tilespmem:s28+$0x400]  }
0x7e: {  	v17 =	vld [tilespmem:s28+$0x4400]  }
0x7f: {  	v18 =	vld [tilespmem:s28+$0x8400]  }
0x80: {  	v19 =	vld [tilespmem:s28+$0xC400]  }
0x81: {  	v20 =	vld [tilespmem:s28+$0x10400]  }
0x82: {  	v16 =	vsub.f32 v16, v10;
	v21 =	vld [tilespmem:s28+$0x410]  }
0x83: {  	v17 =	vsub.f32 v17, v10;
	v22 =	vld [tilespmem:s28+$0x4410]  }
0x84: {  	v16 =	vadd.f32 v16, v12;
	v18 =	vsub.f32 v18, v10;
	v23 =	vld [tilespmem:s28+$0x8410]  }
0x85: {  	v17 =	vadd.f32 v17, v12;
	v19 =	vsub.f32 v19, v10;
	v24 =	vld [tilespmem:s28+$0xC410]  }
0x86: {  	[tilespmem:s28+$0x400] =	vst v16;
	v16 =	vadd.f32 v18, v12;
	v10 =	vsub.f32 v20, v10;
	v18 =	vld [tilespmem:s28+$0x10410]  }
0x87: {  	[tilespmem:s28+$0x4400] =	vst v17;
	v17 =	vadd.f32 v19, v12;
	v19 =	vsub.f32 v21, v11;
	v20 =	vld [tilespmem:s28+$0x420]  }
0x88: {  	[tilespmem:s28+$0x8400] =	vst v16;
	v10 =	vadd.f32 v10, v12;
	v12 =	vsub.f32 v22, v11;
	v16 =	vld [tilespmem:s28+$0x4420]  }
0x89: {  	[tilespmem:s28+$0xC400] =	vst v17;
	v17 =	vadd.f32 v19, v13;
	v19 =	vsub.f32 v23, v11;
	v21 =	vld [tilespmem:s28+$0x8420]  }
0x8a: {  	[tilespmem:s28+$0x10400] =	vst v10;
	v10 =	vadd.f32 v12, v13;
	v12 =	vsub.f32 v24, v11;
	v22 =	vld [tilespmem:s28+$0xC420]  }
0x8b: {  	[tilespmem:s28+$0x410] =	vst v17;
	v17 =	vadd.f32 v19, v13;
	v11 =	vsub.f32 v18, v11;
	v18 =	vld [tilespmem:s28+$0x10420]  }
0x8c: {  	[tilespmem:s28+$0x4410] =	vst v10;
	v10 =	vadd.f32 v12, v13;
	v12 =	vsub.f32 v20, v14;
	v19 =	vld [tilespmem:s28+$0x430]  }
0x8d: {  	[tilespmem:s28+$0x8410] =	vst v17;
	v11 =	vadd.f32 v11, v13;
	v13 =	vsub.f32 v16, v14;
	v16 =	vld [tilespmem:s28+$0x4430]  }
0x8e: {  	[tilespmem:s28+$0xC410] =	vst v10;
	v10 =	vadd.f32 v12, v9;
	v12 =	vsub.f32 v21, v14;
	v17 =	vld [tilespmem:s28+$0x8430]  }
0x8f: {  	[tilespmem:s28+$0x10410] =	vst v11;
	v11 =	vadd.f32 v13, v9;
	v13 =	vsub.f32 v22, v14;
	v20 =	vld [tilespmem:s28+$0xC430]  }
0x90: {  	[tilespmem:s28+$0x420] =	vst v10;
	v10 =	vadd.f32 v12, v9;
	v12 =	vsub.f32 v18, v14;
	v14 =	vld [tilespmem:s28+$0x10430]  }
0x91: {  	[tilespmem:s28+$0x4420] =	vst v11;
	v11 =	vadd.f32 v13, v9;
	v13 =	vsub.f32 v19, v15;
	v18 =	vld [tilespmem:s28+$0x440]  }
0x92: {  	[tilespmem:s28+$0x8420] =	vst v10;
	v9 =	vadd.f32 v12, v9;
	v10 =	vsub.f32 v16, v15;
	v12 =	vld [tilespmem:s28+$0x4440]  }
0x93: {  	[tilespmem:s28+$0xC420] =	vst v11;
	v11 =	vadd.f32 v13, v7;
	v13 =	vsub.f32 v17, v15;
	v16 =	vld [tilespmem:s28+$0x8440]  }
0x94: {  	[tilespmem:s28+$0x10420] =	vst v9;
	v9 =	vadd.f32 v10, v7;
	v10 =	vsub.f32 v20, v15;
	v17 =	vld [tilespmem:s28+$0xC440]  }
0x95: {  	[tilespmem:s28+$0x430] =	vst v11;
	v11 =	vadd.f32 v13, v7;
	v13 =	vsub.f32 v14, v15;
	v14 =	vld [tilespmem:s28+$0x10440]  }
0x96: {  	[tilespmem:s28+$0x4430] =	vst v9;
	v9 =	vadd.f32 v10, v7;
	v10 =	vsub.f32 v18, v8;
	v15 =	vld [tilespmem:s28+$0x450]  }
0x97: {  	[tilespmem:s28+$0x8430] =	vst v11;
	v7 =	vadd.f32 v13, v7;
	v11 =	vsub.f32 v12, v8;
	v12 =	vld [tilespmem:s28+$0x4450]  }
0x98: {  	[tilespmem:s28+$0xC430] =	vst v9;
	v9 =	vadd.f32 v10, v5;
	v10 =	vsub.f32 v16, v8;
	v13 =	vld [tilespmem:s28+$0x8450]  }
0x99: {  	[tilespmem:s28+$0x10430] =	vst v7;
	v7 =	vadd.f32 v11, v5;
	v11 =	vsub.f32 v17, v8;
	v16 =	vld [tilespmem:s28+$0xC450]  }
0x9a: {  	[tilespmem:s28+$0x440] =	vst v9;
	v9 =	vadd.f32 v10, v5;
	v8 =	vsub.f32 v14, v8;
	v10 =	vld [tilespmem:s28+$0x10450]  }
0x9b: {  	[tilespmem:s28+$0x4440] =	vst v7;
	v7 =	vadd.f32 v11, v5;
	v11 =	vsub.f32 v15, v6;
	v14 =	vld [tilespmem:s28+$0x460]  }
0x9c: {  	[tilespmem:s28+$0x8440] =	vst v9;
	v5 =	vadd.f32 v8, v5;
	v8 =	vsub.f32 v12, v6;
	v9 =	vld [tilespmem:s28+$0x4460]  }
0x9d: {  	[tilespmem:s28+$0xC440] =	vst v7;
	v7 =	vadd.f32 v11, v4;
	v11 =	vsub.f32 v13, v6;
	v12 =	vld [tilespmem:s28+$0x8460]  }
0x9e: {  	[tilespmem:s28+$0x10440] =	vst v5;
	v5 =	vadd.f32 v8, v4;
	v8 =	vsub.f32 v16, v6;
	v13 =	vld [tilespmem:s28+$0xC460]  }
.Ltmp0:
0x9f: {  	[tilespmem:s28+$0x450] =	vst v7;
	v7 =	vadd.f32 v11, v4;
	v10 =	vsub.f32 v10, v6;
	v6 =	vld [tilespmem:s28+$0x10460];
	(pc) =	sbr.rel @p0 .LBB2_2-.Ltmp0, $4  }
0xa0: {  	[tilespmem:s28+$0x4450] =	vst v5;
	v8 =	vadd.f32 v8, v4;
	v11 =	vsub.f32 v14, v3;
	v5 =	vld [tilespmem:s28+$0x470]  }
0xa1: {  	[tilespmem:s28+$0x8450] =	vst v7;
	v10 =	vadd.f32 v10, v4;
	v9 =	vsub.f32 v9, v3;
	v7 =	vld [tilespmem:s28+$0x4470]  }
0xa2: {  	[tilespmem:s28+$0xC450] =	vst v8;
	v11 =	vadd.f32 v11, v1;
	v12 =	vsub.f32 v12, v3;
	v4 =	vld [tilespmem:s28+$0x8470]  }
0xa3: {  	s29 =	sadd.s32 $0x200, s29;
	[tilespmem:s28+$0x10450] =	vst v10;
	v9 =	vadd.f32 v9, v1;
	v10 =	vsub.f32 v13, v3;
	v8 =	vld [tilespmem:s28+$0xC470]  }
0xa4: {  	[tilespmem:s28+$0x460] =	vst v11;
	v54 =	vadd.f32 v12, v1;
	v3 =	vsub.f32 v6, v3;
	v55 =	vld [tilespmem:s28+$0x10470]  }
0xa5: {  	[tilespmem:s28+$0x4460] =	vst v9;
	v56 =	vadd.f32 v10, v1;
	v5 =	vsub.f32 v5, v2  }
0xa6: {  	[tilespmem:s28+$0x8460] =	vst v54;
	v57 =	vadd.f32 v3, v1;
	v58 =	vsub.f32 v7, v2  }
0xa7: {  	[tilespmem:s28+$0xC460] =	vst v56;
	v5 =	vadd.f32 v5, v0;
	v4 =	vsub.f32 v4, v2  }
0xa8: {  	[tilespmem:s28+$0x10460] =	vst v57;
	v59 =	vadd.f32 v58, v0;
	v60 =	vsub.f32 v8, v2  }
0xa9: {  	[tilespmem:s28+$0x470] =	vst v5;
	v4 =	vadd.f32 v4, v0;
	v61 =	vsub.f32 v55, v2  }
0xaa: {  	[tilespmem:s28+$0x4470] =	vst v59;
	v62 =	vadd.f32 v60, v0  }
0xab: {  	[tilespmem:s28+$0x8470] =	vst v4;
	v63 =	vadd.f32 v61, v0  }
0xac: {  	[tilespmem:s28+$0xC470] =	vst v62  }
0xad: {  	[tilespmem:s28+$0x10470] =	vst v63  }
0xae: {  	[hbm4b:s7+s2] =	stream.linear.scatter [tilespmem:s15], [sflag:$0x2], $0x4000, $0x38;
	[tilespmem:$0x1C400] =	vst v63  }
0xaf: {  	_ =	swait.ge [sflag:s13], $0x4000  }
0xb0: {  	[sflag:s13] =	ssyncset.done $0x0  }
0xb1: {  	[sflag:s13] =	ssyncadd.s32 $0xFFFFC000  }
0xb2: {  	[hbm4b:s8+s2] =	stream.linear.scatter [tilespmem:s16], [sflag:$0x2], $0x4000, $0x38;
	[tilespmem:$0x1C400] =	vst v63  }
0xb3: {  	_ =	swait.ge [sflag:s13], $0x4000  }
0xb4: {  	[sflag:s13] =	ssyncset.done $0x0  }
0xb5: {  	[sflag:s13] =	ssyncadd.s32 $0xFFFFC000  }
0xb6: {  	[hbm4b:s9+s2] =	stream.linear.scatter [tilespmem:s18], [sflag:$0x2], $0x4000, $0x38;
	[tilespmem:$0x1C400] =	vst v63  }
0xb7: {  	_ =	swait.ge [sflag:s13], $0x4000  }
0xb8: {  	[sflag:s13] =	ssyncset.done $0x0  }
0xb9: {  	[sflag:s13] =	ssyncadd.s32 $0xFFFFC000  }
0xba: {  	[hbm4b:s10+s2] =	stream.linear.scatter [tilespmem:s20], [sflag:$0x2], $0x4000, $0x38;
	[tilespmem:$0x1C400] =	vst v63  }
0xbb: {  	s26 =	sadd.s32 $0x1, s26;
	_ =	swait.ge [sflag:s13], $0x4000  }
0xbc: {  	p0 =	sne.s32 s26, s12;
	[sflag:s13] =	ssyncset.done $0x0  }
.Ltmp1:
0xbd: {  	[sflag:s13] =	ssyncadd.s32 $0xFFFFC000;
	(pc) =	sbr.rel @p0 .LBB2_1-.Ltmp1, $4  }
0xbe: {  	[hbm4b:s11+s2] =	stream.linear.scatter [tilespmem:s22], [sflag:$0x2], $0x4000, $0x38;
	[tilespmem:$0x1C400] =	vst v63  }
0xbf: {  	_ =	swait.ge [sflag:s13], $0x4000  }
0xc0: {  	[sflag:s13] =	ssyncset.done $0x0  }
0xc1: {  	[sflag:s13] =	ssyncadd.s32 $0xFFFFC000  }
0xc2: {  	_ =	sfence.sel $0x180000  }
0xc3: {  	[bflag:$0x0] =	sbarrier.arrive $0xFFFF  }
0xc4: {  	p0 =	sne.s32 s1, $0x0;
	_ =	strace $0x9000004A  }
0xc5: {  	s0 =	sadd.s32 @!p0 $0x100000, s0;
	[bflag:$0x2] =	sbarrier.arrive $0xFFFF  }
0xc6: {  	[sflag:s0] =	ssyncadd.tile.s32 @!p0 $0x1;
	_ =	shalt  }
.Lfunc_end2:
_tile_overlayer_lowered:
.L_overlay_start_2:
0xc7: {  	(tag) =	ssettag $0x2  }
0xc8: {  	s0 =	rddreg [dreg:$0x0];
	s2 =	stileid.u32  }
0xc9: {  	s1 =	rddreg [dreg:$0x1];
	p0 =	sne.s32 s2, $0x0  }
0xca: {  	s3 =	rddreg [dreg:$0x2];
	[bflag:$0x3] =	sbarrier.arrive $0xFFFF;
	s2 =	simm.s32 @!p0 $0x1C02  }
0xcb: {  	[timem:s3], [sflag:s2] =	dma.local @!p0 [hbm:s0], s1  }
0xcc: {  	s0 =	simm.s32 @!p0 $0x2  }
0xcd: {  	_ =	swait.ge @!p0 [sflag:s0], s1  }
0xce: {  	s1 =	ssub.s32 @!p0 $0x0, s1;
	[sflag:s0] =	ssyncset.done @!p0 $0x0  }
0xcf: {  	[sflag:s0] =	ssyncadd.s32 @!p0 s1  }
0xd0: {  	[bflag:$0x3] =	sbarrier.arrive $0xFFFF  }
0xd1: {  	_ =	shalt  }

</sc_bundles>
